<compile_context>
chip_gen: v7x
topology: tpu7x:2x2x1
jax: 0.10.2.dev20260603
libtpu: 0.0.44.dev20260713+nightly
codegen_flags: <defaults>
</compile_context>

<pallas_src>
import functools

import jax
import jax.numpy as jnp
from jax import lax
from jax.experimental import pallas as pl
from jax.experimental.pallas import tpu as pltpu
from jax.experimental.pallas import tpu_sc as plsc

N = 10000
E = 160000
D_NODE = 256
D_EDGE = 16
D_GLOB = 64
D_MID = 512
D_OUT = 256
N_GRAPHS = 8

NSLAB = 4
FSL = D_MID // NSLAB
NC = 2
NT = 16
NPAD = 10240
ROWS_PER_TILE = NPAD // NT
EDGES_PER_TILE = E // (NC * NT)
CH = 128
NFULL = EDGES_PER_TILE // CH
TAIL = EDGES_PER_TILE - NFULL * CH

BN = 1000
BE = 1000



def _xw1_body(x_ref, w1a_ref, b1_ref, o0, o1, o2, o3):
    xb = x_ref[...]
    outs = (o0, o1, o2, o3)
    for s in range(NSLAB):
        w = w1a_ref[:, s * FSL:(s + 1) * FSL]
        outs[s][...] = (
            jnp.dot(xb, w, preferred_element_type=jnp.float32)
            + b1_ref[:, s * FSL:(s + 1) * FSL]
        )


def _ew_body(ea_ref, w1b_ref, o_ref):
    eb = ea_ref[...]
    for s in range(NSLAB):
        w = w1b_ref[:, s * FSL:(s + 1) * FSL]
        o_ref[s, :, :] = jnp.dot(eb, w, preferred_element_type=jnp.float32)



def _sc_body(xw0, xw1s, xw2, xw3, ew, row, col, ids, ones_h, zeros_h,
             spart, cnt,
             idx_r, idx_c, idx_rt, idx_ct, idbuf, gbuf, ebuf, gbuft, ebuft,
             slab, sem):
    cidx = lax.axis_index("c")
    sidx = lax.axis_index("s")
    t0 = sidx * ROWS_PER_TILE
    ebase = cidx * (E // NC) + sidx * EDGES_PER_TILE
    xw = (xw0, xw1s, xw2, xw3)

    def zero_slab():
        pltpu.sync_copy(zeros_h, ebuf)
        for j in range(ROWS_PER_TILE // CH):
            pltpu.sync_copy(ids.at[pl.ds(t0 + j * CH, CH)], idbuf)
            pltpu.sync_copy(ebuf, slab.at[idbuf])
        plsc.subcore_barrier()

    def readout(dst):
        plsc.subcore_barrier()
        for j in range(ROWS_PER_TILE // CH):
            pltpu.sync_copy(ids.at[pl.ds(t0 + j * CH, CH)], idbuf)
            pltpu.async_copy(slab.at[idbuf], gbuf, sem).wait()
            pltpu.sync_copy(gbuf, dst.at[pl.ds(t0 + j * CH, CH)])

    def process(e0, ir, ic, gb, eb, ch, p):
        pltpu.sync_copy(row.at[pl.ds(e0, ch)], ir)
        pltpu.sync_copy(col.at[pl.ds(e0, ch)], ic)
        gather = pltpu.async_copy(xw[p].at[ir], gb, sem)
        pltpu.sync_copy(ew.at[p, pl.ds(e0, ch)], eb)
        gather.wait()

        def rbody(r, carry):
            for k in range(FSL // 16):
                sl = pl.ds(k * 16, 16)
                gb[r, sl] = jnp.maximum(gb[r, sl] + eb[r, sl], 0.0)
            return carry

        lax.fori_loop(0, ch, rbody, 0)
        pltpu.sync_copy(gb, slab.at[ic], add=True)

    for p in range(NSLAB):
        zero_slab()

        def gbody(g, carry):
            process(ebase + g * CH, idx_r, idx_c, gbuf, ebuf, CH, p)
            return carry

        lax.fori_loop(0, NFULL, gbody, 0)
        process(ebase + NFULL * CH, idx_rt, idx_ct, gbuft, ebuft, TAIL, p)
        readout(spart.at[cidx, p])

    zero_slab()
    pltpu.sync_copy(ones_h, ebuf)
    pltpu.sync_copy(ones_h.at[pl.ds(0, TAIL)], ebuft)

    def cbody(g, carry):
        e0 = ebase + g * CH
        pltpu.sync_copy(col.at[pl.ds(e0, CH)], idx_c)
        pltpu.sync_copy(ebuf, slab.at[idx_c], add=True)
        return carry

    lax.fori_loop(0, NFULL, cbody, 0)
    pltpu.sync_copy(col.at[pl.ds(ebase + NFULL * CH, TAIL)], idx_ct)
    pltpu.sync_copy(ebuft, slab.at[idx_ct], add=True)
    readout(cnt.at[cidx])


@functools.cache
def _sc_scatter_kernel():
    return pl.kernel(
        _sc_body,
        out_type=[
            jax.ShapeDtypeStruct((NC, NSLAB, NPAD, FSL), jnp.float32),
            jax.ShapeDtypeStruct((NC, NPAD, FSL), jnp.float32),
        ],
        mesh=plsc.VectorSubcoreMesh(core_axis_name="c", subcore_axis_name="s",
                                    num_cores=NC, num_subcores=NT),
        scratch_types=[
            pltpu.VMEM((CH,), jnp.int32),
            pltpu.VMEM((CH,), jnp.int32),
            pltpu.VMEM((TAIL,), jnp.int32),
            pltpu.VMEM((TAIL,), jnp.int32),
            pltpu.VMEM((CH,), jnp.int32),
            pltpu.VMEM((CH, FSL), jnp.float32),
            pltpu.VMEM((CH, FSL), jnp.float32),
            pltpu.VMEM((TAIL, FSL), jnp.float32),
            pltpu.VMEM((TAIL, FSL), jnp.float32),
            pltpu.VMEM_SHARED((NPAD, FSL), jnp.float32),
            pltpu.SemaphoreType.DMA,
        ],
    )



def _post_body(sp_ref, cnt_ref, x_ref, bf_ref, u_ref, w2_ref, b2_ref,
               w3_ref, b3_ref, w4_ref, b4_ref, o_ref):
    acc = jnp.zeros((BN, D_MID), jnp.float32)
    for c in range(NC):
        for p in range(NSLAB):
            acc += jnp.dot(sp_ref[c, p], w2_ref[p * FSL:(p + 1) * FSL, :],
                           preferred_element_type=jnp.float32)
    cntv = cnt_ref[0] + cnt_ref[1]
    c1 = cntv[:, 0:1]
    summed = acc + c1 * b2_ref[...]
    mean = summed / jnp.maximum(c1, 1.0)

    ub = jnp.dot(u_ref[...], w3_ref[D_NODE + D_MID:, :],
                 preferred_element_type=jnp.float32)
    b = bf_ref[0]
    iota = lax.broadcasted_iota(jnp.int32, (N_GRAPHS, BN), 0).astype(jnp.float32)
    ohT = (iota == b).astype(jnp.float32)
    g = lax.dot_general(ohT, ub, (((0,), (0,)), ((), ())),
                        preferred_element_type=jnp.float32)

    h = jnp.dot(x_ref[...], w3_ref[:D_NODE, :],
                preferred_element_type=jnp.float32)
    h += jnp.dot(mean, w3_ref[D_NODE:D_NODE + D_MID, :],
                 preferred_element_type=jnp.float32)
    h = jnp.maximum(h + g + b3_ref[...], 0.0)
    o_ref[...] = jnp.dot(h, w4_ref[...],
                         preferred_element_type=jnp.float32) + b4_ref[...]



def kernel(x, edge_index, edge_attr, u, batch, W1, b1, W2, b2, W3, b3, W4, b4):
    row = edge_index[0].astype(jnp.int32)
    col = edge_index[1].astype(jnp.int32)
    W1a = W1[:D_NODE]
    W1b = W1[D_NODE:]
    b1r = b1.reshape(1, D_MID)

    xw_slabs = pl.pallas_call(
        _xw1_body,
        grid=(N // BN,),
        in_specs=[
            pl.BlockSpec((BN, D_NODE), lambda i: (i, 0)),
            pl.BlockSpec((D_NODE, D_MID), lambda i: (0, 0)),
            pl.BlockSpec((1, D_MID), lambda i: (0, 0)),
        ],
        out_specs=[pl.BlockSpec((BN, FSL), lambda i: (i, 0))] * NSLAB,
        out_shape=[jax.ShapeDtypeStruct((N, FSL), jnp.float32)] * NSLAB,
    )(x, W1a, b1r)

    ew = pl.pallas_call(
        _ew_body,
        grid=(E // BE,),
        in_specs=[
            pl.BlockSpec((BE, D_EDGE), lambda i: (i, 0)),
            pl.BlockSpec((D_EDGE, D_MID), lambda i: (0, 0)),
        ],
        out_specs=pl.BlockSpec((NSLAB, BE, FSL), lambda i: (0, i, 0)),
        out_shape=jax.ShapeDtypeStruct((NSLAB, E, FSL), jnp.float32),
    )(edge_attr, W1b)

    ids = jnp.arange(NPAD, dtype=jnp.int32)
    ones_h = jnp.ones((CH, FSL), jnp.float32)
    zeros_h = jnp.zeros((CH, FSL), jnp.float32)

    spart, cnt = _sc_scatter_kernel()(xw_slabs[0], xw_slabs[1], xw_slabs[2],
                                      xw_slabs[3], ew, row, col, ids,
                                      ones_h, zeros_h)

    batchf = batch.astype(jnp.float32).reshape(N // BN, 1, BN)
    b2r = b2.reshape(1, D_MID)
    b3r = b3.reshape(1, D_MID)
    b4r = b4.reshape(1, D_OUT)

    out = pl.pallas_call(
        _post_body,
        grid=(N // BN,),
        in_specs=[
            pl.BlockSpec((NC, NSLAB, BN, FSL), lambda i: (0, 0, i, 0)),
            pl.BlockSpec((NC, BN, FSL), lambda i: (0, i, 0)),
            pl.BlockSpec((BN, D_NODE), lambda i: (i, 0)),
            pl.BlockSpec((1, 1, BN), lambda i: (i, 0, 0)),
            pl.BlockSpec((N_GRAPHS, D_GLOB), lambda i: (0, 0)),
            pl.BlockSpec((D_MID, D_MID), lambda i: (0, 0)),
            pl.BlockSpec((1, D_MID), lambda i: (0, 0)),
            pl.BlockSpec((D_NODE + D_MID + D_GLOB, D_MID), lambda i: (0, 0)),
            pl.BlockSpec((1, D_MID), lambda i: (0, 0)),
            pl.BlockSpec((D_MID, D_OUT), lambda i: (0, 0)),
            pl.BlockSpec((1, D_OUT), lambda i: (0, 0)),
        ],
        out_specs=pl.BlockSpec((BN, D_OUT), lambda i: (i, 0)),
        out_shape=jax.ShapeDtypeStruct((N, D_OUT), jnp.float32),
    )(spart, cnt, x, batchf, u, W2, b2r, W3, b3r, W4, b4r)

    return out

# --- scband reference (transcript-rebuilt; emitter-appended) ---
"""Pipeline reference for scband-node-model-73263552135824 (READ-ONLY COPY).

The authoritative reference and input builder live on the scoring server;
editing this copy changes nothing except your own understanding.
"""

import jax, jax.numpy as jnp
import numpy as np

N = 10000
E = 160000
D_NODE = 256
D_EDGE = 16
D_GLOB = 64
D_MID = 512
D_OUT = 256
N_GRAPHS = 8


def setup_inputs(seed: int = 0) -> dict:
    key = jax.random.key(seed)
    ks = jax.random.split(key, 16)
    x = jax.random.normal(ks[0], (N, D_NODE), dtype=jnp.float32)
    edge_index = jax.random.randint(ks[1], (2, E), 0, N, dtype=jnp.int64)
    edge_attr = jax.random.normal(ks[2], (E, D_EDGE), dtype=jnp.float32)
    u = jax.random.normal(ks[3], (N_GRAPHS, D_GLOB), dtype=jnp.float32)
    batch = jnp.sort(jax.random.randint(ks[4], (N,), 0, N_GRAPHS, dtype=jnp.int64))
    # node_mlp_1: Lin(d_edge+d_node -> d_mid), ReLU, Lin(d_mid -> d_mid)
    s1 = 1.0 / np.sqrt(D_EDGE + D_NODE)
    W1 = jax.random.uniform(ks[5], (D_EDGE + D_NODE, D_MID), jnp.float32, -s1, s1)
    b1 = jax.random.uniform(ks[6], (D_MID,), jnp.float32, -s1, s1)
    s2 = 1.0 / np.sqrt(D_MID)
    W2 = jax.random.uniform(ks[7], (D_MID, D_MID), jnp.float32, -s2, s2)
    b2 = jax.random.uniform(ks[8], (D_MID,), jnp.float32, -s2, s2)
    # node_mlp_2: Lin(d_mid+d_node+d_glob -> d_mid), ReLU, Lin(d_mid -> d_out)
    din2 = D_MID + D_NODE + D_GLOB
    s3 = 1.0 / np.sqrt(din2)
    W3 = jax.random.uniform(ks[9], (din2, D_MID), jnp.float32, -s3, s3)
    b3 = jax.random.uniform(ks[10], (D_MID,), jnp.float32, -s3, s3)
    s4 = 1.0 / np.sqrt(D_MID)
    W4 = jax.random.uniform(ks[11], (D_MID, D_OUT), jnp.float32, -s4, s4)
    b4 = jax.random.uniform(ks[12], (D_OUT,), jnp.float32, -s4, s4)
    return {"x": x, "edge_index": edge_index, "edge_attr": edge_attr, "u": u,
            "batch": batch, "W1": W1, "b1": b1, "W2": W2, "b2": b2,
            "W3": W3, "b3": b3, "W4": W4, "b4": b4}


def reference(x, edge_index, edge_attr, u, batch, W1, b1, W2, b2, W3, b3, W4, b4):
    row = edge_index[0]
    col = edge_index[1]
    # node_mlp_1 on per-edge features
    out = jnp.concatenate([jnp.take(x, row, axis=0), edge_attr], axis=1)
    out = jnp.maximum(out @ W1 + b1, 0.0)
    out = out @ W2 + b2
    # scatter_mean over destination nodes
    summed = jax.ops.segment_sum(out, col, num_segments=x.shape[0])
    counts = jax.ops.segment_sum(jnp.ones((col.shape[0],), dtype=x.dtype), col, num_segments=x.shape[0])
    mean = summed / jnp.maximum(counts, 1.0)[:, None]
    # node_mlp_2 with global feature gather
    out2 = jnp.concatenate([x, mean, jnp.take(u, batch, axis=0)], axis=1)
    out2 = jnp.maximum(out2 @ W3 + b3, 0.0)
    out2 = out2 @ W4 + b4
    return out2

if __name__ == "__main__":
    import jax
    _d = setup_inputs()
    print(jax.jit(kernel)(*tuple(_d.values())))

</pallas_src>

<mosaic_0001>
#map = affine_map<(d0, d1) -> (0, 0)>
#map1 = affine_map<(d0, d1) -> (0, 0, 0)>
#map2 = affine_map<(d0, d1) -> (0)>
#map3 = affine_map<(d0, d1) -> (0, 0, 0, 0)>
module attributes {stable_mosaic.version = 14 : i64} {
  func.func @_sc_body(%arg0: i32, %arg1: i32, %arg2: memref<10000x128xf32, #tpu.memory_space<hbm>>, %arg3: memref<10000x128xf32, #tpu.memory_space<hbm>>, %arg4: memref<10000x128xf32, #tpu.memory_space<hbm>>, %arg5: memref<10000x128xf32, #tpu.memory_space<hbm>>, %arg6: memref<4x160000x128xf32, #tpu.memory_space<hbm>>, %arg7: memref<160000xi32, #tpu.memory_space<hbm>>, %arg8: memref<160000xi32, #tpu.memory_space<hbm>>, %arg9: memref<10240xi32, #tpu.memory_space<hbm>>, %arg10: memref<128x128xf32, #tpu.memory_space<hbm>>, %arg11: memref<128x128xf32, #tpu.memory_space<hbm>>, %arg12: memref<2x4x10240x128xf32, #tpu.memory_space<hbm>>, %arg13: memref<2x10240x128xf32, #tpu.memory_space<hbm>>, %arg14: memref<128xi32, #tpu.memory_space<vmem>>, %arg15: memref<128xi32, #tpu.memory_space<vmem>>, %arg16: memref<8xi32, #tpu.memory_space<vmem>>, %arg17: memref<8xi32, #tpu.memory_space<vmem>>, %arg18: memref<128xi32, #tpu.memory_space<vmem>>, %arg19: memref<128x128xf32, #tpu.memory_space<vmem>>, %arg20: memref<128x128xf32, #tpu.memory_space<vmem>>, %arg21: memref<8x128xf32, #tpu.memory_space<vmem>>, %arg22: memref<8x128xf32, #tpu.memory_space<vmem>>, %arg23: memref<10240x128xf32, #tpu.memory_space<vmem_shared>>, %arg24: memref<!tpu.dma_semaphore, #tpu.memory_space<semaphore_mem>>) attributes {dimension_semantics = [#tpu.dimension_semantics<core_parallel>, #tpu.dimension_semantics<subcore_parallel>], iteration_bounds = array<i64: 2, 16>, scalar_prefetch = 0 : i64, scratch_operands = 11 : i64, tpu.core_type = #tpu.core_type<sc_vector_subcore>, window_params = [{transform_indices = #map}, {transform_indices = #map}, {transform_indices = #map}, {transform_indices = #map}, {transform_indices = #map1}, {transform_indices = #map2}, {transform_indices = #map2}, {transform_indices = #map2}, {transform_indices = #map}, {transform_indices = #map}, {transform_indices = #map3}, {transform_indices = #map1}]} {
    %mul3A = arith.constant 640 : i32
    %mul3A_0 = arith.muli %arg1, %mul3A : i32
    %mul3A_1 = arith.constant 80000 : i32
    %mul3A_2 = arith.muli %arg0, %mul3A_1 : i32
    %mul3A_3 = arith.constant 5000 : i32
    %mul3A_4 = arith.muli %arg1, %mul3A_3 : i32
    %add3A = arith.addi %mul3A_2, %mul3A_4 : i32
    "tpu.region"() ({
      %run_scoped3A_422 = tpu.sem_alloc : memref<!tpu.dma_semaphore, #tpu.memory_space<semaphore_mem>>
      tpu.enqueue_dma source(%arg11 : memref<128x128xf32, #tpu.memory_space<hbm>>) target(%arg20 : memref<128x128xf32, #tpu.memory_space<vmem>>) target_semaphore(%run_scoped3A_422 : memref<!tpu.dma_semaphore, #tpu.memory_space<semaphore_mem>>)
      tpu.wait_dma2 semaphore(%run_scoped3A_422 : memref<!tpu.dma_semaphore, #tpu.memory_space<semaphore_mem>>) src(%arg11 : memref<128x128xf32, #tpu.memory_space<hbm>>) dst(%arg20 : memref<128x128xf32, #tpu.memory_space<vmem>>)
      tpu.yield
    }) : () -> ()
    %add3A_5 = arith.constant 0 : i32
    %add3A_6 = arith.addi %mul3A_0, %add3A_5 : i32
    "tpu.region"() ({
      %run_scoped3A_422 = tpu.sem_alloc : memref<!tpu.dma_semaphore, #tpu.memory_space<semaphore_mem>>
      %dma_start3A_423 = tpu.memref_slice %arg9[%add3A_6] : memref<10240xi32, #tpu.memory_space<hbm>> -> memref<128xi32, #tpu.memory_space<hbm>>
      %dma_start3A_424 = tpu.memref_slice %arg9[%add3A_6] : memref<10240xi32, #tpu.memory_space<hbm>> -> memref<128xi32, #tpu.memory_space<hbm>>
      tpu.enqueue_dma source(%dma_start3A_424 : memref<128xi32, #tpu.memory_space<hbm>>) target(%arg18 : memref<128xi32, #tpu.memory_space<vmem>>) target_semaphore(%run_scoped3A_422 : memref<!tpu.dma_semaphore, #tpu.memory_space<semaphore_mem>>)
      %dma_wait3A_425 = tpu.memref_slice %arg9[%add3A_6] : memref<10240xi32, #tpu.memory_space<hbm>> -> memref<128xi32, #tpu.memory_space<hbm>>
      %dma_wait3A_426 = tpu.memref_slice %arg9[%add3A_6] : memref<10240xi32, #tpu.memory_space<hbm>> -> memref<128xi32, #tpu.memory_space<hbm>>
      tpu.wait_dma2 semaphore(%run_scoped3A_422 : memref<!tpu.dma_semaphore, #tpu.memory_space<semaphore_mem>>) src(%dma_wait3A_426 : memref<128xi32, #tpu.memory_space<hbm>>) dst(%arg18 : memref<128xi32, #tpu.memory_space<vmem>>)
      tpu.yield
    }) : () -> ()
    "tpu.region"() ({
      %run_scoped3A_422 = tpu.sem_alloc : memref<!tpu.dma_semaphore, #tpu.memory_space<semaphore_mem>>
      %dma_start3A_423 = arith.constant 0 : i32
      %dma_start3A_424 = arith.constant 0 : i32
      %dma_start3A_425 = tpu.memref_slice %arg23[%dma_start3A_423, %dma_start3A_424] : memref<10240x128xf32, #tpu.memory_space<vmem_shared>> -> memref<10240x128xf32, #tpu.memory_space<vmem_shared>>
      tpu.enqueue_indirect_dma source(%arg20 : memref<128x128xf32, #tpu.memory_space<vmem>>) target(%dma_start3A_425 : memref<10240x128xf32, #tpu.memory_space<vmem_shared>>) offsets(%arg18 : memref<128xi32, #tpu.memory_space<vmem>>) semaphore(%run_scoped3A_422 : memref<!tpu.dma_semaphore, #tpu.memory_space<semaphore_mem>>)
      %dma_wait3A_426 = arith.constant 0 : i32
      %dma_wait3A_427 = arith.constant 0 : i32
      %dma_wait3A_428 = tpu.memref_slice %arg23[%dma_wait3A_426, %dma_wait3A_427] : memref<10240x128xf32, #tpu.memory_space<vmem_shared>> -> memref<10240x128xf32, #tpu.memory_space<vmem_shared>>
      tpu.wait_indirect_dma semaphore(%run_scoped3A_422 : memref<!tpu.dma_semaphore, #tpu.memory_space<semaphore_mem>>) src(%arg20 : memref<128x128xf32, #tpu.memory_space<vmem>>) dst(%dma_wait3A_428 : memref<10240x128xf32, #tpu.memory_space<vmem_shared>>)
      tpu.yield
    }) : () -> ()
    %add3A_7 = arith.constant 128 : i32
    %add3A_8 = arith.addi %mul3A_0, %add3A_7 : i32
    "tpu.region"() ({
      %run_scoped3A_422 = tpu.sem_alloc : memref<!tpu.dma_semaphore, #tpu.memory_space<semaphore_mem>>
      %dma_start3A_423 = tpu.memref_slice %arg9[%add3A_8] : memref<10240xi32, #tpu.memory_space<hbm>> -> memref<128xi32, #tpu.memory_space<hbm>>
      %dma_start3A_424 = tpu.memref_slice %arg9[%add3A_8] : memref<10240xi32, #tpu.memory_space<hbm>> -> memref<128xi32, #tpu.memory_space<hbm>>
      tpu.enqueue_dma source(%dma_start3A_424 : memref<128xi32, #tpu.memory_space<hbm>>) target(%arg18 : memref<128xi32, #tpu.memory_space<vmem>>) target_semaphore(%run_scoped3A_422 : memref<!tpu.dma_semaphore, #tpu.memory_space<semaphore_mem>>)
      %dma_wait3A_425 = tpu.memref_slice %arg9[%add3A_8] : memref<10240xi32, #tpu.memory_space<hbm>> -> memref<128xi32, #tpu.memory_space<hbm>>
      %dma_wait3A_426 = tpu.memref_slice %arg9[%add3A_8] : memref<10240xi32, #tpu.memory_space<hbm>> -> memref<128xi32, #tpu.memory_space<hbm>>
      tpu.wait_dma2 semaphore(%run_scoped3A_422 : memref<!tpu.dma_semaphore, #tpu.memory_space<semaphore_mem>>) src(%dma_wait3A_426 : memref<128xi32, #tpu.memory_space<hbm>>) dst(%arg18 : memref<128xi32, #tpu.memory_space<vmem>>)
      tpu.yield
    }) : () -> ()
    "tpu.region"() ({
      %run_scoped3A_422 = tpu.sem_alloc : memref<!tpu.dma_semaphore, #tpu.memory_space<semaphore_mem>>
      %dma_start3A_423 = arith.constant 0 : i32
      %dma_start3A_424 = arith.constant 0 : i32
      %dma_start3A_425 = tpu.memref_slice %arg23[%dma_start3A_423, %dma_start3A_424] : memref<10240x128xf32, #tpu.memory_space<vmem_shared>> -> memref<10240x128xf32, #tpu.memory_space<vmem_shared>>
      tpu.enqueue_indirect_dma source(%arg20 : memref<128x128xf32, #tpu.memory_space<vmem>>) target(%dma_start3A_425 : memref<10240x128xf32, #tpu.memory_space<vmem_shared>>) offsets(%arg18 : memref<128xi32, #tpu.memory_space<vmem>>) semaphore(%run_scoped3A_422 : memref<!tpu.dma_semaphore, #tpu.memory_space<semaphore_mem>>)
      %dma_wait3A_426 = arith.constant 0 : i32
      %dma_wait3A_427 = arith.constant 0 : i32
      %dma_wait3A_428 = tpu.memref_slice %arg23[%dma_wait3A_426, %dma_wait3A_427] : memref<10240x128xf32, #tpu.memory_space<vmem_shared>> -> memref<10240x128xf32, #tpu.memory_space<vmem_shared>>
      tpu.wait_indirect_dma semaphore(%run_scoped3A_422 : memref<!tpu.dma_semaphore, #tpu.memory_space<semaphore_mem>>) src(%arg20 : memref<128x128xf32, #tpu.memory_space<vmem>>) dst(%dma_wait3A_428 : memref<10240x128xf32, #tpu.memory_space<vmem_shared>>)
      tpu.yield
    }) : () -> ()
    %add3A_9 = arith.constant 256 : i32
    %add3A_10 = arith.addi %mul3A_0, %add3A_9 : i32
    "tpu.region"() ({
      %run_scoped3A_422 = tpu.sem_alloc : memref<!tpu.dma_semaphore, #tpu.memory_space<semaphore_mem>>
      %dma_start3A_423 = tpu.memref_slice %arg9[%add3A_10] : memref<10240xi32, #tpu.memory_space<hbm>> -> memref<128xi32, #tpu.memory_space<hbm>>
      %dma_start3A_424 = tpu.memref_slice %arg9[%add3A_10] : memref<10240xi32, #tpu.memory_space<hbm>> -> memref<128xi32, #tpu.memory_space<hbm>>
      tpu.enqueue_dma source(%dma_start3A_424 : memref<128xi32, #tpu.memory_space<hbm>>) target(%arg18 : memref<128xi32, #tpu.memory_space<vmem>>) target_semaphore(%run_scoped3A_422 : memref<!tpu.dma_semaphore, #tpu.memory_space<semaphore_mem>>)
      %dma_wait3A_425 = tpu.memref_slice %arg9[%add3A_10] : memref<10240xi32, #tpu.memory_space<hbm>> -> memref<128xi32, #tpu.memory_space<hbm>>
      %dma_wait3A_426 = tpu.memref_slice %arg9[%add3A_10] : memref<10240xi32, #tpu.memory_space<hbm>> -> memref<128xi32, #tpu.memory_space<hbm>>
      tpu.wait_dma2 semaphore(%run_scoped3A_422 : memref<!tpu.dma_semaphore, #tpu.memory_space<semaphore_mem>>) src(%dma_wait3A_426 : memref<128xi32, #tpu.memory_space<hbm>>) dst(%arg18 : memref<128xi32, #tpu.memory_space<vmem>>)
      tpu.yield
    }) : () -> ()
    "tpu.region"() ({
      %run_scoped3A_422 = tpu.sem_alloc : memref<!tpu.dma_semaphore, #tpu.memory_space<semaphore_mem>>
      %dma_start3A_423 = arith.constant 0 : i32
      %dma_start3A_424 = arith.constant 0 : i32
      %dma_start3A_425 = tpu.memref_slice %arg23[%dma_start3A_423, %dma_start3A_424] : memref<10240x128xf32, #tpu.memory_space<vmem_shared>> -> memref<10240x128xf32, #tpu.memory_space<vmem_shared>>
      tpu.enqueue_indirect_dma source(%arg20 : memref<128x128xf32, #tpu.memory_space<vmem>>) target(%dma_start3A_425 : memref<10240x128xf32, #tpu.memory_space<vmem_shared>>) offsets(%arg18 : memref<128xi32, #tpu.memory_space<vmem>>) semaphore(%run_scoped3A_422 : memref<!tpu.dma_semaphore, #tpu.memory_space<semaphore_mem>>)
      %dma_wait3A_426 = arith.constant 0 : i32
      %dma_wait3A_427 = arith.constant 0 : i32
      %dma_wait3A_428 = tpu.memref_slice %arg23[%dma_wait3A_426, %dma_wait3A_427] : memref<10240x128xf32, #tpu.memory_space<vmem_shared>> -> memref<10240x128xf32, #tpu.memory_space<vmem_shared>>
      tpu.wait_indirect_dma semaphore(%run_scoped3A_422 : memref<!tpu.dma_semaphore, #tpu.memory_space<semaphore_mem>>) src(%arg20 : memref<128x128xf32, #tpu.memory_space<vmem>>) dst(%dma_wait3A_428 : memref<10240x128xf32, #tpu.memory_space<vmem_shared>>)
      tpu.yield
    }) : () -> ()
    %add3A_11 = arith.constant 384 : i32
    %add3A_12 = arith.addi %mul3A_0, %add3A_11 : i32
    "tpu.region"() ({
      %run_scoped3A_422 = tpu.sem_alloc : memref<!tpu.dma_semaphore, #tpu.memory_space<semaphore_mem>>
      %dma_start3A_423 = tpu.memref_slice %arg9[%add3A_12] : memref<10240xi32, #tpu.memory_space<hbm>> -> memref<128xi32, #tpu.memory_space<hbm>>
      %dma_start3A_424 = tpu.memref_slice %arg9[%add3A_12] : memref<10240xi32, #tpu.memory_space<hbm>> -> memref<128xi32, #tpu.memory_space<hbm>>
      tpu.enqueue_dma source(%dma_start3A_424 : memref<128xi32, #tpu.memory_space<hbm>>) target(%arg18 : memref<128xi32, #tpu.memory_space<vmem>>) target_semaphore(%run_scoped3A_422 : memref<!tpu.dma_semaphore, #tpu.memory_space<semaphore_mem>>)
      %dma_wait3A_425 = tpu.memref_slice %arg9[%add3A_12] : memref<10240xi32, #tpu.memory_space<hbm>> -> memref<128xi32, #tpu.memory_space<hbm>>
      %dma_wait3A_426 = tpu.memref_slice %arg9[%add3A_12] : memref<10240xi32, #tpu.memory_space<hbm>> -> memref<128xi32, #tpu.memory_space<hbm>>
      tpu.wait_dma2 semaphore(%run_scoped3A_422 : memref<!tpu.dma_semaphore, #tpu.memory_space<semaphore_mem>>) src(%dma_wait3A_426 : memref<128xi32, #tpu.memory_space<hbm>>) dst(%arg18 : memref<128xi32, #tpu.memory_space<vmem>>)
      tpu.yield
    }) : () -> ()
    "tpu.region"() ({
      %run_scoped3A_422 = tpu.sem_alloc : memref<!tpu.dma_semaphore, #tpu.memory_space<semaphore_mem>>
      %dma_start3A_423 = arith.constant 0 : i32
      %dma_start3A_424 = arith.constant 0 : i32
      %dma_start3A_425 = tpu.memref_slice %arg23[%dma_start3A_423, %dma_start3A_424] : memref<10240x128xf32, #tpu.memory_space<vmem_shared>> -> memref<10240x128xf32, #tpu.memory_space<vmem_shared>>
      tpu.enqueue_indirect_dma source(%arg20 : memref<128x128xf32, #tpu.memory_space<vmem>>) target(%dma_start3A_425 : memref<10240x128xf32, #tpu.memory_space<vmem_shared>>) offsets(%arg18 : memref<128xi32, #tpu.memory_space<vmem>>) semaphore(%run_scoped3A_422 : memref<!tpu.dma_semaphore, #tpu.memory_space<semaphore_mem>>)
      %dma_wait3A_426 = arith.constant 0 : i32
      %dma_wait3A_427 = arith.constant 0 : i32
      %dma_wait3A_428 = tpu.memref_slice %arg23[%dma_wait3A_426, %dma_wait3A_427] : memref<10240x128xf32, #tpu.memory_space<vmem_shared>> -> memref<10240x128xf32, #tpu.memory_space<vmem_shared>>
      tpu.wait_indirect_dma semaphore(%run_scoped3A_422 : memref<!tpu.dma_semaphore, #tpu.memory_space<semaphore_mem>>) src(%arg20 : memref<128x128xf32, #tpu.memory_space<vmem>>) dst(%dma_wait3A_428 : memref<10240x128xf32, #tpu.memory_space<vmem_shared>>)
      tpu.yield
    }) : () -> ()
    %add3A_13 = arith.constant 512 : i32
    %add3A_14 = arith.addi %mul3A_0, %add3A_13 : i32
    "tpu.region"() ({
      %run_scoped3A_422 = tpu.sem_alloc : memref<!tpu.dma_semaphore, #tpu.memory_space<semaphore_mem>>
      %dma_start3A_423 = tpu.memref_slice %arg9[%add3A_14] : memref<10240xi32, #tpu.memory_space<hbm>> -> memref<128xi32, #tpu.memory_space<hbm>>
      %dma_start3A_424 = tpu.memref_slice %arg9[%add3A_14] : memref<10240xi32, #tpu.memory_space<hbm>> -> memref<128xi32, #tpu.memory_space<hbm>>
      tpu.enqueue_dma source(%dma_start3A_424 : memref<128xi32, #tpu.memory_space<hbm>>) target(%arg18 : memref<128xi32, #tpu.memory_space<vmem>>) target_semaphore(%run_scoped3A_422 : memref<!tpu.dma_semaphore, #tpu.memory_space<semaphore_mem>>)
      %dma_wait3A_425 = tpu.memref_slice %arg9[%add3A_14] : memref<10240xi32, #tpu.memory_space<hbm>> -> memref<128xi32, #tpu.memory_space<hbm>>
      %dma_wait3A_426 = tpu.memref_slice %arg9[%add3A_14] : memref<10240xi32, #tpu.memory_space<hbm>> -> memref<128xi32, #tpu.memory_space<hbm>>
      tpu.wait_dma2 semaphore(%run_scoped3A_422 : memref<!tpu.dma_semaphore, #tpu.memory_space<semaphore_mem>>) src(%dma_wait3A_426 : memref<128xi32, #tpu.memory_space<hbm>>) dst(%arg18 : memref<128xi32, #tpu.memory_space<vmem>>)
      tpu.yield
    }) : () -> ()
    "tpu.region"() ({
      %run_scoped3A_422 = tpu.sem_alloc : memref<!tpu.dma_semaphore, #tpu.memory_space<semaphore_mem>>
      %dma_start3A_423 = arith.constant 0 : i32
      %dma_start3A_424 = arith.constant 0 : i32
      %dma_start3A_425 = tpu.memref_slice %arg23[%dma_start3A_423, %dma_start3A_424] : memref<10240x128xf32, #tpu.memory_space<vmem_shared>> -> memref<10240x128xf32, #tpu.memory_space<vmem_shared>>
      tpu.enqueue_indirect_dma source(%arg20 : memref<128x128xf32, #tpu.memory_space<vmem>>) target(%dma_start3A_425 : memref<10240x128xf32, #tpu.memory_space<vmem_shared>>) offsets(%arg18 : memref<128xi32, #tpu.memory_space<vmem>>) semaphore(%run_scoped3A_422 : memref<!tpu.dma_semaphore, #tpu.memory_space<semaphore_mem>>)
      %dma_wait3A_426 = arith.constant 0 : i32
      %dma_wait3A_427 = arith.constant 0 : i32
      %dma_wait3A_428 = tpu.memref_slice %arg23[%dma_wait3A_426, %dma_wait3A_427] : memref<10240x128xf32, #tpu.memory_space<vmem_shared>> -> memref<10240x128xf32, #tpu.memory_space<vmem_shared>>
      tpu.wait_indirect_dma semaphore(%run_scoped3A_422 : memref<!tpu.dma_semaphore, #tpu.memory_space<semaphore_mem>>) src(%arg20 : memref<128x128xf32, #tpu.memory_space<vmem>>) dst(%dma_wait3A_428 : memref<10240x128xf32, #tpu.memory_space<vmem_shared>>)
      tpu.yield
    }) : () -> ()
    %barrier3A = arith.constant 0 : index
    tpu.barrier barrier_id(%barrier3A)
    %scan3A = arith.constant 0 : i32
    %scan3A_15 = arith.constant 0 : i32
    %scan3A_16 = arith.constant 39 : i32
    %scan3A_17 = arith.addi %scan3A_15, %scan3A_16 : i32
    %scan3A_18 = arith.constant 1 : i32
    scf.for %scan3A_422 = %scan3A_15 to %scan3A_17 step %scan3A_18  : i32 {
      %mul3A_423 = arith.constant 128 : i32
      %mul3A_424 = arith.muli %scan3A_422, %mul3A_423 : i32
      %add3A_425 = arith.addi %add3A, %mul3A_424 : i32
      "tpu.region"() ({
        %run_scoped3A_439 = tpu.sem_alloc : memref<!tpu.dma_semaphore, #tpu.memory_space<semaphore_mem>>
        %dma_start3A_440 = tpu.memref_slice %arg7[%add3A_425] : memref<160000xi32, #tpu.memory_space<hbm>> -> memref<128xi32, #tpu.memory_space<hbm>>
        %dma_start3A_441 = tpu.memref_slice %arg7[%add3A_425] : memref<160000xi32, #tpu.memory_space<hbm>> -> memref<128xi32, #tpu.memory_space<hbm>>
        tpu.enqueue_dma source(%dma_start3A_441 : memref<128xi32, #tpu.memory_space<hbm>>) target(%arg14 : memref<128xi32, #tpu.memory_space<vmem>>) target_semaphore(%run_scoped3A_439 : memref<!tpu.dma_semaphore, #tpu.memory_space<semaphore_mem>>)
        %dma_wait3A_442 = tpu.memref_slice %arg7[%add3A_425] : memref<160000xi32, #tpu.memory_space<hbm>> -> memref<128xi32, #tpu.memory_space<hbm>>
        %dma_wait3A_443 = tpu.memref_slice %arg7[%add3A_425] : memref<160000xi32, #tpu.memory_space<hbm>> -> memref<128xi32, #tpu.memory_space<hbm>>
        tpu.wait_dma2 semaphore(%run_scoped3A_439 : memref<!tpu.dma_semaphore, #tpu.memory_space<semaphore_mem>>) src(%dma_wait3A_443 : memref<128xi32, #tpu.memory_space<hbm>>) dst(%arg14 : memref<128xi32, #tpu.memory_space<vmem>>)
        tpu.yield
      }) : () -> ()
      "tpu.region"() ({
        %run_scoped3A_439 = tpu.sem_alloc : memref<!tpu.dma_semaphore, #tpu.memory_space<semaphore_mem>>
        %dma_start3A_440 = tpu.memref_slice %arg8[%add3A_425] : memref<160000xi32, #tpu.memory_space<hbm>> -> memref<128xi32, #tpu.memory_space<hbm>>
        %dma_start3A_441 = tpu.memref_slice %arg8[%add3A_425] : memref<160000xi32, #tpu.memory_space<hbm>> -> memref<128xi32, #tpu.memory_space<hbm>>
        tpu.enqueue_dma source(%dma_start3A_441 : memref<128xi32, #tpu.memory_space<hbm>>) target(%arg15 : memref<128xi32, #tpu.memory_space<vmem>>) target_semaphore(%run_scoped3A_439 : memref<!tpu.dma_semaphore, #tpu.memory_space<semaphore_mem>>)
        %dma_wait3A_442 = tpu.memref_slice %arg8[%add3A_425] : memref<160000xi32, #tpu.memory_space<hbm>> -> memref<128xi32, #tpu.memory_space<hbm>>
        %dma_wait3A_443 = tpu.memref_slice %arg8[%add3A_425] : memref<160000xi32, #tpu.memory_space<hbm>> -> memref<128xi32, #tpu.memory_space<hbm>>
        tpu.wait_dma2 semaphore(%run_scoped3A_439 : memref<!tpu.dma_semaphore, #tpu.memory_space<semaphore_mem>>) src(%dma_wait3A_443 : memref<128xi32, #tpu.memory_space<hbm>>) dst(%arg15 : memref<128xi32, #tpu.memory_space<vmem>>)
        tpu.yield
      }) : () -> ()
      %dma_start3A_426 = arith.constant 0 : i32
      %dma_start3A_427 = arith.constant 0 : i32
      %dma_start3A_428 = tpu.memref_slice %arg2[%dma_start3A_426, %dma_start3A_427] : memref<10000x128xf32, #tpu.memory_space<hbm>> -> memref<10000x128xf32, #tpu.memory_space<hbm>>
      tpu.enqueue_indirect_dma source(%dma_start3A_428 : memref<10000x128xf32, #tpu.memory_space<hbm>>) target(%arg19 : memref<128x128xf32, #tpu.memory_space<vmem>>) offsets(%arg14 : memref<128xi32, #tpu.memory_space<vmem>>) semaphore(%arg24 : memref<!tpu.dma_semaphore, #tpu.memory_space<semaphore_mem>>)
      %run_scoped3A_429 = arith.constant 0 : i32
      "tpu.region"() ({
        %run_scoped3A_439 = tpu.sem_alloc : memref<!tpu.dma_semaphore, #tpu.memory_space<semaphore_mem>>
        %dma_start3A_440 = arith.constant 0 : i32
        %dma_start3A_441 = tpu.memref_slice %arg6[%run_scoped3A_429, %add3A_425, %dma_start3A_440] : memref<4x160000x128xf32, #tpu.memory_space<hbm>> -> memref<1x128x128xf32, #tpu.memory_space<hbm>>
        %dma_start3A_442 = tpu.memref_squeeze %dma_start3A_441 : memref<1x128x128xf32, #tpu.memory_space<hbm>> -> memref<128x128xf32, #tpu.memory_space<hbm>>
        %dma_start3A_443 = arith.constant 0 : i32
        %dma_start3A_444 = tpu.memref_slice %arg6[%run_scoped3A_429, %add3A_425, %dma_start3A_443] : memref<4x160000x128xf32, #tpu.memory_space<hbm>> -> memref<1x128x128xf32, #tpu.memory_space<hbm>>
        %dma_start3A_445 = tpu.memref_squeeze %dma_start3A_444 : memref<1x128x128xf32, #tpu.memory_space<hbm>> -> memref<128x128xf32, #tpu.memory_space<hbm>>
        tpu.enqueue_dma source(%dma_start3A_445 : memref<128x128xf32, #tpu.memory_space<hbm>>) target(%arg20 : memref<128x128xf32, #tpu.memory_space<vmem>>) target_semaphore(%run_scoped3A_439 : memref<!tpu.dma_semaphore, #tpu.memory_space<semaphore_mem>>)
        %dma_wait3A_446 = arith.constant 0 : i32
        %dma_wait3A_447 = tpu.memref_slice %arg6[%run_scoped3A_429, %add3A_425, %dma_wait3A_446] : memref<4x160000x128xf32, #tpu.memory_space<hbm>> -> memref<1x128x128xf32, #tpu.memory_space<hbm>>
        %dma_wait3A_448 = tpu.memref_squeeze %dma_wait3A_447 : memref<1x128x128xf32, #tpu.memory_space<hbm>> -> memref<128x128xf32, #tpu.memory_space<hbm>>
        %dma_wait3A_449 = arith.constant 0 : i32
        %dma_wait3A_450 = tpu.memref_slice %arg6[%run_scoped3A_429, %add3A_425, %dma_wait3A_449] : memref<4x160000x128xf32, #tpu.memory_space<hbm>> -> memref<1x128x128xf32, #tpu.memory_space<hbm>>
        %dma_wait3A_451 = tpu.memref_squeeze %dma_wait3A_450 : memref<1x128x128xf32, #tpu.memory_space<hbm>> -> memref<128x128xf32, #tpu.memory_space<hbm>>
        tpu.wait_dma2 semaphore(%run_scoped3A_439 : memref<!tpu.dma_semaphore, #tpu.memory_space<semaphore_mem>>) src(%dma_wait3A_451 : memref<128x128xf32, #tpu.memory_space<hbm>>) dst(%arg20 : memref<128x128xf32, #tpu.memory_space<vmem>>)
        tpu.yield
      }) : () -> ()
      %dma_wait3A_430 = arith.constant 0 : i32
      %dma_wait3A_431 = arith.constant 0 : i32
      %dma_wait3A_432 = tpu.memref_slice %arg2[%dma_wait3A_430, %dma_wait3A_431] : memref<10000x128xf32, #tpu.memory_space<hbm>> -> memref<10000x128xf32, #tpu.memory_space<hbm>>
      tpu.wait_indirect_dma semaphore(%arg24 : memref<!tpu.dma_semaphore, #tpu.memory_space<semaphore_mem>>) src(%dma_wait3A_432 : memref<10000x128xf32, #tpu.memory_space<hbm>>) dst(%arg19 : memref<128x128xf32, #tpu.memory_space<vmem>>)
      %scan3A_433 = arith.constant 0 : i32
      %scan3A_434 = arith.constant 0 : i32
      %scan3A_435 = arith.constant 128 : i32
      %scan3A_436 = arith.addi %scan3A_434, %scan3A_435 : i32
      %scan3A_437 = arith.constant 1 : i32
      scf.for %scan3A_439 = %scan3A_434 to %scan3A_436 step %scan3A_437  : i32 {
        %get3A = arith.index_cast %scan3A_439 : i32 to index
        %get3A_440 = arith.constant 0 : index
        %get3A_441 = tpu.vector_load %arg19[%get3A, %get3A_440] {strides = array<i32>} : memref<128x128xf32, #tpu.memory_space<vmem>>, vector<1x16xf32>,
        %get3A_442 = vector.shape_cast %get3A_441 : vector<1x16xf32> to vector<16xf32>
        %get3A_443 = arith.index_cast %scan3A_439 : i32 to index
        %get3A_444 = arith.constant 0 : index
        %get3A_445 = tpu.vector_load %arg20[%get3A_443, %get3A_444] {strides = array<i32>} : memref<128x128xf32, #tpu.memory_space<vmem>>, vector<1x16xf32>,
        %get3A_446 = vector.shape_cast %get3A_445 : vector<1x16xf32> to vector<16xf32>
        %add3A_447 = arith.addf %get3A_442, %get3A_446 : vector<16xf32>
        %max3A = arith.constant 0.000000e+00 : f32
        %max3A_448 = vector.broadcast %max3A : f32 to vector<16xf32>
        %max3A_449 = arith.maximumf %add3A_447, %max3A_448 : vector<16xf32>
        %swap3A = arith.index_cast %scan3A_439 : i32 to index
        %swap3A_450 = arith.constant 0 : index
        %swap3A_451 = tpu.vector_load %arg19[%swap3A, %swap3A_450] {strides = array<i32>} : memref<128x128xf32, #tpu.memory_space<vmem>>, vector<1x16xf32>,
        %swap3A_452 = vector.shape_cast %swap3A_451 : vector<1x16xf32> to vector<16xf32>
        %swap3A_453 = vector.shape_cast %max3A_449 : vector<16xf32> to vector<1x16xf32>
        tpu.vector_store %arg19[%swap3A, %swap3A_450], %swap3A_453 {strides = array<i32>} : memref<128x128xf32, #tpu.memory_space<vmem>>, vector<1x16xf32>,
        %get3A_454 = arith.index_cast %scan3A_439 : i32 to index
        %get3A_455 = arith.constant 16 : index
        %get3A_456 = tpu.vector_load %arg19[%get3A_454, %get3A_455] {strides = array<i32>} : memref<128x128xf32, #tpu.memory_space<vmem>>, vector<1x16xf32>,
        %get3A_457 = vector.shape_cast %get3A_456 : vector<1x16xf32> to vector<16xf32>
        %get3A_458 = arith.index_cast %scan3A_439 : i32 to index
        %get3A_459 = arith.constant 16 : index
        %get3A_460 = tpu.vector_load %arg20[%get3A_458, %get3A_459] {strides = array<i32>} : memref<128x128xf32, #tpu.memory_space<vmem>>, vector<1x16xf32>,
        %get3A_461 = vector.shape_cast %get3A_460 : vector<1x16xf32> to vector<16xf32>
        %add3A_462 = arith.addf %get3A_457, %get3A_461 : vector<16xf32>
        %max3A_463 = arith.constant 0.000000e+00 : f32
        %max3A_464 = vector.broadcast %max3A_463 : f32 to vector<16xf32>
        %max3A_465 = arith.maximumf %add3A_462, %max3A_464 : vector<16xf32>
        %swap3A_466 = arith.index_cast %scan3A_439 : i32 to index
        %swap3A_467 = arith.constant 16 : index
        %swap3A_468 = tpu.vector_load %arg19[%swap3A_466, %swap3A_467] {strides = array<i32>} : memref<128x128xf32, #tpu.memory_space<vmem>>, vector<1x16xf32>,
        %swap3A_469 = vector.shape_cast %swap3A_468 : vector<1x16xf32> to vector<16xf32>
        %swap3A_470 = vector.shape_cast %max3A_465 : vector<16xf32> to vector<1x16xf32>
        tpu.vector_store %arg19[%swap3A_466, %swap3A_467], %swap3A_470 {strides = array<i32>} : memref<128x128xf32, #tpu.memory_space<vmem>>, vector<1x16xf32>,
        %get3A_471 = arith.index_cast %scan3A_439 : i32 to index
        %get3A_472 = arith.constant 32 : index
        %get3A_473 = tpu.vector_load %arg19[%get3A_471, %get3A_472] {strides = array<i32>} : memref<128x128xf32, #tpu.memory_space<vmem>>, vector<1x16xf32>,
        %get3A_474 = vector.shape_cast %get3A_473 : vector<1x16xf32> to vector<16xf32>
        %get3A_475 = arith.index_cast %scan3A_439 : i32 to index
        %get3A_476 = arith.constant 32 : index
        %get3A_477 = tpu.vector_load %arg20[%get3A_475, %get3A_476] {strides = array<i32>} : memref<128x128xf32, #tpu.memory_space<vmem>>, vector<1x16xf32>,
        %get3A_478 = vector.shape_cast %get3A_477 : vector<1x16xf32> to vector<16xf32>
        %add3A_479 = arith.addf %get3A_474, %get3A_478 : vector<16xf32>
        %max3A_480 = arith.constant 0.000000e+00 : f32
        %max3A_481 = vector.broadcast %max3A_480 : f32 to vector<16xf32>
        %max3A_482 = arith.maximumf %add3A_479, %max3A_481 : vector<16xf32>
        %swap3A_483 = arith.index_cast %scan3A_439 : i32 to index
        %swap3A_484 = arith.constant 32 : index
        %swap3A_485 = tpu.vector_load %arg19[%swap3A_483, %swap3A_484] {strides = array<i32>} : memref<128x128xf32, #tpu.memory_space<vmem>>, vector<1x16xf32>,
        %swap3A_486 = vector.shape_cast %swap3A_485 : vector<1x16xf32> to vector<16xf32>
        %swap3A_487 = vector.shape_cast %max3A_482 : vector<16xf32> to vector<1x16xf32>
        tpu.vector_store %arg19[%swap3A_483, %swap3A_484], %swap3A_487 {strides = array<i32>} : memref<128x128xf32, #tpu.memory_space<vmem>>, vector<1x16xf32>,
        %get3A_488 = arith.index_cast %scan3A_439 : i32 to index
        %get3A_489 = arith.constant 48 : index
        %get3A_490 = tpu.vector_load %arg19[%get3A_488, %get3A_489] {strides = array<i32>} : memref<128x128xf32, #tpu.memory_space<vmem>>, vector<1x16xf32>,
        %get3A_491 = vector.shape_cast %get3A_490 : vector<1x16xf32> to vector<16xf32>
        %get3A_492 = arith.index_cast %scan3A_439 : i32 to index
        %get3A_493 = arith.constant 48 : index
        %get3A_494 = tpu.vector_load %arg20[%get3A_492, %get3A_493] {strides = array<i32>} : memref<128x128xf32, #tpu.memory_space<vmem>>, vector<1x16xf32>,
        %get3A_495 = vector.shape_cast %get3A_494 : vector<1x16xf32> to vector<16xf32>
        %add3A_496 = arith.addf %get3A_491, %get3A_495 : vector<16xf32>
        %max3A_497 = arith.constant 0.000000e+00 : f32
        %max3A_498 = vector.broadcast %max3A_497 : f32 to vector<16xf32>
        %max3A_499 = arith.maximumf %add3A_496, %max3A_498 : vector<16xf32>
        %swap3A_500 = arith.index_cast %scan3A_439 : i32 to index
        %swap3A_501 = arith.constant 48 : index
        %swap3A_502 = tpu.vector_load %arg19[%swap3A_500, %swap3A_501] {strides = array<i32>} : memref<128x128xf32, #tpu.memory_space<vmem>>, vector<1x16xf32>,
        %swap3A_503 = vector.shape_cast %swap3A_502 : vector<1x16xf32> to vector<16xf32>
        %swap3A_504 = vector.shape_cast %max3A_499 : vector<16xf32> to vector<1x16xf32>
        tpu.vector_store %arg19[%swap3A_500, %swap3A_501], %swap3A_504 {strides = array<i32>} : memref<128x128xf32, #tpu.memory_space<vmem>>, vector<1x16xf32>,
        %get3A_505 = arith.index_cast %scan3A_439 : i32 to index
        %get3A_506 = arith.constant 64 : index
        %get3A_507 = tpu.vector_load %arg19[%get3A_505, %get3A_506] {strides = array<i32>} : memref<128x128xf32, #tpu.memory_space<vmem>>, vector<1x16xf32>,
        %get3A_508 = vector.shape_cast %get3A_507 : vector<1x16xf32> to vector<16xf32>
        %get3A_509 = arith.index_cast %scan3A_439 : i32 to index
        %get3A_510 = arith.constant 64 : index
        %get3A_511 = tpu.vector_load %arg20[%get3A_509, %get3A_510] {strides = array<i32>} : memref<128x128xf32, #tpu.memory_space<vmem>>, vector<1x16xf32>,
        %get3A_512 = vector.shape_cast %get3A_511 : vector<1x16xf32> to vector<16xf32>
        %add3A_513 = arith.addf %get3A_508, %get3A_512 : vector<16xf32>
        %max3A_514 = arith.constant 0.000000e+00 : f32
        %max3A_515 = vector.broadcast %max3A_514 : f32 to vector<16xf32>
        %max3A_516 = arith.maximumf %add3A_513, %max3A_515 : vector<16xf32>
        %swap3A_517 = arith.index_cast %scan3A_439 : i32 to index
        %swap3A_518 = arith.constant 64 : index
        %swap3A_519 = tpu.vector_load %arg19[%swap3A_517, %swap3A_518] {strides = array<i32>} : memref<128x128xf32, #tpu.memory_space<vmem>>, vector<1x16xf32>,
        %swap3A_520 = vector.shape_cast %swap3A_519 : vector<1x16xf32> to vector<16xf32>
        %swap3A_521 = vector.shape_cast %max3A_516 : vector<16xf32> to vector<1x16xf32>
        tpu.vector_store %arg19[%swap3A_517, %swap3A_518], %swap3A_521 {strides = array<i32>} : memref<128x128xf32, #tpu.memory_space<vmem>>, vector<1x16xf32>,
        %get3A_522 = arith.index_cast %scan3A_439 : i32 to index
        %get3A_523 = arith.constant 80 : index
        %get3A_524 = tpu.vector_load %arg19[%get3A_522, %get3A_523] {strides = array<i32>} : memref<128x128xf32, #tpu.memory_space<vmem>>, vector<1x16xf32>,
        %get3A_525 = vector.shape_cast %get3A_524 : vector<1x16xf32> to vector<16xf32>
        %get3A_526 = arith.index_cast %scan3A_439 : i32 to index
        %get3A_527 = arith.constant 80 : index
        %get3A_528 = tpu.vector_load %arg20[%get3A_526, %get3A_527] {strides = array<i32>} : memref<128x128xf32, #tpu.memory_space<vmem>>, vector<1x16xf32>,
        %get3A_529 = vector.shape_cast %get3A_528 : vector<1x16xf32> to vector<16xf32>
        %add3A_530 = arith.addf %get3A_525, %get3A_529 : vector<16xf32>
        %max3A_531 = arith.constant 0.000000e+00 : f32
        %max3A_532 = vector.broadcast %max3A_531 : f32 to vector<16xf32>
        %max3A_533 = arith.maximumf %add3A_530, %max3A_532 : vector<16xf32>
        %swap3A_534 = arith.index_cast %scan3A_439 : i32 to index
        %swap3A_535 = arith.constant 80 : index
        %swap3A_536 = tpu.vector_load %arg19[%swap3A_534, %swap3A_535] {strides = array<i32>} : memref<128x128xf32, #tpu.memory_space<vmem>>, vector<1x16xf32>,
        %swap3A_537 = vector.shape_cast %swap3A_536 : vector<1x16xf32> to vector<16xf32>
        %swap3A_538 = vector.shape_cast %max3A_533 : vector<16xf32> to vector<1x16xf32>
        tpu.vector_store %arg19[%swap3A_534, %swap3A_535], %swap3A_538 {strides = array<i32>} : memref<128x128xf32, #tpu.memory_space<vmem>>, vector<1x16xf32>,
        %get3A_539 = arith.index_cast %scan3A_439 : i32 to index
        %get3A_540 = arith.constant 96 : index
        %get3A_541 = tpu.vector_load %arg19[%get3A_539, %get3A_540] {strides = array<i32>} : memref<128x128xf32, #tpu.memory_space<vmem>>, vector<1x16xf32>,
        %get3A_542 = vector.shape_cast %get3A_541 : vector<1x16xf32> to vector<16xf32>
        %get3A_543 = arith.index_cast %scan3A_439 : i32 to index
        %get3A_544 = arith.constant 96 : index
        %get3A_545 = tpu.vector_load %arg20[%get3A_543, %get3A_544] {strides = array<i32>} : memref<128x128xf32, #tpu.memory_space<vmem>>, vector<1x16xf32>,
        %get3A_546 = vector.shape_cast %get3A_545 : vector<1x16xf32> to vector<16xf32>
        %add3A_547 = arith.addf %get3A_542, %get3A_546 : vector<16xf32>
        %max3A_548 = arith.constant 0.000000e+00 : f32
        %max3A_549 = vector.broadcast %max3A_548 : f32 to vector<16xf32>
        %max3A_550 = arith.maximumf %add3A_547, %max3A_549 : vector<16xf32>
        %swap3A_551 = arith.index_cast %scan3A_439 : i32 to index
        %swap3A_552 = arith.constant 96 : index
        %swap3A_553 = tpu.vector_load %arg19[%swap3A_551, %swap3A_552] {strides = array<i32>} : memref<128x128xf32, #tpu.memory_space<vmem>>, vector<1x16xf32>,
        %swap3A_554 = vector.shape_cast %swap3A_553 : vector<1x16xf32> to vector<16xf32>
        %swap3A_555 = vector.shape_cast %max3A_550 : vector<16xf32> to vector<1x16xf32>
        tpu.vector_store %arg19[%swap3A_551, %swap3A_552], %swap3A_555 {strides = array<i32>} : memref<128x128xf32, #tpu.memory_space<vmem>>, vector<1x16xf32>,
        %get3A_556 = arith.index_cast %scan3A_439 : i32 to index
        %get3A_557 = arith.constant 112 : index
        %get3A_558 = tpu.vector_load %arg19[%get3A_556, %get3A_557] {strides = array<i32>} : memref<128x128xf32, #tpu.memory_space<vmem>>, vector<1x16xf32>,
        %get3A_559 = vector.shape_cast %get3A_558 : vector<1x16xf32> to vector<16xf32>
        %get3A_560 = arith.index_cast %scan3A_439 : i32 to index
        %get3A_561 = arith.constant 112 : index
        %get3A_562 = tpu.vector_load %arg20[%get3A_560, %get3A_561] {strides = array<i32>} : memref<128x128xf32, #tpu.memory_space<vmem>>, vector<1x16xf32>,
        %get3A_563 = vector.shape_cast %get3A_562 : vector<1x16xf32> to vector<16xf32>
        %add3A_564 = arith.addf %get3A_559, %get3A_563 : vector<16xf32>
        %max3A_565 = arith.constant 0.000000e+00 : f32
        %max3A_566 = vector.broadcast %max3A_565 : f32 to vector<16xf32>
        %max3A_567 = arith.maximumf %add3A_564, %max3A_566 : vector<16xf32>
        %swap3A_568 = arith.index_cast %scan3A_439 : i32 to index
        %swap3A_569 = arith.constant 112 : index
        %swap3A_570 = tpu.vector_load %arg19[%swap3A_568, %swap3A_569] {strides = array<i32>} : memref<128x128xf32, #tpu.memory_space<vmem>>, vector<1x16xf32>,
        %swap3A_571 = vector.shape_cast %swap3A_570 : vector<1x16xf32> to vector<16xf32>
        %swap3A_572 = vector.shape_cast %max3A_567 : vector<16xf32> to vector<1x16xf32>
        tpu.vector_store %arg19[%swap3A_568, %swap3A_569], %swap3A_572 {strides = array<i32>} : memref<128x128xf32, #tpu.memory_space<vmem>>, vector<1x16xf32>,
      }
      %scan3A_438 = arith.constant 128 : i32
      "tpu.region"() ({
        %run_scoped3A_439 = tpu.sem_alloc : memref<!tpu.dma_semaphore, #tpu.memory_space<semaphore_mem>>
        %dma_start3A_440 = arith.constant 0 : i32
        %dma_start3A_441 = arith.constant 0 : i32
        %dma_start3A_442 = tpu.memref_slice %arg23[%dma_start3A_440, %dma_start3A_441] : memref<10240x128xf32, #tpu.memory_space<vmem_shared>> -> memref<10240x128xf32, #tpu.memory_space<vmem_shared>>
        tpu.enqueue_indirect_dma source(%arg19 : memref<128x128xf32, #tpu.memory_space<vmem>>) target(%dma_start3A_442 : memref<10240x128xf32, #tpu.memory_space<vmem_shared>>) offsets(%arg15 : memref<128xi32, #tpu.memory_space<vmem>>) semaphore(%run_scoped3A_439 : memref<!tpu.dma_semaphore, #tpu.memory_space<semaphore_mem>>) {add = true}
        %dma_wait3A_443 = arith.constant 0 : i32
        %dma_wait3A_444 = arith.constant 0 : i32
        %dma_wait3A_445 = tpu.memref_slice %arg23[%dma_wait3A_443, %dma_wait3A_444] : memref<10240x128xf32, #tpu.memory_space<vmem_shared>> -> memref<10240x128xf32, #tpu.memory_space<vmem_shared>>
        tpu.wait_indirect_dma semaphore(%run_scoped3A_439 : memref<!tpu.dma_semaphore, #tpu.memory_space<semaphore_mem>>) src(%arg19 : memref<128x128xf32, #tpu.memory_space<vmem>>) dst(%dma_wait3A_445 : memref<10240x128xf32, #tpu.memory_space<vmem_shared>>)
        tpu.yield
      }) : () -> ()
    }
    %scan3A_19 = arith.constant 39 : i32
    %add3A_20 = arith.constant 4992 : i32
    %add3A_21 = arith.addi %add3A, %add3A_20 : i32
    "tpu.region"() ({
      %run_scoped3A_422 = tpu.sem_alloc : memref<!tpu.dma_semaphore, #tpu.memory_space<semaphore_mem>>
      %dma_start3A_423 = tpu.memref_slice %arg7[%add3A_21] : memref<160000xi32, #tpu.memory_space<hbm>> -> memref<8xi32, #tpu.memory_space<hbm>>
      %dma_start3A_424 = tpu.memref_slice %arg7[%add3A_21] : memref<160000xi32, #tpu.memory_space<hbm>> -> memref<8xi32, #tpu.memory_space<hbm>>
      tpu.enqueue_dma source(%dma_start3A_424 : memref<8xi32, #tpu.memory_space<hbm>>) target(%arg16 : memref<8xi32, #tpu.memory_space<vmem>>) target_semaphore(%run_scoped3A_422 : memref<!tpu.dma_semaphore, #tpu.memory_space<semaphore_mem>>)
      %dma_wait3A_425 = tpu.memref_slice %arg7[%add3A_21] : memref<160000xi32, #tpu.memory_space<hbm>> -> memref<8xi32, #tpu.memory_space<hbm>>
      %dma_wait3A_426 = tpu.memref_slice %arg7[%add3A_21] : memref<160000xi32, #tpu.memory_space<hbm>> -> memref<8xi32, #tpu.memory_space<hbm>>
      tpu.wait_dma2 semaphore(%run_scoped3A_422 : memref<!tpu.dma_semaphore, #tpu.memory_space<semaphore_mem>>) src(%dma_wait3A_426 : memref<8xi32, #tpu.memory_space<hbm>>) dst(%arg16 : memref<8xi32, #tpu.memory_space<vmem>>)
      tpu.yield
    }) : () -> ()
    "tpu.region"() ({
      %run_scoped3A_422 = tpu.sem_alloc : memref<!tpu.dma_semaphore, #tpu.memory_space<semaphore_mem>>
      %dma_start3A_423 = tpu.memref_slice %arg8[%add3A_21] : memref<160000xi32, #tpu.memory_space<hbm>> -> memref<8xi32, #tpu.memory_space<hbm>>
      %dma_start3A_424 = tpu.memref_slice %arg8[%add3A_21] : memref<160000xi32, #tpu.memory_space<hbm>> -> memref<8xi32, #tpu.memory_space<hbm>>
      tpu.enqueue_dma source(%dma_start3A_424 : memref<8xi32, #tpu.memory_space<hbm>>) target(%arg17 : memref<8xi32, #tpu.memory_space<vmem>>) target_semaphore(%run_scoped3A_422 : memref<!tpu.dma_semaphore, #tpu.memory_space<semaphore_mem>>)
      %dma_wait3A_425 = tpu.memref_slice %arg8[%add3A_21] : memref<160000xi32, #tpu.memory_space<hbm>> -> memref<8xi32, #tpu.memory_space<hbm>>
      %dma_wait3A_426 = tpu.memref_slice %arg8[%add3A_21] : memref<160000xi32, #tpu.memory_space<hbm>> -> memref<8xi32, #tpu.memory_space<hbm>>
      tpu.wait_dma2 semaphore(%run_scoped3A_422 : memref<!tpu.dma_semaphore, #tpu.memory_space<semaphore_mem>>) src(%dma_wait3A_426 : memref<8xi32, #tpu.memory_space<hbm>>) dst(%arg17 : memref<8xi32, #tpu.memory_space<vmem>>)
      tpu.yield
    }) : () -> ()
    %dma_start3A = arith.constant 0 : i32
    %dma_start3A_22 = arith.constant 0 : i32
    %dma_start3A_23 = tpu.memref_slice %arg2[%dma_start3A, %dma_start3A_22] : memref<10000x128xf32, #tpu.memory_space<hbm>> -> memref<10000x128xf32, #tpu.memory_space<hbm>>
    tpu.enqueue_indirect_dma source(%dma_start3A_23 : memref<10000x128xf32, #tpu.memory_space<hbm>>) target(%arg21 : memref<8x128xf32, #tpu.memory_space<vmem>>) offsets(%arg16 : memref<8xi32, #tpu.memory_space<vmem>>) semaphore(%arg24 : memref<!tpu.dma_semaphore, #tpu.memory_space<semaphore_mem>>)
    %run_scoped3A = arith.constant 0 : i32
    "tpu.region"() ({
      %run_scoped3A_422 = tpu.sem_alloc : memref<!tpu.dma_semaphore, #tpu.memory_space<semaphore_mem>>
      %dma_start3A_423 = arith.constant 0 : i32
      %dma_start3A_424 = tpu.memref_slice %arg6[%run_scoped3A, %add3A_21, %dma_start3A_423] : memref<4x160000x128xf32, #tpu.memory_space<hbm>> -> memref<1x8x128xf32, #tpu.memory_space<hbm>>
      %dma_start3A_425 = tpu.memref_squeeze %dma_start3A_424 : memref<1x8x128xf32, #tpu.memory_space<hbm>> -> memref<8x128xf32, #tpu.memory_space<hbm>>
      %dma_start3A_426 = arith.constant 0 : i32
      %dma_start3A_427 = tpu.memref_slice %arg6[%run_scoped3A, %add3A_21, %dma_start3A_426] : memref<4x160000x128xf32, #tpu.memory_space<hbm>> -> memref<1x8x128xf32, #tpu.memory_space<hbm>>
      %dma_start3A_428 = tpu.memref_squeeze %dma_start3A_427 : memref<1x8x128xf32, #tpu.memory_space<hbm>> -> memref<8x128xf32, #tpu.memory_space<hbm>>
      tpu.enqueue_dma source(%dma_start3A_428 : memref<8x128xf32, #tpu.memory_space<hbm>>) target(%arg22 : memref<8x128xf32, #tpu.memory_space<vmem>>) target_semaphore(%run_scoped3A_422 : memref<!tpu.dma_semaphore, #tpu.memory_space<semaphore_mem>>)
      %dma_wait3A_429 = arith.constant 0 : i32
      %dma_wait3A_430 = tpu.memref_slice %arg6[%run_scoped3A, %add3A_21, %dma_wait3A_429] : memref<4x160000x128xf32, #tpu.memory_space<hbm>> -> memref<1x8x128xf32, #tpu.memory_space<hbm>>
      %dma_wait3A_431 = tpu.memref_squeeze %dma_wait3A_430 : memref<1x8x128xf32, #tpu.memory_space<hbm>> -> memref<8x128xf32, #tpu.memory_space<hbm>>
      %dma_wait3A_432 = arith.constant 0 : i32
      %dma_wait3A_433 = tpu.memref_slice %arg6[%run_scoped3A, %add3A_21, %dma_wait3A_432] : memref<4x160000x128xf32, #tpu.memory_space<hbm>> -> memref<1x8x128xf32, #tpu.memory_space<hbm>>
      %dma_wait3A_434 = tpu.memref_squeeze %dma_wait3A_433 : memref<1x8x128xf32, #tpu.memory_space<hbm>> -> memref<8x128xf32, #tpu.memory_space<hbm>>
      tpu.wait_dma2 semaphore(%run_scoped3A_422 : memref<!tpu.dma_semaphore, #tpu.memory_space<semaphore_mem>>) src(%dma_wait3A_434 : memref<8x128xf32, #tpu.memory_space<hbm>>) dst(%arg22 : memref<8x128xf32, #tpu.memory_space<vmem>>)
      tpu.yield
    }) : () -> ()
    %dma_wait3A = arith.constant 0 : i32
    %dma_wait3A_24 = arith.constant 0 : i32
    %dma_wait3A_25 = tpu.memref_slice %arg2[%dma_wait3A, %dma_wait3A_24] : memref<10000x128xf32, #tpu.memory_space<hbm>> -> memref<10000x128xf32, #tpu.memory_space<hbm>>
    tpu.wait_indirect_dma semaphore(%arg24 : memref<!tpu.dma_semaphore, #tpu.memory_space<semaphore_mem>>) src(%dma_wait3A_25 : memref<10000x128xf32, #tpu.memory_space<hbm>>) dst(%arg21 : memref<8x128xf32, #tpu.memory_space<vmem>>)
    %scan3A_26 = arith.constant 0 : i32
    %scan3A_27 = arith.constant 0 : i32
    %scan3A_28 = arith.constant 8 : i32
    %scan3A_29 = arith.addi %scan3A_27, %scan3A_28 : i32
    %scan3A_30 = arith.constant 1 : i32
    scf.for %scan3A_422 = %scan3A_27 to %scan3A_29 step %scan3A_30  : i32 {
      %get3A = arith.index_cast %scan3A_422 : i32 to index
      %get3A_423 = arith.constant 0 : index
      %get3A_424 = tpu.vector_load %arg21[%get3A, %get3A_423] {strides = array<i32>} : memref<8x128xf32, #tpu.memory_space<vmem>>, vector<1x16xf32>,
      %get3A_425 = vector.shape_cast %get3A_424 : vector<1x16xf32> to vector<16xf32>
      %get3A_426 = arith.index_cast %scan3A_422 : i32 to index
      %get3A_427 = arith.constant 0 : index
      %get3A_428 = tpu.vector_load %arg22[%get3A_426, %get3A_427] {strides = array<i32>} : memref<8x128xf32, #tpu.memory_space<vmem>>, vector<1x16xf32>,
      %get3A_429 = vector.shape_cast %get3A_428 : vector<1x16xf32> to vector<16xf32>
      %add3A_430 = arith.addf %get3A_425, %get3A_429 : vector<16xf32>
      %max3A = arith.constant 0.000000e+00 : f32
      %max3A_431 = vector.broadcast %max3A : f32 to vector<16xf32>
      %max3A_432 = arith.maximumf %add3A_430, %max3A_431 : vector<16xf32>
      %swap3A = arith.index_cast %scan3A_422 : i32 to index
      %swap3A_433 = arith.constant 0 : index
      %swap3A_434 = tpu.vector_load %arg21[%swap3A, %swap3A_433] {strides = array<i32>} : memref<8x128xf32, #tpu.memory_space<vmem>>, vector<1x16xf32>,
      %swap3A_435 = vector.shape_cast %swap3A_434 : vector<1x16xf32> to vector<16xf32>
      %swap3A_436 = vector.shape_cast %max3A_432 : vector<16xf32> to vector<1x16xf32>
      tpu.vector_store %arg21[%swap3A, %swap3A_433], %swap3A_436 {strides = array<i32>} : memref<8x128xf32, #tpu.memory_space<vmem>>, vector<1x16xf32>,
      %get3A_437 = arith.index_cast %scan3A_422 : i32 to index
      %get3A_438 = arith.constant 16 : index
      %get3A_439 = tpu.vector_load %arg21[%get3A_437, %get3A_438] {strides = array<i32>} : memref<8x128xf32, #tpu.memory_space<vmem>>, vector<1x16xf32>,
      %get3A_440 = vector.shape_cast %get3A_439 : vector<1x16xf32> to vector<16xf32>
      %get3A_441 = arith.index_cast %scan3A_422 : i32 to index
      %get3A_442 = arith.constant 16 : index
      %get3A_443 = tpu.vector_load %arg22[%get3A_441, %get3A_442] {strides = array<i32>} : memref<8x128xf32, #tpu.memory_space<vmem>>, vector<1x16xf32>,
      %get3A_444 = vector.shape_cast %get3A_443 : vector<1x16xf32> to vector<16xf32>
      %add3A_445 = arith.addf %get3A_440, %get3A_444 : vector<16xf32>
      %max3A_446 = arith.constant 0.000000e+00 : f32
      %max3A_447 = vector.broadcast %max3A_446 : f32 to vector<16xf32>
      %max3A_448 = arith.maximumf %add3A_445, %max3A_447 : vector<16xf32>
      %swap3A_449 = arith.index_cast %scan3A_422 : i32 to index
      %swap3A_450 = arith.constant 16 : index
      %swap3A_451 = tpu.vector_load %arg21[%swap3A_449, %swap3A_450] {strides = array<i32>} : memref<8x128xf32, #tpu.memory_space<vmem>>, vector<1x16xf32>,
      %swap3A_452 = vector.shape_cast %swap3A_451 : vector<1x16xf32> to vector<16xf32>
      %swap3A_453 = vector.shape_cast %max3A_448 : vector<16xf32> to vector<1x16xf32>
      tpu.vector_store %arg21[%swap3A_449, %swap3A_450], %swap3A_453 {strides = array<i32>} : memref<8x128xf32, #tpu.memory_space<vmem>>, vector<1x16xf32>,
      %get3A_454 = arith.index_cast %scan3A_422 : i32 to index
      %get3A_455 = arith.constant 32 : index
      %get3A_456 = tpu.vector_load %arg21[%get3A_454, %get3A_455] {strides = array<i32>} : memref<8x128xf32, #tpu.memory_space<vmem>>, vector<1x16xf32>,
      %get3A_457 = vector.shape_cast %get3A_456 : vector<1x16xf32> to vector<16xf32>
      %get3A_458 = arith.index_cast %scan3A_422 : i32 to index
      %get3A_459 = arith.constant 32 : index
      %get3A_460 = tpu.vector_load %arg22[%get3A_458, %get3A_459] {strides = array<i32>} : memref<8x128xf32, #tpu.memory_space<vmem>>, vector<1x16xf32>,
      %get3A_461 = vector.shape_cast %get3A_460 : vector<1x16xf32> to vector<16xf32>
      %add3A_462 = arith.addf %get3A_457, %get3A_461 : vector<16xf32>
      %max3A_463 = arith.constant 0.000000e+00 : f32
      %max3A_464 = vector.broadcast %max3A_463 : f32 to vector<16xf32>
      %max3A_465 = arith.maximumf %add3A_462, %max3A_464 : vector<16xf32>
      %swap3A_466 = arith.index_cast %scan3A_422 : i32 to index
      %swap3A_467 = arith.constant 32 : index
      %swap3A_468 = tpu.vector_load %arg21[%swap3A_466, %swap3A_467] {strides = array<i32>} : memref<8x128xf32, #tpu.memory_space<vmem>>, vector<1x16xf32>,
      %swap3A_469 = vector.shape_cast %swap3A_468 : vector<1x16xf32> to vector<16xf32>
      %swap3A_470 = vector.shape_cast %max3A_465 : vector<16xf32> to vector<1x16xf32>
      tpu.vector_store %arg21[%swap3A_466, %swap3A_467], %swap3A_470 {strides = array<i32>} : memref<8x128xf32, #tpu.memory_space<vmem>>, vector<1x16xf32>,
      %get3A_471 = arith.index_cast %scan3A_422 : i32 to index
      %get3A_472 = arith.constant 48 : index
      %get3A_473 = tpu.vector_load %arg21[%get3A_471, %get3A_472] {strides = array<i32>} : memref<8x128xf32, #tpu.memory_space<vmem>>, vector<1x16xf32>,
      %get3A_474 = vector.shape_cast %get3A_473 : vector<1x16xf32> to vector<16xf32>
      %get3A_475 = arith.index_cast %scan3A_422 : i32 to index
      %get3A_476 = arith.constant 48 : index
      %get3A_477 = tpu.vector_load %arg22[%get3A_475, %get3A_476] {strides = array<i32>} : memref<8x128xf32, #tpu.memory_space<vmem>>, vector<1x16xf32>,
      %get3A_478 = vector.shape_cast %get3A_477 : vector<1x16xf32> to vector<16xf32>
      %add3A_479 = arith.addf %get3A_474, %get3A_478 : vector<16xf32>
      %max3A_480 = arith.constant 0.000000e+00 : f32
      %max3A_481 = vector.broadcast %max3A_480 : f32 to vector<16xf32>
      %max3A_482 = arith.maximumf %add3A_479, %max3A_481 : vector<16xf32>
      %swap3A_483 = arith.index_cast %scan3A_422 : i32 to index
      %swap3A_484 = arith.constant 48 : index
      %swap3A_485 = tpu.vector_load %arg21[%swap3A_483, %swap3A_484] {strides = array<i32>} : memref<8x128xf32, #tpu.memory_space<vmem>>, vector<1x16xf32>,
      %swap3A_486 = vector.shape_cast %swap3A_485 : vector<1x16xf32> to vector<16xf32>
      %swap3A_487 = vector.shape_cast %max3A_482 : vector<16xf32> to vector<1x16xf32>
      tpu.vector_store %arg21[%swap3A_483, %swap3A_484], %swap3A_487 {strides = array<i32>} : memref<8x128xf32, #tpu.memory_space<vmem>>, vector<1x16xf32>,
      %get3A_488 = arith.index_cast %scan3A_422 : i32 to index
      %get3A_489 = arith.constant 64 : index
      %get3A_490 = tpu.vector_load %arg21[%get3A_488, %get3A_489] {strides = array<i32>} : memref<8x128xf32, #tpu.memory_space<vmem>>, vector<1x16xf32>,
      %get3A_491 = vector.shape_cast %get3A_490 : vector<1x16xf32> to vector<16xf32>
      %get3A_492 = arith.index_cast %scan3A_422 : i32 to index
      %get3A_493 = arith.constant 64 : index
      %get3A_494 = tpu.vector_load %arg22[%get3A_492, %get3A_493] {strides = array<i32>} : memref<8x128xf32, #tpu.memory_space<vmem>>, vector<1x16xf32>,
      %get3A_495 = vector.shape_cast %get3A_494 : vector<1x16xf32> to vector<16xf32>
      %add3A_496 = arith.addf %get3A_491, %get3A_495 : vector<16xf32>
      %max3A_497 = arith.constant 0.000000e+00 : f32
      %max3A_498 = vector.broadcast %max3A_497 : f32 to vector<16xf32>
      %max3A_499 = arith.maximumf %add3A_496, %max3A_498 : vector<16xf32>
      %swap3A_500 = arith.index_cast %scan3A_422 : i32 to index
      %swap3A_501 = arith.constant 64 : index
      %swap3A_502 = tpu.vector_load %arg21[%swap3A_500, %swap3A_501] {strides = array<i32>} : memref<8x128xf32, #tpu.memory_space<vmem>>, vector<1x16xf32>,
      %swap3A_503 = vector.shape_cast %swap3A_502 : vector<1x16xf32> to vector<16xf32>
      %swap3A_504 = vector.shape_cast %max3A_499 : vector<16xf32> to vector<1x16xf32>
      tpu.vector_store %arg21[%swap3A_500, %swap3A_501], %swap3A_504 {strides = array<i32>} : memref<8x128xf32, #tpu.memory_space<vmem>>, vector<1x16xf32>,
      %get3A_505 = arith.index_cast %scan3A_422 : i32 to index
      %get3A_506 = arith.constant 80 : index
      %get3A_507 = tpu.vector_load %arg21[%get3A_505, %get3A_506] {strides = array<i32>} : memref<8x128xf32, #tpu.memory_space<vmem>>, vector<1x16xf32>,
      %get3A_508 = vector.shape_cast %get3A_507 : vector<1x16xf32> to vector<16xf32>
      %get3A_509 = arith.index_cast %scan3A_422 : i32 to index
      %get3A_510 = arith.constant 80 : index
      %get3A_511 = tpu.vector_load %arg22[%get3A_509, %get3A_510] {strides = array<i32>} : memref<8x128xf32, #tpu.memory_space<vmem>>, vector<1x16xf32>,
      %get3A_512 = vector.shape_cast %get3A_511 : vector<1x16xf32> to vector<16xf32>
      %add3A_513 = arith.addf %get3A_508, %get3A_512 : vector<16xf32>
      %max3A_514 = arith.constant 0.000000e+00 : f32
      %max3A_515 = vector.broadcast %max3A_514 : f32 to vector<16xf32>
      %max3A_516 = arith.maximumf %add3A_513, %max3A_515 : vector<16xf32>
      %swap3A_517 = arith.index_cast %scan3A_422 : i32 to index
      %swap3A_518 = arith.constant 80 : index
      %swap3A_519 = tpu.vector_load %arg21[%swap3A_517, %swap3A_518] {strides = array<i32>} : memref<8x128xf32, #tpu.memory_space<vmem>>, vector<1x16xf32>,
      %swap3A_520 = vector.shape_cast %swap3A_519 : vector<1x16xf32> to vector<16xf32>
      %swap3A_521 = vector.shape_cast %max3A_516 : vector<16xf32> to vector<1x16xf32>
      tpu.vector_store %arg21[%swap3A_517, %swap3A_518], %swap3A_521 {strides = array<i32>} : memref<8x128xf32, #tpu.memory_space<vmem>>, vector<1x16xf32>,
      %get3A_522 = arith.index_cast %scan3A_422 : i32 to index
      %get3A_523 = arith.constant 96 : index
      %get3A_524 = tpu.vector_load %arg21[%get3A_522, %get3A_523] {strides = array<i32>} : memref<8x128xf32, #tpu.memory_space<vmem>>, vector<1x16xf32>,
      %get3A_525 = vector.shape_cast %get3A_524 : vector<1x16xf32> to vector<16xf32>
      %get3A_526 = arith.index_cast %scan3A_422 : i32 to index
      %get3A_527 = arith.constant 96 : index
      %get3A_528 = tpu.vector_load %arg22[%get3A_526, %get3A_527] {strides = array<i32>} : memref<8x128xf32, #tpu.memory_space<vmem>>, vector<1x16xf32>,
      %get3A_529 = vector.shape_cast %get3A_528 : vector<1x16xf32> to vector<16xf32>
      %add3A_530 = arith.addf %get3A_525, %get3A_529 : vector<16xf32>
      %max3A_531 = arith.constant 0.000000e+00 : f32
      %max3A_532 = vector.broadcast %max3A_531 : f32 to vector<16xf32>
      %max3A_533 = arith.maximumf %add3A_530, %max3A_532 : vector<16xf32>
      %swap3A_534 = arith.index_cast %scan3A_422 : i32 to index
      %swap3A_535 = arith.constant 96 : index
      %swap3A_536 = tpu.vector_load %arg21[%swap3A_534, %swap3A_535] {strides = array<i32>} : memref<8x128xf32, #tpu.memory_space<vmem>>, vector<1x16xf32>,
      %swap3A_537 = vector.shape_cast %swap3A_536 : vector<1x16xf32> to vector<16xf32>
      %swap3A_538 = vector.shape_cast %max3A_533 : vector<16xf32> to vector<1x16xf32>
      tpu.vector_store %arg21[%swap3A_534, %swap3A_535], %swap3A_538 {strides = array<i32>} : memref<8x128xf32, #tpu.memory_space<vmem>>, vector<1x16xf32>,
      %get3A_539 = arith.index_cast %scan3A_422 : i32 to index
      %get3A_540 = arith.constant 112 : index
      %get3A_541 = tpu.vector_load %arg21[%get3A_539, %get3A_540] {strides = array<i32>} : memref<8x128xf32, #tpu.memory_space<vmem>>, vector<1x16xf32>,
      %get3A_542 = vector.shape_cast %get3A_541 : vector<1x16xf32> to vector<16xf32>
      %get3A_543 = arith.index_cast %scan3A_422 : i32 to index
      %get3A_544 = arith.constant 112 : index
      %get3A_545 = tpu.vector_load %arg22[%get3A_543, %get3A_544] {strides = array<i32>} : memref<8x128xf32, #tpu.memory_space<vmem>>, vector<1x16xf32>,
      %get3A_546 = vector.shape_cast %get3A_545 : vector<1x16xf32> to vector<16xf32>
      %add3A_547 = arith.addf %get3A_542, %get3A_546 : vector<16xf32>
      %max3A_548 = arith.constant 0.000000e+00 : f32
      %max3A_549 = vector.broadcast %max3A_548 : f32 to vector<16xf32>
      %max3A_550 = arith.maximumf %add3A_547, %max3A_549 : vector<16xf32>
      %swap3A_551 = arith.index_cast %scan3A_422 : i32 to index
      %swap3A_552 = arith.constant 112 : index
      %swap3A_553 = tpu.vector_load %arg21[%swap3A_551, %swap3A_552] {strides = array<i32>} : memref<8x128xf32, #tpu.memory_space<vmem>>, vector<1x16xf32>,
      %swap3A_554 = vector.shape_cast %swap3A_553 : vector<1x16xf32> to vector<16xf32>
      %swap3A_555 = vector.shape_cast %max3A_550 : vector<16xf32> to vector<1x16xf32>
      tpu.vector_store %arg21[%swap3A_551, %swap3A_552], %swap3A_555 {strides = array<i32>} : memref<8x128xf32, #tpu.memory_space<vmem>>, vector<1x16xf32>,
    }
    %scan3A_31 = arith.constant 8 : i32
    "tpu.region"() ({
      %run_scoped3A_422 = tpu.sem_alloc : memref<!tpu.dma_semaphore, #tpu.memory_space<semaphore_mem>>
      %dma_start3A_423 = arith.constant 0 : i32
      %dma_start3A_424 = arith.constant 0 : i32
      %dma_start3A_425 = tpu.memref_slice %arg23[%dma_start3A_423, %dma_start3A_424] : memref<10240x128xf32, #tpu.memory_space<vmem_shared>> -> memref<10240x128xf32, #tpu.memory_space<vmem_shared>>
      tpu.enqueue_indirect_dma source(%arg21 : memref<8x128xf32, #tpu.memory_space<vmem>>) target(%dma_start3A_425 : memref<10240x128xf32, #tpu.memory_space<vmem_shared>>) offsets(%arg17 : memref<8xi32, #tpu.memory_space<vmem>>) semaphore(%run_scoped3A_422 : memref<!tpu.dma_semaphore, #tpu.memory_space<semaphore_mem>>) {add = true}
      %dma_wait3A_426 = arith.constant 0 : i32
      %dma_wait3A_427 = arith.constant 0 : i32
      %dma_wait3A_428 = tpu.memref_slice %arg23[%dma_wait3A_426, %dma_wait3A_427] : memref<10240x128xf32, #tpu.memory_space<vmem_shared>> -> memref<10240x128xf32, #tpu.memory_space<vmem_shared>>
      tpu.wait_indirect_dma semaphore(%run_scoped3A_422 : memref<!tpu.dma_semaphore, #tpu.memory_space<semaphore_mem>>) src(%arg21 : memref<8x128xf32, #tpu.memory_space<vmem>>) dst(%dma_wait3A_428 : memref<10240x128xf32, #tpu.memory_space<vmem_shared>>)
      tpu.yield
    }) : () -> ()
    %barrier3A_32 = arith.constant 0 : index
    tpu.barrier barrier_id(%barrier3A_32)
    %add3A_33 = arith.constant 0 : i32
    %add3A_34 = arith.addi %mul3A_0, %add3A_33 : i32
    "tpu.region"() ({
      %run_scoped3A_422 = tpu.sem_alloc : memref<!tpu.dma_semaphore, #tpu.memory_space<semaphore_mem>>
      %dma_start3A_423 = tpu.memref_slice %arg9[%add3A_34] : memref<10240xi32, #tpu.memory_space<hbm>> -> memref<128xi32, #tpu.memory_space<hbm>>
      %dma_start3A_424 = tpu.memref_slice %arg9[%add3A_34] : memref<10240xi32, #tpu.memory_space<hbm>> -> memref<128xi32, #tpu.memory_space<hbm>>
      tpu.enqueue_dma source(%dma_start3A_424 : memref<128xi32, #tpu.memory_space<hbm>>) target(%arg18 : memref<128xi32, #tpu.memory_space<vmem>>) target_semaphore(%run_scoped3A_422 : memref<!tpu.dma_semaphore, #tpu.memory_space<semaphore_mem>>)
      %dma_wait3A_425 = tpu.memref_slice %arg9[%add3A_34] : memref<10240xi32, #tpu.memory_space<hbm>> -> memref<128xi32, #tpu.memory_space<hbm>>
      %dma_wait3A_426 = tpu.memref_slice %arg9[%add3A_34] : memref<10240xi32, #tpu.memory_space<hbm>> -> memref<128xi32, #tpu.memory_space<hbm>>
      tpu.wait_dma2 semaphore(%run_scoped3A_422 : memref<!tpu.dma_semaphore, #tpu.memory_space<semaphore_mem>>) src(%dma_wait3A_426 : memref<128xi32, #tpu.memory_space<hbm>>) dst(%arg18 : memref<128xi32, #tpu.memory_space<vmem>>)
      tpu.yield
    }) : () -> ()
    %dma_start3A_35 = arith.constant 0 : i32
    %dma_start3A_36 = arith.constant 0 : i32
    %dma_start3A_37 = tpu.memref_slice %arg23[%dma_start3A_35, %dma_start3A_36] : memref<10240x128xf32, #tpu.memory_space<vmem_shared>> -> memref<10240x128xf32, #tpu.memory_space<vmem_shared>>
    tpu.enqueue_indirect_dma source(%dma_start3A_37 : memref<10240x128xf32, #tpu.memory_space<vmem_shared>>) target(%arg19 : memref<128x128xf32, #tpu.memory_space<vmem>>) offsets(%arg18 : memref<128xi32, #tpu.memory_space<vmem>>) semaphore(%arg24 : memref<!tpu.dma_semaphore, #tpu.memory_space<semaphore_mem>>)
    %dma_wait3A_38 = arith.constant 0 : i32
    %dma_wait3A_39 = arith.constant 0 : i32
    %dma_wait3A_40 = tpu.memref_slice %arg23[%dma_wait3A_38, %dma_wait3A_39] : memref<10240x128xf32, #tpu.memory_space<vmem_shared>> -> memref<10240x128xf32, #tpu.memory_space<vmem_shared>>
    tpu.wait_indirect_dma semaphore(%arg24 : memref<!tpu.dma_semaphore, #tpu.memory_space<semaphore_mem>>) src(%dma_wait3A_40 : memref<10240x128xf32, #tpu.memory_space<vmem_shared>>) dst(%arg19 : memref<128x128xf32, #tpu.memory_space<vmem>>)
    %add3A_41 = arith.constant 0 : i32
    %add3A_42 = arith.addi %mul3A_0, %add3A_41 : i32
    %run_scoped3A_43 = arith.constant 0 : i32
    "tpu.region"() ({
      %run_scoped3A_422 = tpu.sem_alloc : memref<!tpu.dma_semaphore, #tpu.memory_space<semaphore_mem>>
      %dma_start3A_423 = arith.constant 0 : i32
      %dma_start3A_424 = arith.constant 0 : i32
      %dma_start3A_425 = tpu.memref_slice %arg12[%arg0, %run_scoped3A_43, %dma_start3A_423, %dma_start3A_424] : memref<2x4x10240x128xf32, #tpu.memory_space<hbm>> -> memref<1x1x10240x128xf32, #tpu.memory_space<hbm>>
      %dma_start3A_426 = tpu.memref_squeeze %dma_start3A_425 : memref<1x1x10240x128xf32, #tpu.memory_space<hbm>> -> memref<10240x128xf32, #tpu.memory_space<hbm>>
      %dma_start3A_427 = arith.constant 0 : i32
      %dma_start3A_428 = tpu.memref_slice %dma_start3A_426[%add3A_42, %dma_start3A_427] : memref<10240x128xf32, #tpu.memory_space<hbm>> -> memref<128x128xf32, #tpu.memory_space<hbm>>
      %dma_start3A_429 = arith.constant 0 : i32
      %dma_start3A_430 = arith.constant 0 : i32
      %dma_start3A_431 = tpu.memref_slice %arg12[%arg0, %run_scoped3A_43, %dma_start3A_429, %dma_start3A_430] : memref<2x4x10240x128xf32, #tpu.memory_space<hbm>> -> memref<1x1x10240x128xf32, #tpu.memory_space<hbm>>
      %dma_start3A_432 = tpu.memref_squeeze %dma_start3A_431 : memref<1x1x10240x128xf32, #tpu.memory_space<hbm>> -> memref<10240x128xf32, #tpu.memory_space<hbm>>
      %dma_start3A_433 = arith.constant 0 : i32
      %dma_start3A_434 = tpu.memref_slice %dma_start3A_432[%add3A_42, %dma_start3A_433] : memref<10240x128xf32, #tpu.memory_space<hbm>> -> memref<128x128xf32, #tpu.memory_space<hbm>>
      tpu.enqueue_dma source(%arg19 : memref<128x128xf32, #tpu.memory_space<vmem>>) target(%dma_start3A_434 : memref<128x128xf32, #tpu.memory_space<hbm>>) target_semaphore(%run_scoped3A_422 : memref<!tpu.dma_semaphore, #tpu.memory_space<semaphore_mem>>)
      %dma_wait3A_435 = arith.constant 0 : i32
      %dma_wait3A_436 = arith.constant 0 : i32
      %dma_wait3A_437 = tpu.memref_slice %arg12[%arg0, %run_scoped3A_43, %dma_wait3A_435, %dma_wait3A_436] : memref<2x4x10240x128xf32, #tpu.memory_space<hbm>> -> memref<1x1x10240x128xf32, #tpu.memory_space<hbm>>
      %dma_wait3A_438 = tpu.memref_squeeze %dma_wait3A_437 : memref<1x1x10240x128xf32, #tpu.memory_space<hbm>> -> memref<10240x128xf32, #tpu.memory_space<hbm>>
      %dma_wait3A_439 = arith.constant 0 : i32
      %dma_wait3A_440 = tpu.memref_slice %dma_wait3A_438[%add3A_42, %dma_wait3A_439] : memref<10240x128xf32, #tpu.memory_space<hbm>> -> memref<128x128xf32, #tpu.memory_space<hbm>>
      %dma_wait3A_441 = arith.constant 0 : i32
      %dma_wait3A_442 = arith.constant 0 : i32
      %dma_wait3A_443 = tpu.memref_slice %arg12[%arg0, %run_scoped3A_43, %dma_wait3A_441, %dma_wait3A_442] : memref<2x4x10240x128xf32, #tpu.memory_space<hbm>> -> memref<1x1x10240x128xf32, #tpu.memory_space<hbm>>
      %dma_wait3A_444 = tpu.memref_squeeze %dma_wait3A_443 : memref<1x1x10240x128xf32, #tpu.memory_space<hbm>> -> memref<10240x128xf32, #tpu.memory_space<hbm>>
      %dma_wait3A_445 = arith.constant 0 : i32
      %dma_wait3A_446 = tpu.memref_slice %dma_wait3A_444[%add3A_42, %dma_wait3A_445] : memref<10240x128xf32, #tpu.memory_space<hbm>> -> memref<128x128xf32, #tpu.memory_space<hbm>>
      tpu.wait_dma2 semaphore(%run_scoped3A_422 : memref<!tpu.dma_semaphore, #tpu.memory_space<semaphore_mem>>) src(%arg19 : memref<128x128xf32, #tpu.memory_space<vmem>>) dst(%dma_wait3A_446 : memref<128x128xf32, #tpu.memory_space<hbm>>)
      tpu.yield
    }) : () -> ()
    %add3A_44 = arith.constant 128 : i32
    %add3A_45 = arith.addi %mul3A_0, %add3A_44 : i32
    "tpu.region"() ({
      %run_scoped3A_422 = tpu.sem_alloc : memref<!tpu.dma_semaphore, #tpu.memory_space<semaphore_mem>>
      %dma_start3A_423 = tpu.memref_slice %arg9[%add3A_45] : memref<10240xi32, #tpu.memory_space<hbm>> -> memref<128xi32, #tpu.memory_space<hbm>>
      %dma_start3A_424 = tpu.memref_slice %arg9[%add3A_45] : memref<10240xi32, #tpu.memory_space<hbm>> -> memref<128xi32, #tpu.memory_space<hbm>>
      tpu.enqueue_dma source(%dma_start3A_424 : memref<128xi32, #tpu.memory_space<hbm>>) target(%arg18 : memref<128xi32, #tpu.memory_space<vmem>>) target_semaphore(%run_scoped3A_422 : memref<!tpu.dma_semaphore, #tpu.memory_space<semaphore_mem>>)
      %dma_wait3A_425 = tpu.memref_slice %arg9[%add3A_45] : memref<10240xi32, #tpu.memory_space<hbm>> -> memref<128xi32, #tpu.memory_space<hbm>>
      %dma_wait3A_426 = tpu.memref_slice %arg9[%add3A_45] : memref<10240xi32, #tpu.memory_space<hbm>> -> memref<128xi32, #tpu.memory_space<hbm>>
      tpu.wait_dma2 semaphore(%run_scoped3A_422 : memref<!tpu.dma_semaphore, #tpu.memory_space<semaphore_mem>>) src(%dma_wait3A_426 : memref<128xi32, #tpu.memory_space<hbm>>) dst(%arg18 : memref<128xi32, #tpu.memory_space<vmem>>)
      tpu.yield
    }) : () -> ()
    %dma_start3A_46 = arith.constant 0 : i32
    %dma_start3A_47 = arith.constant 0 : i32
    %dma_start3A_48 = tpu.memref_slice %arg23[%dma_start3A_46, %dma_start3A_47] : memref<10240x128xf32, #tpu.memory_space<vmem_shared>> -> memref<10240x128xf32, #tpu.memory_space<vmem_shared>>
    tpu.enqueue_indirect_dma source(%dma_start3A_48 : memref<10240x128xf32, #tpu.memory_space<vmem_shared>>) target(%arg19 : memref<128x128xf32, #tpu.memory_space<vmem>>) offsets(%arg18 : memref<128xi32, #tpu.memory_space<vmem>>) semaphore(%arg24 : memref<!tpu.dma_semaphore, #tpu.memory_space<semaphore_mem>>)
    %dma_wait3A_49 = arith.constant 0 : i32
    %dma_wait3A_50 = arith.constant 0 : i32
    %dma_wait3A_51 = tpu.memref_slice %arg23[%dma_wait3A_49, %dma_wait3A_50] : memref<10240x128xf32, #tpu.memory_space<vmem_shared>> -> memref<10240x128xf32, #tpu.memory_space<vmem_shared>>
    tpu.wait_indirect_dma semaphore(%arg24 : memref<!tpu.dma_semaphore, #tpu.memory_space<semaphore_mem>>) src(%dma_wait3A_51 : memref<10240x128xf32, #tpu.memory_space<vmem_shared>>) dst(%arg19 : memref<128x128xf32, #tpu.memory_space<vmem>>)
    %add3A_52 = arith.constant 128 : i32
    %add3A_53 = arith.addi %mul3A_0, %add3A_52 : i32
    %run_scoped3A_54 = arith.constant 0 : i32
    "tpu.region"() ({
      %run_scoped3A_422 = tpu.sem_alloc : memref<!tpu.dma_semaphore, #tpu.memory_space<semaphore_mem>>
      %dma_start3A_423 = arith.constant 0 : i32
      %dma_start3A_424 = arith.constant 0 : i32
      %dma_start3A_425 = tpu.memref_slice %arg12[%arg0, %run_scoped3A_54, %dma_start3A_423, %dma_start3A_424] : memref<2x4x10240x128xf32, #tpu.memory_space<hbm>> -> memref<1x1x10240x128xf32, #tpu.memory_space<hbm>>
      %dma_start3A_426 = tpu.memref_squeeze %dma_start3A_425 : memref<1x1x10240x128xf32, #tpu.memory_space<hbm>> -> memref<10240x128xf32, #tpu.memory_space<hbm>>
      %dma_start3A_427 = arith.constant 0 : i32
      %dma_start3A_428 = tpu.memref_slice %dma_start3A_426[%add3A_53, %dma_start3A_427] : memref<10240x128xf32, #tpu.memory_space<hbm>> -> memref<128x128xf32, #tpu.memory_space<hbm>>
      %dma_start3A_429 = arith.constant 0 : i32
      %dma_start3A_430 = arith.constant 0 : i32
      %dma_start3A_431 = tpu.memref_slice %arg12[%arg0, %run_scoped3A_54, %dma_start3A_429, %dma_start3A_430] : memref<2x4x10240x128xf32, #tpu.memory_space<hbm>> -> memref<1x1x10240x128xf32, #tpu.memory_space<hbm>>
      %dma_start3A_432 = tpu.memref_squeeze %dma_start3A_431 : memref<1x1x10240x128xf32, #tpu.memory_space<hbm>> -> memref<10240x128xf32, #tpu.memory_space<hbm>>
      %dma_start3A_433 = arith.constant 0 : i32
      %dma_start3A_434 = tpu.memref_slice %dma_start3A_432[%add3A_53, %dma_start3A_433] : memref<10240x128xf32, #tpu.memory_space<hbm>> -> memref<128x128xf32, #tpu.memory_space<hbm>>
      tpu.enqueue_dma source(%arg19 : memref<128x128xf32, #tpu.memory_space<vmem>>) target(%dma_start3A_434 : memref<128x128xf32, #tpu.memory_space<hbm>>) target_semaphore(%run_scoped3A_422 : memref<!tpu.dma_semaphore, #tpu.memory_space<semaphore_mem>>)
      %dma_wait3A_435 = arith.constant 0 : i32
      %dma_wait3A_436 = arith.constant 0 : i32
      %dma_wait3A_437 = tpu.memref_slice %arg12[%arg0, %run_scoped3A_54, %dma_wait3A_435, %dma_wait3A_436] : memref<2x4x10240x128xf32, #tpu.memory_space<hbm>> -> memref<1x1x10240x128xf32, #tpu.memory_space<hbm>>
      %dma_wait3A_438 = tpu.memref_squeeze %dma_wait3A_437 : memref<1x1x10240x128xf32, #tpu.memory_space<hbm>> -> memref<10240x128xf32, #tpu.memory_space<hbm>>
      %dma_wait3A_439 = arith.constant 0 : i32
      %dma_wait3A_440 = tpu.memref_slice %dma_wait3A_438[%add3A_53, %dma_wait3A_439] : memref<10240x128xf32, #tpu.memory_space<hbm>> -> memref<128x128xf32, #tpu.memory_space<hbm>>
      %dma_wait3A_441 = arith.constant 0 : i32
      %dma_wait3A_442 = arith.constant 0 : i32
      %dma_wait3A_443 = tpu.memref_slice %arg12[%arg0, %run_scoped3A_54, %dma_wait3A_441, %dma_wait3A_442] : memref<2x4x10240x128xf32, #tpu.memory_space<hbm>> -> memref<1x1x10240x128xf32, #tpu.memory_space<hbm>>
      %dma_wait3A_444 = tpu.memref_squeeze %dma_wait3A_443 : memref<1x1x10240x128xf32, #tpu.memory_space<hbm>> -> memref<10240x128xf32, #tpu.memory_space<hbm>>
      %dma_wait3A_445 = arith.constant 0 : i32
      %dma_wait3A_446 = tpu.memref_slice %dma_wait3A_444[%add3A_53, %dma_wait3A_445] : memref<10240x128xf32, #tpu.memory_space<hbm>> -> memref<128x128xf32, #tpu.memory_space<hbm>>
      tpu.wait_dma2 semaphore(%run_scoped3A_422 : memref<!tpu.dma_semaphore, #tpu.memory_space<semaphore_mem>>) src(%arg19 : memref<128x128xf32, #tpu.memory_space<vmem>>) dst(%dma_wait3A_446 : memref<128x128xf32, #tpu.memory_space<hbm>>)
      tpu.yield
    }) : () -> ()
    %add3A_55 = arith.constant 256 : i32
    %add3A_56 = arith.addi %mul3A_0, %add3A_55 : i32
    "tpu.region"() ({
      %run_scoped3A_422 = tpu.sem_alloc : memref<!tpu.dma_semaphore, #tpu.memory_space<semaphore_mem>>
      %dma_start3A_423 = tpu.memref_slice %arg9[%add3A_56] : memref<10240xi32, #tpu.memory_space<hbm>> -> memref<128xi32, #tpu.memory_space<hbm>>
      %dma_start3A_424 = tpu.memref_slice %arg9[%add3A_56] : memref<10240xi32, #tpu.memory_space<hbm>> -> memref<128xi32, #tpu.memory_space<hbm>>
      tpu.enqueue_dma source(%dma_start3A_424 : memref<128xi32, #tpu.memory_space<hbm>>) target(%arg18 : memref<128xi32, #tpu.memory_space<vmem>>) target_semaphore(%run_scoped3A_422 : memref<!tpu.dma_semaphore, #tpu.memory_space<semaphore_mem>>)
      %dma_wait3A_425 = tpu.memref_slice %arg9[%add3A_56] : memref<10240xi32, #tpu.memory_space<hbm>> -> memref<128xi32, #tpu.memory_space<hbm>>
      %dma_wait3A_426 = tpu.memref_slice %arg9[%add3A_56] : memref<10240xi32, #tpu.memory_space<hbm>> -> memref<128xi32, #tpu.memory_space<hbm>>
      tpu.wait_dma2 semaphore(%run_scoped3A_422 : memref<!tpu.dma_semaphore, #tpu.memory_space<semaphore_mem>>) src(%dma_wait3A_426 : memref<128xi32, #tpu.memory_space<hbm>>) dst(%arg18 : memref<128xi32, #tpu.memory_space<vmem>>)
      tpu.yield
    }) : () -> ()
    %dma_start3A_57 = arith.constant 0 : i32
    %dma_start3A_58 = arith.constant 0 : i32
    %dma_start3A_59 = tpu.memref_slice %arg23[%dma_start3A_57, %dma_start3A_58] : memref<10240x128xf32, #tpu.memory_space<vmem_shared>> -> memref<10240x128xf32, #tpu.memory_space<vmem_shared>>
    tpu.enqueue_indirect_dma source(%dma_start3A_59 : memref<10240x128xf32, #tpu.memory_space<vmem_shared>>) target(%arg19 : memref<128x128xf32, #tpu.memory_space<vmem>>) offsets(%arg18 : memref<128xi32, #tpu.memory_space<vmem>>) semaphore(%arg24 : memref<!tpu.dma_semaphore, #tpu.memory_space<semaphore_mem>>)
    %dma_wait3A_60 = arith.constant 0 : i32
    %dma_wait3A_61 = arith.constant 0 : i32
    %dma_wait3A_62 = tpu.memref_slice %arg23[%dma_wait3A_60, %dma_wait3A_61] : memref<10240x128xf32, #tpu.memory_space<vmem_shared>> -> memref<10240x128xf32, #tpu.memory_space<vmem_shared>>
    tpu.wait_indirect_dma semaphore(%arg24 : memref<!tpu.dma_semaphore, #tpu.memory_space<semaphore_mem>>) src(%dma_wait3A_62 : memref<10240x128xf32, #tpu.memory_space<vmem_shared>>) dst(%arg19 : memref<128x128xf32, #tpu.memory_space<vmem>>)
    %add3A_63 = arith.constant 256 : i32
    %add3A_64 = arith.addi %mul3A_0, %add3A_63 : i32
    %run_scoped3A_65 = arith.constant 0 : i32
    "tpu.region"() ({
      %run_scoped3A_422 = tpu.sem_alloc : memref<!tpu.dma_semaphore, #tpu.memory_space<semaphore_mem>>
      %dma_start3A_423 = arith.constant 0 : i32
      %dma_start3A_424 = arith.constant 0 : i32
      %dma_start3A_425 = tpu.memref_slice %arg12[%arg0, %run_scoped3A_65, %dma_start3A_423, %dma_start3A_424] : memref<2x4x10240x128xf32, #tpu.memory_space<hbm>> -> memref<1x1x10240x128xf32, #tpu.memory_space<hbm>>
      %dma_start3A_426 = tpu.memref_squeeze %dma_start3A_425 : memref<1x1x10240x128xf32, #tpu.memory_space<hbm>> -> memref<10240x128xf32, #tpu.memory_space<hbm>>
      %dma_start3A_427 = arith.constant 0 : i32
      %dma_start3A_428 = tpu.memref_slice %dma_start3A_426[%add3A_64, %dma_start3A_427] : memref<10240x128xf32, #tpu.memory_space<hbm>> -> memref<128x128xf32, #tpu.memory_space<hbm>>
      %dma_start3A_429 = arith.constant 0 : i32
      %dma_start3A_430 = arith.constant 0 : i32
      %dma_start3A_431 = tpu.memref_slice %arg12[%arg0, %run_scoped3A_65, %dma_start3A_429, %dma_start3A_430] : memref<2x4x10240x128xf32, #tpu.memory_space<hbm>> -> memref<1x1x10240x128xf32, #tpu.memory_space<hbm>>
      %dma_start3A_432 = tpu.memref_squeeze %dma_start3A_431 : memref<1x1x10240x128xf32, #tpu.memory_space<hbm>> -> memref<10240x128xf32, #tpu.memory_space<hbm>>
      %dma_start3A_433 = arith.constant 0 : i32
      %dma_start3A_434 = tpu.memref_slice %dma_start3A_432[%add3A_64, %dma_start3A_433] : memref<10240x128xf32, #tpu.memory_space<hbm>> -> memref<128x128xf32, #tpu.memory_space<hbm>>
      tpu.enqueue_dma source(%arg19 : memref<128x128xf32, #tpu.memory_space<vmem>>) target(%dma_start3A_434 : memref<128x128xf32, #tpu.memory_space<hbm>>) target_semaphore(%run_scoped3A_422 : memref<!tpu.dma_semaphore, #tpu.memory_space<semaphore_mem>>)
      %dma_wait3A_435 = arith.constant 0 : i32
      %dma_wait3A_436 = arith.constant 0 : i32
      %dma_wait3A_437 = tpu.memref_slice %arg12[%arg0, %run_scoped3A_65, %dma_wait3A_435, %dma_wait3A_436] : memref<2x4x10240x128xf32, #tpu.memory_space<hbm>> -> memref<1x1x10240x128xf32, #tpu.memory_space<hbm>>
      %dma_wait3A_438 = tpu.memref_squeeze %dma_wait3A_437 : memref<1x1x10240x128xf32, #tpu.memory_space<hbm>> -> memref<10240x128xf32, #tpu.memory_space<hbm>>
      %dma_wait3A_439 = arith.constant 0 : i32
      %dma_wait3A_440 = tpu.memref_slice %dma_wait3A_438[%add3A_64, %dma_wait3A_439] : memref<10240x128xf32, #tpu.memory_space<hbm>> -> memref<128x128xf32, #tpu.memory_space<hbm>>
      %dma_wait3A_441 = arith.constant 0 : i32
      %dma_wait3A_442 = arith.constant 0 : i32
      %dma_wait3A_443 = tpu.memref_slice %arg12[%arg0, %run_scoped3A_65, %dma_wait3A_441, %dma_wait3A_442] : memref<2x4x10240x128xf32, #tpu.memory_space<hbm>> -> memref<1x1x10240x128xf32, #tpu.memory_space<hbm>>
      %dma_wait3A_444 = tpu.memref_squeeze %dma_wait3A_443 : memref<1x1x10240x128xf32, #tpu.memory_space<hbm>> -> memref<10240x128xf32, #tpu.memory_space<hbm>>
      %dma_wait3A_445 = arith.constant 0 : i32
      %dma_wait3A_446 = tpu.memref_slice %dma_wait3A_444[%add3A_64, %dma_wait3A_445] : memref<10240x128xf32, #tpu.memory_space<hbm>> -> memref<128x128xf32, #tpu.memory_space<hbm>>
      tpu.wait_dma2 semaphore(%run_scoped3A_422 : memref<!tpu.dma_semaphore, #tpu.memory_space<semaphore_mem>>) src(%arg19 : memref<128x128xf32, #tpu.memory_space<vmem>>) dst(%dma_wait3A_446 : memref<128x128xf32, #tpu.memory_space<hbm>>)
      tpu.yield
    }) : () -> ()
    %add3A_66 = arith.constant 384 : i32
    %add3A_67 = arith.addi %mul3A_0, %add3A_66 : i32
    "tpu.region"() ({
      %run_scoped3A_422 = tpu.sem_alloc : memref<!tpu.dma_semaphore, #tpu.memory_space<semaphore_mem>>
      %dma_start3A_423 = tpu.memref_slice %arg9[%add3A_67] : memref<10240xi32, #tpu.memory_space<hbm>> -> memref<128xi32, #tpu.memory_space<hbm>>
      %dma_start3A_424 = tpu.memref_slice %arg9[%add3A_67] : memref<10240xi32, #tpu.memory_space<hbm>> -> memref<128xi32, #tpu.memory_space<hbm>>
      tpu.enqueue_dma source(%dma_start3A_424 : memref<128xi32, #tpu.memory_space<hbm>>) target(%arg18 : memref<128xi32, #tpu.memory_space<vmem>>) target_semaphore(%run_scoped3A_422 : memref<!tpu.dma_semaphore, #tpu.memory_space<semaphore_mem>>)
      %dma_wait3A_425 = tpu.memref_slice %arg9[%add3A_67] : memref<10240xi32, #tpu.memory_space<hbm>> -> memref<128xi32, #tpu.memory_space<hbm>>
      %dma_wait3A_426 = tpu.memref_slice %arg9[%add3A_67] : memref<10240xi32, #tpu.memory_space<hbm>> -> memref<128xi32, #tpu.memory_space<hbm>>
      tpu.wait_dma2 semaphore(%run_scoped3A_422 : memref<!tpu.dma_semaphore, #tpu.memory_space<semaphore_mem>>) src(%dma_wait3A_426 : memref<128xi32, #tpu.memory_space<hbm>>) dst(%arg18 : memref<128xi32, #tpu.memory_space<vmem>>)
      tpu.yield
    }) : () -> ()
    %dma_start3A_68 = arith.constant 0 : i32
    %dma_start3A_69 = arith.constant 0 : i32
    %dma_start3A_70 = tpu.memref_slice %arg23[%dma_start3A_68, %dma_start3A_69] : memref<10240x128xf32, #tpu.memory_space<vmem_shared>> -> memref<10240x128xf32, #tpu.memory_space<vmem_shared>>
    tpu.enqueue_indirect_dma source(%dma_start3A_70 : memref<10240x128xf32, #tpu.memory_space<vmem_shared>>) target(%arg19 : memref<128x128xf32, #tpu.memory_space<vmem>>) offsets(%arg18 : memref<128xi32, #tpu.memory_space<vmem>>) semaphore(%arg24 : memref<!tpu.dma_semaphore, #tpu.memory_space<semaphore_mem>>)
    %dma_wait3A_71 = arith.constant 0 : i32
    %dma_wait3A_72 = arith.constant 0 : i32
    %dma_wait3A_73 = tpu.memref_slice %arg23[%dma_wait3A_71, %dma_wait3A_72] : memref<10240x128xf32, #tpu.memory_space<vmem_shared>> -> memref<10240x128xf32, #tpu.memory_space<vmem_shared>>
    tpu.wait_indirect_dma semaphore(%arg24 : memref<!tpu.dma_semaphore, #tpu.memory_space<semaphore_mem>>) src(%dma_wait3A_73 : memref<10240x128xf32, #tpu.memory_space<vmem_shared>>) dst(%arg19 : memref<128x128xf32, #tpu.memory_space<vmem>>)
    %add3A_74 = arith.constant 384 : i32
    %add3A_75 = arith.addi %mul3A_0, %add3A_74 : i32
    %run_scoped3A_76 = arith.constant 0 : i32
    "tpu.region"() ({
      %run_scoped3A_422 = tpu.sem_alloc : memref<!tpu.dma_semaphore, #tpu.memory_space<semaphore_mem>>
      %dma_start3A_423 = arith.constant 0 : i32
      %dma_start3A_424 = arith.constant 0 : i32
      %dma_start3A_425 = tpu.memref_slice %arg12[%arg0, %run_scoped3A_76, %dma_start3A_423, %dma_start3A_424] : memref<2x4x10240x128xf32, #tpu.memory_space<hbm>> -> memref<1x1x10240x128xf32, #tpu.memory_space<hbm>>
      %dma_start3A_426 = tpu.memref_squeeze %dma_start3A_425 : memref<1x1x10240x128xf32, #tpu.memory_space<hbm>> -> memref<10240x128xf32, #tpu.memory_space<hbm>>
      %dma_start3A_427 = arith.constant 0 : i32
      %dma_start3A_428 = tpu.memref_slice %dma_start3A_426[%add3A_75, %dma_start3A_427] : memref<10240x128xf32, #tpu.memory_space<hbm>> -> memref<128x128xf32, #tpu.memory_space<hbm>>
      %dma_start3A_429 = arith.constant 0 : i32
      %dma_start3A_430 = arith.constant 0 : i32
      %dma_start3A_431 = tpu.memref_slice %arg12[%arg0, %run_scoped3A_76, %dma_start3A_429, %dma_start3A_430] : memref<2x4x10240x128xf32, #tpu.memory_space<hbm>> -> memref<1x1x10240x128xf32, #tpu.memory_space<hbm>>
      %dma_start3A_432 = tpu.memref_squeeze %dma_start3A_431 : memref<1x1x10240x128xf32, #tpu.memory_space<hbm>> -> memref<10240x128xf32, #tpu.memory_space<hbm>>
      %dma_start3A_433 = arith.constant 0 : i32
      %dma_start3A_434 = tpu.memref_slice %dma_start3A_432[%add3A_75, %dma_start3A_433] : memref<10240x128xf32, #tpu.memory_space<hbm>> -> memref<128x128xf32, #tpu.memory_space<hbm>>
      tpu.enqueue_dma source(%arg19 : memref<128x128xf32, #tpu.memory_space<vmem>>) target(%dma_start3A_434 : memref<128x128xf32, #tpu.memory_space<hbm>>) target_semaphore(%run_scoped3A_422 : memref<!tpu.dma_semaphore, #tpu.memory_space<semaphore_mem>>)
      %dma_wait3A_435 = arith.constant 0 : i32
      %dma_wait3A_436 = arith.constant 0 : i32
      %dma_wait3A_437 = tpu.memref_slice %arg12[%arg0, %run_scoped3A_76, %dma_wait3A_435, %dma_wait3A_436] : memref<2x4x10240x128xf32, #tpu.memory_space<hbm>> -> memref<1x1x10240x128xf32, #tpu.memory_space<hbm>>
      %dma_wait3A_438 = tpu.memref_squeeze %dma_wait3A_437 : memref<1x1x10240x128xf32, #tpu.memory_space<hbm>> -> memref<10240x128xf32, #tpu.memory_space<hbm>>
      %dma_wait3A_439 = arith.constant 0 : i32
      %dma_wait3A_440 = tpu.memref_slice %dma_wait3A_438[%add3A_75, %dma_wait3A_439] : memref<10240x128xf32, #tpu.memory_space<hbm>> -> memref<128x128xf32, #tpu.memory_space<hbm>>
      %dma_wait3A_441 = arith.constant 0 : i32
      %dma_wait3A_442 = arith.constant 0 : i32
      %dma_wait3A_443 = tpu.memref_slice %arg12[%arg0, %run_scoped3A_76, %dma_wait3A_441, %dma_wait3A_442] : memref<2x4x10240x128xf32, #tpu.memory_space<hbm>> -> memref<1x1x10240x128xf32, #tpu.memory_space<hbm>>
      %dma_wait3A_444 = tpu.memref_squeeze %dma_wait3A_443 : memref<1x1x10240x128xf32, #tpu.memory_space<hbm>> -> memref<10240x128xf32, #tpu.memory_space<hbm>>
      %dma_wait3A_445 = arith.constant 0 : i32
      %dma_wait3A_446 = tpu.memref_slice %dma_wait3A_444[%add3A_75, %dma_wait3A_445] : memref<10240x128xf32, #tpu.memory_space<hbm>> -> memref<128x128xf32, #tpu.memory_space<hbm>>
      tpu.wait_dma2 semaphore(%run_scoped3A_422 : memref<!tpu.dma_semaphore, #tpu.memory_space<semaphore_mem>>) src(%arg19 : memref<128x128xf32, #tpu.memory_space<vmem>>) dst(%dma_wait3A_446 : memref<128x128xf32, #tpu.memory_space<hbm>>)
      tpu.yield
    }) : () -> ()
    %add3A_77 = arith.constant 512 : i32
    %add3A_78 = arith.addi %mul3A_0, %add3A_77 : i32
    "tpu.region"() ({
      %run_scoped3A_422 = tpu.sem_alloc : memref<!tpu.dma_semaphore, #tpu.memory_space<semaphore_mem>>
      %dma_start3A_423 = tpu.memref_slice %arg9[%add3A_78] : memref<10240xi32, #tpu.memory_space<hbm>> -> memref<128xi32, #tpu.memory_space<hbm>>
      %dma_start3A_424 = tpu.memref_slice %arg9[%add3A_78] : memref<10240xi32, #tpu.memory_space<hbm>> -> memref<128xi32, #tpu.memory_space<hbm>>
      tpu.enqueue_dma source(%dma_start3A_424 : memref<128xi32, #tpu.memory_space<hbm>>) target(%arg18 : memref<128xi32, #tpu.memory_space<vmem>>) target_semaphore(%run_scoped3A_422 : memref<!tpu.dma_semaphore, #tpu.memory_space<semaphore_mem>>)
      %dma_wait3A_425 = tpu.memref_slice %arg9[%add3A_78] : memref<10240xi32, #tpu.memory_space<hbm>> -> memref<128xi32, #tpu.memory_space<hbm>>
      %dma_wait3A_426 = tpu.memref_slice %arg9[%add3A_78] : memref<10240xi32, #tpu.memory_space<hbm>> -> memref<128xi32, #tpu.memory_space<hbm>>
      tpu.wait_dma2 semaphore(%run_scoped3A_422 : memref<!tpu.dma_semaphore, #tpu.memory_space<semaphore_mem>>) src(%dma_wait3A_426 : memref<128xi32, #tpu.memory_space<hbm>>) dst(%arg18 : memref<128xi32, #tpu.memory_space<vmem>>)
      tpu.yield
    }) : () -> ()
    %dma_start3A_79 = arith.constant 0 : i32
    %dma_start3A_80 = arith.constant 0 : i32
    %dma_start3A_81 = tpu.memref_slice %arg23[%dma_start3A_79, %dma_start3A_80] : memref<10240x128xf32, #tpu.memory_space<vmem_shared>> -> memref<10240x128xf32, #tpu.memory_space<vmem_shared>>
    tpu.enqueue_indirect_dma source(%dma_start3A_81 : memref<10240x128xf32, #tpu.memory_space<vmem_shared>>) target(%arg19 : memref<128x128xf32, #tpu.memory_space<vmem>>) offsets(%arg18 : memref<128xi32, #tpu.memory_space<vmem>>) semaphore(%arg24 : memref<!tpu.dma_semaphore, #tpu.memory_space<semaphore_mem>>)
    %dma_wait3A_82 = arith.constant 0 : i32
    %dma_wait3A_83 = arith.constant 0 : i32
    %dma_wait3A_84 = tpu.memref_slice %arg23[%dma_wait3A_82, %dma_wait3A_83] : memref<10240x128xf32, #tpu.memory_space<vmem_shared>> -> memref<10240x128xf32, #tpu.memory_space<vmem_shared>>
    tpu.wait_indirect_dma semaphore(%arg24 : memref<!tpu.dma_semaphore, #tpu.memory_space<semaphore_mem>>) src(%dma_wait3A_84 : memref<10240x128xf32, #tpu.memory_space<vmem_shared>>) dst(%arg19 : memref<128x128xf32, #tpu.memory_space<vmem>>)
    %add3A_85 = arith.constant 512 : i32
    %add3A_86 = arith.addi %mul3A_0, %add3A_85 : i32
    %run_scoped3A_87 = arith.constant 0 : i32
    "tpu.region"() ({
      %run_scoped3A_422 = tpu.sem_alloc : memref<!tpu.dma_semaphore, #tpu.memory_space<semaphore_mem>>
      %dma_start3A_423 = arith.constant 0 : i32
      %dma_start3A_424 = arith.constant 0 : i32
      %dma_start3A_425 = tpu.memref_slice %arg12[%arg0, %run_scoped3A_87, %dma_start3A_423, %dma_start3A_424] : memref<2x4x10240x128xf32, #tpu.memory_space<hbm>> -> memref<1x1x10240x128xf32, #tpu.memory_space<hbm>>
      %dma_start3A_426 = tpu.memref_squeeze %dma_start3A_425 : memref<1x1x10240x128xf32, #tpu.memory_space<hbm>> -> memref<10240x128xf32, #tpu.memory_space<hbm>>
      %dma_start3A_427 = arith.constant 0 : i32
      %dma_start3A_428 = tpu.memref_slice %dma_start3A_426[%add3A_86, %dma_start3A_427] : memref<10240x128xf32, #tpu.memory_space<hbm>> -> memref<128x128xf32, #tpu.memory_space<hbm>>
      %dma_start3A_429 = arith.constant 0 : i32
      %dma_start3A_430 = arith.constant 0 : i32
      %dma_start3A_431 = tpu.memref_slice %arg12[%arg0, %run_scoped3A_87, %dma_start3A_429, %dma_start3A_430] : memref<2x4x10240x128xf32, #tpu.memory_space<hbm>> -> memref<1x1x10240x128xf32, #tpu.memory_space<hbm>>
      %dma_start3A_432 = tpu.memref_squeeze %dma_start3A_431 : memref<1x1x10240x128xf32, #tpu.memory_space<hbm>> -> memref<10240x128xf32, #tpu.memory_space<hbm>>
      %dma_start3A_433 = arith.constant 0 : i32
      %dma_start3A_434 = tpu.memref_slice %dma_start3A_432[%add3A_86, %dma_start3A_433] : memref<10240x128xf32, #tpu.memory_space<hbm>> -> memref<128x128xf32, #tpu.memory_space<hbm>>
      tpu.enqueue_dma source(%arg19 : memref<128x128xf32, #tpu.memory_space<vmem>>) target(%dma_start3A_434 : memref<128x128xf32, #tpu.memory_space<hbm>>) target_semaphore(%run_scoped3A_422 : memref<!tpu.dma_semaphore, #tpu.memory_space<semaphore_mem>>)
      %dma_wait3A_435 = arith.constant 0 : i32
      %dma_wait3A_436 = arith.constant 0 : i32
      %dma_wait3A_437 = tpu.memref_slice %arg12[%arg0, %run_scoped3A_87, %dma_wait3A_435, %dma_wait3A_436] : memref<2x4x10240x128xf32, #tpu.memory_space<hbm>> -> memref<1x1x10240x128xf32, #tpu.memory_space<hbm>>
      %dma_wait3A_438 = tpu.memref_squeeze %dma_wait3A_437 : memref<1x1x10240x128xf32, #tpu.memory_space<hbm>> -> memref<10240x128xf32, #tpu.memory_space<hbm>>
      %dma_wait3A_439 = arith.constant 0 : i32
      %dma_wait3A_440 = tpu.memref_slice %dma_wait3A_438[%add3A_86, %dma_wait3A_439] : memref<10240x128xf32, #tpu.memory_space<hbm>> -> memref<128x128xf32, #tpu.memory_space<hbm>>
      %dma_wait3A_441 = arith.constant 0 : i32
      %dma_wait3A_442 = arith.constant 0 : i32
      %dma_wait3A_443 = tpu.memref_slice %arg12[%arg0, %run_scoped3A_87, %dma_wait3A_441, %dma_wait3A_442] : memref<2x4x10240x128xf32, #tpu.memory_space<hbm>> -> memref<1x1x10240x128xf32, #tpu.memory_space<hbm>>
      %dma_wait3A_444 = tpu.memref_squeeze %dma_wait3A_443 : memref<1x1x10240x128xf32, #tpu.memory_space<hbm>> -> memref<10240x128xf32, #tpu.memory_space<hbm>>
      %dma_wait3A_445 = arith.constant 0 : i32
      %dma_wait3A_446 = tpu.memref_slice %dma_wait3A_444[%add3A_86, %dma_wait3A_445] : memref<10240x128xf32, #tpu.memory_space<hbm>> -> memref<128x128xf32, #tpu.memory_space<hbm>>
      tpu.wait_dma2 semaphore(%run_scoped3A_422 : memref<!tpu.dma_semaphore, #tpu.memory_space<semaphore_mem>>) src(%arg19 : memref<128x128xf32, #tpu.memory_space<vmem>>) dst(%dma_wait3A_446 : memref<128x128xf32, #tpu.memory_space<hbm>>)
      tpu.yield
    }) : () -> ()
    "tpu.region"() ({
      %run_scoped3A_422 = tpu.sem_alloc : memref<!tpu.dma_semaphore, #tpu.memory_space<semaphore_mem>>
      tpu.enqueue_dma source(%arg11 : memref<128x128xf32, #tpu.memory_space<hbm>>) target(%arg20 : memref<128x128xf32, #tpu.memory_space<vmem>>) target_semaphore(%run_scoped3A_422 : memref<!tpu.dma_semaphore, #tpu.memory_space<semaphore_mem>>)
      tpu.wait_dma2 semaphore(%run_scoped3A_422 : memref<!tpu.dma_semaphore, #tpu.memory_space<semaphore_mem>>) src(%arg11 : memref<128x128xf32, #tpu.memory_space<hbm>>) dst(%arg20 : memref<128x128xf32, #tpu.memory_space<vmem>>)
      tpu.yield
    }) : () -> ()
    %add3A_88 = arith.constant 0 : i32
    %add3A_89 = arith.addi %mul3A_0, %add3A_88 : i32
    "tpu.region"() ({
      %run_scoped3A_422 = tpu.sem_alloc : memref<!tpu.dma_semaphore, #tpu.memory_space<semaphore_mem>>
      %dma_start3A_423 = tpu.memref_slice %arg9[%add3A_89] : memref<10240xi32, #tpu.memory_space<hbm>> -> memref<128xi32, #tpu.memory_space<hbm>>
      %dma_start3A_424 = tpu.memref_slice %arg9[%add3A_89] : memref<10240xi32, #tpu.memory_space<hbm>> -> memref<128xi32, #tpu.memory_space<hbm>>
      tpu.enqueue_dma source(%dma_start3A_424 : memref<128xi32, #tpu.memory_space<hbm>>) target(%arg18 : memref<128xi32, #tpu.memory_space<vmem>>) target_semaphore(%run_scoped3A_422 : memref<!tpu.dma_semaphore, #tpu.memory_space<semaphore_mem>>)
      %dma_wait3A_425 = tpu.memref_slice %arg9[%add3A_89] : memref<10240xi32, #tpu.memory_space<hbm>> -> memref<128xi32, #tpu.memory_space<hbm>>
      %dma_wait3A_426 = tpu.memref_slice %arg9[%add3A_89] : memref<10240xi32, #tpu.memory_space<hbm>> -> memref<128xi32, #tpu.memory_space<hbm>>
      tpu.wait_dma2 semaphore(%run_scoped3A_422 : memref<!tpu.dma_semaphore, #tpu.memory_space<semaphore_mem>>) src(%dma_wait3A_426 : memref<128xi32, #tpu.memory_space<hbm>>) dst(%arg18 : memref<128xi32, #tpu.memory_space<vmem>>)
      tpu.yield
    }) : () -> ()
    "tpu.region"() ({
      %run_scoped3A_422 = tpu.sem_alloc : memref<!tpu.dma_semaphore, #tpu.memory_space<semaphore_mem>>
      %dma_start3A_423 = arith.constant 0 : i32
      %dma_start3A_424 = arith.constant 0 : i32
      %dma_start3A_425 = tpu.memref_slice %arg23[%dma_start3A_423, %dma_start3A_424] : memref<10240x128xf32, #tpu.memory_space<vmem_shared>> -> memref<10240x128xf32, #tpu.memory_space<vmem_shared>>
      tpu.enqueue_indirect_dma source(%arg20 : memref<128x128xf32, #tpu.memory_space<vmem>>) target(%dma_start3A_425 : memref<10240x128xf32, #tpu.memory_space<vmem_shared>>) offsets(%arg18 : memref<128xi32, #tpu.memory_space<vmem>>) semaphore(%run_scoped3A_422 : memref<!tpu.dma_semaphore, #tpu.memory_space<semaphore_mem>>)
      %dma_wait3A_426 = arith.constant 0 : i32
      %dma_wait3A_427 = arith.constant 0 : i32
      %dma_wait3A_428 = tpu.memref_slice %arg23[%dma_wait3A_426, %dma_wait3A_427] : memref<10240x128xf32, #tpu.memory_space<vmem_shared>> -> memref<10240x128xf32, #tpu.memory_space<vmem_shared>>
      tpu.wait_indirect_dma semaphore(%run_scoped3A_422 : memref<!tpu.dma_semaphore, #tpu.memory_space<semaphore_mem>>) src(%arg20 : memref<128x128xf32, #tpu.memory_space<vmem>>) dst(%dma_wait3A_428 : memref<10240x128xf32, #tpu.memory_space<vmem_shared>>)
      tpu.yield
    }) : () -> ()
    %add3A_90 = arith.constant 128 : i32
    %add3A_91 = arith.addi %mul3A_0, %add3A_90 : i32
    "tpu.region"() ({
      %run_scoped3A_422 = tpu.sem_alloc : memref<!tpu.dma_semaphore, #tpu.memory_space<semaphore_mem>>
      %dma_start3A_423 = tpu.memref_slice %arg9[%add3A_91] : memref<10240xi32, #tpu.memory_space<hbm>> -> memref<128xi32, #tpu.memory_space<hbm>>
      %dma_start3A_424 = tpu.memref_slice %arg9[%add3A_91] : memref<10240xi32, #tpu.memory_space<hbm>> -> memref<128xi32, #tpu.memory_space<hbm>>
      tpu.enqueue_dma source(%dma_start3A_424 : memref<128xi32, #tpu.memory_space<hbm>>) target(%arg18 : memref<128xi32, #tpu.memory_space<vmem>>) target_semaphore(%run_scoped3A_422 : memref<!tpu.dma_semaphore, #tpu.memory_space<semaphore_mem>>)
      %dma_wait3A_425 = tpu.memref_slice %arg9[%add3A_91] : memref<10240xi32, #tpu.memory_space<hbm>> -> memref<128xi32, #tpu.memory_space<hbm>>
      %dma_wait3A_426 = tpu.memref_slice %arg9[%add3A_91] : memref<10240xi32, #tpu.memory_space<hbm>> -> memref<128xi32, #tpu.memory_space<hbm>>
      tpu.wait_dma2 semaphore(%run_scoped3A_422 : memref<!tpu.dma_semaphore, #tpu.memory_space<semaphore_mem>>) src(%dma_wait3A_426 : memref<128xi32, #tpu.memory_space<hbm>>) dst(%arg18 : memref<128xi32, #tpu.memory_space<vmem>>)
      tpu.yield
    }) : () -> ()
    "tpu.region"() ({
      %run_scoped3A_422 = tpu.sem_alloc : memref<!tpu.dma_semaphore, #tpu.memory_space<semaphore_mem>>
      %dma_start3A_423 = arith.constant 0 : i32
      %dma_start3A_424 = arith.constant 0 : i32
      %dma_start3A_425 = tpu.memref_slice %arg23[%dma_start3A_423, %dma_start3A_424] : memref<10240x128xf32, #tpu.memory_space<vmem_shared>> -> memref<10240x128xf32, #tpu.memory_space<vmem_shared>>
      tpu.enqueue_indirect_dma source(%arg20 : memref<128x128xf32, #tpu.memory_space<vmem>>) target(%dma_start3A_425 : memref<10240x128xf32, #tpu.memory_space<vmem_shared>>) offsets(%arg18 : memref<128xi32, #tpu.memory_space<vmem>>) semaphore(%run_scoped3A_422 : memref<!tpu.dma_semaphore, #tpu.memory_space<semaphore_mem>>)
      %dma_wait3A_426 = arith.constant 0 : i32
      %dma_wait3A_427 = arith.constant 0 : i32
      %dma_wait3A_428 = tpu.memref_slice %arg23[%dma_wait3A_426, %dma_wait3A_427] : memref<10240x128xf32, #tpu.memory_space<vmem_shared>> -> memref<10240x128xf32, #tpu.memory_space<vmem_shared>>
      tpu.wait_indirect_dma semaphore(%run_scoped3A_422 : memref<!tpu.dma_semaphore, #tpu.memory_space<semaphore_mem>>) src(%arg20 : memref<128x128xf32, #tpu.memory_space<vmem>>) dst(%dma_wait3A_428 : memref<10240x128xf32, #tpu.memory_space<vmem_shared>>)
      tpu.yield
    }) : () -> ()
    %add3A_92 = arith.constant 256 : i32
    %add3A_93 = arith.addi %mul3A_0, %add3A_92 : i32
    "tpu.region"() ({
      %run_scoped3A_422 = tpu.sem_alloc : memref<!tpu.dma_semaphore, #tpu.memory_space<semaphore_mem>>
      %dma_start3A_423 = tpu.memref_slice %arg9[%add3A_93] : memref<10240xi32, #tpu.memory_space<hbm>> -> memref<128xi32, #tpu.memory_space<hbm>>
      %dma_start3A_424 = tpu.memref_slice %arg9[%add3A_93] : memref<10240xi32, #tpu.memory_space<hbm>> -> memref<128xi32, #tpu.memory_space<hbm>>
      tpu.enqueue_dma source(%dma_start3A_424 : memref<128xi32, #tpu.memory_space<hbm>>) target(%arg18 : memref<128xi32, #tpu.memory_space<vmem>>) target_semaphore(%run_scoped3A_422 : memref<!tpu.dma_semaphore, #tpu.memory_space<semaphore_mem>>)
      %dma_wait3A_425 = tpu.memref_slice %arg9[%add3A_93] : memref<10240xi32, #tpu.memory_space<hbm>> -> memref<128xi32, #tpu.memory_space<hbm>>
      %dma_wait3A_426 = tpu.memref_slice %arg9[%add3A_93] : memref<10240xi32, #tpu.memory_space<hbm>> -> memref<128xi32, #tpu.memory_space<hbm>>
      tpu.wait_dma2 semaphore(%run_scoped3A_422 : memref<!tpu.dma_semaphore, #tpu.memory_space<semaphore_mem>>) src(%dma_wait3A_426 : memref<128xi32, #tpu.memory_space<hbm>>) dst(%arg18 : memref<128xi32, #tpu.memory_space<vmem>>)
      tpu.yield
    }) : () -> ()
    "tpu.region"() ({
      %run_scoped3A_422 = tpu.sem_alloc : memref<!tpu.dma_semaphore, #tpu.memory_space<semaphore_mem>>
      %dma_start3A_423 = arith.constant 0 : i32
      %dma_start3A_424 = arith.constant 0 : i32
      %dma_start3A_425 = tpu.memref_slice %arg23[%dma_start3A_423, %dma_start3A_424] : memref<10240x128xf32, #tpu.memory_space<vmem_shared>> -> memref<10240x128xf32, #tpu.memory_space<vmem_shared>>
      tpu.enqueue_indirect_dma source(%arg20 : memref<128x128xf32, #tpu.memory_space<vmem>>) target(%dma_start3A_425 : memref<10240x128xf32, #tpu.memory_space<vmem_shared>>) offsets(%arg18 : memref<128xi32, #tpu.memory_space<vmem>>) semaphore(%run_scoped3A_422 : memref<!tpu.dma_semaphore, #tpu.memory_space<semaphore_mem>>)
      %dma_wait3A_426 = arith.constant 0 : i32
      %dma_wait3A_427 = arith.constant 0 : i32
      %dma_wait3A_428 = tpu.memref_slice %arg23[%dma_wait3A_426, %dma_wait3A_427] : memref<10240x128xf32, #tpu.memory_space<vmem_shared>> -> memref<10240x128xf32, #tpu.memory_space<vmem_shared>>
      tpu.wait_indirect_dma semaphore(%run_scoped3A_422 : memref<!tpu.dma_semaphore, #tpu.memory_space<semaphore_mem>>) src(%arg20 : memref<128x128xf32, #tpu.memory_space<vmem>>) dst(%dma_wait3A_428 : memref<10240x128xf32, #tpu.memory_space<vmem_shared>>)
      tpu.yield
    }) : () -> ()
    %add3A_94 = arith.constant 384 : i32
    %add3A_95 = arith.addi %mul3A_0, %add3A_94 : i32
    "tpu.region"() ({
      %run_scoped3A_422 = tpu.sem_alloc : memref<!tpu.dma_semaphore, #tpu.memory_space<semaphore_mem>>
      %dma_start3A_423 = tpu.memref_slice %arg9[%add3A_95] : memref<10240xi32, #tpu.memory_space<hbm>> -> memref<128xi32, #tpu.memory_space<hbm>>
      %dma_start3A_424 = tpu.memref_slice %arg9[%add3A_95] : memref<10240xi32, #tpu.memory_space<hbm>> -> memref<128xi32, #tpu.memory_space<hbm>>
      tpu.enqueue_dma source(%dma_start3A_424 : memref<128xi32, #tpu.memory_space<hbm>>) target(%arg18 : memref<128xi32, #tpu.memory_space<vmem>>) target_semaphore(%run_scoped3A_422 : memref<!tpu.dma_semaphore, #tpu.memory_space<semaphore_mem>>)
      %dma_wait3A_425 = tpu.memref_slice %arg9[%add3A_95] : memref<10240xi32, #tpu.memory_space<hbm>> -> memref<128xi32, #tpu.memory_space<hbm>>
      %dma_wait3A_426 = tpu.memref_slice %arg9[%add3A_95] : memref<10240xi32, #tpu.memory_space<hbm>> -> memref<128xi32, #tpu.memory_space<hbm>>
      tpu.wait_dma2 semaphore(%run_scoped3A_422 : memref<!tpu.dma_semaphore, #tpu.memory_space<semaphore_mem>>) src(%dma_wait3A_426 : memref<128xi32, #tpu.memory_space<hbm>>) dst(%arg18 : memref<128xi32, #tpu.memory_space<vmem>>)
      tpu.yield
    }) : () -> ()
    "tpu.region"() ({
      %run_scoped3A_422 = tpu.sem_alloc : memref<!tpu.dma_semaphore, #tpu.memory_space<semaphore_mem>>
      %dma_start3A_423 = arith.constant 0 : i32
      %dma_start3A_424 = arith.constant 0 : i32
      %dma_start3A_425 = tpu.memref_slice %arg23[%dma_start3A_423, %dma_start3A_424] : memref<10240x128xf32, #tpu.memory_space<vmem_shared>> -> memref<10240x128xf32, #tpu.memory_space<vmem_shared>>
      tpu.enqueue_indirect_dma source(%arg20 : memref<128x128xf32, #tpu.memory_space<vmem>>) target(%dma_start3A_425 : memref<10240x128xf32, #tpu.memory_space<vmem_shared>>) offsets(%arg18 : memref<128xi32, #tpu.memory_space<vmem>>) semaphore(%run_scoped3A_422 : memref<!tpu.dma_semaphore, #tpu.memory_space<semaphore_mem>>)
      %dma_wait3A_426 = arith.constant 0 : i32
      %dma_wait3A_427 = arith.constant 0 : i32
      %dma_wait3A_428 = tpu.memref_slice %arg23[%dma_wait3A_426, %dma_wait3A_427] : memref<10240x128xf32, #tpu.memory_space<vmem_shared>> -> memref<10240x128xf32, #tpu.memory_space<vmem_shared>>
      tpu.wait_indirect_dma semaphore(%run_scoped3A_422 : memref<!tpu.dma_semaphore, #tpu.memory_space<semaphore_mem>>) src(%arg20 : memref<128x128xf32, #tpu.memory_space<vmem>>) dst(%dma_wait3A_428 : memref<10240x128xf32, #tpu.memory_space<vmem_shared>>)
      tpu.yield
    }) : () -> ()
    %add3A_96 = arith.constant 512 : i32
    %add3A_97 = arith.addi %mul3A_0, %add3A_96 : i32
    "tpu.region"() ({
      %run_scoped3A_422 = tpu.sem_alloc : memref<!tpu.dma_semaphore, #tpu.memory_space<semaphore_mem>>
      %dma_start3A_423 = tpu.memref_slice %arg9[%add3A_97] : memref<10240xi32, #tpu.memory_space<hbm>> -> memref<128xi32, #tpu.memory_space<hbm>>
      %dma_start3A_424 = tpu.memref_slice %arg9[%add3A_97] : memref<10240xi32, #tpu.memory_space<hbm>> -> memref<128xi32, #tpu.memory_space<hbm>>
      tpu.enqueue_dma source(%dma_start3A_424 : memref<128xi32, #tpu.memory_space<hbm>>) target(%arg18 : memref<128xi32, #tpu.memory_space<vmem>>) target_semaphore(%run_scoped3A_422 : memref<!tpu.dma_semaphore, #tpu.memory_space<semaphore_mem>>)
      %dma_wait3A_425 = tpu.memref_slice %arg9[%add3A_97] : memref<10240xi32, #tpu.memory_space<hbm>> -> memref<128xi32, #tpu.memory_space<hbm>>
      %dma_wait3A_426 = tpu.memref_slice %arg9[%add3A_97] : memref<10240xi32, #tpu.memory_space<hbm>> -> memref<128xi32, #tpu.memory_space<hbm>>
      tpu.wait_dma2 semaphore(%run_scoped3A_422 : memref<!tpu.dma_semaphore, #tpu.memory_space<semaphore_mem>>) src(%dma_wait3A_426 : memref<128xi32, #tpu.memory_space<hbm>>) dst(%arg18 : memref<128xi32, #tpu.memory_space<vmem>>)
      tpu.yield
    }) : () -> ()
    "tpu.region"() ({
      %run_scoped3A_422 = tpu.sem_alloc : memref<!tpu.dma_semaphore, #tpu.memory_space<semaphore_mem>>
      %dma_start3A_423 = arith.constant 0 : i32
      %dma_start3A_424 = arith.constant 0 : i32
      %dma_start3A_425 = tpu.memref_slice %arg23[%dma_start3A_423, %dma_start3A_424] : memref<10240x128xf32, #tpu.memory_space<vmem_shared>> -> memref<10240x128xf32, #tpu.memory_space<vmem_shared>>
      tpu.enqueue_indirect_dma source(%arg20 : memref<128x128xf32, #tpu.memory_space<vmem>>) target(%dma_start3A_425 : memref<10240x128xf32, #tpu.memory_space<vmem_shared>>) offsets(%arg18 : memref<128xi32, #tpu.memory_space<vmem>>) semaphore(%run_scoped3A_422 : memref<!tpu.dma_semaphore, #tpu.memory_space<semaphore_mem>>)
      %dma_wait3A_426 = arith.constant 0 : i32
      %dma_wait3A_427 = arith.constant 0 : i32
      %dma_wait3A_428 = tpu.memref_slice %arg23[%dma_wait3A_426, %dma_wait3A_427] : memref<10240x128xf32, #tpu.memory_space<vmem_shared>> -> memref<10240x128xf32, #tpu.memory_space<vmem_shared>>
      tpu.wait_indirect_dma semaphore(%run_scoped3A_422 : memref<!tpu.dma_semaphore, #tpu.memory_space<semaphore_mem>>) src(%arg20 : memref<128x128xf32, #tpu.memory_space<vmem>>) dst(%dma_wait3A_428 : memref<10240x128xf32, #tpu.memory_space<vmem_shared>>)
      tpu.yield
    }) : () -> ()
    %barrier3A_98 = arith.constant 0 : index
    tpu.barrier barrier_id(%barrier3A_98)
    %scan3A_99 = arith.constant 0 : i32
    %scan3A_100 = arith.constant 0 : i32
    %scan3A_101 = arith.constant 39 : i32
    %scan3A_102 = arith.addi %scan3A_100, %scan3A_101 : i32
    %scan3A_103 = arith.constant 1 : i32
    scf.for %scan3A_422 = %scan3A_100 to %scan3A_102 step %scan3A_103  : i32 {
      %mul3A_423 = arith.constant 128 : i32
      %mul3A_424 = arith.muli %scan3A_422, %mul3A_423 : i32
      %add3A_425 = arith.addi %add3A, %mul3A_424 : i32
      "tpu.region"() ({
        %run_scoped3A_439 = tpu.sem_alloc : memref<!tpu.dma_semaphore, #tpu.memory_space<semaphore_mem>>
        %dma_start3A_440 = tpu.memref_slice %arg7[%add3A_425] : memref<160000xi32, #tpu.memory_space<hbm>> -> memref<128xi32, #tpu.memory_space<hbm>>
        %dma_start3A_441 = tpu.memref_slice %arg7[%add3A_425] : memref<160000xi32, #tpu.memory_space<hbm>> -> memref<128xi32, #tpu.memory_space<hbm>>
        tpu.enqueue_dma source(%dma_start3A_441 : memref<128xi32, #tpu.memory_space<hbm>>) target(%arg14 : memref<128xi32, #tpu.memory_space<vmem>>) target_semaphore(%run_scoped3A_439 : memref<!tpu.dma_semaphore, #tpu.memory_space<semaphore_mem>>)
        %dma_wait3A_442 = tpu.memref_slice %arg7[%add3A_425] : memref<160000xi32, #tpu.memory_space<hbm>> -> memref<128xi32, #tpu.memory_space<hbm>>
        %dma_wait3A_443 = tpu.memref_slice %arg7[%add3A_425] : memref<160000xi32, #tpu.memory_space<hbm>> -> memref<128xi32, #tpu.memory_space<hbm>>
        tpu.wait_dma2 semaphore(%run_scoped3A_439 : memref<!tpu.dma_semaphore, #tpu.memory_space<semaphore_mem>>) src(%dma_wait3A_443 : memref<128xi32, #tpu.memory_space<hbm>>) dst(%arg14 : memref<128xi32, #tpu.memory_space<vmem>>)
        tpu.yield
      }) : () -> ()
      "tpu.region"() ({
        %run_scoped3A_439 = tpu.sem_alloc : memref<!tpu.dma_semaphore, #tpu.memory_space<semaphore_mem>>
        %dma_start3A_440 = tpu.memref_slice %arg8[%add3A_425] : memref<160000xi32, #tpu.memory_space<hbm>> -> memref<128xi32, #tpu.memory_space<hbm>>
        %dma_start3A_441 = tpu.memref_slice %arg8[%add3A_425] : memref<160000xi32, #tpu.memory_space<hbm>> -> memref<128xi32, #tpu.memory_space<hbm>>
        tpu.enqueue_dma source(%dma_start3A_441 : memref<128xi32, #tpu.memory_space<hbm>>) target(%arg15 : memref<128xi32, #tpu.memory_space<vmem>>) target_semaphore(%run_scoped3A_439 : memref<!tpu.dma_semaphore, #tpu.memory_space<semaphore_mem>>)
        %dma_wait3A_442 = tpu.memref_slice %arg8[%add3A_425] : memref<160000xi32, #tpu.memory_space<hbm>> -> memref<128xi32, #tpu.memory_space<hbm>>
        %dma_wait3A_443 = tpu.memref_slice %arg8[%add3A_425] : memref<160000xi32, #tpu.memory_space<hbm>> -> memref<128xi32, #tpu.memory_space<hbm>>
        tpu.wait_dma2 semaphore(%run_scoped3A_439 : memref<!tpu.dma_semaphore, #tpu.memory_space<semaphore_mem>>) src(%dma_wait3A_443 : memref<128xi32, #tpu.memory_space<hbm>>) dst(%arg15 : memref<128xi32, #tpu.memory_space<vmem>>)
        tpu.yield
      }) : () -> ()
      %dma_start3A_426 = arith.constant 0 : i32
      %dma_start3A_427 = arith.constant 0 : i32
      %dma_start3A_428 = tpu.memref_slice %arg3[%dma_start3A_426, %dma_start3A_427] : memref<10000x128xf32, #tpu.memory_space<hbm>> -> memref<10000x128xf32, #tpu.memory_space<hbm>>
      tpu.enqueue_indirect_dma source(%dma_start3A_428 : memref<10000x128xf32, #tpu.memory_space<hbm>>) target(%arg19 : memref<128x128xf32, #tpu.memory_space<vmem>>) offsets(%arg14 : memref<128xi32, #tpu.memory_space<vmem>>) semaphore(%arg24 : memref<!tpu.dma_semaphore, #tpu.memory_space<semaphore_mem>>)
      %run_scoped3A_429 = arith.constant 1 : i32
      "tpu.region"() ({
        %run_scoped3A_439 = tpu.sem_alloc : memref<!tpu.dma_semaphore, #tpu.memory_space<semaphore_mem>>
        %dma_start3A_440 = arith.constant 0 : i32
        %dma_start3A_441 = tpu.memref_slice %arg6[%run_scoped3A_429, %add3A_425, %dma_start3A_440] : memref<4x160000x128xf32, #tpu.memory_space<hbm>> -> memref<1x128x128xf32, #tpu.memory_space<hbm>>
        %dma_start3A_442 = tpu.memref_squeeze %dma_start3A_441 : memref<1x128x128xf32, #tpu.memory_space<hbm>> -> memref<128x128xf32, #tpu.memory_space<hbm>>
        %dma_start3A_443 = arith.constant 0 : i32
        %dma_start3A_444 = tpu.memref_slice %arg6[%run_scoped3A_429, %add3A_425, %dma_start3A_443] : memref<4x160000x128xf32, #tpu.memory_space<hbm>> -> memref<1x128x128xf32, #tpu.memory_space<hbm>>
        %dma_start3A_445 = tpu.memref_squeeze %dma_start3A_444 : memref<1x128x128xf32, #tpu.memory_space<hbm>> -> memref<128x128xf32, #tpu.memory_space<hbm>>
        tpu.enqueue_dma source(%dma_start3A_445 : memref<128x128xf32, #tpu.memory_space<hbm>>) target(%arg20 : memref<128x128xf32, #tpu.memory_space<vmem>>) target_semaphore(%run_scoped3A_439 : memref<!tpu.dma_semaphore, #tpu.memory_space<semaphore_mem>>)
        %dma_wait3A_446 = arith.constant 0 : i32
        %dma_wait3A_447 = tpu.memref_slice %arg6[%run_scoped3A_429, %add3A_425, %dma_wait3A_446] : memref<4x160000x128xf32, #tpu.memory_space<hbm>> -> memref<1x128x128xf32, #tpu.memory_space<hbm>>
        %dma_wait3A_448 = tpu.memref_squeeze %dma_wait3A_447 : memref<1x128x128xf32, #tpu.memory_space<hbm>> -> memref<128x128xf32, #tpu.memory_space<hbm>>
        %dma_wait3A_449 = arith.constant 0 : i32
        %dma_wait3A_450 = tpu.memref_slice %arg6[%run_scoped3A_429, %add3A_425, %dma_wait3A_449] : memref<4x160000x128xf32, #tpu.memory_space<hbm>> -> memref<1x128x128xf32, #tpu.memory_space<hbm>>
        %dma_wait3A_451 = tpu.memref_squeeze %dma_wait3A_450 : memref<1x128x128xf32, #tpu.memory_space<hbm>> -> memref<128x128xf32, #tpu.memory_space<hbm>>
        tpu.wait_dma2 semaphore(%run_scoped3A_439 : memref<!tpu.dma_semaphore, #tpu.memory_space<semaphore_mem>>) src(%dma_wait3A_451 : memref<128x128xf32, #tpu.memory_space<hbm>>) dst(%arg20 : memref<128x128xf32, #tpu.memory_space<vmem>>)
        tpu.yield
      }) : () -> ()
      %dma_wait3A_430 = arith.constant 0 : i32
      %dma_wait3A_431 = arith.constant 0 : i32
      %dma_wait3A_432 = tpu.memref_slice %arg3[%dma_wait3A_430, %dma_wait3A_431] : memref<10000x128xf32, #tpu.memory_space<hbm>> -> memref<10000x128xf32, #tpu.memory_space<hbm>>
      tpu.wait_indirect_dma semaphore(%arg24 : memref<!tpu.dma_semaphore, #tpu.memory_space<semaphore_mem>>) src(%dma_wait3A_432 : memref<10000x128xf32, #tpu.memory_space<hbm>>) dst(%arg19 : memref<128x128xf32, #tpu.memory_space<vmem>>)
      %scan3A_433 = arith.constant 0 : i32
      %scan3A_434 = arith.constant 0 : i32
      %scan3A_435 = arith.constant 128 : i32
      %scan3A_436 = arith.addi %scan3A_434, %scan3A_435 : i32
      %scan3A_437 = arith.constant 1 : i32
      scf.for %scan3A_439 = %scan3A_434 to %scan3A_436 step %scan3A_437  : i32 {
        %get3A = arith.index_cast %scan3A_439 : i32 to index
        %get3A_440 = arith.constant 0 : index
        %get3A_441 = tpu.vector_load %arg19[%get3A, %get3A_440] {strides = array<i32>} : memref<128x128xf32, #tpu.memory_space<vmem>>, vector<1x16xf32>,
        %get3A_442 = vector.shape_cast %get3A_441 : vector<1x16xf32> to vector<16xf32>
        %get3A_443 = arith.index_cast %scan3A_439 : i32 to index
        %get3A_444 = arith.constant 0 : index
        %get3A_445 = tpu.vector_load %arg20[%get3A_443, %get3A_444] {strides = array<i32>} : memref<128x128xf32, #tpu.memory_space<vmem>>, vector<1x16xf32>,
        %get3A_446 = vector.shape_cast %get3A_445 : vector<1x16xf32> to vector<16xf32>
        %add3A_447 = arith.addf %get3A_442, %get3A_446 : vector<16xf32>
        %max3A = arith.constant 0.000000e+00 : f32
        %max3A_448 = vector.broadcast %max3A : f32 to vector<16xf32>
        %max3A_449 = arith.maximumf %add3A_447, %max3A_448 : vector<16xf32>
        %swap3A = arith.index_cast %scan3A_439 : i32 to index
        %swap3A_450 = arith.constant 0 : index
        %swap3A_451 = tpu.vector_load %arg19[%swap3A, %swap3A_450] {strides = array<i32>} : memref<128x128xf32, #tpu.memory_space<vmem>>, vector<1x16xf32>,
        %swap3A_452 = vector.shape_cast %swap3A_451 : vector<1x16xf32> to vector<16xf32>
        %swap3A_453 = vector.shape_cast %max3A_449 : vector<16xf32> to vector<1x16xf32>
        tpu.vector_store %arg19[%swap3A, %swap3A_450], %swap3A_453 {strides = array<i32>} : memref<128x128xf32, #tpu.memory_space<vmem>>, vector<1x16xf32>,
        %get3A_454 = arith.index_cast %scan3A_439 : i32 to index
        %get3A_455 = arith.constant 16 : index
        %get3A_456 = tpu.vector_load %arg19[%get3A_454, %get3A_455] {strides = array<i32>} : memref<128x128xf32, #tpu.memory_space<vmem>>, vector<1x16xf32>,
        %get3A_457 = vector.shape_cast %get3A_456 : vector<1x16xf32> to vector<16xf32>
        %get3A_458 = arith.index_cast %scan3A_439 : i32 to index
        %get3A_459 = arith.constant 16 : index
        %get3A_460 = tpu.vector_load %arg20[%get3A_458, %get3A_459] {strides = array<i32>} : memref<128x128xf32, #tpu.memory_space<vmem>>, vector<1x16xf32>,
        %get3A_461 = vector.shape_cast %get3A_460 : vector<1x16xf32> to vector<16xf32>
        %add3A_462 = arith.addf %get3A_457, %get3A_461 : vector<16xf32>
        %max3A_463 = arith.constant 0.000000e+00 : f32
        %max3A_464 = vector.broadcast %max3A_463 : f32 to vector<16xf32>
        %max3A_465 = arith.maximumf %add3A_462, %max3A_464 : vector<16xf32>
        %swap3A_466 = arith.index_cast %scan3A_439 : i32 to index
        %swap3A_467 = arith.constant 16 : index
        %swap3A_468 = tpu.vector_load %arg19[%swap3A_466, %swap3A_467] {strides = array<i32>} : memref<128x128xf32, #tpu.memory_space<vmem>>, vector<1x16xf32>,
        %swap3A_469 = vector.shape_cast %swap3A_468 : vector<1x16xf32> to vector<16xf32>
        %swap3A_470 = vector.shape_cast %max3A_465 : vector<16xf32> to vector<1x16xf32>
        tpu.vector_store %arg19[%swap3A_466, %swap3A_467], %swap3A_470 {strides = array<i32>} : memref<128x128xf32, #tpu.memory_space<vmem>>, vector<1x16xf32>,
        %get3A_471 = arith.index_cast %scan3A_439 : i32 to index
        %get3A_472 = arith.constant 32 : index
        %get3A_473 = tpu.vector_load %arg19[%get3A_471, %get3A_472] {strides = array<i32>} : memref<128x128xf32, #tpu.memory_space<vmem>>, vector<1x16xf32>,
        %get3A_474 = vector.shape_cast %get3A_473 : vector<1x16xf32> to vector<16xf32>
        %get3A_475 = arith.index_cast %scan3A_439 : i32 to index
        %get3A_476 = arith.constant 32 : index
        %get3A_477 = tpu.vector_load %arg20[%get3A_475, %get3A_476] {strides = array<i32>} : memref<128x128xf32, #tpu.memory_space<vmem>>, vector<1x16xf32>,
        %get3A_478 = vector.shape_cast %get3A_477 : vector<1x16xf32> to vector<16xf32>
        %add3A_479 = arith.addf %get3A_474, %get3A_478 : vector<16xf32>
        %max3A_480 = arith.constant 0.000000e+00 : f32
        %max3A_481 = vector.broadcast %max3A_480 : f32 to vector<16xf32>
        %max3A_482 = arith.maximumf %add3A_479, %max3A_481 : vector<16xf32>
        %swap3A_483 = arith.index_cast %scan3A_439 : i32 to index
        %swap3A_484 = arith.constant 32 : index
        %swap3A_485 = tpu.vector_load %arg19[%swap3A_483, %swap3A_484] {strides = array<i32>} : memref<128x128xf32, #tpu.memory_space<vmem>>, vector<1x16xf32>,
        %swap3A_486 = vector.shape_cast %swap3A_485 : vector<1x16xf32> to vector<16xf32>
        %swap3A_487 = vector.shape_cast %max3A_482 : vector<16xf32> to vector<1x16xf32>
        tpu.vector_store %arg19[%swap3A_483, %swap3A_484], %swap3A_487 {strides = array<i32>} : memref<128x128xf32, #tpu.memory_space<vmem>>, vector<1x16xf32>,
        %get3A_488 = arith.index_cast %scan3A_439 : i32 to index
        %get3A_489 = arith.constant 48 : index
        %get3A_490 = tpu.vector_load %arg19[%get3A_488, %get3A_489] {strides = array<i32>} : memref<128x128xf32, #tpu.memory_space<vmem>>, vector<1x16xf32>,
        %get3A_491 = vector.shape_cast %get3A_490 : vector<1x16xf32> to vector<16xf32>
        %get3A_492 = arith.index_cast %scan3A_439 : i32 to index
        %get3A_493 = arith.constant 48 : index
        %get3A_494 = tpu.vector_load %arg20[%get3A_492, %get3A_493] {strides = array<i32>} : memref<128x128xf32, #tpu.memory_space<vmem>>, vector<1x16xf32>,
        %get3A_495 = vector.shape_cast %get3A_494 : vector<1x16xf32> to vector<16xf32>
        %add3A_496 = arith.addf %get3A_491, %get3A_495 : vector<16xf32>
        %max3A_497 = arith.constant 0.000000e+00 : f32
        %max3A_498 = vector.broadcast %max3A_497 : f32 to vector<16xf32>
        %max3A_499 = arith.maximumf %add3A_496, %max3A_498 : vector<16xf32>
        %swap3A_500 = arith.index_cast %scan3A_439 : i32 to index
        %swap3A_501 = arith.constant 48 : index
        %swap3A_502 = tpu.vector_load %arg19[%swap3A_500, %swap3A_501] {strides = array<i32>} : memref<128x128xf32, #tpu.memory_space<vmem>>, vector<1x16xf32>,
        %swap3A_503 = vector.shape_cast %swap3A_502 : vector<1x16xf32> to vector<16xf32>
        %swap3A_504 = vector.shape_cast %max3A_499 : vector<16xf32> to vector<1x16xf32>
        tpu.vector_store %arg19[%swap3A_500, %swap3A_501], %swap3A_504 {strides = array<i32>} : memref<128x128xf32, #tpu.memory_space<vmem>>, vector<1x16xf32>,
        %get3A_505 = arith.index_cast %scan3A_439 : i32 to index
        %get3A_506 = arith.constant 64 : index
        %get3A_507 = tpu.vector_load %arg19[%get3A_505, %get3A_506] {strides = array<i32>} : memref<128x128xf32, #tpu.memory_space<vmem>>, vector<1x16xf32>,
        %get3A_508 = vector.shape_cast %get3A_507 : vector<1x16xf32> to vector<16xf32>
        %get3A_509 = arith.index_cast %scan3A_439 : i32 to index
        %get3A_510 = arith.constant 64 : index
        %get3A_511 = tpu.vector_load %arg20[%get3A_509, %get3A_510] {strides = array<i32>} : memref<128x128xf32, #tpu.memory_space<vmem>>, vector<1x16xf32>,
        %get3A_512 = vector.shape_cast %get3A_511 : vector<1x16xf32> to vector<16xf32>
        %add3A_513 = arith.addf %get3A_508, %get3A_512 : vector<16xf32>
        %max3A_514 = arith.constant 0.000000e+00 : f32
        %max3A_515 = vector.broadcast %max3A_514 : f32 to vector<16xf32>
        %max3A_516 = arith.maximumf %add3A_513, %max3A_515 : vector<16xf32>
        %swap3A_517 = arith.index_cast %scan3A_439 : i32 to index
        %swap3A_518 = arith.constant 64 : index
        %swap3A_519 = tpu.vector_load %arg19[%swap3A_517, %swap3A_518] {strides = array<i32>} : memref<128x128xf32, #tpu.memory_space<vmem>>, vector<1x16xf32>,
        %swap3A_520 = vector.shape_cast %swap3A_519 : vector<1x16xf32> to vector<16xf32>
        %swap3A_521 = vector.shape_cast %max3A_516 : vector<16xf32> to vector<1x16xf32>
        tpu.vector_store %arg19[%swap3A_517, %swap3A_518], %swap3A_521 {strides = array<i32>} : memref<128x128xf32, #tpu.memory_space<vmem>>, vector<1x16xf32>,
        %get3A_522 = arith.index_cast %scan3A_439 : i32 to index
        %get3A_523 = arith.constant 80 : index
        %get3A_524 = tpu.vector_load %arg19[%get3A_522, %get3A_523] {strides = array<i32>} : memref<128x128xf32, #tpu.memory_space<vmem>>, vector<1x16xf32>,
        %get3A_525 = vector.shape_cast %get3A_524 : vector<1x16xf32> to vector<16xf32>
        %get3A_526 = arith.index_cast %scan3A_439 : i32 to index
        %get3A_527 = arith.constant 80 : index
        %get3A_528 = tpu.vector_load %arg20[%get3A_526, %get3A_527] {strides = array<i32>} : memref<128x128xf32, #tpu.memory_space<vmem>>, vector<1x16xf32>,
        %get3A_529 = vector.shape_cast %get3A_528 : vector<1x16xf32> to vector<16xf32>
        %add3A_530 = arith.addf %get3A_525, %get3A_529 : vector<16xf32>
        %max3A_531 = arith.constant 0.000000e+00 : f32
        %max3A_532 = vector.broadcast %max3A_531 : f32 to vector<16xf32>
        %max3A_533 = arith.maximumf %add3A_530, %max3A_532 : vector<16xf32>
        %swap3A_534 = arith.index_cast %scan3A_439 : i32 to index
        %swap3A_535 = arith.constant 80 : index
        %swap3A_536 = tpu.vector_load %arg19[%swap3A_534, %swap3A_535] {strides = array<i32>} : memref<128x128xf32, #tpu.memory_space<vmem>>, vector<1x16xf32>,
        %swap3A_537 = vector.shape_cast %swap3A_536 : vector<1x16xf32> to vector<16xf32>
        %swap3A_538 = vector.shape_cast %max3A_533 : vector<16xf32> to vector<1x16xf32>
        tpu.vector_store %arg19[%swap3A_534, %swap3A_535], %swap3A_538 {strides = array<i32>} : memref<128x128xf32, #tpu.memory_space<vmem>>, vector<1x16xf32>,
        %get3A_539 = arith.index_cast %scan3A_439 : i32 to index
        %get3A_540 = arith.constant 96 : index
        %get3A_541 = tpu.vector_load %arg19[%get3A_539, %get3A_540] {strides = array<i32>} : memref<128x128xf32, #tpu.memory_space<vmem>>, vector<1x16xf32>,
        %get3A_542 = vector.shape_cast %get3A_541 : vector<1x16xf32> to vector<16xf32>
        %get3A_543 = arith.index_cast %scan3A_439 : i32 to index
        %get3A_544 = arith.constant 96 : index
        %get3A_545 = tpu.vector_load %arg20[%get3A_543, %get3A_544] {strides = array<i32>} : memref<128x128xf32, #tpu.memory_space<vmem>>, vector<1x16xf32>,
        %get3A_546 = vector.shape_cast %get3A_545 : vector<1x16xf32> to vector<16xf32>
        %add3A_547 = arith.addf %get3A_542, %get3A_546 : vector<16xf32>
        %max3A_548 = arith.constant 0.000000e+00 : f32
        %max3A_549 = vector.broadcast %max3A_548 : f32 to vector<16xf32>
        %max3A_550 = arith.maximumf %add3A_547, %max3A_549 : vector<16xf32>
        %swap3A_551 = arith.index_cast %scan3A_439 : i32 to index
        %swap3A_552 = arith.constant 96 : index
        %swap3A_553 = tpu.vector_load %arg19[%swap3A_551, %swap3A_552] {strides = array<i32>} : memref<128x128xf32, #tpu.memory_space<vmem>>, vector<1x16xf32>,
        %swap3A_554 = vector.shape_cast %swap3A_553 : vector<1x16xf32> to vector<16xf32>
        %swap3A_555 = vector.shape_cast %max3A_550 : vector<16xf32> to vector<1x16xf32>
        tpu.vector_store %arg19[%swap3A_551, %swap3A_552], %swap3A_555 {strides = array<i32>} : memref<128x128xf32, #tpu.memory_space<vmem>>, vector<1x16xf32>,
        %get3A_556 = arith.index_cast %scan3A_439 : i32 to index
        %get3A_557 = arith.constant 112 : index
        %get3A_558 = tpu.vector_load %arg19[%get3A_556, %get3A_557] {strides = array<i32>} : memref<128x128xf32, #tpu.memory_space<vmem>>, vector<1x16xf32>,
        %get3A_559 = vector.shape_cast %get3A_558 : vector<1x16xf32> to vector<16xf32>
        %get3A_560 = arith.index_cast %scan3A_439 : i32 to index
        %get3A_561 = arith.constant 112 : index
        %get3A_562 = tpu.vector_load %arg20[%get3A_560, %get3A_561] {strides = array<i32>} : memref<128x128xf32, #tpu.memory_space<vmem>>, vector<1x16xf32>,
        %get3A_563 = vector.shape_cast %get3A_562 : vector<1x16xf32> to vector<16xf32>
        %add3A_564 = arith.addf %get3A_559, %get3A_563 : vector<16xf32>
        %max3A_565 = arith.constant 0.000000e+00 : f32
        %max3A_566 = vector.broadcast %max3A_565 : f32 to vector<16xf32>
        %max3A_567 = arith.maximumf %add3A_564, %max3A_566 : vector<16xf32>
        %swap3A_568 = arith.index_cast %scan3A_439 : i32 to index
        %swap3A_569 = arith.constant 112 : index
        %swap3A_570 = tpu.vector_load %arg19[%swap3A_568, %swap3A_569] {strides = array<i32>} : memref<128x128xf32, #tpu.memory_space<vmem>>, vector<1x16xf32>,
        %swap3A_571 = vector.shape_cast %swap3A_570 : vector<1x16xf32> to vector<16xf32>
        %swap3A_572 = vector.shape_cast %max3A_567 : vector<16xf32> to vector<1x16xf32>
        tpu.vector_store %arg19[%swap3A_568, %swap3A_569], %swap3A_572 {strides = array<i32>} : memref<128x128xf32, #tpu.memory_space<vmem>>, vector<1x16xf32>,
      }
      %scan3A_438 = arith.constant 128 : i32
      "tpu.region"() ({
        %run_scoped3A_439 = tpu.sem_alloc : memref<!tpu.dma_semaphore, #tpu.memory_space<semaphore_mem>>
        %dma_start3A_440 = arith.constant 0 : i32
        %dma_start3A_441 = arith.constant 0 : i32
        %dma_start3A_442 = tpu.memref_slice %arg23[%dma_start3A_440, %dma_start3A_441] : memref<10240x128xf32, #tpu.memory_space<vmem_shared>> -> memref<10240x128xf32, #tpu.memory_space<vmem_shared>>
        tpu.enqueue_indirect_dma source(%arg19 : memref<128x128xf32, #tpu.memory_space<vmem>>) target(%dma_start3A_442 : memref<10240x128xf32, #tpu.memory_space<vmem_shared>>) offsets(%arg15 : memref<128xi32, #tpu.memory_space<vmem>>) semaphore(%run_scoped3A_439 : memref<!tpu.dma_semaphore, #tpu.memory_space<semaphore_mem>>) {add = true}
        %dma_wait3A_443 = arith.constant 0 : i32
        %dma_wait3A_444 = arith.constant 0 : i32
        %dma_wait3A_445 = tpu.memref_slice %arg23[%dma_wait3A_443, %dma_wait3A_444] : memref<10240x128xf32, #tpu.memory_space<vmem_shared>> -> memref<10240x128xf32, #tpu.memory_space<vmem_shared>>
        tpu.wait_indirect_dma semaphore(%run_scoped3A_439 : memref<!tpu.dma_semaphore, #tpu.memory_space<semaphore_mem>>) src(%arg19 : memref<128x128xf32, #tpu.memory_space<vmem>>) dst(%dma_wait3A_445 : memref<10240x128xf32, #tpu.memory_space<vmem_shared>>)
        tpu.yield
      }) : () -> ()
    }
    %scan3A_104 = arith.constant 39 : i32
    %add3A_105 = arith.constant 4992 : i32
    %add3A_106 = arith.addi %add3A, %add3A_105 : i32
    "tpu.region"() ({
      %run_scoped3A_422 = tpu.sem_alloc : memref<!tpu.dma_semaphore, #tpu.memory_space<semaphore_mem>>
      %dma_start3A_423 = tpu.memref_slice %arg7[%add3A_106] : memref<160000xi32, #tpu.memory_space<hbm>> -> memref<8xi32, #tpu.memory_space<hbm>>
      %dma_start3A_424 = tpu.memref_slice %arg7[%add3A_106] : memref<160000xi32, #tpu.memory_space<hbm>> -> memref<8xi32, #tpu.memory_space<hbm>>
      tpu.enqueue_dma source(%dma_start3A_424 : memref<8xi32, #tpu.memory_space<hbm>>) target(%arg16 : memref<8xi32, #tpu.memory_space<vmem>>) target_semaphore(%run_scoped3A_422 : memref<!tpu.dma_semaphore, #tpu.memory_space<semaphore_mem>>)
      %dma_wait3A_425 = tpu.memref_slice %arg7[%add3A_106] : memref<160000xi32, #tpu.memory_space<hbm>> -> memref<8xi32, #tpu.memory_space<hbm>>
      %dma_wait3A_426 = tpu.memref_slice %arg7[%add3A_106] : memref<160000xi32, #tpu.memory_space<hbm>> -> memref<8xi32, #tpu.memory_space<hbm>>
      tpu.wait_dma2 semaphore(%run_scoped3A_422 : memref<!tpu.dma_semaphore, #tpu.memory_space<semaphore_mem>>) src(%dma_wait3A_426 : memref<8xi32, #tpu.memory_space<hbm>>) dst(%arg16 : memref<8xi32, #tpu.memory_space<vmem>>)
      tpu.yield
    }) : () -> ()
    "tpu.region"() ({
      %run_scoped3A_422 = tpu.sem_alloc : memref<!tpu.dma_semaphore, #tpu.memory_space<semaphore_mem>>
      %dma_start3A_423 = tpu.memref_slice %arg8[%add3A_106] : memref<160000xi32, #tpu.memory_space<hbm>> -> memref<8xi32, #tpu.memory_space<hbm>>
      %dma_start3A_424 = tpu.memref_slice %arg8[%add3A_106] : memref<160000xi32, #tpu.memory_space<hbm>> -> memref<8xi32, #tpu.memory_space<hbm>>
      tpu.enqueue_dma source(%dma_start3A_424 : memref<8xi32, #tpu.memory_space<hbm>>) target(%arg17 : memref<8xi32, #tpu.memory_space<vmem>>) target_semaphore(%run_scoped3A_422 : memref<!tpu.dma_semaphore, #tpu.memory_space<semaphore_mem>>)
      %dma_wait3A_425 = tpu.memref_slice %arg8[%add3A_106] : memref<160000xi32, #tpu.memory_space<hbm>> -> memref<8xi32, #tpu.memory_space<hbm>>
      %dma_wait3A_426 = tpu.memref_slice %arg8[%add3A_106] : memref<160000xi32, #tpu.memory_space<hbm>> -> memref<8xi32, #tpu.memory_space<hbm>>
      tpu.wait_dma2 semaphore(%run_scoped3A_422 : memref<!tpu.dma_semaphore, #tpu.memory_space<semaphore_mem>>) src(%dma_wait3A_426 : memref<8xi32, #tpu.memory_space<hbm>>) dst(%arg17 : memref<8xi32, #tpu.memory_space<vmem>>)
      tpu.yield
    }) : () -> ()
    %dma_start3A_107 = arith.constant 0 : i32
    %dma_start3A_108 = arith.constant 0 : i32
    %dma_start3A_109 = tpu.memref_slice %arg3[%dma_start3A_107, %dma_start3A_108] : memref<10000x128xf32, #tpu.memory_space<hbm>> -> memref<10000x128xf32, #tpu.memory_space<hbm>>
    tpu.enqueue_indirect_dma source(%dma_start3A_109 : memref<10000x128xf32, #tpu.memory_space<hbm>>) target(%arg21 : memref<8x128xf32, #tpu.memory_space<vmem>>) offsets(%arg16 : memref<8xi32, #tpu.memory_space<vmem>>) semaphore(%arg24 : memref<!tpu.dma_semaphore, #tpu.memory_space<semaphore_mem>>)
    %run_scoped3A_110 = arith.constant 1 : i32
    "tpu.region"() ({
      %run_scoped3A_422 = tpu.sem_alloc : memref<!tpu.dma_semaphore, #tpu.memory_space<semaphore_mem>>
      %dma_start3A_423 = arith.constant 0 : i32
      %dma_start3A_424 = tpu.memref_slice %arg6[%run_scoped3A_110, %add3A_106, %dma_start3A_423] : memref<4x160000x128xf32, #tpu.memory_space<hbm>> -> memref<1x8x128xf32, #tpu.memory_space<hbm>>
      %dma_start3A_425 = tpu.memref_squeeze %dma_start3A_424 : memref<1x8x128xf32, #tpu.memory_space<hbm>> -> memref<8x128xf32, #tpu.memory_space<hbm>>
      %dma_start3A_426 = arith.constant 0 : i32
      %dma_start3A_427 = tpu.memref_slice %arg6[%run_scoped3A_110, %add3A_106, %dma_start3A_426] : memref<4x160000x128xf32, #tpu.memory_space<hbm>> -> memref<1x8x128xf32, #tpu.memory_space<hbm>>
      %dma_start3A_428 = tpu.memref_squeeze %dma_start3A_427 : memref<1x8x128xf32, #tpu.memory_space<hbm>> -> memref<8x128xf32, #tpu.memory_space<hbm>>
      tpu.enqueue_dma source(%dma_start3A_428 : memref<8x128xf32, #tpu.memory_space<hbm>>) target(%arg22 : memref<8x128xf32, #tpu.memory_space<vmem>>) target_semaphore(%run_scoped3A_422 : memref<!tpu.dma_semaphore, #tpu.memory_space<semaphore_mem>>)
      %dma_wait3A_429 = arith.constant 0 : i32
      %dma_wait3A_430 = tpu.memref_slice %arg6[%run_scoped3A_110, %add3A_106, %dma_wait3A_429] : memref<4x160000x128xf32, #tpu.memory_space<hbm>> -> memref<1x8x128xf32, #tpu.memory_space<hbm>>
      %dma_wait3A_431 = tpu.memref_squeeze %dma_wait3A_430 : memref<1x8x128xf32, #tpu.memory_space<hbm>> -> memref<8x128xf32, #tpu.memory_space<hbm>>
      %dma_wait3A_432 = arith.constant 0 : i32
      %dma_wait3A_433 = tpu.memref_slice %arg6[%run_scoped3A_110, %add3A_106, %dma_wait3A_432] : memref<4x160000x128xf32, #tpu.memory_space<hbm>> -> memref<1x8x128xf32, #tpu.memory_space<hbm>>
      %dma_wait3A_434 = tpu.memref_squeeze %dma_wait3A_433 : memref<1x8x128xf32, #tpu.memory_space<hbm>> -> memref<8x128xf32, #tpu.memory_space<hbm>>
      tpu.wait_dma2 semaphore(%run_scoped3A_422 : memref<!tpu.dma_semaphore, #tpu.memory_space<semaphore_mem>>) src(%dma_wait3A_434 : memref<8x128xf32, #tpu.memory_space<hbm>>) dst(%arg22 : memref<8x128xf32, #tpu.memory_space<vmem>>)
      tpu.yield
    }) : () -> ()
    %dma_wait3A_111 = arith.constant 0 : i32
    %dma_wait3A_112 = arith.constant 0 : i32
    %dma_wait3A_113 = tpu.memref_slice %arg3[%dma_wait3A_111, %dma_wait3A_112] : memref<10000x128xf32, #tpu.memory_space<hbm>> -> memref<10000x128xf32, #tpu.memory_space<hbm>>
    tpu.wait_indirect_dma semaphore(%arg24 : memref<!tpu.dma_semaphore, #tpu.memory_space<semaphore_mem>>) src(%dma_wait3A_113 : memref<10000x128xf32, #tpu.memory_space<hbm>>) dst(%arg21 : memref<8x128xf32, #tpu.memory_space<vmem>>)
    %scan3A_114 = arith.constant 0 : i32
    %scan3A_115 = arith.constant 0 : i32
    %scan3A_116 = arith.constant 8 : i32
    %scan3A_117 = arith.addi %scan3A_115, %scan3A_116 : i32
    %scan3A_118 = arith.constant 1 : i32
    scf.for %scan3A_422 = %scan3A_115 to %scan3A_117 step %scan3A_118  : i32 {
      %get3A = arith.index_cast %scan3A_422 : i32 to index
      %get3A_423 = arith.constant 0 : index
      %get3A_424 = tpu.vector_load %arg21[%get3A, %get3A_423] {strides = array<i32>} : memref<8x128xf32, #tpu.memory_space<vmem>>, vector<1x16xf32>,
      %get3A_425 = vector.shape_cast %get3A_424 : vector<1x16xf32> to vector<16xf32>
      %get3A_426 = arith.index_cast %scan3A_422 : i32 to index
      %get3A_427 = arith.constant 0 : index
      %get3A_428 = tpu.vector_load %arg22[%get3A_426, %get3A_427] {strides = array<i32>} : memref<8x128xf32, #tpu.memory_space<vmem>>, vector<1x16xf32>,
      %get3A_429 = vector.shape_cast %get3A_428 : vector<1x16xf32> to vector<16xf32>
      %add3A_430 = arith.addf %get3A_425, %get3A_429 : vector<16xf32>
      %max3A = arith.constant 0.000000e+00 : f32
      %max3A_431 = vector.broadcast %max3A : f32 to vector<16xf32>
      %max3A_432 = arith.maximumf %add3A_430, %max3A_431 : vector<16xf32>
      %swap3A = arith.index_cast %scan3A_422 : i32 to index
      %swap3A_433 = arith.constant 0 : index
      %swap3A_434 = tpu.vector_load %arg21[%swap3A, %swap3A_433] {strides = array<i32>} : memref<8x128xf32, #tpu.memory_space<vmem>>, vector<1x16xf32>,
      %swap3A_435 = vector.shape_cast %swap3A_434 : vector<1x16xf32> to vector<16xf32>
      %swap3A_436 = vector.shape_cast %max3A_432 : vector<16xf32> to vector<1x16xf32>
      tpu.vector_store %arg21[%swap3A, %swap3A_433], %swap3A_436 {strides = array<i32>} : memref<8x128xf32, #tpu.memory_space<vmem>>, vector<1x16xf32>,
      %get3A_437 = arith.index_cast %scan3A_422 : i32 to index
      %get3A_438 = arith.constant 16 : index
      %get3A_439 = tpu.vector_load %arg21[%get3A_437, %get3A_438] {strides = array<i32>} : memref<8x128xf32, #tpu.memory_space<vmem>>, vector<1x16xf32>,
      %get3A_440 = vector.shape_cast %get3A_439 : vector<1x16xf32> to vector<16xf32>
      %get3A_441 = arith.index_cast %scan3A_422 : i32 to index
      %get3A_442 = arith.constant 16 : index
      %get3A_443 = tpu.vector_load %arg22[%get3A_441, %get3A_442] {strides = array<i32>} : memref<8x128xf32, #tpu.memory_space<vmem>>, vector<1x16xf32>,
      %get3A_444 = vector.shape_cast %get3A_443 : vector<1x16xf32> to vector<16xf32>
      %add3A_445 = arith.addf %get3A_440, %get3A_444 : vector<16xf32>
      %max3A_446 = arith.constant 0.000000e+00 : f32
      %max3A_447 = vector.broadcast %max3A_446 : f32 to vector<16xf32>
      %max3A_448 = arith.maximumf %add3A_445, %max3A_447 : vector<16xf32>
      %swap3A_449 = arith.index_cast %scan3A_422 : i32 to index
      %swap3A_450 = arith.constant 16 : index
      %swap3A_451 = tpu.vector_load %arg21[%swap3A_449, %swap3A_450] {strides = array<i32>} : memref<8x128xf32, #tpu.memory_space<vmem>>, vector<1x16xf32>,
      %swap3A_452 = vector.shape_cast %swap3A_451 : vector<1x16xf32> to vector<16xf32>
      %swap3A_453 = vector.shape_cast %max3A_448 : vector<16xf32> to vector<1x16xf32>
      tpu.vector_store %arg21[%swap3A_449, %swap3A_450], %swap3A_453 {strides = array<i32>} : memref<8x128xf32, #tpu.memory_space<vmem>>, vector<1x16xf32>,
      %get3A_454 = arith.index_cast %scan3A_422 : i32 to index
      %get3A_455 = arith.constant 32 : index
      %get3A_456 = tpu.vector_load %arg21[%get3A_454, %get3A_455] {strides = array<i32>} : memref<8x128xf32, #tpu.memory_space<vmem>>, vector<1x16xf32>,
      %get3A_457 = vector.shape_cast %get3A_456 : vector<1x16xf32> to vector<16xf32>
      %get3A_458 = arith.index_cast %scan3A_422 : i32 to index
      %get3A_459 = arith.constant 32 : index
      %get3A_460 = tpu.vector_load %arg22[%get3A_458, %get3A_459] {strides = array<i32>} : memref<8x128xf32, #tpu.memory_space<vmem>>, vector<1x16xf32>,
      %get3A_461 = vector.shape_cast %get3A_460 : vector<1x16xf32> to vector<16xf32>
      %add3A_462 = arith.addf %get3A_457, %get3A_461 : vector<16xf32>
      %max3A_463 = arith.constant 0.000000e+00 : f32
      %max3A_464 = vector.broadcast %max3A_463 : f32 to vector<16xf32>
      %max3A_465 = arith.maximumf %add3A_462, %max3A_464 : vector<16xf32>
      %swap3A_466 = arith.index_cast %scan3A_422 : i32 to index
      %swap3A_467 = arith.constant 32 : index
      %swap3A_468 = tpu.vector_load %arg21[%swap3A_466, %swap3A_467] {strides = array<i32>} : memref<8x128xf32, #tpu.memory_space<vmem>>, vector<1x16xf32>,
      %swap3A_469 = vector.shape_cast %swap3A_468 : vector<1x16xf32> to vector<16xf32>
      %swap3A_470 = vector.shape_cast %max3A_465 : vector<16xf32> to vector<1x16xf32>
      tpu.vector_store %arg21[%swap3A_466, %swap3A_467], %swap3A_470 {strides = array<i32>} : memref<8x128xf32, #tpu.memory_space<vmem>>, vector<1x16xf32>,
      %get3A_471 = arith.index_cast %scan3A_422 : i32 to index
      %get3A_472 = arith.constant 48 : index
      %get3A_473 = tpu.vector_load %arg21[%get3A_471, %get3A_472] {strides = array<i32>} : memref<8x128xf32, #tpu.memory_space<vmem>>, vector<1x16xf32>,
      %get3A_474 = vector.shape_cast %get3A_473 : vector<1x16xf32> to vector<16xf32>
      %get3A_475 = arith.index_cast %scan3A_422 : i32 to index
      %get3A_476 = arith.constant 48 : index
      %get3A_477 = tpu.vector_load %arg22[%get3A_475, %get3A_476] {strides = array<i32>} : memref<8x128xf32, #tpu.memory_space<vmem>>, vector<1x16xf32>,
      %get3A_478 = vector.shape_cast %get3A_477 : vector<1x16xf32> to vector<16xf32>
      %add3A_479 = arith.addf %get3A_474, %get3A_478 : vector<16xf32>
      %max3A_480 = arith.constant 0.000000e+00 : f32
      %max3A_481 = vector.broadcast %max3A_480 : f32 to vector<16xf32>
      %max3A_482 = arith.maximumf %add3A_479, %max3A_481 : vector<16xf32>
      %swap3A_483 = arith.index_cast %scan3A_422 : i32 to index
      %swap3A_484 = arith.constant 48 : index
      %swap3A_485 = tpu.vector_load %arg21[%swap3A_483, %swap3A_484] {strides = array<i32>} : memref<8x128xf32, #tpu.memory_space<vmem>>, vector<1x16xf32>,
      %swap3A_486 = vector.shape_cast %swap3A_485 : vector<1x16xf32> to vector<16xf32>
      %swap3A_487 = vector.shape_cast %max3A_482 : vector<16xf32> to vector<1x16xf32>
      tpu.vector_store %arg21[%swap3A_483, %swap3A_484], %swap3A_487 {strides = array<i32>} : memref<8x128xf32, #tpu.memory_space<vmem>>, vector<1x16xf32>,
      %get3A_488 = arith.index_cast %scan3A_422 : i32 to index
      %get3A_489 = arith.constant 64 : index
      %get3A_490 = tpu.vector_load %arg21[%get3A_488, %get3A_489] {strides = array<i32>} : memref<8x128xf32, #tpu.memory_space<vmem>>, vector<1x16xf32>,
      %get3A_491 = vector.shape_cast %get3A_490 : vector<1x16xf32> to vector<16xf32>
      %get3A_492 = arith.index_cast %scan3A_422 : i32 to index
      %get3A_493 = arith.constant 64 : index
      %get3A_494 = tpu.vector_load %arg22[%get3A_492, %get3A_493] {strides = array<i32>} : memref<8x128xf32, #tpu.memory_space<vmem>>, vector<1x16xf32>,
      %get3A_495 = vector.shape_cast %get3A_494 : vector<1x16xf32> to vector<16xf32>
      %add3A_496 = arith.addf %get3A_491, %get3A_495 : vector<16xf32>
      %max3A_497 = arith.constant 0.000000e+00 : f32
      %max3A_498 = vector.broadcast %max3A_497 : f32 to vector<16xf32>
      %max3A_499 = arith.maximumf %add3A_496, %max3A_498 : vector<16xf32>
      %swap3A_500 = arith.index_cast %scan3A_422 : i32 to index
      %swap3A_501 = arith.constant 64 : index
      %swap3A_502 = tpu.vector_load %arg21[%swap3A_500, %swap3A_501] {strides = array<i32>} : memref<8x128xf32, #tpu.memory_space<vmem>>, vector<1x16xf32>,
      %swap3A_503 = vector.shape_cast %swap3A_502 : vector<1x16xf32> to vector<16xf32>
      %swap3A_504 = vector.shape_cast %max3A_499 : vector<16xf32> to vector<1x16xf32>
      tpu.vector_store %arg21[%swap3A_500, %swap3A_501], %swap3A_504 {strides = array<i32>} : memref<8x128xf32, #tpu.memory_space<vmem>>, vector<1x16xf32>,
      %get3A_505 = arith.index_cast %scan3A_422 : i32 to index
      %get3A_506 = arith.constant 80 : index
      %get3A_507 = tpu.vector_load %arg21[%get3A_505, %get3A_506] {strides = array<i32>} : memref<8x128xf32, #tpu.memory_space<vmem>>, vector<1x16xf32>,
      %get3A_508 = vector.shape_cast %get3A_507 : vector<1x16xf32> to vector<16xf32>
      %get3A_509 = arith.index_cast %scan3A_422 : i32 to index
      %get3A_510 = arith.constant 80 : index
      %get3A_511 = tpu.vector_load %arg22[%get3A_509, %get3A_510] {strides = array<i32>} : memref<8x128xf32, #tpu.memory_space<vmem>>, vector<1x16xf32>,
      %get3A_512 = vector.shape_cast %get3A_511 : vector<1x16xf32> to vector<16xf32>
      %add3A_513 = arith.addf %get3A_508, %get3A_512 : vector<16xf32>
      %max3A_514 = arith.constant 0.000000e+00 : f32
      %max3A_515 = vector.broadcast %max3A_514 : f32 to vector<16xf32>
      %max3A_516 = arith.maximumf %add3A_513, %max3A_515 : vector<16xf32>
      %swap3A_517 = arith.index_cast %scan3A_422 : i32 to index
      %swap3A_518 = arith.constant 80 : index
      %swap3A_519 = tpu.vector_load %arg21[%swap3A_517, %swap3A_518] {strides = array<i32>} : memref<8x128xf32, #tpu.memory_space<vmem>>, vector<1x16xf32>,
      %swap3A_520 = vector.shape_cast %swap3A_519 : vector<1x16xf32> to vector<16xf32>
      %swap3A_521 = vector.shape_cast %max3A_516 : vector<16xf32> to vector<1x16xf32>
      tpu.vector_store %arg21[%swap3A_517, %swap3A_518], %swap3A_521 {strides = array<i32>} : memref<8x128xf32, #tpu.memory_space<vmem>>, vector<1x16xf32>,
      %get3A_522 = arith.index_cast %scan3A_422 : i32 to index
      %get3A_523 = arith.constant 96 : index
      %get3A_524 = tpu.vector_load %arg21[%get3A_522, %get3A_523] {strides = array<i32>} : memref<8x128xf32, #tpu.memory_space<vmem>>, vector<1x16xf32>,
      %get3A_525 = vector.shape_cast %get3A_524 : vector<1x16xf32> to vector<16xf32>
      %get3A_526 = arith.index_cast %scan3A_422 : i32 to index
      %get3A_527 = arith.constant 96 : index
      %get3A_528 = tpu.vector_load %arg22[%get3A_526, %get3A_527] {strides = array<i32>} : memref<8x128xf32, #tpu.memory_space<vmem>>, vector<1x16xf32>,
      %get3A_529 = vector.shape_cast %get3A_528 : vector<1x16xf32> to vector<16xf32>
      %add3A_530 = arith.addf %get3A_525, %get3A_529 : vector<16xf32>
      %max3A_531 = arith.constant 0.000000e+00 : f32
      %max3A_532 = vector.broadcast %max3A_531 : f32 to vector<16xf32>
      %max3A_533 = arith.maximumf %add3A_530, %max3A_532 : vector<16xf32>
      %swap3A_534 = arith.index_cast %scan3A_422 : i32 to index
      %swap3A_535 = arith.constant 96 : index
      %swap3A_536 = tpu.vector_load %arg21[%swap3A_534, %swap3A_535] {strides = array<i32>} : memref<8x128xf32, #tpu.memory_space<vmem>>, vector<1x16xf32>,
      %swap3A_537 = vector.shape_cast %swap3A_536 : vector<1x16xf32> to vector<16xf32>
      %swap3A_538 = vector.shape_cast %max3A_533 : vector<16xf32> to vector<1x16xf32>
      tpu.vector_store %arg21[%swap3A_534, %swap3A_535], %swap3A_538 {strides = array<i32>} : memref<8x128xf32, #tpu.memory_space<vmem>>, vector<1x16xf32>,
      %get3A_539 = arith.index_cast %scan3A_422 : i32 to index
      %get3A_540 = arith.constant 112 : index
      %get3A_541 = tpu.vector_load %arg21[%get3A_539, %get3A_540] {strides = array<i32>} : memref<8x128xf32, #tpu.memory_space<vmem>>, vector<1x16xf32>,
      %get3A_542 = vector.shape_cast %get3A_541 : vector<1x16xf32> to vector<16xf32>
      %get3A_543 = arith.index_cast %scan3A_422 : i32 to index
      %get3A_544 = arith.constant 112 : index
      %get3A_545 = tpu.vector_load %arg22[%get3A_543, %get3A_544] {strides = array<i32>} : memref<8x128xf32, #tpu.memory_space<vmem>>, vector<1x16xf32>,
      %get3A_546 = vector.shape_cast %get3A_545 : vector<1x16xf32> to vector<16xf32>
      %add3A_547 = arith.addf %get3A_542, %get3A_546 : vector<16xf32>
      %max3A_548 = arith.constant 0.000000e+00 : f32
      %max3A_549 = vector.broadcast %max3A_548 : f32 to vector<16xf32>
      %max3A_550 = arith.maximumf %add3A_547, %max3A_549 : vector<16xf32>
      %swap3A_551 = arith.index_cast %scan3A_422 : i32 to index
      %swap3A_552 = arith.constant 112 : index
      %swap3A_553 = tpu.vector_load %arg21[%swap3A_551, %swap3A_552] {strides = array<i32>} : memref<8x128xf32, #tpu.memory_space<vmem>>, vector<1x16xf32>,
      %swap3A_554 = vector.shape_cast %swap3A_553 : vector<1x16xf32> to vector<16xf32>
      %swap3A_555 = vector.shape_cast %max3A_550 : vector<16xf32> to vector<1x16xf32>
      tpu.vector_store %arg21[%swap3A_551, %swap3A_552], %swap3A_555 {strides = array<i32>} : memref<8x128xf32, #tpu.memory_space<vmem>>, vector<1x16xf32>,
    }
    %scan3A_119 = arith.constant 8 : i32
    "tpu.region"() ({
      %run_scoped3A_422 = tpu.sem_alloc : memref<!tpu.dma_semaphore, #tpu.memory_space<semaphore_mem>>
      %dma_start3A_423 = arith.constant 0 : i32
      %dma_start3A_424 = arith.constant 0 : i32
      %dma_start3A_425 = tpu.memref_slice %arg23[%dma_start3A_423, %dma_start3A_424] : memref<10240x128xf32, #tpu.memory_space<vmem_shared>> -> memref<10240x128xf32, #tpu.memory_space<vmem_shared>>
      tpu.enqueue_indirect_dma source(%arg21 : memref<8x128xf32, #tpu.memory_space<vmem>>) target(%dma_start3A_425 : memref<10240x128xf32, #tpu.memory_space<vmem_shared>>) offsets(%arg17 : memref<8xi32, #tpu.memory_space<vmem>>) semaphore(%run_scoped3A_422 : memref<!tpu.dma_semaphore, #tpu.memory_space<semaphore_mem>>) {add = true}
      %dma_wait3A_426 = arith.constant 0 : i32
      %dma_wait3A_427 = arith.constant 0 : i32
      %dma_wait3A_428 = tpu.memref_slice %arg23[%dma_wait3A_426, %dma_wait3A_427] : memref<10240x128xf32, #tpu.memory_space<vmem_shared>> -> memref<10240x128xf32, #tpu.memory_space<vmem_shared>>
      tpu.wait_indirect_dma semaphore(%run_scoped3A_422 : memref<!tpu.dma_semaphore, #tpu.memory_space<semaphore_mem>>) src(%arg21 : memref<8x128xf32, #tpu.memory_space<vmem>>) dst(%dma_wait3A_428 : memref<10240x128xf32, #tpu.memory_space<vmem_shared>>)
      tpu.yield
    }) : () -> ()
    %barrier3A_120 = arith.constant 0 : index
    tpu.barrier barrier_id(%barrier3A_120)
    %add3A_121 = arith.constant 0 : i32
    %add3A_122 = arith.addi %mul3A_0, %add3A_121 : i32
    "tpu.region"() ({
      %run_scoped3A_422 = tpu.sem_alloc : memref<!tpu.dma_semaphore, #tpu.memory_space<semaphore_mem>>
      %dma_start3A_423 = tpu.memref_slice %arg9[%add3A_122] : memref<10240xi32, #tpu.memory_space<hbm>> -> memref<128xi32, #tpu.memory_space<hbm>>
      %dma_start3A_424 = tpu.memref_slice %arg9[%add3A_122] : memref<10240xi32, #tpu.memory_space<hbm>> -> memref<128xi32, #tpu.memory_space<hbm>>
      tpu.enqueue_dma source(%dma_start3A_424 : memref<128xi32, #tpu.memory_space<hbm>>) target(%arg18 : memref<128xi32, #tpu.memory_space<vmem>>) target_semaphore(%run_scoped3A_422 : memref<!tpu.dma_semaphore, #tpu.memory_space<semaphore_mem>>)
      %dma_wait3A_425 = tpu.memref_slice %arg9[%add3A_122] : memref<10240xi32, #tpu.memory_space<hbm>> -> memref<128xi32, #tpu.memory_space<hbm>>
      %dma_wait3A_426 = tpu.memref_slice %arg9[%add3A_122] : memref<10240xi32, #tpu.memory_space<hbm>> -> memref<128xi32, #tpu.memory_space<hbm>>
      tpu.wait_dma2 semaphore(%run_scoped3A_422 : memref<!tpu.dma_semaphore, #tpu.memory_space<semaphore_mem>>) src(%dma_wait3A_426 : memref<128xi32, #tpu.memory_space<hbm>>) dst(%arg18 : memref<128xi32, #tpu.memory_space<vmem>>)
      tpu.yield
    }) : () -> ()
    %dma_start3A_123 = arith.constant 0 : i32
    %dma_start3A_124 = arith.constant 0 : i32
    %dma_start3A_125 = tpu.memref_slice %arg23[%dma_start3A_123, %dma_start3A_124] : memref<10240x128xf32, #tpu.memory_space<vmem_shared>> -> memref<10240x128xf32, #tpu.memory_space<vmem_shared>>
    tpu.enqueue_indirect_dma source(%dma_start3A_125 : memref<10240x128xf32, #tpu.memory_space<vmem_shared>>) target(%arg19 : memref<128x128xf32, #tpu.memory_space<vmem>>) offsets(%arg18 : memref<128xi32, #tpu.memory_space<vmem>>) semaphore(%arg24 : memref<!tpu.dma_semaphore, #tpu.memory_space<semaphore_mem>>)
    %dma_wait3A_126 = arith.constant 0 : i32
    %dma_wait3A_127 = arith.constant 0 : i32
    %dma_wait3A_128 = tpu.memref_slice %arg23[%dma_wait3A_126, %dma_wait3A_127] : memref<10240x128xf32, #tpu.memory_space<vmem_shared>> -> memref<10240x128xf32, #tpu.memory_space<vmem_shared>>
    tpu.wait_indirect_dma semaphore(%arg24 : memref<!tpu.dma_semaphore, #tpu.memory_space<semaphore_mem>>) src(%dma_wait3A_128 : memref<10240x128xf32, #tpu.memory_space<vmem_shared>>) dst(%arg19 : memref<128x128xf32, #tpu.memory_space<vmem>>)
    %add3A_129 = arith.constant 0 : i32
    %add3A_130 = arith.addi %mul3A_0, %add3A_129 : i32
    %run_scoped3A_131 = arith.constant 1 : i32
    "tpu.region"() ({
      %run_scoped3A_422 = tpu.sem_alloc : memref<!tpu.dma_semaphore, #tpu.memory_space<semaphore_mem>>
      %dma_start3A_423 = arith.constant 0 : i32
      %dma_start3A_424 = arith.constant 0 : i32
      %dma_start3A_425 = tpu.memref_slice %arg12[%arg0, %run_scoped3A_131, %dma_start3A_423, %dma_start3A_424] : memref<2x4x10240x128xf32, #tpu.memory_space<hbm>> -> memref<1x1x10240x128xf32, #tpu.memory_space<hbm>>
      %dma_start3A_426 = tpu.memref_squeeze %dma_start3A_425 : memref<1x1x10240x128xf32, #tpu.memory_space<hbm>> -> memref<10240x128xf32, #tpu.memory_space<hbm>>
      %dma_start3A_427 = arith.constant 0 : i32
      %dma_start3A_428 = tpu.memref_slice %dma_start3A_426[%add3A_130, %dma_start3A_427] : memref<10240x128xf32, #tpu.memory_space<hbm>> -> memref<128x128xf32, #tpu.memory_space<hbm>>
      %dma_start3A_429 = arith.constant 0 : i32
      %dma_start3A_430 = arith.constant 0 : i32
      %dma_start3A_431 = tpu.memref_slice %arg12[%arg0, %run_scoped3A_131, %dma_start3A_429, %dma_start3A_430] : memref<2x4x10240x128xf32, #tpu.memory_space<hbm>> -> memref<1x1x10240x128xf32, #tpu.memory_space<hbm>>
      %dma_start3A_432 = tpu.memref_squeeze %dma_start3A_431 : memref<1x1x10240x128xf32, #tpu.memory_space<hbm>> -> memref<10240x128xf32, #tpu.memory_space<hbm>>
      %dma_start3A_433 = arith.constant 0 : i32
      %dma_start3A_434 = tpu.memref_slice %dma_start3A_432[%add3A_130, %dma_start3A_433] : memref<10240x128xf32, #tpu.memory_space<hbm>> -> memref<128x128xf32, #tpu.memory_space<hbm>>
      tpu.enqueue_dma source(%arg19 : memref<128x128xf32, #tpu.memory_space<vmem>>) target(%dma_start3A_434 : memref<128x128xf32, #tpu.memory_space<hbm>>) target_semaphore(%run_scoped3A_422 : memref<!tpu.dma_semaphore, #tpu.memory_space<semaphore_mem>>)
      %dma_wait3A_435 = arith.constant 0 : i32
      %dma_wait3A_436 = arith.constant 0 : i32
      %dma_wait3A_437 = tpu.memref_slice %arg12[%arg0, %run_scoped3A_131, %dma_wait3A_435, %dma_wait3A_436] : memref<2x4x10240x128xf32, #tpu.memory_space<hbm>> -> memref<1x1x10240x128xf32, #tpu.memory_space<hbm>>
      %dma_wait3A_438 = tpu.memref_squeeze %dma_wait3A_437 : memref<1x1x10240x128xf32, #tpu.memory_space<hbm>> -> memref<10240x128xf32, #tpu.memory_space<hbm>>
      %dma_wait3A_439 = arith.constant 0 : i32
      %dma_wait3A_440 = tpu.memref_slice %dma_wait3A_438[%add3A_130, %dma_wait3A_439] : memref<10240x128xf32, #tpu.memory_space<hbm>> -> memref<128x128xf32, #tpu.memory_space<hbm>>
      %dma_wait3A_441 = arith.constant 0 : i32
      %dma_wait3A_442 = arith.constant 0 : i32
      %dma_wait3A_443 = tpu.memref_slice %arg12[%arg0, %run_scoped3A_131, %dma_wait3A_441, %dma_wait3A_442] : memref<2x4x10240x128xf32, #tpu.memory_space<hbm>> -> memref<1x1x10240x128xf32, #tpu.memory_space<hbm>>
      %dma_wait3A_444 = tpu.memref_squeeze %dma_wait3A_443 : memref<1x1x10240x128xf32, #tpu.memory_space<hbm>> -> memref<10240x128xf32, #tpu.memory_space<hbm>>
      %dma_wait3A_445 = arith.constant 0 : i32
      %dma_wait3A_446 = tpu.memref_slice %dma_wait3A_444[%add3A_130, %dma_wait3A_445] : memref<10240x128xf32, #tpu.memory_space<hbm>> -> memref<128x128xf32, #tpu.memory_space<hbm>>
      tpu.wait_dma2 semaphore(%run_scoped3A_422 : memref<!tpu.dma_semaphore, #tpu.memory_space<semaphore_mem>>) src(%arg19 : memref<128x128xf32, #tpu.memory_space<vmem>>) dst(%dma_wait3A_446 : memref<128x128xf32, #tpu.memory_space<hbm>>)
      tpu.yield
    }) : () -> ()
    %add3A_132 = arith.constant 128 : i32
    %add3A_133 = arith.addi %mul3A_0, %add3A_132 : i32
    "tpu.region"() ({
      %run_scoped3A_422 = tpu.sem_alloc : memref<!tpu.dma_semaphore, #tpu.memory_space<semaphore_mem>>
      %dma_start3A_423 = tpu.memref_slice %arg9[%add3A_133] : memref<10240xi32, #tpu.memory_space<hbm>> -> memref<128xi32, #tpu.memory_space<hbm>>
      %dma_start3A_424 = tpu.memref_slice %arg9[%add3A_133] : memref<10240xi32, #tpu.memory_space<hbm>> -> memref<128xi32, #tpu.memory_space<hbm>>
      tpu.enqueue_dma source(%dma_start3A_424 : memref<128xi32, #tpu.memory_space<hbm>>) target(%arg18 : memref<128xi32, #tpu.memory_space<vmem>>) target_semaphore(%run_scoped3A_422 : memref<!tpu.dma_semaphore, #tpu.memory_space<semaphore_mem>>)
      %dma_wait3A_425 = tpu.memref_slice %arg9[%add3A_133] : memref<10240xi32, #tpu.memory_space<hbm>> -> memref<128xi32, #tpu.memory_space<hbm>>
      %dma_wait3A_426 = tpu.memref_slice %arg9[%add3A_133] : memref<10240xi32, #tpu.memory_space<hbm>> -> memref<128xi32, #tpu.memory_space<hbm>>
      tpu.wait_dma2 semaphore(%run_scoped3A_422 : memref<!tpu.dma_semaphore, #tpu.memory_space<semaphore_mem>>) src(%dma_wait3A_426 : memref<128xi32, #tpu.memory_space<hbm>>) dst(%arg18 : memref<128xi32, #tpu.memory_space<vmem>>)
      tpu.yield
    }) : () -> ()
    %dma_start3A_134 = arith.constant 0 : i32
    %dma_start3A_135 = arith.constant 0 : i32
    %dma_start3A_136 = tpu.memref_slice %arg23[%dma_start3A_134, %dma_start3A_135] : memref<10240x128xf32, #tpu.memory_space<vmem_shared>> -> memref<10240x128xf32, #tpu.memory_space<vmem_shared>>
    tpu.enqueue_indirect_dma source(%dma_start3A_136 : memref<10240x128xf32, #tpu.memory_space<vmem_shared>>) target(%arg19 : memref<128x128xf32, #tpu.memory_space<vmem>>) offsets(%arg18 : memref<128xi32, #tpu.memory_space<vmem>>) semaphore(%arg24 : memref<!tpu.dma_semaphore, #tpu.memory_space<semaphore_mem>>)
    %dma_wait3A_137 = arith.constant 0 : i32
    %dma_wait3A_138 = arith.constant 0 : i32
    %dma_wait3A_139 = tpu.memref_slice %arg23[%dma_wait3A_137, %dma_wait3A_138] : memref<10240x128xf32, #tpu.memory_space<vmem_shared>> -> memref<10240x128xf32, #tpu.memory_space<vmem_shared>>
    tpu.wait_indirect_dma semaphore(%arg24 : memref<!tpu.dma_semaphore, #tpu.memory_space<semaphore_mem>>) src(%dma_wait3A_139 : memref<10240x128xf32, #tpu.memory_space<vmem_shared>>) dst(%arg19 : memref<128x128xf32, #tpu.memory_space<vmem>>)
    %add3A_140 = arith.constant 128 : i32
    %add3A_141 = arith.addi %mul3A_0, %add3A_140 : i32
    %run_scoped3A_142 = arith.constant 1 : i32
    "tpu.region"() ({
      %run_scoped3A_422 = tpu.sem_alloc : memref<!tpu.dma_semaphore, #tpu.memory_space<semaphore_mem>>
      %dma_start3A_423 = arith.constant 0 : i32
      %dma_start3A_424 = arith.constant 0 : i32
      %dma_start3A_425 = tpu.memref_slice %arg12[%arg0, %run_scoped3A_142, %dma_start3A_423, %dma_start3A_424] : memref<2x4x10240x128xf32, #tpu.memory_space<hbm>> -> memref<1x1x10240x128xf32, #tpu.memory_space<hbm>>
      %dma_start3A_426 = tpu.memref_squeeze %dma_start3A_425 : memref<1x1x10240x128xf32, #tpu.memory_space<hbm>> -> memref<10240x128xf32, #tpu.memory_space<hbm>>
      %dma_start3A_427 = arith.constant 0 : i32
      %dma_start3A_428 = tpu.memref_slice %dma_start3A_426[%add3A_141, %dma_start3A_427] : memref<10240x128xf32, #tpu.memory_space<hbm>> -> memref<128x128xf32, #tpu.memory_space<hbm>>
      %dma_start3A_429 = arith.constant 0 : i32
      %dma_start3A_430 = arith.constant 0 : i32
      %dma_start3A_431 = tpu.memref_slice %arg12[%arg0, %run_scoped3A_142, %dma_start3A_429, %dma_start3A_430] : memref<2x4x10240x128xf32, #tpu.memory_space<hbm>> -> memref<1x1x10240x128xf32, #tpu.memory_space<hbm>>
      %dma_start3A_432 = tpu.memref_squeeze %dma_start3A_431 : memref<1x1x10240x128xf32, #tpu.memory_space<hbm>> -> memref<10240x128xf32, #tpu.memory_space<hbm>>
      %dma_start3A_433 = arith.constant 0 : i32
      %dma_start3A_434 = tpu.memref_slice %dma_start3A_432[%add3A_141, %dma_start3A_433] : memref<10240x128xf32, #tpu.memory_space<hbm>> -> memref<128x128xf32, #tpu.memory_space<hbm>>
      tpu.enqueue_dma source(%arg19 : memref<128x128xf32, #tpu.memory_space<vmem>>) target(%dma_start3A_434 : memref<128x128xf32, #tpu.memory_space<hbm>>) target_semaphore(%run_scoped3A_422 : memref<!tpu.dma_semaphore, #tpu.memory_space<semaphore_mem>>)
      %dma_wait3A_435 = arith.constant 0 : i32
      %dma_wait3A_436 = arith.constant 0 : i32
      %dma_wait3A_437 = tpu.memref_slice %arg12[%arg0, %run_scoped3A_142, %dma_wait3A_435, %dma_wait3A_436] : memref<2x4x10240x128xf32, #tpu.memory_space<hbm>> -> memref<1x1x10240x128xf32, #tpu.memory_space<hbm>>
      %dma_wait3A_438 = tpu.memref_squeeze %dma_wait3A_437 : memref<1x1x10240x128xf32, #tpu.memory_space<hbm>> -> memref<10240x128xf32, #tpu.memory_space<hbm>>
      %dma_wait3A_439 = arith.constant 0 : i32
      %dma_wait3A_440 = tpu.memref_slice %dma_wait3A_438[%add3A_141, %dma_wait3A_439] : memref<10240x128xf32, #tpu.memory_space<hbm>> -> memref<128x128xf32, #tpu.memory_space<hbm>>
      %dma_wait3A_441 = arith.constant 0 : i32
      %dma_wait3A_442 = arith.constant 0 : i32
      %dma_wait3A_443 = tpu.memref_slice %arg12[%arg0, %run_scoped3A_142, %dma_wait3A_441, %dma_wait3A_442] : memref<2x4x10240x128xf32, #tpu.memory_space<hbm>> -> memref<1x1x10240x128xf32, #tpu.memory_space<hbm>>
      %dma_wait3A_444 = tpu.memref_squeeze %dma_wait3A_443 : memref<1x1x10240x128xf32, #tpu.memory_space<hbm>> -> memref<10240x128xf32, #tpu.memory_space<hbm>>
      %dma_wait3A_445 = arith.constant 0 : i32
      %dma_wait3A_446 = tpu.memref_slice %dma_wait3A_444[%add3A_141, %dma_wait3A_445] : memref<10240x128xf32, #tpu.memory_space<hbm>> -> memref<128x128xf32, #tpu.memory_space<hbm>>
      tpu.wait_dma2 semaphore(%run_scoped3A_422 : memref<!tpu.dma_semaphore, #tpu.memory_space<semaphore_mem>>) src(%arg19 : memref<128x128xf32, #tpu.memory_space<vmem>>) dst(%dma_wait3A_446 : memref<128x128xf32, #tpu.memory_space<hbm>>)
      tpu.yield
    }) : () -> ()
    %add3A_143 = arith.constant 256 : i32
    %add3A_144 = arith.addi %mul3A_0, %add3A_143 : i32
    "tpu.region"() ({
      %run_scoped3A_422 = tpu.sem_alloc : memref<!tpu.dma_semaphore, #tpu.memory_space<semaphore_mem>>
      %dma_start3A_423 = tpu.memref_slice %arg9[%add3A_144] : memref<10240xi32, #tpu.memory_space<hbm>> -> memref<128xi32, #tpu.memory_space<hbm>>
      %dma_start3A_424 = tpu.memref_slice %arg9[%add3A_144] : memref<10240xi32, #tpu.memory_space<hbm>> -> memref<128xi32, #tpu.memory_space<hbm>>
      tpu.enqueue_dma source(%dma_start3A_424 : memref<128xi32, #tpu.memory_space<hbm>>) target(%arg18 : memref<128xi32, #tpu.memory_space<vmem>>) target_semaphore(%run_scoped3A_422 : memref<!tpu.dma_semaphore, #tpu.memory_space<semaphore_mem>>)
      %dma_wait3A_425 = tpu.memref_slice %arg9[%add3A_144] : memref<10240xi32, #tpu.memory_space<hbm>> -> memref<128xi32, #tpu.memory_space<hbm>>
      %dma_wait3A_426 = tpu.memref_slice %arg9[%add3A_144] : memref<10240xi32, #tpu.memory_space<hbm>> -> memref<128xi32, #tpu.memory_space<hbm>>
      tpu.wait_dma2 semaphore(%run_scoped3A_422 : memref<!tpu.dma_semaphore, #tpu.memory_space<semaphore_mem>>) src(%dma_wait3A_426 : memref<128xi32, #tpu.memory_space<hbm>>) dst(%arg18 : memref<128xi32, #tpu.memory_space<vmem>>)
      tpu.yield
    }) : () -> ()
    %dma_start3A_145 = arith.constant 0 : i32
    %dma_start3A_146 = arith.constant 0 : i32
    %dma_start3A_147 = tpu.memref_slice %arg23[%dma_start3A_145, %dma_start3A_146] : memref<10240x128xf32, #tpu.memory_space<vmem_shared>> -> memref<10240x128xf32, #tpu.memory_space<vmem_shared>>
    tpu.enqueue_indirect_dma source(%dma_start3A_147 : memref<10240x128xf32, #tpu.memory_space<vmem_shared>>) target(%arg19 : memref<128x128xf32, #tpu.memory_space<vmem>>) offsets(%arg18 : memref<128xi32, #tpu.memory_space<vmem>>) semaphore(%arg24 : memref<!tpu.dma_semaphore, #tpu.memory_space<semaphore_mem>>)
    %dma_wait3A_148 = arith.constant 0 : i32
    %dma_wait3A_149 = arith.constant 0 : i32
    %dma_wait3A_150 = tpu.memref_slice %arg23[%dma_wait3A_148, %dma_wait3A_149] : memref<10240x128xf32, #tpu.memory_space<vmem_shared>> -> memref<10240x128xf32, #tpu.memory_space<vmem_shared>>
    tpu.wait_indirect_dma semaphore(%arg24 : memref<!tpu.dma_semaphore, #tpu.memory_space<semaphore_mem>>) src(%dma_wait3A_150 : memref<10240x128xf32, #tpu.memory_space<vmem_shared>>) dst(%arg19 : memref<128x128xf32, #tpu.memory_space<vmem>>)
    %add3A_151 = arith.constant 256 : i32
    %add3A_152 = arith.addi %mul3A_0, %add3A_151 : i32
    %run_scoped3A_153 = arith.constant 1 : i32
    "tpu.region"() ({
      %run_scoped3A_422 = tpu.sem_alloc : memref<!tpu.dma_semaphore, #tpu.memory_space<semaphore_mem>>
      %dma_start3A_423 = arith.constant 0 : i32
      %dma_start3A_424 = arith.constant 0 : i32
      %dma_start3A_425 = tpu.memref_slice %arg12[%arg0, %run_scoped3A_153, %dma_start3A_423, %dma_start3A_424] : memref<2x4x10240x128xf32, #tpu.memory_space<hbm>> -> memref<1x1x10240x128xf32, #tpu.memory_space<hbm>>
      %dma_start3A_426 = tpu.memref_squeeze %dma_start3A_425 : memref<1x1x10240x128xf32, #tpu.memory_space<hbm>> -> memref<10240x128xf32, #tpu.memory_space<hbm>>
      %dma_start3A_427 = arith.constant 0 : i32
      %dma_start3A_428 = tpu.memref_slice %dma_start3A_426[%add3A_152, %dma_start3A_427] : memref<10240x128xf32, #tpu.memory_space<hbm>> -> memref<128x128xf32, #tpu.memory_space<hbm>>
      %dma_start3A_429 = arith.constant 0 : i32
      %dma_start3A_430 = arith.constant 0 : i32
      %dma_start3A_431 = tpu.memref_slice %arg12[%arg0, %run_scoped3A_153, %dma_start3A_429, %dma_start3A_430] : memref<2x4x10240x128xf32, #tpu.memory_space<hbm>> -> memref<1x1x10240x128xf32, #tpu.memory_space<hbm>>
      %dma_start3A_432 = tpu.memref_squeeze %dma_start3A_431 : memref<1x1x10240x128xf32, #tpu.memory_space<hbm>> -> memref<10240x128xf32, #tpu.memory_space<hbm>>
      %dma_start3A_433 = arith.constant 0 : i32
      %dma_start3A_434 = tpu.memref_slice %dma_start3A_432[%add3A_152, %dma_start3A_433] : memref<10240x128xf32, #tpu.memory_space<hbm>> -> memref<128x128xf32, #tpu.memory_space<hbm>>
      tpu.enqueue_dma source(%arg19 : memref<128x128xf32, #tpu.memory_space<vmem>>) target(%dma_start3A_434 : memref<128x128xf32, #tpu.memory_space<hbm>>) target_semaphore(%run_scoped3A_422 : memref<!tpu.dma_semaphore, #tpu.memory_space<semaphore_mem>>)
      %dma_wait3A_435 = arith.constant 0 : i32
      %dma_wait3A_436 = arith.constant 0 : i32
      %dma_wait3A_437 = tpu.memref_slice %arg12[%arg0, %run_scoped3A_153, %dma_wait3A_435, %dma_wait3A_436] : memref<2x4x10240x128xf32, #tpu.memory_space<hbm>> -> memref<1x1x10240x128xf32, #tpu.memory_space<hbm>>
      %dma_wait3A_438 = tpu.memref_squeeze %dma_wait3A_437 : memref<1x1x10240x128xf32, #tpu.memory_space<hbm>> -> memref<10240x128xf32, #tpu.memory_space<hbm>>
      %dma_wait3A_439 = arith.constant 0 : i32
      %dma_wait3A_440 = tpu.memref_slice %dma_wait3A_438[%add3A_152, %dma_wait3A_439] : memref<10240x128xf32, #tpu.memory_space<hbm>> -> memref<128x128xf32, #tpu.memory_space<hbm>>
      %dma_wait3A_441 = arith.constant 0 : i32
      %dma_wait3A_442 = arith.constant 0 : i32
      %dma_wait3A_443 = tpu.memref_slice %arg12[%arg0, %run_scoped3A_153, %dma_wait3A_441, %dma_wait3A_442] : memref<2x4x10240x128xf32, #tpu.memory_space<hbm>> -> memref<1x1x10240x128xf32, #tpu.memory_space<hbm>>
      %dma_wait3A_444 = tpu.memref_squeeze %dma_wait3A_443 : memref<1x1x10240x128xf32, #tpu.memory_space<hbm>> -> memref<10240x128xf32, #tpu.memory_space<hbm>>
      %dma_wait3A_445 = arith.constant 0 : i32
      %dma_wait3A_446 = tpu.memref_slice %dma_wait3A_444[%add3A_152, %dma_wait3A_445] : memref<10240x128xf32, #tpu.memory_space<hbm>> -> memref<128x128xf32, #tpu.memory_space<hbm>>
      tpu.wait_dma2 semaphore(%run_scoped3A_422 : memref<!tpu.dma_semaphore, #tpu.memory_space<semaphore_mem>>) src(%arg19 : memref<128x128xf32, #tpu.memory_space<vmem>>) dst(%dma_wait3A_446 : memref<128x128xf32, #tpu.memory_space<hbm>>)
      tpu.yield
    }) : () -> ()
    %add3A_154 = arith.constant 384 : i32
    %add3A_155 = arith.addi %mul3A_0, %add3A_154 : i32
    "tpu.region"() ({
      %run_scoped3A_422 = tpu.sem_alloc : memref<!tpu.dma_semaphore, #tpu.memory_space<semaphore_mem>>
      %dma_start3A_423 = tpu.memref_slice %arg9[%add3A_155] : memref<10240xi32, #tpu.memory_space<hbm>> -> memref<128xi32, #tpu.memory_space<hbm>>
      %dma_start3A_424 = tpu.memref_slice %arg9[%add3A_155] : memref<10240xi32, #tpu.memory_space<hbm>> -> memref<128xi32, #tpu.memory_space<hbm>>
      tpu.enqueue_dma source(%dma_start3A_424 : memref<128xi32, #tpu.memory_space<hbm>>) target(%arg18 : memref<128xi32, #tpu.memory_space<vmem>>) target_semaphore(%run_scoped3A_422 : memref<!tpu.dma_semaphore, #tpu.memory_space<semaphore_mem>>)
      %dma_wait3A_425 = tpu.memref_slice %arg9[%add3A_155] : memref<10240xi32, #tpu.memory_space<hbm>> -> memref<128xi32, #tpu.memory_space<hbm>>
      %dma_wait3A_426 = tpu.memref_slice %arg9[%add3A_155] : memref<10240xi32, #tpu.memory_space<hbm>> -> memref<128xi32, #tpu.memory_space<hbm>>
      tpu.wait_dma2 semaphore(%run_scoped3A_422 : memref<!tpu.dma_semaphore, #tpu.memory_space<semaphore_mem>>) src(%dma_wait3A_426 : memref<128xi32, #tpu.memory_space<hbm>>) dst(%arg18 : memref<128xi32, #tpu.memory_space<vmem>>)
      tpu.yield
    }) : () -> ()
    %dma_start3A_156 = arith.constant 0 : i32
    %dma_start3A_157 = arith.constant 0 : i32
    %dma_start3A_158 = tpu.memref_slice %arg23[%dma_start3A_156, %dma_start3A_157] : memref<10240x128xf32, #tpu.memory_space<vmem_shared>> -> memref<10240x128xf32, #tpu.memory_space<vmem_shared>>
    tpu.enqueue_indirect_dma source(%dma_start3A_158 : memref<10240x128xf32, #tpu.memory_space<vmem_shared>>) target(%arg19 : memref<128x128xf32, #tpu.memory_space<vmem>>) offsets(%arg18 : memref<128xi32, #tpu.memory_space<vmem>>) semaphore(%arg24 : memref<!tpu.dma_semaphore, #tpu.memory_space<semaphore_mem>>)
    %dma_wait3A_159 = arith.constant 0 : i32
    %dma_wait3A_160 = arith.constant 0 : i32
    %dma_wait3A_161 = tpu.memref_slice %arg23[%dma_wait3A_159, %dma_wait3A_160] : memref<10240x128xf32, #tpu.memory_space<vmem_shared>> -> memref<10240x128xf32, #tpu.memory_space<vmem_shared>>
    tpu.wait_indirect_dma semaphore(%arg24 : memref<!tpu.dma_semaphore, #tpu.memory_space<semaphore_mem>>) src(%dma_wait3A_161 : memref<10240x128xf32, #tpu.memory_space<vmem_shared>>) dst(%arg19 : memref<128x128xf32, #tpu.memory_space<vmem>>)
    %add3A_162 = arith.constant 384 : i32
    %add3A_163 = arith.addi %mul3A_0, %add3A_162 : i32
    %run_scoped3A_164 = arith.constant 1 : i32
    "tpu.region"() ({
      %run_scoped3A_422 = tpu.sem_alloc : memref<!tpu.dma_semaphore, #tpu.memory_space<semaphore_mem>>
      %dma_start3A_423 = arith.constant 0 : i32
      %dma_start3A_424 = arith.constant 0 : i32
      %dma_start3A_425 = tpu.memref_slice %arg12[%arg0, %run_scoped3A_164, %dma_start3A_423, %dma_start3A_424] : memref<2x4x10240x128xf32, #tpu.memory_space<hbm>> -> memref<1x1x10240x128xf32, #tpu.memory_space<hbm>>
      %dma_start3A_426 = tpu.memref_squeeze %dma_start3A_425 : memref<1x1x10240x128xf32, #tpu.memory_space<hbm>> -> memref<10240x128xf32, #tpu.memory_space<hbm>>
      %dma_start3A_427 = arith.constant 0 : i32
      %dma_start3A_428 = tpu.memref_slice %dma_start3A_426[%add3A_163, %dma_start3A_427] : memref<10240x128xf32, #tpu.memory_space<hbm>> -> memref<128x128xf32, #tpu.memory_space<hbm>>
      %dma_start3A_429 = arith.constant 0 : i32
      %dma_start3A_430 = arith.constant 0 : i32
      %dma_start3A_431 = tpu.memref_slice %arg12[%arg0, %run_scoped3A_164, %dma_start3A_429, %dma_start3A_430] : memref<2x4x10240x128xf32, #tpu.memory_space<hbm>> -> memref<1x1x10240x128xf32, #tpu.memory_space<hbm>>
      %dma_start3A_432 = tpu.memref_squeeze %dma_start3A_431 : memref<1x1x10240x128xf32, #tpu.memory_space<hbm>> -> memref<10240x128xf32, #tpu.memory_space<hbm>>
      %dma_start3A_433 = arith.constant 0 : i32
      %dma_start3A_434 = tpu.memref_slice %dma_start3A_432[%add3A_163, %dma_start3A_433] : memref<10240x128xf32, #tpu.memory_space<hbm>> -> memref<128x128xf32, #tpu.memory_space<hbm>>
      tpu.enqueue_dma source(%arg19 : memref<128x128xf32, #tpu.memory_space<vmem>>) target(%dma_start3A_434 : memref<128x128xf32, #tpu.memory_space<hbm>>) target_semaphore(%run_scoped3A_422 : memref<!tpu.dma_semaphore, #tpu.memory_space<semaphore_mem>>)
      %dma_wait3A_435 = arith.constant 0 : i32
      %dma_wait3A_436 = arith.constant 0 : i32
      %dma_wait3A_437 = tpu.memref_slice %arg12[%arg0, %run_scoped3A_164, %dma_wait3A_435, %dma_wait3A_436] : memref<2x4x10240x128xf32, #tpu.memory_space<hbm>> -> memref<1x1x10240x128xf32, #tpu.memory_space<hbm>>
      %dma_wait3A_438 = tpu.memref_squeeze %dma_wait3A_437 : memref<1x1x10240x128xf32, #tpu.memory_space<hbm>> -> memref<10240x128xf32, #tpu.memory_space<hbm>>
      %dma_wait3A_439 = arith.constant 0 : i32
      %dma_wait3A_440 = tpu.memref_slice %dma_wait3A_438[%add3A_163, %dma_wait3A_439] : memref<10240x128xf32, #tpu.memory_space<hbm>> -> memref<128x128xf32, #tpu.memory_space<hbm>>
      %dma_wait3A_441 = arith.constant 0 : i32
      %dma_wait3A_442 = arith.constant 0 : i32
      %dma_wait3A_443 = tpu.memref_slice %arg12[%arg0, %run_scoped3A_164, %dma_wait3A_441, %dma_wait3A_442] : memref<2x4x10240x128xf32, #tpu.memory_space<hbm>> -> memref<1x1x10240x128xf32, #tpu.memory_space<hbm>>
      %dma_wait3A_444 = tpu.memref_squeeze %dma_wait3A_443 : memref<1x1x10240x128xf32, #tpu.memory_space<hbm>> -> memref<10240x128xf32, #tpu.memory_space<hbm>>
      %dma_wait3A_445 = arith.constant 0 : i32
      %dma_wait3A_446 = tpu.memref_slice %dma_wait3A_444[%add3A_163, %dma_wait3A_445] : memref<10240x128xf32, #tpu.memory_space<hbm>> -> memref<128x128xf32, #tpu.memory_space<hbm>>
      tpu.wait_dma2 semaphore(%run_scoped3A_422 : memref<!tpu.dma_semaphore, #tpu.memory_space<semaphore_mem>>) src(%arg19 : memref<128x128xf32, #tpu.memory_space<vmem>>) dst(%dma_wait3A_446 : memref<128x128xf32, #tpu.memory_space<hbm>>)
      tpu.yield
    }) : () -> ()
    %add3A_165 = arith.constant 512 : i32
    %add3A_166 = arith.addi %mul3A_0, %add3A_165 : i32
    "tpu.region"() ({
      %run_scoped3A_422 = tpu.sem_alloc : memref<!tpu.dma_semaphore, #tpu.memory_space<semaphore_mem>>
      %dma_start3A_423 = tpu.memref_slice %arg9[%add3A_166] : memref<10240xi32, #tpu.memory_space<hbm>> -> memref<128xi32, #tpu.memory_space<hbm>>
      %dma_start3A_424 = tpu.memref_slice %arg9[%add3A_166] : memref<10240xi32, #tpu.memory_space<hbm>> -> memref<128xi32, #tpu.memory_space<hbm>>
      tpu.enqueue_dma source(%dma_start3A_424 : memref<128xi32, #tpu.memory_space<hbm>>) target(%arg18 : memref<128xi32, #tpu.memory_space<vmem>>) target_semaphore(%run_scoped3A_422 : memref<!tpu.dma_semaphore, #tpu.memory_space<semaphore_mem>>)
      %dma_wait3A_425 = tpu.memref_slice %arg9[%add3A_166] : memref<10240xi32, #tpu.memory_space<hbm>> -> memref<128xi32, #tpu.memory_space<hbm>>
      %dma_wait3A_426 = tpu.memref_slice %arg9[%add3A_166] : memref<10240xi32, #tpu.memory_space<hbm>> -> memref<128xi32, #tpu.memory_space<hbm>>
      tpu.wait_dma2 semaphore(%run_scoped3A_422 : memref<!tpu.dma_semaphore, #tpu.memory_space<semaphore_mem>>) src(%dma_wait3A_426 : memref<128xi32, #tpu.memory_space<hbm>>) dst(%arg18 : memref<128xi32, #tpu.memory_space<vmem>>)
      tpu.yield
    }) : () -> ()
    %dma_start3A_167 = arith.constant 0 : i32
    %dma_start3A_168 = arith.constant 0 : i32
    %dma_start3A_169 = tpu.memref_slice %arg23[%dma_start3A_167, %dma_start3A_168] : memref<10240x128xf32, #tpu.memory_space<vmem_shared>> -> memref<10240x128xf32, #tpu.memory_space<vmem_shared>>
    tpu.enqueue_indirect_dma source(%dma_start3A_169 : memref<10240x128xf32, #tpu.memory_space<vmem_shared>>) target(%arg19 : memref<128x128xf32, #tpu.memory_space<vmem>>) offsets(%arg18 : memref<128xi32, #tpu.memory_space<vmem>>) semaphore(%arg24 : memref<!tpu.dma_semaphore, #tpu.memory_space<semaphore_mem>>)
    %dma_wait3A_170 = arith.constant 0 : i32
    %dma_wait3A_171 = arith.constant 0 : i32
    %dma_wait3A_172 = tpu.memref_slice %arg23[%dma_wait3A_170, %dma_wait3A_171] : memref<10240x128xf32, #tpu.memory_space<vmem_shared>> -> memref<10240x128xf32, #tpu.memory_space<vmem_shared>>
    tpu.wait_indirect_dma semaphore(%arg24 : memref<!tpu.dma_semaphore, #tpu.memory_space<semaphore_mem>>) src(%dma_wait3A_172 : memref<10240x128xf32, #tpu.memory_space<vmem_shared>>) dst(%arg19 : memref<128x128xf32, #tpu.memory_space<vmem>>)
    %add3A_173 = arith.constant 512 : i32
    %add3A_174 = arith.addi %mul3A_0, %add3A_173 : i32
    %run_scoped3A_175 = arith.constant 1 : i32
    "tpu.region"() ({
      %run_scoped3A_422 = tpu.sem_alloc : memref<!tpu.dma_semaphore, #tpu.memory_space<semaphore_mem>>
      %dma_start3A_423 = arith.constant 0 : i32
      %dma_start3A_424 = arith.constant 0 : i32
      %dma_start3A_425 = tpu.memref_slice %arg12[%arg0, %run_scoped3A_175, %dma_start3A_423, %dma_start3A_424] : memref<2x4x10240x128xf32, #tpu.memory_space<hbm>> -> memref<1x1x10240x128xf32, #tpu.memory_space<hbm>>
      %dma_start3A_426 = tpu.memref_squeeze %dma_start3A_425 : memref<1x1x10240x128xf32, #tpu.memory_space<hbm>> -> memref<10240x128xf32, #tpu.memory_space<hbm>>
      %dma_start3A_427 = arith.constant 0 : i32
      %dma_start3A_428 = tpu.memref_slice %dma_start3A_426[%add3A_174, %dma_start3A_427] : memref<10240x128xf32, #tpu.memory_space<hbm>> -> memref<128x128xf32, #tpu.memory_space<hbm>>
      %dma_start3A_429 = arith.constant 0 : i32
      %dma_start3A_430 = arith.constant 0 : i32
      %dma_start3A_431 = tpu.memref_slice %arg12[%arg0, %run_scoped3A_175, %dma_start3A_429, %dma_start3A_430] : memref<2x4x10240x128xf32, #tpu.memory_space<hbm>> -> memref<1x1x10240x128xf32, #tpu.memory_space<hbm>>
      %dma_start3A_432 = tpu.memref_squeeze %dma_start3A_431 : memref<1x1x10240x128xf32, #tpu.memory_space<hbm>> -> memref<10240x128xf32, #tpu.memory_space<hbm>>
      %dma_start3A_433 = arith.constant 0 : i32
      %dma_start3A_434 = tpu.memref_slice %dma_start3A_432[%add3A_174, %dma_start3A_433] : memref<10240x128xf32, #tpu.memory_space<hbm>> -> memref<128x128xf32, #tpu.memory_space<hbm>>
      tpu.enqueue_dma source(%arg19 : memref<128x128xf32, #tpu.memory_space<vmem>>) target(%dma_start3A_434 : memref<128x128xf32, #tpu.memory_space<hbm>>) target_semaphore(%run_scoped3A_422 : memref<!tpu.dma_semaphore, #tpu.memory_space<semaphore_mem>>)
      %dma_wait3A_435 = arith.constant 0 : i32
      %dma_wait3A_436 = arith.constant 0 : i32
      %dma_wait3A_437 = tpu.memref_slice %arg12[%arg0, %run_scoped3A_175, %dma_wait3A_435, %dma_wait3A_436] : memref<2x4x10240x128xf32, #tpu.memory_space<hbm>> -> memref<1x1x10240x128xf32, #tpu.memory_space<hbm>>
      %dma_wait3A_438 = tpu.memref_squeeze %dma_wait3A_437 : memref<1x1x10240x128xf32, #tpu.memory_space<hbm>> -> memref<10240x128xf32, #tpu.memory_space<hbm>>
      %dma_wait3A_439 = arith.constant 0 : i32
      %dma_wait3A_440 = tpu.memref_slice %dma_wait3A_438[%add3A_174, %dma_wait3A_439] : memref<10240x128xf32, #tpu.memory_space<hbm>> -> memref<128x128xf32, #tpu.memory_space<hbm>>
      %dma_wait3A_441 = arith.constant 0 : i32
      %dma_wait3A_442 = arith.constant 0 : i32
      %dma_wait3A_443 = tpu.memref_slice %arg12[%arg0, %run_scoped3A_175, %dma_wait3A_441, %dma_wait3A_442] : memref<2x4x10240x128xf32, #tpu.memory_space<hbm>> -> memref<1x1x10240x128xf32, #tpu.memory_space<hbm>>
      %dma_wait3A_444 = tpu.memref_squeeze %dma_wait3A_443 : memref<1x1x10240x128xf32, #tpu.memory_space<hbm>> -> memref<10240x128xf32, #tpu.memory_space<hbm>>
      %dma_wait3A_445 = arith.constant 0 : i32
      %dma_wait3A_446 = tpu.memref_slice %dma_wait3A_444[%add3A_174, %dma_wait3A_445] : memref<10240x128xf32, #tpu.memory_space<hbm>> -> memref<128x128xf32, #tpu.memory_space<hbm>>
      tpu.wait_dma2 semaphore(%run_scoped3A_422 : memref<!tpu.dma_semaphore, #tpu.memory_space<semaphore_mem>>) src(%arg19 : memref<128x128xf32, #tpu.memory_space<vmem>>) dst(%dma_wait3A_446 : memref<128x128xf32, #tpu.memory_space<hbm>>)
      tpu.yield
    }) : () -> ()
    "tpu.region"() ({
      %run_scoped3A_422 = tpu.sem_alloc : memref<!tpu.dma_semaphore, #tpu.memory_space<semaphore_mem>>
      tpu.enqueue_dma source(%arg11 : memref<128x128xf32, #tpu.memory_space<hbm>>) target(%arg20 : memref<128x128xf32, #tpu.memory_space<vmem>>) target_semaphore(%run_scoped3A_422 : memref<!tpu.dma_semaphore, #tpu.memory_space<semaphore_mem>>)
      tpu.wait_dma2 semaphore(%run_scoped3A_422 : memref<!tpu.dma_semaphore, #tpu.memory_space<semaphore_mem>>) src(%arg11 : memref<128x128xf32, #tpu.memory_space<hbm>>) dst(%arg20 : memref<128x128xf32, #tpu.memory_space<vmem>>)
      tpu.yield
    }) : () -> ()
    %add3A_176 = arith.constant 0 : i32
    %add3A_177 = arith.addi %mul3A_0, %add3A_176 : i32
    "tpu.region"() ({
      %run_scoped3A_422 = tpu.sem_alloc : memref<!tpu.dma_semaphore, #tpu.memory_space<semaphore_mem>>
      %dma_start3A_423 = tpu.memref_slice %arg9[%add3A_177] : memref<10240xi32, #tpu.memory_space<hbm>> -> memref<128xi32, #tpu.memory_space<hbm>>
      %dma_start3A_424 = tpu.memref_slice %arg9[%add3A_177] : memref<10240xi32, #tpu.memory_space<hbm>> -> memref<128xi32, #tpu.memory_space<hbm>>
      tpu.enqueue_dma source(%dma_start3A_424 : memref<128xi32, #tpu.memory_space<hbm>>) target(%arg18 : memref<128xi32, #tpu.memory_space<vmem>>) target_semaphore(%run_scoped3A_422 : memref<!tpu.dma_semaphore, #tpu.memory_space<semaphore_mem>>)
      %dma_wait3A_425 = tpu.memref_slice %arg9[%add3A_177] : memref<10240xi32, #tpu.memory_space<hbm>> -> memref<128xi32, #tpu.memory_space<hbm>>
      %dma_wait3A_426 = tpu.memref_slice %arg9[%add3A_177] : memref<10240xi32, #tpu.memory_space<hbm>> -> memref<128xi32, #tpu.memory_space<hbm>>
      tpu.wait_dma2 semaphore(%run_scoped3A_422 : memref<!tpu.dma_semaphore, #tpu.memory_space<semaphore_mem>>) src(%dma_wait3A_426 : memref<128xi32, #tpu.memory_space<hbm>>) dst(%arg18 : memref<128xi32, #tpu.memory_space<vmem>>)
      tpu.yield
    }) : () -> ()
    "tpu.region"() ({
      %run_scoped3A_422 = tpu.sem_alloc : memref<!tpu.dma_semaphore, #tpu.memory_space<semaphore_mem>>
      %dma_start3A_423 = arith.constant 0 : i32
      %dma_start3A_424 = arith.constant 0 : i32
      %dma_start3A_425 = tpu.memref_slice %arg23[%dma_start3A_423, %dma_start3A_424] : memref<10240x128xf32, #tpu.memory_space<vmem_shared>> -> memref<10240x128xf32, #tpu.memory_space<vmem_shared>>
      tpu.enqueue_indirect_dma source(%arg20 : memref<128x128xf32, #tpu.memory_space<vmem>>) target(%dma_start3A_425 : memref<10240x128xf32, #tpu.memory_space<vmem_shared>>) offsets(%arg18 : memref<128xi32, #tpu.memory_space<vmem>>) semaphore(%run_scoped3A_422 : memref<!tpu.dma_semaphore, #tpu.memory_space<semaphore_mem>>)
      %dma_wait3A_426 = arith.constant 0 : i32
      %dma_wait3A_427 = arith.constant 0 : i32
      %dma_wait3A_428 = tpu.memref_slice %arg23[%dma_wait3A_426, %dma_wait3A_427] : memref<10240x128xf32, #tpu.memory_space<vmem_shared>> -> memref<10240x128xf32, #tpu.memory_space<vmem_shared>>
      tpu.wait_indirect_dma semaphore(%run_scoped3A_422 : memref<!tpu.dma_semaphore, #tpu.memory_space<semaphore_mem>>) src(%arg20 : memref<128x128xf32, #tpu.memory_space<vmem>>) dst(%dma_wait3A_428 : memref<10240x128xf32, #tpu.memory_space<vmem_shared>>)
      tpu.yield
    }) : () -> ()
    %add3A_178 = arith.constant 128 : i32
    %add3A_179 = arith.addi %mul3A_0, %add3A_178 : i32
    "tpu.region"() ({
      %run_scoped3A_422 = tpu.sem_alloc : memref<!tpu.dma_semaphore, #tpu.memory_space<semaphore_mem>>
      %dma_start3A_423 = tpu.memref_slice %arg9[%add3A_179] : memref<10240xi32, #tpu.memory_space<hbm>> -> memref<128xi32, #tpu.memory_space<hbm>>
      %dma_start3A_424 = tpu.memref_slice %arg9[%add3A_179] : memref<10240xi32, #tpu.memory_space<hbm>> -> memref<128xi32, #tpu.memory_space<hbm>>
      tpu.enqueue_dma source(%dma_start3A_424 : memref<128xi32, #tpu.memory_space<hbm>>) target(%arg18 : memref<128xi32, #tpu.memory_space<vmem>>) target_semaphore(%run_scoped3A_422 : memref<!tpu.dma_semaphore, #tpu.memory_space<semaphore_mem>>)
      %dma_wait3A_425 = tpu.memref_slice %arg9[%add3A_179] : memref<10240xi32, #tpu.memory_space<hbm>> -> memref<128xi32, #tpu.memory_space<hbm>>
      %dma_wait3A_426 = tpu.memref_slice %arg9[%add3A_179] : memref<10240xi32, #tpu.memory_space<hbm>> -> memref<128xi32, #tpu.memory_space<hbm>>
      tpu.wait_dma2 semaphore(%run_scoped3A_422 : memref<!tpu.dma_semaphore, #tpu.memory_space<semaphore_mem>>) src(%dma_wait3A_426 : memref<128xi32, #tpu.memory_space<hbm>>) dst(%arg18 : memref<128xi32, #tpu.memory_space<vmem>>)
      tpu.yield
    }) : () -> ()
    "tpu.region"() ({
      %run_scoped3A_422 = tpu.sem_alloc : memref<!tpu.dma_semaphore, #tpu.memory_space<semaphore_mem>>
      %dma_start3A_423 = arith.constant 0 : i32
      %dma_start3A_424 = arith.constant 0 : i32
      %dma_start3A_425 = tpu.memref_slice %arg23[%dma_start3A_423, %dma_start3A_424] : memref<10240x128xf32, #tpu.memory_space<vmem_shared>> -> memref<10240x128xf32, #tpu.memory_space<vmem_shared>>
      tpu.enqueue_indirect_dma source(%arg20 : memref<128x128xf32, #tpu.memory_space<vmem>>) target(%dma_start3A_425 : memref<10240x128xf32, #tpu.memory_space<vmem_shared>>) offsets(%arg18 : memref<128xi32, #tpu.memory_space<vmem>>) semaphore(%run_scoped3A_422 : memref<!tpu.dma_semaphore, #tpu.memory_space<semaphore_mem>>)
      %dma_wait3A_426 = arith.constant 0 : i32
      %dma_wait3A_427 = arith.constant 0 : i32
      %dma_wait3A_428 = tpu.memref_slice %arg23[%dma_wait3A_426, %dma_wait3A_427] : memref<10240x128xf32, #tpu.memory_space<vmem_shared>> -> memref<10240x128xf32, #tpu.memory_space<vmem_shared>>
      tpu.wait_indirect_dma semaphore(%run_scoped3A_422 : memref<!tpu.dma_semaphore, #tpu.memory_space<semaphore_mem>>) src(%arg20 : memref<128x128xf32, #tpu.memory_space<vmem>>) dst(%dma_wait3A_428 : memref<10240x128xf32, #tpu.memory_space<vmem_shared>>)
      tpu.yield
    }) : () -> ()
    %add3A_180 = arith.constant 256 : i32
    %add3A_181 = arith.addi %mul3A_0, %add3A_180 : i32
    "tpu.region"() ({
      %run_scoped3A_422 = tpu.sem_alloc : memref<!tpu.dma_semaphore, #tpu.memory_space<semaphore_mem>>
      %dma_start3A_423 = tpu.memref_slice %arg9[%add3A_181] : memref<10240xi32, #tpu.memory_space<hbm>> -> memref<128xi32, #tpu.memory_space<hbm>>
      %dma_start3A_424 = tpu.memref_slice %arg9[%add3A_181] : memref<10240xi32, #tpu.memory_space<hbm>> -> memref<128xi32, #tpu.memory_space<hbm>>
      tpu.enqueue_dma source(%dma_start3A_424 : memref<128xi32, #tpu.memory_space<hbm>>) target(%arg18 : memref<128xi32, #tpu.memory_space<vmem>>) target_semaphore(%run_scoped3A_422 : memref<!tpu.dma_semaphore, #tpu.memory_space<semaphore_mem>>)
      %dma_wait3A_425 = tpu.memref_slice %arg9[%add3A_181] : memref<10240xi32, #tpu.memory_space<hbm>> -> memref<128xi32, #tpu.memory_space<hbm>>
      %dma_wait3A_426 = tpu.memref_slice %arg9[%add3A_181] : memref<10240xi32, #tpu.memory_space<hbm>> -> memref<128xi32, #tpu.memory_space<hbm>>
      tpu.wait_dma2 semaphore(%run_scoped3A_422 : memref<!tpu.dma_semaphore, #tpu.memory_space<semaphore_mem>>) src(%dma_wait3A_426 : memref<128xi32, #tpu.memory_space<hbm>>) dst(%arg18 : memref<128xi32, #tpu.memory_space<vmem>>)
      tpu.yield
    }) : () -> ()
    "tpu.region"() ({
      %run_scoped3A_422 = tpu.sem_alloc : memref<!tpu.dma_semaphore, #tpu.memory_space<semaphore_mem>>
      %dma_start3A_423 = arith.constant 0 : i32
      %dma_start3A_424 = arith.constant 0 : i32
      %dma_start3A_425 = tpu.memref_slice %arg23[%dma_start3A_423, %dma_start3A_424] : memref<10240x128xf32, #tpu.memory_space<vmem_shared>> -> memref<10240x128xf32, #tpu.memory_space<vmem_shared>>
      tpu.enqueue_indirect_dma source(%arg20 : memref<128x128xf32, #tpu.memory_space<vmem>>) target(%dma_start3A_425 : memref<10240x128xf32, #tpu.memory_space<vmem_shared>>) offsets(%arg18 : memref<128xi32, #tpu.memory_space<vmem>>) semaphore(%run_scoped3A_422 : memref<!tpu.dma_semaphore, #tpu.memory_space<semaphore_mem>>)
      %dma_wait3A_426 = arith.constant 0 : i32
      %dma_wait3A_427 = arith.constant 0 : i32
      %dma_wait3A_428 = tpu.memref_slice %arg23[%dma_wait3A_426, %dma_wait3A_427] : memref<10240x128xf32, #tpu.memory_space<vmem_shared>> -> memref<10240x128xf32, #tpu.memory_space<vmem_shared>>
      tpu.wait_indirect_dma semaphore(%run_scoped3A_422 : memref<!tpu.dma_semaphore, #tpu.memory_space<semaphore_mem>>) src(%arg20 : memref<128x128xf32, #tpu.memory_space<vmem>>) dst(%dma_wait3A_428 : memref<10240x128xf32, #tpu.memory_space<vmem_shared>>)
      tpu.yield
    }) : () -> ()
    %add3A_182 = arith.constant 384 : i32
    %add3A_183 = arith.addi %mul3A_0, %add3A_182 : i32
    "tpu.region"() ({
      %run_scoped3A_422 = tpu.sem_alloc : memref<!tpu.dma_semaphore, #tpu.memory_space<semaphore_mem>>
      %dma_start3A_423 = tpu.memref_slice %arg9[%add3A_183] : memref<10240xi32, #tpu.memory_space<hbm>> -> memref<128xi32, #tpu.memory_space<hbm>>
      %dma_start3A_424 = tpu.memref_slice %arg9[%add3A_183] : memref<10240xi32, #tpu.memory_space<hbm>> -> memref<128xi32, #tpu.memory_space<hbm>>
      tpu.enqueue_dma source(%dma_start3A_424 : memref<128xi32, #tpu.memory_space<hbm>>) target(%arg18 : memref<128xi32, #tpu.memory_space<vmem>>) target_semaphore(%run_scoped3A_422 : memref<!tpu.dma_semaphore, #tpu.memory_space<semaphore_mem>>)
      %dma_wait3A_425 = tpu.memref_slice %arg9[%add3A_183] : memref<10240xi32, #tpu.memory_space<hbm>> -> memref<128xi32, #tpu.memory_space<hbm>>
      %dma_wait3A_426 = tpu.memref_slice %arg9[%add3A_183] : memref<10240xi32, #tpu.memory_space<hbm>> -> memref<128xi32, #tpu.memory_space<hbm>>
      tpu.wait_dma2 semaphore(%run_scoped3A_422 : memref<!tpu.dma_semaphore, #tpu.memory_space<semaphore_mem>>) src(%dma_wait3A_426 : memref<128xi32, #tpu.memory_space<hbm>>) dst(%arg18 : memref<128xi32, #tpu.memory_space<vmem>>)
      tpu.yield
    }) : () -> ()
    "tpu.region"() ({
      %run_scoped3A_422 = tpu.sem_alloc : memref<!tpu.dma_semaphore, #tpu.memory_space<semaphore_mem>>
      %dma_start3A_423 = arith.constant 0 : i32
      %dma_start3A_424 = arith.constant 0 : i32
      %dma_start3A_425 = tpu.memref_slice %arg23[%dma_start3A_423, %dma_start3A_424] : memref<10240x128xf32, #tpu.memory_space<vmem_shared>> -> memref<10240x128xf32, #tpu.memory_space<vmem_shared>>
      tpu.enqueue_indirect_dma source(%arg20 : memref<128x128xf32, #tpu.memory_space<vmem>>) target(%dma_start3A_425 : memref<10240x128xf32, #tpu.memory_space<vmem_shared>>) offsets(%arg18 : memref<128xi32, #tpu.memory_space<vmem>>) semaphore(%run_scoped3A_422 : memref<!tpu.dma_semaphore, #tpu.memory_space<semaphore_mem>>)
      %dma_wait3A_426 = arith.constant 0 : i32
      %dma_wait3A_427 = arith.constant 0 : i32
      %dma_wait3A_428 = tpu.memref_slice %arg23[%dma_wait3A_426, %dma_wait3A_427] : memref<10240x128xf32, #tpu.memory_space<vmem_shared>> -> memref<10240x128xf32, #tpu.memory_space<vmem_shared>>
      tpu.wait_indirect_dma semaphore(%run_scoped3A_422 : memref<!tpu.dma_semaphore, #tpu.memory_space<semaphore_mem>>) src(%arg20 : memref<128x128xf32, #tpu.memory_space<vmem>>) dst(%dma_wait3A_428 : memref<10240x128xf32, #tpu.memory_space<vmem_shared>>)
      tpu.yield
    }) : () -> ()
    %add3A_184 = arith.constant 512 : i32
    %add3A_185 = arith.addi %mul3A_0, %add3A_184 : i32
    "tpu.region"() ({
      %run_scoped3A_422 = tpu.sem_alloc : memref<!tpu.dma_semaphore, #tpu.memory_space<semaphore_mem>>
      %dma_start3A_423 = tpu.memref_slice %arg9[%add3A_185] : memref<10240xi32, #tpu.memory_space<hbm>> -> memref<128xi32, #tpu.memory_space<hbm>>
      %dma_start3A_424 = tpu.memref_slice %arg9[%add3A_185] : memref<10240xi32, #tpu.memory_space<hbm>> -> memref<128xi32, #tpu.memory_space<hbm>>
      tpu.enqueue_dma source(%dma_start3A_424 : memref<128xi32, #tpu.memory_space<hbm>>) target(%arg18 : memref<128xi32, #tpu.memory_space<vmem>>) target_semaphore(%run_scoped3A_422 : memref<!tpu.dma_semaphore, #tpu.memory_space<semaphore_mem>>)
      %dma_wait3A_425 = tpu.memref_slice %arg9[%add3A_185] : memref<10240xi32, #tpu.memory_space<hbm>> -> memref<128xi32, #tpu.memory_space<hbm>>
      %dma_wait3A_426 = tpu.memref_slice %arg9[%add3A_185] : memref<10240xi32, #tpu.memory_space<hbm>> -> memref<128xi32, #tpu.memory_space<hbm>>
      tpu.wait_dma2 semaphore(%run_scoped3A_422 : memref<!tpu.dma_semaphore, #tpu.memory_space<semaphore_mem>>) src(%dma_wait3A_426 : memref<128xi32, #tpu.memory_space<hbm>>) dst(%arg18 : memref<128xi32, #tpu.memory_space<vmem>>)
      tpu.yield
    }) : () -> ()
    "tpu.region"() ({
      %run_scoped3A_422 = tpu.sem_alloc : memref<!tpu.dma_semaphore, #tpu.memory_space<semaphore_mem>>
      %dma_start3A_423 = arith.constant 0 : i32
      %dma_start3A_424 = arith.constant 0 : i32
      %dma_start3A_425 = tpu.memref_slice %arg23[%dma_start3A_423, %dma_start3A_424] : memref<10240x128xf32, #tpu.memory_space<vmem_shared>> -> memref<10240x128xf32, #tpu.memory_space<vmem_shared>>
      tpu.enqueue_indirect_dma source(%arg20 : memref<128x128xf32, #tpu.memory_space<vmem>>) target(%dma_start3A_425 : memref<10240x128xf32, #tpu.memory_space<vmem_shared>>) offsets(%arg18 : memref<128xi32, #tpu.memory_space<vmem>>) semaphore(%run_scoped3A_422 : memref<!tpu.dma_semaphore, #tpu.memory_space<semaphore_mem>>)
      %dma_wait3A_426 = arith.constant 0 : i32
      %dma_wait3A_427 = arith.constant 0 : i32
      %dma_wait3A_428 = tpu.memref_slice %arg23[%dma_wait3A_426, %dma_wait3A_427] : memref<10240x128xf32, #tpu.memory_space<vmem_shared>> -> memref<10240x128xf32, #tpu.memory_space<vmem_shared>>
      tpu.wait_indirect_dma semaphore(%run_scoped3A_422 : memref<!tpu.dma_semaphore, #tpu.memory_space<semaphore_mem>>) src(%arg20 : memref<128x128xf32, #tpu.memory_space<vmem>>) dst(%dma_wait3A_428 : memref<10240x128xf32, #tpu.memory_space<vmem_shared>>)
      tpu.yield
    }) : () -> ()
    %barrier3A_186 = arith.constant 0 : index
    tpu.barrier barrier_id(%barrier3A_186)
    %scan3A_187 = arith.constant 0 : i32
    %scan3A_188 = arith.constant 0 : i32
    %scan3A_189 = arith.constant 39 : i32
    %scan3A_190 = arith.addi %scan3A_188, %scan3A_189 : i32
    %scan3A_191 = arith.constant 1 : i32
    scf.for %scan3A_422 = %scan3A_188 to %scan3A_190 step %scan3A_191  : i32 {
      %mul3A_423 = arith.constant 128 : i32
      %mul3A_424 = arith.muli %scan3A_422, %mul3A_423 : i32
      %add3A_425 = arith.addi %add3A, %mul3A_424 : i32
      "tpu.region"() ({
        %run_scoped3A_439 = tpu.sem_alloc : memref<!tpu.dma_semaphore, #tpu.memory_space<semaphore_mem>>
        %dma_start3A_440 = tpu.memref_slice %arg7[%add3A_425] : memref<160000xi32, #tpu.memory_space<hbm>> -> memref<128xi32, #tpu.memory_space<hbm>>
        %dma_start3A_441 = tpu.memref_slice %arg7[%add3A_425] : memref<160000xi32, #tpu.memory_space<hbm>> -> memref<128xi32, #tpu.memory_space<hbm>>
        tpu.enqueue_dma source(%dma_start3A_441 : memref<128xi32, #tpu.memory_space<hbm>>) target(%arg14 : memref<128xi32, #tpu.memory_space<vmem>>) target_semaphore(%run_scoped3A_439 : memref<!tpu.dma_semaphore, #tpu.memory_space<semaphore_mem>>)
        %dma_wait3A_442 = tpu.memref_slice %arg7[%add3A_425] : memref<160000xi32, #tpu.memory_space<hbm>> -> memref<128xi32, #tpu.memory_space<hbm>>
        %dma_wait3A_443 = tpu.memref_slice %arg7[%add3A_425] : memref<160000xi32, #tpu.memory_space<hbm>> -> memref<128xi32, #tpu.memory_space<hbm>>
        tpu.wait_dma2 semaphore(%run_scoped3A_439 : memref<!tpu.dma_semaphore, #tpu.memory_space<semaphore_mem>>) src(%dma_wait3A_443 : memref<128xi32, #tpu.memory_space<hbm>>) dst(%arg14 : memref<128xi32, #tpu.memory_space<vmem>>)
        tpu.yield
      }) : () -> ()
      "tpu.region"() ({
        %run_scoped3A_439 = tpu.sem_alloc : memref<!tpu.dma_semaphore, #tpu.memory_space<semaphore_mem>>
        %dma_start3A_440 = tpu.memref_slice %arg8[%add3A_425] : memref<160000xi32, #tpu.memory_space<hbm>> -> memref<128xi32, #tpu.memory_space<hbm>>
        %dma_start3A_441 = tpu.memref_slice %arg8[%add3A_425] : memref<160000xi32, #tpu.memory_space<hbm>> -> memref<128xi32, #tpu.memory_space<hbm>>
        tpu.enqueue_dma source(%dma_start3A_441 : memref<128xi32, #tpu.memory_space<hbm>>) target(%arg15 : memref<128xi32, #tpu.memory_space<vmem>>) target_semaphore(%run_scoped3A_439 : memref<!tpu.dma_semaphore, #tpu.memory_space<semaphore_mem>>)
        %dma_wait3A_442 = tpu.memref_slice %arg8[%add3A_425] : memref<160000xi32, #tpu.memory_space<hbm>> -> memref<128xi32, #tpu.memory_space<hbm>>
        %dma_wait3A_443 = tpu.memref_slice %arg8[%add3A_425] : memref<160000xi32, #tpu.memory_space<hbm>> -> memref<128xi32, #tpu.memory_space<hbm>>
        tpu.wait_dma2 semaphore(%run_scoped3A_439 : memref<!tpu.dma_semaphore, #tpu.memory_space<semaphore_mem>>) src(%dma_wait3A_443 : memref<128xi32, #tpu.memory_space<hbm>>) dst(%arg15 : memref<128xi32, #tpu.memory_space<vmem>>)
        tpu.yield
      }) : () -> ()
      %dma_start3A_426 = arith.constant 0 : i32
      %dma_start3A_427 = arith.constant 0 : i32
      %dma_start3A_428 = tpu.memref_slice %arg4[%dma_start3A_426, %dma_start3A_427] : memref<10000x128xf32, #tpu.memory_space<hbm>> -> memref<10000x128xf32, #tpu.memory_space<hbm>>
      tpu.enqueue_indirect_dma source(%dma_start3A_428 : memref<10000x128xf32, #tpu.memory_space<hbm>>) target(%arg19 : memref<128x128xf32, #tpu.memory_space<vmem>>) offsets(%arg14 : memref<128xi32, #tpu.memory_space<vmem>>) semaphore(%arg24 : memref<!tpu.dma_semaphore, #tpu.memory_space<semaphore_mem>>)
      %run_scoped3A_429 = arith.constant 2 : i32
      "tpu.region"() ({
        %run_scoped3A_439 = tpu.sem_alloc : memref<!tpu.dma_semaphore, #tpu.memory_space<semaphore_mem>>
        %dma_start3A_440 = arith.constant 0 : i32
        %dma_start3A_441 = tpu.memref_slice %arg6[%run_scoped3A_429, %add3A_425, %dma_start3A_440] : memref<4x160000x128xf32, #tpu.memory_space<hbm>> -> memref<1x128x128xf32, #tpu.memory_space<hbm>>
        %dma_start3A_442 = tpu.memref_squeeze %dma_start3A_441 : memref<1x128x128xf32, #tpu.memory_space<hbm>> -> memref<128x128xf32, #tpu.memory_space<hbm>>
        %dma_start3A_443 = arith.constant 0 : i32
        %dma_start3A_444 = tpu.memref_slice %arg6[%run_scoped3A_429, %add3A_425, %dma_start3A_443] : memref<4x160000x128xf32, #tpu.memory_space<hbm>> -> memref<1x128x128xf32, #tpu.memory_space<hbm>>
        %dma_start3A_445 = tpu.memref_squeeze %dma_start3A_444 : memref<1x128x128xf32, #tpu.memory_space<hbm>> -> memref<128x128xf32, #tpu.memory_space<hbm>>
        tpu.enqueue_dma source(%dma_start3A_445 : memref<128x128xf32, #tpu.memory_space<hbm>>) target(%arg20 : memref<128x128xf32, #tpu.memory_space<vmem>>) target_semaphore(%run_scoped3A_439 : memref<!tpu.dma_semaphore, #tpu.memory_space<semaphore_mem>>)
        %dma_wait3A_446 = arith.constant 0 : i32
        %dma_wait3A_447 = tpu.memref_slice %arg6[%run_scoped3A_429, %add3A_425, %dma_wait3A_446] : memref<4x160000x128xf32, #tpu.memory_space<hbm>> -> memref<1x128x128xf32, #tpu.memory_space<hbm>>
        %dma_wait3A_448 = tpu.memref_squeeze %dma_wait3A_447 : memref<1x128x128xf32, #tpu.memory_space<hbm>> -> memref<128x128xf32, #tpu.memory_space<hbm>>
        %dma_wait3A_449 = arith.constant 0 : i32
        %dma_wait3A_450 = tpu.memref_slice %arg6[%run_scoped3A_429, %add3A_425, %dma_wait3A_449] : memref<4x160000x128xf32, #tpu.memory_space<hbm>> -> memref<1x128x128xf32, #tpu.memory_space<hbm>>
        %dma_wait3A_451 = tpu.memref_squeeze %dma_wait3A_450 : memref<1x128x128xf32, #tpu.memory_space<hbm>> -> memref<128x128xf32, #tpu.memory_space<hbm>>
        tpu.wait_dma2 semaphore(%run_scoped3A_439 : memref<!tpu.dma_semaphore, #tpu.memory_space<semaphore_mem>>) src(%dma_wait3A_451 : memref<128x128xf32, #tpu.memory_space<hbm>>) dst(%arg20 : memref<128x128xf32, #tpu.memory_space<vmem>>)
        tpu.yield
      }) : () -> ()
      %dma_wait3A_430 = arith.constant 0 : i32
      %dma_wait3A_431 = arith.constant 0 : i32
      %dma_wait3A_432 = tpu.memref_slice %arg4[%dma_wait3A_430, %dma_wait3A_431] : memref<10000x128xf32, #tpu.memory_space<hbm>> -> memref<10000x128xf32, #tpu.memory_space<hbm>>
      tpu.wait_indirect_dma semaphore(%arg24 : memref<!tpu.dma_semaphore, #tpu.memory_space<semaphore_mem>>) src(%dma_wait3A_432 : memref<10000x128xf32, #tpu.memory_space<hbm>>) dst(%arg19 : memref<128x128xf32, #tpu.memory_space<vmem>>)
      %scan3A_433 = arith.constant 0 : i32
      %scan3A_434 = arith.constant 0 : i32
      %scan3A_435 = arith.constant 128 : i32
      %scan3A_436 = arith.addi %scan3A_434, %scan3A_435 : i32
      %scan3A_437 = arith.constant 1 : i32
      scf.for %scan3A_439 = %scan3A_434 to %scan3A_436 step %scan3A_437  : i32 {
        %get3A = arith.index_cast %scan3A_439 : i32 to index
        %get3A_440 = arith.constant 0 : index
        %get3A_441 = tpu.vector_load %arg19[%get3A, %get3A_440] {strides = array<i32>} : memref<128x128xf32, #tpu.memory_space<vmem>>, vector<1x16xf32>,
        %get3A_442 = vector.shape_cast %get3A_441 : vector<1x16xf32> to vector<16xf32>
        %get3A_443 = arith.index_cast %scan3A_439 : i32 to index
        %get3A_444 = arith.constant 0 : index
        %get3A_445 = tpu.vector_load %arg20[%get3A_443, %get3A_444] {strides = array<i32>} : memref<128x128xf32, #tpu.memory_space<vmem>>, vector<1x16xf32>,
        %get3A_446 = vector.shape_cast %get3A_445 : vector<1x16xf32> to vector<16xf32>
        %add3A_447 = arith.addf %get3A_442, %get3A_446 : vector<16xf32>
        %max3A = arith.constant 0.000000e+00 : f32
        %max3A_448 = vector.broadcast %max3A : f32 to vector<16xf32>
        %max3A_449 = arith.maximumf %add3A_447, %max3A_448 : vector<16xf32>
        %swap3A = arith.index_cast %scan3A_439 : i32 to index
        %swap3A_450 = arith.constant 0 : index
        %swap3A_451 = tpu.vector_load %arg19[%swap3A, %swap3A_450] {strides = array<i32>} : memref<128x128xf32, #tpu.memory_space<vmem>>, vector<1x16xf32>,
        %swap3A_452 = vector.shape_cast %swap3A_451 : vector<1x16xf32> to vector<16xf32>
        %swap3A_453 = vector.shape_cast %max3A_449 : vector<16xf32> to vector<1x16xf32>
        tpu.vector_store %arg19[%swap3A, %swap3A_450], %swap3A_453 {strides = array<i32>} : memref<128x128xf32, #tpu.memory_space<vmem>>, vector<1x16xf32>,
        %get3A_454 = arith.index_cast %scan3A_439 : i32 to index
        %get3A_455 = arith.constant 16 : index
        %get3A_456 = tpu.vector_load %arg19[%get3A_454, %get3A_455] {strides = array<i32>} : memref<128x128xf32, #tpu.memory_space<vmem>>, vector<1x16xf32>,
        %get3A_457 = vector.shape_cast %get3A_456 : vector<1x16xf32> to vector<16xf32>
        %get3A_458 = arith.index_cast %scan3A_439 : i32 to index
        %get3A_459 = arith.constant 16 : index
        %get3A_460 = tpu.vector_load %arg20[%get3A_458, %get3A_459] {strides = array<i32>} : memref<128x128xf32, #tpu.memory_space<vmem>>, vector<1x16xf32>,
        %get3A_461 = vector.shape_cast %get3A_460 : vector<1x16xf32> to vector<16xf32>
        %add3A_462 = arith.addf %get3A_457, %get3A_461 : vector<16xf32>
        %max3A_463 = arith.constant 0.000000e+00 : f32
        %max3A_464 = vector.broadcast %max3A_463 : f32 to vector<16xf32>
        %max3A_465 = arith.maximumf %add3A_462, %max3A_464 : vector<16xf32>
        %swap3A_466 = arith.index_cast %scan3A_439 : i32 to index
        %swap3A_467 = arith.constant 16 : index
        %swap3A_468 = tpu.vector_load %arg19[%swap3A_466, %swap3A_467] {strides = array<i32>} : memref<128x128xf32, #tpu.memory_space<vmem>>, vector<1x16xf32>,
        %swap3A_469 = vector.shape_cast %swap3A_468 : vector<1x16xf32> to vector<16xf32>
        %swap3A_470 = vector.shape_cast %max3A_465 : vector<16xf32> to vector<1x16xf32>
        tpu.vector_store %arg19[%swap3A_466, %swap3A_467], %swap3A_470 {strides = array<i32>} : memref<128x128xf32, #tpu.memory_space<vmem>>, vector<1x16xf32>,
        %get3A_471 = arith.index_cast %scan3A_439 : i32 to index
        %get3A_472 = arith.constant 32 : index
        %get3A_473 = tpu.vector_load %arg19[%get3A_471, %get3A_472] {strides = array<i32>} : memref<128x128xf32, #tpu.memory_space<vmem>>, vector<1x16xf32>,
        %get3A_474 = vector.shape_cast %get3A_473 : vector<1x16xf32> to vector<16xf32>
        %get3A_475 = arith.index_cast %scan3A_439 : i32 to index
        %get3A_476 = arith.constant 32 : index
        %get3A_477 = tpu.vector_load %arg20[%get3A_475, %get3A_476] {strides = array<i32>} : memref<128x128xf32, #tpu.memory_space<vmem>>, vector<1x16xf32>,
        %get3A_478 = vector.shape_cast %get3A_477 : vector<1x16xf32> to vector<16xf32>
        %add3A_479 = arith.addf %get3A_474, %get3A_478 : vector<16xf32>
        %max3A_480 = arith.constant 0.000000e+00 : f32
        %max3A_481 = vector.broadcast %max3A_480 : f32 to vector<16xf32>
        %max3A_482 = arith.maximumf %add3A_479, %max3A_481 : vector<16xf32>
        %swap3A_483 = arith.index_cast %scan3A_439 : i32 to index
        %swap3A_484 = arith.constant 32 : index
        %swap3A_485 = tpu.vector_load %arg19[%swap3A_483, %swap3A_484] {strides = array<i32>} : memref<128x128xf32, #tpu.memory_space<vmem>>, vector<1x16xf32>,
        %swap3A_486 = vector.shape_cast %swap3A_485 : vector<1x16xf32> to vector<16xf32>
        %swap3A_487 = vector.shape_cast %max3A_482 : vector<16xf32> to vector<1x16xf32>
        tpu.vector_store %arg19[%swap3A_483, %swap3A_484], %swap3A_487 {strides = array<i32>} : memref<128x128xf32, #tpu.memory_space<vmem>>, vector<1x16xf32>,
        %get3A_488 = arith.index_cast %scan3A_439 : i32 to index
        %get3A_489 = arith.constant 48 : index
        %get3A_490 = tpu.vector_load %arg19[%get3A_488, %get3A_489] {strides = array<i32>} : memref<128x128xf32, #tpu.memory_space<vmem>>, vector<1x16xf32>,
        %get3A_491 = vector.shape_cast %get3A_490 : vector<1x16xf32> to vector<16xf32>
        %get3A_492 = arith.index_cast %scan3A_439 : i32 to index
        %get3A_493 = arith.constant 48 : index
        %get3A_494 = tpu.vector_load %arg20[%get3A_492, %get3A_493] {strides = array<i32>} : memref<128x128xf32, #tpu.memory_space<vmem>>, vector<1x16xf32>,
        %get3A_495 = vector.shape_cast %get3A_494 : vector<1x16xf32> to vector<16xf32>
        %add3A_496 = arith.addf %get3A_491, %get3A_495 : vector<16xf32>
        %max3A_497 = arith.constant 0.000000e+00 : f32
        %max3A_498 = vector.broadcast %max3A_497 : f32 to vector<16xf32>
        %max3A_499 = arith.maximumf %add3A_496, %max3A_498 : vector<16xf32>
        %swap3A_500 = arith.index_cast %scan3A_439 : i32 to index
        %swap3A_501 = arith.constant 48 : index
        %swap3A_502 = tpu.vector_load %arg19[%swap3A_500, %swap3A_501] {strides = array<i32>} : memref<128x128xf32, #tpu.memory_space<vmem>>, vector<1x16xf32>,
        %swap3A_503 = vector.shape_cast %swap3A_502 : vector<1x16xf32> to vector<16xf32>
        %swap3A_504 = vector.shape_cast %max3A_499 : vector<16xf32> to vector<1x16xf32>
        tpu.vector_store %arg19[%swap3A_500, %swap3A_501], %swap3A_504 {strides = array<i32>} : memref<128x128xf32, #tpu.memory_space<vmem>>, vector<1x16xf32>,
        %get3A_505 = arith.index_cast %scan3A_439 : i32 to index
        %get3A_506 = arith.constant 64 : index
        %get3A_507 = tpu.vector_load %arg19[%get3A_505, %get3A_506] {strides = array<i32>} : memref<128x128xf32, #tpu.memory_space<vmem>>, vector<1x16xf32>,
        %get3A_508 = vector.shape_cast %get3A_507 : vector<1x16xf32> to vector<16xf32>
        %get3A_509 = arith.index_cast %scan3A_439 : i32 to index
        %get3A_510 = arith.constant 64 : index
        %get3A_511 = tpu.vector_load %arg20[%get3A_509, %get3A_510] {strides = array<i32>} : memref<128x128xf32, #tpu.memory_space<vmem>>, vector<1x16xf32>,
        %get3A_512 = vector.shape_cast %get3A_511 : vector<1x16xf32> to vector<16xf32>
        %add3A_513 = arith.addf %get3A_508, %get3A_512 : vector<16xf32>
        %max3A_514 = arith.constant 0.000000e+00 : f32
        %max3A_515 = vector.broadcast %max3A_514 : f32 to vector<16xf32>
        %max3A_516 = arith.maximumf %add3A_513, %max3A_515 : vector<16xf32>
        %swap3A_517 = arith.index_cast %scan3A_439 : i32 to index
        %swap3A_518 = arith.constant 64 : index
        %swap3A_519 = tpu.vector_load %arg19[%swap3A_517, %swap3A_518] {strides = array<i32>} : memref<128x128xf32, #tpu.memory_space<vmem>>, vector<1x16xf32>,
        %swap3A_520 = vector.shape_cast %swap3A_519 : vector<1x16xf32> to vector<16xf32>
        %swap3A_521 = vector.shape_cast %max3A_516 : vector<16xf32> to vector<1x16xf32>
        tpu.vector_store %arg19[%swap3A_517, %swap3A_518], %swap3A_521 {strides = array<i32>} : memref<128x128xf32, #tpu.memory_space<vmem>>, vector<1x16xf32>,
        %get3A_522 = arith.index_cast %scan3A_439 : i32 to index
        %get3A_523 = arith.constant 80 : index
        %get3A_524 = tpu.vector_load %arg19[%get3A_522, %get3A_523] {strides = array<i32>} : memref<128x128xf32, #tpu.memory_space<vmem>>, vector<1x16xf32>,
        %get3A_525 = vector.shape_cast %get3A_524 : vector<1x16xf32> to vector<16xf32>
        %get3A_526 = arith.index_cast %scan3A_439 : i32 to index
        %get3A_527 = arith.constant 80 : index
        %get3A_528 = tpu.vector_load %arg20[%get3A_526, %get3A_527] {strides = array<i32>} : memref<128x128xf32, #tpu.memory_space<vmem>>, vector<1x16xf32>,
        %get3A_529 = vector.shape_cast %get3A_528 : vector<1x16xf32> to vector<16xf32>
        %add3A_530 = arith.addf %get3A_525, %get3A_529 : vector<16xf32>
        %max3A_531 = arith.constant 0.000000e+00 : f32
        %max3A_532 = vector.broadcast %max3A_531 : f32 to vector<16xf32>
        %max3A_533 = arith.maximumf %add3A_530, %max3A_532 : vector<16xf32>
        %swap3A_534 = arith.index_cast %scan3A_439 : i32 to index
        %swap3A_535 = arith.constant 80 : index
        %swap3A_536 = tpu.vector_load %arg19[%swap3A_534, %swap3A_535] {strides = array<i32>} : memref<128x128xf32, #tpu.memory_space<vmem>>, vector<1x16xf32>,
        %swap3A_537 = vector.shape_cast %swap3A_536 : vector<1x16xf32> to vector<16xf32>
        %swap3A_538 = vector.shape_cast %max3A_533 : vector<16xf32> to vector<1x16xf32>
        tpu.vector_store %arg19[%swap3A_534, %swap3A_535], %swap3A_538 {strides = array<i32>} : memref<128x128xf32, #tpu.memory_space<vmem>>, vector<1x16xf32>,
        %get3A_539 = arith.index_cast %scan3A_439 : i32 to index
        %get3A_540 = arith.constant 96 : index
        %get3A_541 = tpu.vector_load %arg19[%get3A_539, %get3A_540] {strides = array<i32>} : memref<128x128xf32, #tpu.memory_space<vmem>>, vector<1x16xf32>,
        %get3A_542 = vector.shape_cast %get3A_541 : vector<1x16xf32> to vector<16xf32>
        %get3A_543 = arith.index_cast %scan3A_439 : i32 to index
        %get3A_544 = arith.constant 96 : index
        %get3A_545 = tpu.vector_load %arg20[%get3A_543, %get3A_544] {strides = array<i32>} : memref<128x128xf32, #tpu.memory_space<vmem>>, vector<1x16xf32>,
        %get3A_546 = vector.shape_cast %get3A_545 : vector<1x16xf32> to vector<16xf32>
        %add3A_547 = arith.addf %get3A_542, %get3A_546 : vector<16xf32>
        %max3A_548 = arith.constant 0.000000e+00 : f32
        %max3A_549 = vector.broadcast %max3A_548 : f32 to vector<16xf32>
        %max3A_550 = arith.maximumf %add3A_547, %max3A_549 : vector<16xf32>
        %swap3A_551 = arith.index_cast %scan3A_439 : i32 to index
        %swap3A_552 = arith.constant 96 : index
        %swap3A_553 = tpu.vector_load %arg19[%swap3A_551, %swap3A_552] {strides = array<i32>} : memref<128x128xf32, #tpu.memory_space<vmem>>, vector<1x16xf32>,
        %swap3A_554 = vector.shape_cast %swap3A_553 : vector<1x16xf32> to vector<16xf32>
        %swap3A_555 = vector.shape_cast %max3A_550 : vector<16xf32> to vector<1x16xf32>
        tpu.vector_store %arg19[%swap3A_551, %swap3A_552], %swap3A_555 {strides = array<i32>} : memref<128x128xf32, #tpu.memory_space<vmem>>, vector<1x16xf32>,
        %get3A_556 = arith.index_cast %scan3A_439 : i32 to index
        %get3A_557 = arith.constant 112 : index
        %get3A_558 = tpu.vector_load %arg19[%get3A_556, %get3A_557] {strides = array<i32>} : memref<128x128xf32, #tpu.memory_space<vmem>>, vector<1x16xf32>,
        %get3A_559 = vector.shape_cast %get3A_558 : vector<1x16xf32> to vector<16xf32>
        %get3A_560 = arith.index_cast %scan3A_439 : i32 to index
        %get3A_561 = arith.constant 112 : index
        %get3A_562 = tpu.vector_load %arg20[%get3A_560, %get3A_561] {strides = array<i32>} : memref<128x128xf32, #tpu.memory_space<vmem>>, vector<1x16xf32>,
        %get3A_563 = vector.shape_cast %get3A_562 : vector<1x16xf32> to vector<16xf32>
        %add3A_564 = arith.addf %get3A_559, %get3A_563 : vector<16xf32>
        %max3A_565 = arith.constant 0.000000e+00 : f32
        %max3A_566 = vector.broadcast %max3A_565 : f32 to vector<16xf32>
        %max3A_567 = arith.maximumf %add3A_564, %max3A_566 : vector<16xf32>
        %swap3A_568 = arith.index_cast %scan3A_439 : i32 to index
        %swap3A_569 = arith.constant 112 : index
        %swap3A_570 = tpu.vector_load %arg19[%swap3A_568, %swap3A_569] {strides = array<i32>} : memref<128x128xf32, #tpu.memory_space<vmem>>, vector<1x16xf32>,
        %swap3A_571 = vector.shape_cast %swap3A_570 : vector<1x16xf32> to vector<16xf32>
        %swap3A_572 = vector.shape_cast %max3A_567 : vector<16xf32> to vector<1x16xf32>
        tpu.vector_store %arg19[%swap3A_568, %swap3A_569], %swap3A_572 {strides = array<i32>} : memref<128x128xf32, #tpu.memory_space<vmem>>, vector<1x16xf32>,
      }
      %scan3A_438 = arith.constant 128 : i32
      "tpu.region"() ({
        %run_scoped3A_439 = tpu.sem_alloc : memref<!tpu.dma_semaphore, #tpu.memory_space<semaphore_mem>>
        %dma_start3A_440 = arith.constant 0 : i32
        %dma_start3A_441 = arith.constant 0 : i32
        %dma_start3A_442 = tpu.memref_slice %arg23[%dma_start3A_440, %dma_start3A_441] : memref<10240x128xf32, #tpu.memory_space<vmem_shared>> -> memref<10240x128xf32, #tpu.memory_space<vmem_shared>>
        tpu.enqueue_indirect_dma source(%arg19 : memref<128x128xf32, #tpu.memory_space<vmem>>) target(%dma_start3A_442 : memref<10240x128xf32, #tpu.memory_space<vmem_shared>>) offsets(%arg15 : memref<128xi32, #tpu.memory_space<vmem>>) semaphore(%run_scoped3A_439 : memref<!tpu.dma_semaphore, #tpu.memory_space<semaphore_mem>>) {add = true}
        %dma_wait3A_443 = arith.constant 0 : i32
        %dma_wait3A_444 = arith.constant 0 : i32
        %dma_wait3A_445 = tpu.memref_slice %arg23[%dma_wait3A_443, %dma_wait3A_444] : memref<10240x128xf32, #tpu.memory_space<vmem_shared>> -> memref<10240x128xf32, #tpu.memory_space<vmem_shared>>
        tpu.wait_indirect_dma semaphore(%run_scoped3A_439 : memref<!tpu.dma_semaphore, #tpu.memory_space<semaphore_mem>>) src(%arg19 : memref<128x128xf32, #tpu.memory_space<vmem>>) dst(%dma_wait3A_445 : memref<10240x128xf32, #tpu.memory_space<vmem_shared>>)
        tpu.yield
      }) : () -> ()
    }
    %scan3A_192 = arith.constant 39 : i32
    %add3A_193 = arith.constant 4992 : i32
    %add3A_194 = arith.addi %add3A, %add3A_193 : i32
    "tpu.region"() ({
      %run_scoped3A_422 = tpu.sem_alloc : memref<!tpu.dma_semaphore, #tpu.memory_space<semaphore_mem>>
      %dma_start3A_423 = tpu.memref_slice %arg7[%add3A_194] : memref<160000xi32, #tpu.memory_space<hbm>> -> memref<8xi32, #tpu.memory_space<hbm>>
      %dma_start3A_424 = tpu.memref_slice %arg7[%add3A_194] : memref<160000xi32, #tpu.memory_space<hbm>> -> memref<8xi32, #tpu.memory_space<hbm>>
      tpu.enqueue_dma source(%dma_start3A_424 : memref<8xi32, #tpu.memory_space<hbm>>) target(%arg16 : memref<8xi32, #tpu.memory_space<vmem>>) target_semaphore(%run_scoped3A_422 : memref<!tpu.dma_semaphore, #tpu.memory_space<semaphore_mem>>)
      %dma_wait3A_425 = tpu.memref_slice %arg7[%add3A_194] : memref<160000xi32, #tpu.memory_space<hbm>> -> memref<8xi32, #tpu.memory_space<hbm>>
      %dma_wait3A_426 = tpu.memref_slice %arg7[%add3A_194] : memref<160000xi32, #tpu.memory_space<hbm>> -> memref<8xi32, #tpu.memory_space<hbm>>
      tpu.wait_dma2 semaphore(%run_scoped3A_422 : memref<!tpu.dma_semaphore, #tpu.memory_space<semaphore_mem>>) src(%dma_wait3A_426 : memref<8xi32, #tpu.memory_space<hbm>>) dst(%arg16 : memref<8xi32, #tpu.memory_space<vmem>>)
      tpu.yield
    }) : () -> ()
    "tpu.region"() ({
      %run_scoped3A_422 = tpu.sem_alloc : memref<!tpu.dma_semaphore, #tpu.memory_space<semaphore_mem>>
      %dma_start3A_423 = tpu.memref_slice %arg8[%add3A_194] : memref<160000xi32, #tpu.memory_space<hbm>> -> memref<8xi32, #tpu.memory_space<hbm>>
      %dma_start3A_424 = tpu.memref_slice %arg8[%add3A_194] : memref<160000xi32, #tpu.memory_space<hbm>> -> memref<8xi32, #tpu.memory_space<hbm>>
      tpu.enqueue_dma source(%dma_start3A_424 : memref<8xi32, #tpu.memory_space<hbm>>) target(%arg17 : memref<8xi32, #tpu.memory_space<vmem>>) target_semaphore(%run_scoped3A_422 : memref<!tpu.dma_semaphore, #tpu.memory_space<semaphore_mem>>)
      %dma_wait3A_425 = tpu.memref_slice %arg8[%add3A_194] : memref<160000xi32, #tpu.memory_space<hbm>> -> memref<8xi32, #tpu.memory_space<hbm>>
      %dma_wait3A_426 = tpu.memref_slice %arg8[%add3A_194] : memref<160000xi32, #tpu.memory_space<hbm>> -> memref<8xi32, #tpu.memory_space<hbm>>
      tpu.wait_dma2 semaphore(%run_scoped3A_422 : memref<!tpu.dma_semaphore, #tpu.memory_space<semaphore_mem>>) src(%dma_wait3A_426 : memref<8xi32, #tpu.memory_space<hbm>>) dst(%arg17 : memref<8xi32, #tpu.memory_space<vmem>>)
      tpu.yield
    }) : () -> ()
    %dma_start3A_195 = arith.constant 0 : i32
    %dma_start3A_196 = arith.constant 0 : i32
    %dma_start3A_197 = tpu.memref_slice %arg4[%dma_start3A_195, %dma_start3A_196] : memref<10000x128xf32, #tpu.memory_space<hbm>> -> memref<10000x128xf32, #tpu.memory_space<hbm>>
    tpu.enqueue_indirect_dma source(%dma_start3A_197 : memref<10000x128xf32, #tpu.memory_space<hbm>>) target(%arg21 : memref<8x128xf32, #tpu.memory_space<vmem>>) offsets(%arg16 : memref<8xi32, #tpu.memory_space<vmem>>) semaphore(%arg24 : memref<!tpu.dma_semaphore, #tpu.memory_space<semaphore_mem>>)
    %run_scoped3A_198 = arith.constant 2 : i32
    "tpu.region"() ({
      %run_scoped3A_422 = tpu.sem_alloc : memref<!tpu.dma_semaphore, #tpu.memory_space<semaphore_mem>>
      %dma_start3A_423 = arith.constant 0 : i32
      %dma_start3A_424 = tpu.memref_slice %arg6[%run_scoped3A_198, %add3A_194, %dma_start3A_423] : memref<4x160000x128xf32, #tpu.memory_space<hbm>> -> memref<1x8x128xf32, #tpu.memory_space<hbm>>
      %dma_start3A_425 = tpu.memref_squeeze %dma_start3A_424 : memref<1x8x128xf32, #tpu.memory_space<hbm>> -> memref<8x128xf32, #tpu.memory_space<hbm>>
      %dma_start3A_426 = arith.constant 0 : i32
      %dma_start3A_427 = tpu.memref_slice %arg6[%run_scoped3A_198, %add3A_194, %dma_start3A_426] : memref<4x160000x128xf32, #tpu.memory_space<hbm>> -> memref<1x8x128xf32, #tpu.memory_space<hbm>>
      %dma_start3A_428 = tpu.memref_squeeze %dma_start3A_427 : memref<1x8x128xf32, #tpu.memory_space<hbm>> -> memref<8x128xf32, #tpu.memory_space<hbm>>
      tpu.enqueue_dma source(%dma_start3A_428 : memref<8x128xf32, #tpu.memory_space<hbm>>) target(%arg22 : memref<8x128xf32, #tpu.memory_space<vmem>>) target_semaphore(%run_scoped3A_422 : memref<!tpu.dma_semaphore, #tpu.memory_space<semaphore_mem>>)
      %dma_wait3A_429 = arith.constant 0 : i32
      %dma_wait3A_430 = tpu.memref_slice %arg6[%run_scoped3A_198, %add3A_194, %dma_wait3A_429] : memref<4x160000x128xf32, #tpu.memory_space<hbm>> -> memref<1x8x128xf32, #tpu.memory_space<hbm>>
      %dma_wait3A_431 = tpu.memref_squeeze %dma_wait3A_430 : memref<1x8x128xf32, #tpu.memory_space<hbm>> -> memref<8x128xf32, #tpu.memory_space<hbm>>
      %dma_wait3A_432 = arith.constant 0 : i32
      %dma_wait3A_433 = tpu.memref_slice %arg6[%run_scoped3A_198, %add3A_194, %dma_wait3A_432] : memref<4x160000x128xf32, #tpu.memory_space<hbm>> -> memref<1x8x128xf32, #tpu.memory_space<hbm>>
      %dma_wait3A_434 = tpu.memref_squeeze %dma_wait3A_433 : memref<1x8x128xf32, #tpu.memory_space<hbm>> -> memref<8x128xf32, #tpu.memory_space<hbm>>
      tpu.wait_dma2 semaphore(%run_scoped3A_422 : memref<!tpu.dma_semaphore, #tpu.memory_space<semaphore_mem>>) src(%dma_wait3A_434 : memref<8x128xf32, #tpu.memory_space<hbm>>) dst(%arg22 : memref<8x128xf32, #tpu.memory_space<vmem>>)
      tpu.yield
    }) : () -> ()
    %dma_wait3A_199 = arith.constant 0 : i32
    %dma_wait3A_200 = arith.constant 0 : i32
    %dma_wait3A_201 = tpu.memref_slice %arg4[%dma_wait3A_199, %dma_wait3A_200] : memref<10000x128xf32, #tpu.memory_space<hbm>> -> memref<10000x128xf32, #tpu.memory_space<hbm>>
    tpu.wait_indirect_dma semaphore(%arg24 : memref<!tpu.dma_semaphore, #tpu.memory_space<semaphore_mem>>) src(%dma_wait3A_201 : memref<10000x128xf32, #tpu.memory_space<hbm>>) dst(%arg21 : memref<8x128xf32, #tpu.memory_space<vmem>>)
    %scan3A_202 = arith.constant 0 : i32
    %scan3A_203 = arith.constant 0 : i32
    %scan3A_204 = arith.constant 8 : i32
    %scan3A_205 = arith.addi %scan3A_203, %scan3A_204 : i32
    %scan3A_206 = arith.constant 1 : i32
    scf.for %scan3A_422 = %scan3A_203 to %scan3A_205 step %scan3A_206  : i32 {
      %get3A = arith.index_cast %scan3A_422 : i32 to index
      %get3A_423 = arith.constant 0 : index
      %get3A_424 = tpu.vector_load %arg21[%get3A, %get3A_423] {strides = array<i32>} : memref<8x128xf32, #tpu.memory_space<vmem>>, vector<1x16xf32>,
      %get3A_425 = vector.shape_cast %get3A_424 : vector<1x16xf32> to vector<16xf32>
      %get3A_426 = arith.index_cast %scan3A_422 : i32 to index
      %get3A_427 = arith.constant 0 : index
      %get3A_428 = tpu.vector_load %arg22[%get3A_426, %get3A_427] {strides = array<i32>} : memref<8x128xf32, #tpu.memory_space<vmem>>, vector<1x16xf32>,
      %get3A_429 = vector.shape_cast %get3A_428 : vector<1x16xf32> to vector<16xf32>
      %add3A_430 = arith.addf %get3A_425, %get3A_429 : vector<16xf32>
      %max3A = arith.constant 0.000000e+00 : f32
      %max3A_431 = vector.broadcast %max3A : f32 to vector<16xf32>
      %max3A_432 = arith.maximumf %add3A_430, %max3A_431 : vector<16xf32>
      %swap3A = arith.index_cast %scan3A_422 : i32 to index
      %swap3A_433 = arith.constant 0 : index
      %swap3A_434 = tpu.vector_load %arg21[%swap3A, %swap3A_433] {strides = array<i32>} : memref<8x128xf32, #tpu.memory_space<vmem>>, vector<1x16xf32>,
      %swap3A_435 = vector.shape_cast %swap3A_434 : vector<1x16xf32> to vector<16xf32>
      %swap3A_436 = vector.shape_cast %max3A_432 : vector<16xf32> to vector<1x16xf32>
      tpu.vector_store %arg21[%swap3A, %swap3A_433], %swap3A_436 {strides = array<i32>} : memref<8x128xf32, #tpu.memory_space<vmem>>, vector<1x16xf32>,
      %get3A_437 = arith.index_cast %scan3A_422 : i32 to index
      %get3A_438 = arith.constant 16 : index
      %get3A_439 = tpu.vector_load %arg21[%get3A_437, %get3A_438] {strides = array<i32>} : memref<8x128xf32, #tpu.memory_space<vmem>>, vector<1x16xf32>,
      %get3A_440 = vector.shape_cast %get3A_439 : vector<1x16xf32> to vector<16xf32>
      %get3A_441 = arith.index_cast %scan3A_422 : i32 to index
      %get3A_442 = arith.constant 16 : index
      %get3A_443 = tpu.vector_load %arg22[%get3A_441, %get3A_442] {strides = array<i32>} : memref<8x128xf32, #tpu.memory_space<vmem>>, vector<1x16xf32>,
      %get3A_444 = vector.shape_cast %get3A_443 : vector<1x16xf32> to vector<16xf32>
      %add3A_445 = arith.addf %get3A_440, %get3A_444 : vector<16xf32>
      %max3A_446 = arith.constant 0.000000e+00 : f32
      %max3A_447 = vector.broadcast %max3A_446 : f32 to vector<16xf32>
      %max3A_448 = arith.maximumf %add3A_445, %max3A_447 : vector<16xf32>
      %swap3A_449 = arith.index_cast %scan3A_422 : i32 to index
      %swap3A_450 = arith.constant 16 : index
      %swap3A_451 = tpu.vector_load %arg21[%swap3A_449, %swap3A_450] {strides = array<i32>} : memref<8x128xf32, #tpu.memory_space<vmem>>, vector<1x16xf32>,
      %swap3A_452 = vector.shape_cast %swap3A_451 : vector<1x16xf32> to vector<16xf32>
      %swap3A_453 = vector.shape_cast %max3A_448 : vector<16xf32> to vector<1x16xf32>
      tpu.vector_store %arg21[%swap3A_449, %swap3A_450], %swap3A_453 {strides = array<i32>} : memref<8x128xf32, #tpu.memory_space<vmem>>, vector<1x16xf32>,
      %get3A_454 = arith.index_cast %scan3A_422 : i32 to index
      %get3A_455 = arith.constant 32 : index
      %get3A_456 = tpu.vector_load %arg21[%get3A_454, %get3A_455] {strides = array<i32>} : memref<8x128xf32, #tpu.memory_space<vmem>>, vector<1x16xf32>,
      %get3A_457 = vector.shape_cast %get3A_456 : vector<1x16xf32> to vector<16xf32>
      %get3A_458 = arith.index_cast %scan3A_422 : i32 to index
      %get3A_459 = arith.constant 32 : index
      %get3A_460 = tpu.vector_load %arg22[%get3A_458, %get3A_459] {strides = array<i32>} : memref<8x128xf32, #tpu.memory_space<vmem>>, vector<1x16xf32>,
      %get3A_461 = vector.shape_cast %get3A_460 : vector<1x16xf32> to vector<16xf32>
      %add3A_462 = arith.addf %get3A_457, %get3A_461 : vector<16xf32>
      %max3A_463 = arith.constant 0.000000e+00 : f32
      %max3A_464 = vector.broadcast %max3A_463 : f32 to vector<16xf32>
      %max3A_465 = arith.maximumf %add3A_462, %max3A_464 : vector<16xf32>
      %swap3A_466 = arith.index_cast %scan3A_422 : i32 to index
      %swap3A_467 = arith.constant 32 : index
      %swap3A_468 = tpu.vector_load %arg21[%swap3A_466, %swap3A_467] {strides = array<i32>} : memref<8x128xf32, #tpu.memory_space<vmem>>, vector<1x16xf32>,
      %swap3A_469 = vector.shape_cast %swap3A_468 : vector<1x16xf32> to vector<16xf32>
      %swap3A_470 = vector.shape_cast %max3A_465 : vector<16xf32> to vector<1x16xf32>
      tpu.vector_store %arg21[%swap3A_466, %swap3A_467], %swap3A_470 {strides = array<i32>} : memref<8x128xf32, #tpu.memory_space<vmem>>, vector<1x16xf32>,
      %get3A_471 = arith.index_cast %scan3A_422 : i32 to index
      %get3A_472 = arith.constant 48 : index
      %get3A_473 = tpu.vector_load %arg21[%get3A_471, %get3A_472] {strides = array<i32>} : memref<8x128xf32, #tpu.memory_space<vmem>>, vector<1x16xf32>,
      %get3A_474 = vector.shape_cast %get3A_473 : vector<1x16xf32> to vector<16xf32>
      %get3A_475 = arith.index_cast %scan3A_422 : i32 to index
      %get3A_476 = arith.constant 48 : index
      %get3A_477 = tpu.vector_load %arg22[%get3A_475, %get3A_476] {strides = array<i32>} : memref<8x128xf32, #tpu.memory_space<vmem>>, vector<1x16xf32>,
      %get3A_478 = vector.shape_cast %get3A_477 : vector<1x16xf32> to vector<16xf32>
      %add3A_479 = arith.addf %get3A_474, %get3A_478 : vector<16xf32>
      %max3A_480 = arith.constant 0.000000e+00 : f32
      %max3A_481 = vector.broadcast %max3A_480 : f32 to vector<16xf32>
      %max3A_482 = arith.maximumf %add3A_479, %max3A_481 : vector<16xf32>
      %swap3A_483 = arith.index_cast %scan3A_422 : i32 to index
      %swap3A_484 = arith.constant 48 : index
      %swap3A_485 = tpu.vector_load %arg21[%swap3A_483, %swap3A_484] {strides = array<i32>} : memref<8x128xf32, #tpu.memory_space<vmem>>, vector<1x16xf32>,
      %swap3A_486 = vector.shape_cast %swap3A_485 : vector<1x16xf32> to vector<16xf32>
      %swap3A_487 = vector.shape_cast %max3A_482 : vector<16xf32> to vector<1x16xf32>
      tpu.vector_store %arg21[%swap3A_483, %swap3A_484], %swap3A_487 {strides = array<i32>} : memref<8x128xf32, #tpu.memory_space<vmem>>, vector<1x16xf32>,
      %get3A_488 = arith.index_cast %scan3A_422 : i32 to index
      %get3A_489 = arith.constant 64 : index
      %get3A_490 = tpu.vector_load %arg21[%get3A_488, %get3A_489] {strides = array<i32>} : memref<8x128xf32, #tpu.memory_space<vmem>>, vector<1x16xf32>,
      %get3A_491 = vector.shape_cast %get3A_490 : vector<1x16xf32> to vector<16xf32>
      %get3A_492 = arith.index_cast %scan3A_422 : i32 to index
      %get3A_493 = arith.constant 64 : index
      %get3A_494 = tpu.vector_load %arg22[%get3A_492, %get3A_493] {strides = array<i32>} : memref<8x128xf32, #tpu.memory_space<vmem>>, vector<1x16xf32>,
      %get3A_495 = vector.shape_cast %get3A_494 : vector<1x16xf32> to vector<16xf32>
      %add3A_496 = arith.addf %get3A_491, %get3A_495 : vector<16xf32>
      %max3A_497 = arith.constant 0.000000e+00 : f32
      %max3A_498 = vector.broadcast %max3A_497 : f32 to vector<16xf32>
      %max3A_499 = arith.maximumf %add3A_496, %max3A_498 : vector<16xf32>
      %swap3A_500 = arith.index_cast %scan3A_422 : i32 to index
      %swap3A_501 = arith.constant 64 : index
      %swap3A_502 = tpu.vector_load %arg21[%swap3A_500, %swap3A_501] {strides = array<i32>} : memref<8x128xf32, #tpu.memory_space<vmem>>, vector<1x16xf32>,
      %swap3A_503 = vector.shape_cast %swap3A_502 : vector<1x16xf32> to vector<16xf32>
      %swap3A_504 = vector.shape_cast %max3A_499 : vector<16xf32> to vector<1x16xf32>
      tpu.vector_store %arg21[%swap3A_500, %swap3A_501], %swap3A_504 {strides = array<i32>} : memref<8x128xf32, #tpu.memory_space<vmem>>, vector<1x16xf32>,
      %get3A_505 = arith.index_cast %scan3A_422 : i32 to index
      %get3A_506 = arith.constant 80 : index
      %get3A_507 = tpu.vector_load %arg21[%get3A_505, %get3A_506] {strides = array<i32>} : memref<8x128xf32, #tpu.memory_space<vmem>>, vector<1x16xf32>,
      %get3A_508 = vector.shape_cast %get3A_507 : vector<1x16xf32> to vector<16xf32>
      %get3A_509 = arith.index_cast %scan3A_422 : i32 to index
      %get3A_510 = arith.constant 80 : index
      %get3A_511 = tpu.vector_load %arg22[%get3A_509, %get3A_510] {strides = array<i32>} : memref<8x128xf32, #tpu.memory_space<vmem>>, vector<1x16xf32>,
      %get3A_512 = vector.shape_cast %get3A_511 : vector<1x16xf32> to vector<16xf32>
      %add3A_513 = arith.addf %get3A_508, %get3A_512 : vector<16xf32>
      %max3A_514 = arith.constant 0.000000e+00 : f32
      %max3A_515 = vector.broadcast %max3A_514 : f32 to vector<16xf32>
      %max3A_516 = arith.maximumf %add3A_513, %max3A_515 : vector<16xf32>
      %swap3A_517 = arith.index_cast %scan3A_422 : i32 to index
      %swap3A_518 = arith.constant 80 : index
      %swap3A_519 = tpu.vector_load %arg21[%swap3A_517, %swap3A_518] {strides = array<i32>} : memref<8x128xf32, #tpu.memory_space<vmem>>, vector<1x16xf32>,
      %swap3A_520 = vector.shape_cast %swap3A_519 : vector<1x16xf32> to vector<16xf32>
      %swap3A_521 = vector.shape_cast %max3A_516 : vector<16xf32> to vector<1x16xf32>
      tpu.vector_store %arg21[%swap3A_517, %swap3A_518], %swap3A_521 {strides = array<i32>} : memref<8x128xf32, #tpu.memory_space<vmem>>, vector<1x16xf32>,
      %get3A_522 = arith.index_cast %scan3A_422 : i32 to index
      %get3A_523 = arith.constant 96 : index
      %get3A_524 = tpu.vector_load %arg21[%get3A_522, %get3A_523] {strides = array<i32>} : memref<8x128xf32, #tpu.memory_space<vmem>>, vector<1x16xf32>,
      %get3A_525 = vector.shape_cast %get3A_524 : vector<1x16xf32> to vector<16xf32>
      %get3A_526 = arith.index_cast %scan3A_422 : i32 to index
      %get3A_527 = arith.constant 96 : index
      %get3A_528 = tpu.vector_load %arg22[%get3A_526, %get3A_527] {strides = array<i32>} : memref<8x128xf32, #tpu.memory_space<vmem>>, vector<1x16xf32>,
      %get3A_529 = vector.shape_cast %get3A_528 : vector<1x16xf32> to vector<16xf32>
      %add3A_530 = arith.addf %get3A_525, %get3A_529 : vector<16xf32>
      %max3A_531 = arith.constant 0.000000e+00 : f32
      %max3A_532 = vector.broadcast %max3A_531 : f32 to vector<16xf32>
      %max3A_533 = arith.maximumf %add3A_530, %max3A_532 : vector<16xf32>
      %swap3A_534 = arith.index_cast %scan3A_422 : i32 to index
      %swap3A_535 = arith.constant 96 : index
      %swap3A_536 = tpu.vector_load %arg21[%swap3A_534, %swap3A_535] {strides = array<i32>} : memref<8x128xf32, #tpu.memory_space<vmem>>, vector<1x16xf32>,
      %swap3A_537 = vector.shape_cast %swap3A_536 : vector<1x16xf32> to vector<16xf32>
      %swap3A_538 = vector.shape_cast %max3A_533 : vector<16xf32> to vector<1x16xf32>
      tpu.vector_store %arg21[%swap3A_534, %swap3A_535], %swap3A_538 {strides = array<i32>} : memref<8x128xf32, #tpu.memory_space<vmem>>, vector<1x16xf32>,
      %get3A_539 = arith.index_cast %scan3A_422 : i32 to index
      %get3A_540 = arith.constant 112 : index
      %get3A_541 = tpu.vector_load %arg21[%get3A_539, %get3A_540] {strides = array<i32>} : memref<8x128xf32, #tpu.memory_space<vmem>>, vector<1x16xf32>,
      %get3A_542 = vector.shape_cast %get3A_541 : vector<1x16xf32> to vector<16xf32>
      %get3A_543 = arith.index_cast %scan3A_422 : i32 to index
      %get3A_544 = arith.constant 112 : index
      %get3A_545 = tpu.vector_load %arg22[%get3A_543, %get3A_544] {strides = array<i32>} : memref<8x128xf32, #tpu.memory_space<vmem>>, vector<1x16xf32>,
      %get3A_546 = vector.shape_cast %get3A_545 : vector<1x16xf32> to vector<16xf32>
      %add3A_547 = arith.addf %get3A_542, %get3A_546 : vector<16xf32>
      %max3A_548 = arith.constant 0.000000e+00 : f32
      %max3A_549 = vector.broadcast %max3A_548 : f32 to vector<16xf32>
      %max3A_550 = arith.maximumf %add3A_547, %max3A_549 : vector<16xf32>
      %swap3A_551 = arith.index_cast %scan3A_422 : i32 to index
      %swap3A_552 = arith.constant 112 : index
      %swap3A_553 = tpu.vector_load %arg21[%swap3A_551, %swap3A_552] {strides = array<i32>} : memref<8x128xf32, #tpu.memory_space<vmem>>, vector<1x16xf32>,
      %swap3A_554 = vector.shape_cast %swap3A_553 : vector<1x16xf32> to vector<16xf32>
      %swap3A_555 = vector.shape_cast %max3A_550 : vector<16xf32> to vector<1x16xf32>
      tpu.vector_store %arg21[%swap3A_551, %swap3A_552], %swap3A_555 {strides = array<i32>} : memref<8x128xf32, #tpu.memory_space<vmem>>, vector<1x16xf32>,
    }
    %scan3A_207 = arith.constant 8 : i32
    "tpu.region"() ({
      %run_scoped3A_422 = tpu.sem_alloc : memref<!tpu.dma_semaphore, #tpu.memory_space<semaphore_mem>>
      %dma_start3A_423 = arith.constant 0 : i32
      %dma_start3A_424 = arith.constant 0 : i32
      %dma_start3A_425 = tpu.memref_slice %arg23[%dma_start3A_423, %dma_start3A_424] : memref<10240x128xf32, #tpu.memory_space<vmem_shared>> -> memref<10240x128xf32, #tpu.memory_space<vmem_shared>>
      tpu.enqueue_indirect_dma source(%arg21 : memref<8x128xf32, #tpu.memory_space<vmem>>) target(%dma_start3A_425 : memref<10240x128xf32, #tpu.memory_space<vmem_shared>>) offsets(%arg17 : memref<8xi32, #tpu.memory_space<vmem>>) semaphore(%run_scoped3A_422 : memref<!tpu.dma_semaphore, #tpu.memory_space<semaphore_mem>>) {add = true}
      %dma_wait3A_426 = arith.constant 0 : i32
      %dma_wait3A_427 = arith.constant 0 : i32
      %dma_wait3A_428 = tpu.memref_slice %arg23[%dma_wait3A_426, %dma_wait3A_427] : memref<10240x128xf32, #tpu.memory_space<vmem_shared>> -> memref<10240x128xf32, #tpu.memory_space<vmem_shared>>
      tpu.wait_indirect_dma semaphore(%run_scoped3A_422 : memref<!tpu.dma_semaphore, #tpu.memory_space<semaphore_mem>>) src(%arg21 : memref<8x128xf32, #tpu.memory_space<vmem>>) dst(%dma_wait3A_428 : memref<10240x128xf32, #tpu.memory_space<vmem_shared>>)
      tpu.yield
    }) : () -> ()
    %barrier3A_208 = arith.constant 0 : index
    tpu.barrier barrier_id(%barrier3A_208)
    %add3A_209 = arith.constant 0 : i32
    %add3A_210 = arith.addi %mul3A_0, %add3A_209 : i32
    "tpu.region"() ({
      %run_scoped3A_422 = tpu.sem_alloc : memref<!tpu.dma_semaphore, #tpu.memory_space<semaphore_mem>>
      %dma_start3A_423 = tpu.memref_slice %arg9[%add3A_210] : memref<10240xi32, #tpu.memory_space<hbm>> -> memref<128xi32, #tpu.memory_space<hbm>>
      %dma_start3A_424 = tpu.memref_slice %arg9[%add3A_210] : memref<10240xi32, #tpu.memory_space<hbm>> -> memref<128xi32, #tpu.memory_space<hbm>>
      tpu.enqueue_dma source(%dma_start3A_424 : memref<128xi32, #tpu.memory_space<hbm>>) target(%arg18 : memref<128xi32, #tpu.memory_space<vmem>>) target_semaphore(%run_scoped3A_422 : memref<!tpu.dma_semaphore, #tpu.memory_space<semaphore_mem>>)
      %dma_wait3A_425 = tpu.memref_slice %arg9[%add3A_210] : memref<10240xi32, #tpu.memory_space<hbm>> -> memref<128xi32, #tpu.memory_space<hbm>>
      %dma_wait3A_426 = tpu.memref_slice %arg9[%add3A_210] : memref<10240xi32, #tpu.memory_space<hbm>> -> memref<128xi32, #tpu.memory_space<hbm>>
      tpu.wait_dma2 semaphore(%run_scoped3A_422 : memref<!tpu.dma_semaphore, #tpu.memory_space<semaphore_mem>>) src(%dma_wait3A_426 : memref<128xi32, #tpu.memory_space<hbm>>) dst(%arg18 : memref<128xi32, #tpu.memory_space<vmem>>)
      tpu.yield
    }) : () -> ()
    %dma_start3A_211 = arith.constant 0 : i32
    %dma_start3A_212 = arith.constant 0 : i32
    %dma_start3A_213 = tpu.memref_slice %arg23[%dma_start3A_211, %dma_start3A_212] : memref<10240x128xf32, #tpu.memory_space<vmem_shared>> -> memref<10240x128xf32, #tpu.memory_space<vmem_shared>>
    tpu.enqueue_indirect_dma source(%dma_start3A_213 : memref<10240x128xf32, #tpu.memory_space<vmem_shared>>) target(%arg19 : memref<128x128xf32, #tpu.memory_space<vmem>>) offsets(%arg18 : memref<128xi32, #tpu.memory_space<vmem>>) semaphore(%arg24 : memref<!tpu.dma_semaphore, #tpu.memory_space<semaphore_mem>>)
    %dma_wait3A_214 = arith.constant 0 : i32
    %dma_wait3A_215 = arith.constant 0 : i32
    %dma_wait3A_216 = tpu.memref_slice %arg23[%dma_wait3A_214, %dma_wait3A_215] : memref<10240x128xf32, #tpu.memory_space<vmem_shared>> -> memref<10240x128xf32, #tpu.memory_space<vmem_shared>>
    tpu.wait_indirect_dma semaphore(%arg24 : memref<!tpu.dma_semaphore, #tpu.memory_space<semaphore_mem>>) src(%dma_wait3A_216 : memref<10240x128xf32, #tpu.memory_space<vmem_shared>>) dst(%arg19 : memref<128x128xf32, #tpu.memory_space<vmem>>)
    %add3A_217 = arith.constant 0 : i32
    %add3A_218 = arith.addi %mul3A_0, %add3A_217 : i32
    %run_scoped3A_219 = arith.constant 2 : i32
    "tpu.region"() ({
      %run_scoped3A_422 = tpu.sem_alloc : memref<!tpu.dma_semaphore, #tpu.memory_space<semaphore_mem>>
      %dma_start3A_423 = arith.constant 0 : i32
      %dma_start3A_424 = arith.constant 0 : i32
      %dma_start3A_425 = tpu.memref_slice %arg12[%arg0, %run_scoped3A_219, %dma_start3A_423, %dma_start3A_424] : memref<2x4x10240x128xf32, #tpu.memory_space<hbm>> -> memref<1x1x10240x128xf32, #tpu.memory_space<hbm>>
      %dma_start3A_426 = tpu.memref_squeeze %dma_start3A_425 : memref<1x1x10240x128xf32, #tpu.memory_space<hbm>> -> memref<10240x128xf32, #tpu.memory_space<hbm>>
      %dma_start3A_427 = arith.constant 0 : i32
      %dma_start3A_428 = tpu.memref_slice %dma_start3A_426[%add3A_218, %dma_start3A_427] : memref<10240x128xf32, #tpu.memory_space<hbm>> -> memref<128x128xf32, #tpu.memory_space<hbm>>
      %dma_start3A_429 = arith.constant 0 : i32
      %dma_start3A_430 = arith.constant 0 : i32
      %dma_start3A_431 = tpu.memref_slice %arg12[%arg0, %run_scoped3A_219, %dma_start3A_429, %dma_start3A_430] : memref<2x4x10240x128xf32, #tpu.memory_space<hbm>> -> memref<1x1x10240x128xf32, #tpu.memory_space<hbm>>
      %dma_start3A_432 = tpu.memref_squeeze %dma_start3A_431 : memref<1x1x10240x128xf32, #tpu.memory_space<hbm>> -> memref<10240x128xf32, #tpu.memory_space<hbm>>
      %dma_start3A_433 = arith.constant 0 : i32
      %dma_start3A_434 = tpu.memref_slice %dma_start3A_432[%add3A_218, %dma_start3A_433] : memref<10240x128xf32, #tpu.memory_space<hbm>> -> memref<128x128xf32, #tpu.memory_space<hbm>>
      tpu.enqueue_dma source(%arg19 : memref<128x128xf32, #tpu.memory_space<vmem>>) target(%dma_start3A_434 : memref<128x128xf32, #tpu.memory_space<hbm>>) target_semaphore(%run_scoped3A_422 : memref<!tpu.dma_semaphore, #tpu.memory_space<semaphore_mem>>)
      %dma_wait3A_435 = arith.constant 0 : i32
      %dma_wait3A_436 = arith.constant 0 : i32
      %dma_wait3A_437 = tpu.memref_slice %arg12[%arg0, %run_scoped3A_219, %dma_wait3A_435, %dma_wait3A_436] : memref<2x4x10240x128xf32, #tpu.memory_space<hbm>> -> memref<1x1x10240x128xf32, #tpu.memory_space<hbm>>
      %dma_wait3A_438 = tpu.memref_squeeze %dma_wait3A_437 : memref<1x1x10240x128xf32, #tpu.memory_space<hbm>> -> memref<10240x128xf32, #tpu.memory_space<hbm>>
      %dma_wait3A_439 = arith.constant 0 : i32
      %dma_wait3A_440 = tpu.memref_slice %dma_wait3A_438[%add3A_218, %dma_wait3A_439] : memref<10240x128xf32, #tpu.memory_space<hbm>> -> memref<128x128xf32, #tpu.memory_space<hbm>>
      %dma_wait3A_441 = arith.constant 0 : i32
      %dma_wait3A_442 = arith.constant 0 : i32
      %dma_wait3A_443 = tpu.memref_slice %arg12[%arg0, %run_scoped3A_219, %dma_wait3A_441, %dma_wait3A_442] : memref<2x4x10240x128xf32, #tpu.memory_space<hbm>> -> memref<1x1x10240x128xf32, #tpu.memory_space<hbm>>
      %dma_wait3A_444 = tpu.memref_squeeze %dma_wait3A_443 : memref<1x1x10240x128xf32, #tpu.memory_space<hbm>> -> memref<10240x128xf32, #tpu.memory_space<hbm>>
      %dma_wait3A_445 = arith.constant 0 : i32
      %dma_wait3A_446 = tpu.memref_slice %dma_wait3A_444[%add3A_218, %dma_wait3A_445] : memref<10240x128xf32, #tpu.memory_space<hbm>> -> memref<128x128xf32, #tpu.memory_space<hbm>>
      tpu.wait_dma2 semaphore(%run_scoped3A_422 : memref<!tpu.dma_semaphore, #tpu.memory_space<semaphore_mem>>) src(%arg19 : memref<128x128xf32, #tpu.memory_space<vmem>>) dst(%dma_wait3A_446 : memref<128x128xf32, #tpu.memory_space<hbm>>)
      tpu.yield
    }) : () -> ()
    %add3A_220 = arith.constant 128 : i32
    %add3A_221 = arith.addi %mul3A_0, %add3A_220 : i32
    "tpu.region"() ({
      %run_scoped3A_422 = tpu.sem_alloc : memref<!tpu.dma_semaphore, #tpu.memory_space<semaphore_mem>>
      %dma_start3A_423 = tpu.memref_slice %arg9[%add3A_221] : memref<10240xi32, #tpu.memory_space<hbm>> -> memref<128xi32, #tpu.memory_space<hbm>>
      %dma_start3A_424 = tpu.memref_slice %arg9[%add3A_221] : memref<10240xi32, #tpu.memory_space<hbm>> -> memref<128xi32, #tpu.memory_space<hbm>>
      tpu.enqueue_dma source(%dma_start3A_424 : memref<128xi32, #tpu.memory_space<hbm>>) target(%arg18 : memref<128xi32, #tpu.memory_space<vmem>>) target_semaphore(%run_scoped3A_422 : memref<!tpu.dma_semaphore, #tpu.memory_space<semaphore_mem>>)
      %dma_wait3A_425 = tpu.memref_slice %arg9[%add3A_221] : memref<10240xi32, #tpu.memory_space<hbm>> -> memref<128xi32, #tpu.memory_space<hbm>>
      %dma_wait3A_426 = tpu.memref_slice %arg9[%add3A_221] : memref<10240xi32, #tpu.memory_space<hbm>> -> memref<128xi32, #tpu.memory_space<hbm>>
      tpu.wait_dma2 semaphore(%run_scoped3A_422 : memref<!tpu.dma_semaphore, #tpu.memory_space<semaphore_mem>>) src(%dma_wait3A_426 : memref<128xi32, #tpu.memory_space<hbm>>) dst(%arg18 : memref<128xi32, #tpu.memory_space<vmem>>)
      tpu.yield
    }) : () -> ()
    %dma_start3A_222 = arith.constant 0 : i32
    %dma_start3A_223 = arith.constant 0 : i32
    %dma_start3A_224 = tpu.memref_slice %arg23[%dma_start3A_222, %dma_start3A_223] : memref<10240x128xf32, #tpu.memory_space<vmem_shared>> -> memref<10240x128xf32, #tpu.memory_space<vmem_shared>>
    tpu.enqueue_indirect_dma source(%dma_start3A_224 : memref<10240x128xf32, #tpu.memory_space<vmem_shared>>) target(%arg19 : memref<128x128xf32, #tpu.memory_space<vmem>>) offsets(%arg18 : memref<128xi32, #tpu.memory_space<vmem>>) semaphore(%arg24 : memref<!tpu.dma_semaphore, #tpu.memory_space<semaphore_mem>>)
    %dma_wait3A_225 = arith.constant 0 : i32
    %dma_wait3A_226 = arith.constant 0 : i32
    %dma_wait3A_227 = tpu.memref_slice %arg23[%dma_wait3A_225, %dma_wait3A_226] : memref<10240x128xf32, #tpu.memory_space<vmem_shared>> -> memref<10240x128xf32, #tpu.memory_space<vmem_shared>>
    tpu.wait_indirect_dma semaphore(%arg24 : memref<!tpu.dma_semaphore, #tpu.memory_space<semaphore_mem>>) src(%dma_wait3A_227 : memref<10240x128xf32, #tpu.memory_space<vmem_shared>>) dst(%arg19 : memref<128x128xf32, #tpu.memory_space<vmem>>)
    %add3A_228 = arith.constant 128 : i32
    %add3A_229 = arith.addi %mul3A_0, %add3A_228 : i32
    %run_scoped3A_230 = arith.constant 2 : i32
    "tpu.region"() ({
      %run_scoped3A_422 = tpu.sem_alloc : memref<!tpu.dma_semaphore, #tpu.memory_space<semaphore_mem>>
      %dma_start3A_423 = arith.constant 0 : i32
      %dma_start3A_424 = arith.constant 0 : i32
      %dma_start3A_425 = tpu.memref_slice %arg12[%arg0, %run_scoped3A_230, %dma_start3A_423, %dma_start3A_424] : memref<2x4x10240x128xf32, #tpu.memory_space<hbm>> -> memref<1x1x10240x128xf32, #tpu.memory_space<hbm>>
      %dma_start3A_426 = tpu.memref_squeeze %dma_start3A_425 : memref<1x1x10240x128xf32, #tpu.memory_space<hbm>> -> memref<10240x128xf32, #tpu.memory_space<hbm>>
      %dma_start3A_427 = arith.constant 0 : i32
      %dma_start3A_428 = tpu.memref_slice %dma_start3A_426[%add3A_229, %dma_start3A_427] : memref<10240x128xf32, #tpu.memory_space<hbm>> -> memref<128x128xf32, #tpu.memory_space<hbm>>
      %dma_start3A_429 = arith.constant 0 : i32
      %dma_start3A_430 = arith.constant 0 : i32
      %dma_start3A_431 = tpu.memref_slice %arg12[%arg0, %run_scoped3A_230, %dma_start3A_429, %dma_start3A_430] : memref<2x4x10240x128xf32, #tpu.memory_space<hbm>> -> memref<1x1x10240x128xf32, #tpu.memory_space<hbm>>
      %dma_start3A_432 = tpu.memref_squeeze %dma_start3A_431 : memref<1x1x10240x128xf32, #tpu.memory_space<hbm>> -> memref<10240x128xf32, #tpu.memory_space<hbm>>
      %dma_start3A_433 = arith.constant 0 : i32
      %dma_start3A_434 = tpu.memref_slice %dma_start3A_432[%add3A_229, %dma_start3A_433] : memref<10240x128xf32, #tpu.memory_space<hbm>> -> memref<128x128xf32, #tpu.memory_space<hbm>>
      tpu.enqueue_dma source(%arg19 : memref<128x128xf32, #tpu.memory_space<vmem>>) target(%dma_start3A_434 : memref<128x128xf32, #tpu.memory_space<hbm>>) target_semaphore(%run_scoped3A_422 : memref<!tpu.dma_semaphore, #tpu.memory_space<semaphore_mem>>)
      %dma_wait3A_435 = arith.constant 0 : i32
      %dma_wait3A_436 = arith.constant 0 : i32
      %dma_wait3A_437 = tpu.memref_slice %arg12[%arg0, %run_scoped3A_230, %dma_wait3A_435, %dma_wait3A_436] : memref<2x4x10240x128xf32, #tpu.memory_space<hbm>> -> memref<1x1x10240x128xf32, #tpu.memory_space<hbm>>
      %dma_wait3A_438 = tpu.memref_squeeze %dma_wait3A_437 : memref<1x1x10240x128xf32, #tpu.memory_space<hbm>> -> memref<10240x128xf32, #tpu.memory_space<hbm>>
      %dma_wait3A_439 = arith.constant 0 : i32
      %dma_wait3A_440 = tpu.memref_slice %dma_wait3A_438[%add3A_229, %dma_wait3A_439] : memref<10240x128xf32, #tpu.memory_space<hbm>> -> memref<128x128xf32, #tpu.memory_space<hbm>>
      %dma_wait3A_441 = arith.constant 0 : i32
      %dma_wait3A_442 = arith.constant 0 : i32
      %dma_wait3A_443 = tpu.memref_slice %arg12[%arg0, %run_scoped3A_230, %dma_wait3A_441, %dma_wait3A_442] : memref<2x4x10240x128xf32, #tpu.memory_space<hbm>> -> memref<1x1x10240x128xf32, #tpu.memory_space<hbm>>
      %dma_wait3A_444 = tpu.memref_squeeze %dma_wait3A_443 : memref<1x1x10240x128xf32, #tpu.memory_space<hbm>> -> memref<10240x128xf32, #tpu.memory_space<hbm>>
      %dma_wait3A_445 = arith.constant 0 : i32
      %dma_wait3A_446 = tpu.memref_slice %dma_wait3A_444[%add3A_229, %dma_wait3A_445] : memref<10240x128xf32, #tpu.memory_space<hbm>> -> memref<128x128xf32, #tpu.memory_space<hbm>>
      tpu.wait_dma2 semaphore(%run_scoped3A_422 : memref<!tpu.dma_semaphore, #tpu.memory_space<semaphore_mem>>) src(%arg19 : memref<128x128xf32, #tpu.memory_space<vmem>>) dst(%dma_wait3A_446 : memref<128x128xf32, #tpu.memory_space<hbm>>)
      tpu.yield
    }) : () -> ()
    %add3A_231 = arith.constant 256 : i32
    %add3A_232 = arith.addi %mul3A_0, %add3A_231 : i32
    "tpu.region"() ({
      %run_scoped3A_422 = tpu.sem_alloc : memref<!tpu.dma_semaphore, #tpu.memory_space<semaphore_mem>>
      %dma_start3A_423 = tpu.memref_slice %arg9[%add3A_232] : memref<10240xi32, #tpu.memory_space<hbm>> -> memref<128xi32, #tpu.memory_space<hbm>>
      %dma_start3A_424 = tpu.memref_slice %arg9[%add3A_232] : memref<10240xi32, #tpu.memory_space<hbm>> -> memref<128xi32, #tpu.memory_space<hbm>>
      tpu.enqueue_dma source(%dma_start3A_424 : memref<128xi32, #tpu.memory_space<hbm>>) target(%arg18 : memref<128xi32, #tpu.memory_space<vmem>>) target_semaphore(%run_scoped3A_422 : memref<!tpu.dma_semaphore, #tpu.memory_space<semaphore_mem>>)
      %dma_wait3A_425 = tpu.memref_slice %arg9[%add3A_232] : memref<10240xi32, #tpu.memory_space<hbm>> -> memref<128xi32, #tpu.memory_space<hbm>>
      %dma_wait3A_426 = tpu.memref_slice %arg9[%add3A_232] : memref<10240xi32, #tpu.memory_space<hbm>> -> memref<128xi32, #tpu.memory_space<hbm>>
      tpu.wait_dma2 semaphore(%run_scoped3A_422 : memref<!tpu.dma_semaphore, #tpu.memory_space<semaphore_mem>>) src(%dma_wait3A_426 : memref<128xi32, #tpu.memory_space<hbm>>) dst(%arg18 : memref<128xi32, #tpu.memory_space<vmem>>)
      tpu.yield
    }) : () -> ()
    %dma_start3A_233 = arith.constant 0 : i32
    %dma_start3A_234 = arith.constant 0 : i32
    %dma_start3A_235 = tpu.memref_slice %arg23[%dma_start3A_233, %dma_start3A_234] : memref<10240x128xf32, #tpu.memory_space<vmem_shared>> -> memref<10240x128xf32, #tpu.memory_space<vmem_shared>>
    tpu.enqueue_indirect_dma source(%dma_start3A_235 : memref<10240x128xf32, #tpu.memory_space<vmem_shared>>) target(%arg19 : memref<128x128xf32, #tpu.memory_space<vmem>>) offsets(%arg18 : memref<128xi32, #tpu.memory_space<vmem>>) semaphore(%arg24 : memref<!tpu.dma_semaphore, #tpu.memory_space<semaphore_mem>>)
    %dma_wait3A_236 = arith.constant 0 : i32
    %dma_wait3A_237 = arith.constant 0 : i32
    %dma_wait3A_238 = tpu.memref_slice %arg23[%dma_wait3A_236, %dma_wait3A_237] : memref<10240x128xf32, #tpu.memory_space<vmem_shared>> -> memref<10240x128xf32, #tpu.memory_space<vmem_shared>>
    tpu.wait_indirect_dma semaphore(%arg24 : memref<!tpu.dma_semaphore, #tpu.memory_space<semaphore_mem>>) src(%dma_wait3A_238 : memref<10240x128xf32, #tpu.memory_space<vmem_shared>>) dst(%arg19 : memref<128x128xf32, #tpu.memory_space<vmem>>)
    %add3A_239 = arith.constant 256 : i32
    %add3A_240 = arith.addi %mul3A_0, %add3A_239 : i32
    %run_scoped3A_241 = arith.constant 2 : i32
    "tpu.region"() ({
      %run_scoped3A_422 = tpu.sem_alloc : memref<!tpu.dma_semaphore, #tpu.memory_space<semaphore_mem>>
      %dma_start3A_423 = arith.constant 0 : i32
      %dma_start3A_424 = arith.constant 0 : i32
      %dma_start3A_425 = tpu.memref_slice %arg12[%arg0, %run_scoped3A_241, %dma_start3A_423, %dma_start3A_424] : memref<2x4x10240x128xf32, #tpu.memory_space<hbm>> -> memref<1x1x10240x128xf32, #tpu.memory_space<hbm>>
      %dma_start3A_426 = tpu.memref_squeeze %dma_start3A_425 : memref<1x1x10240x128xf32, #tpu.memory_space<hbm>> -> memref<10240x128xf32, #tpu.memory_space<hbm>>
      %dma_start3A_427 = arith.constant 0 : i32
      %dma_start3A_428 = tpu.memref_slice %dma_start3A_426[%add3A_240, %dma_start3A_427] : memref<10240x128xf32, #tpu.memory_space<hbm>> -> memref<128x128xf32, #tpu.memory_space<hbm>>
      %dma_start3A_429 = arith.constant 0 : i32
      %dma_start3A_430 = arith.constant 0 : i32
      %dma_start3A_431 = tpu.memref_slice %arg12[%arg0, %run_scoped3A_241, %dma_start3A_429, %dma_start3A_430] : memref<2x4x10240x128xf32, #tpu.memory_space<hbm>> -> memref<1x1x10240x128xf32, #tpu.memory_space<hbm>>
      %dma_start3A_432 = tpu.memref_squeeze %dma_start3A_431 : memref<1x1x10240x128xf32, #tpu.memory_space<hbm>> -> memref<10240x128xf32, #tpu.memory_space<hbm>>
      %dma_start3A_433 = arith.constant 0 : i32
      %dma_start3A_434 = tpu.memref_slice %dma_start3A_432[%add3A_240, %dma_start3A_433] : memref<10240x128xf32, #tpu.memory_space<hbm>> -> memref<128x128xf32, #tpu.memory_space<hbm>>
      tpu.enqueue_dma source(%arg19 : memref<128x128xf32, #tpu.memory_space<vmem>>) target(%dma_start3A_434 : memref<128x128xf32, #tpu.memory_space<hbm>>) target_semaphore(%run_scoped3A_422 : memref<!tpu.dma_semaphore, #tpu.memory_space<semaphore_mem>>)
      %dma_wait3A_435 = arith.constant 0 : i32
      %dma_wait3A_436 = arith.constant 0 : i32
      %dma_wait3A_437 = tpu.memref_slice %arg12[%arg0, %run_scoped3A_241, %dma_wait3A_435, %dma_wait3A_436] : memref<2x4x10240x128xf32, #tpu.memory_space<hbm>> -> memref<1x1x10240x128xf32, #tpu.memory_space<hbm>>
      %dma_wait3A_438 = tpu.memref_squeeze %dma_wait3A_437 : memref<1x1x10240x128xf32, #tpu.memory_space<hbm>> -> memref<10240x128xf32, #tpu.memory_space<hbm>>
      %dma_wait3A_439 = arith.constant 0 : i32
      %dma_wait3A_440 = tpu.memref_slice %dma_wait3A_438[%add3A_240, %dma_wait3A_439] : memref<10240x128xf32, #tpu.memory_space<hbm>> -> memref<128x128xf32, #tpu.memory_space<hbm>>
      %dma_wait3A_441 = arith.constant 0 : i32
      %dma_wait3A_442 = arith.constant 0 : i32
      %dma_wait3A_443 = tpu.memref_slice %arg12[%arg0, %run_scoped3A_241, %dma_wait3A_441, %dma_wait3A_442] : memref<2x4x10240x128xf32, #tpu.memory_space<hbm>> -> memref<1x1x10240x128xf32, #tpu.memory_space<hbm>>
      %dma_wait3A_444 = tpu.memref_squeeze %dma_wait3A_443 : memref<1x1x10240x128xf32, #tpu.memory_space<hbm>> -> memref<10240x128xf32, #tpu.memory_space<hbm>>
      %dma_wait3A_445 = arith.constant 0 : i32
      %dma_wait3A_446 = tpu.memref_slice %dma_wait3A_444[%add3A_240, %dma_wait3A_445] : memref<10240x128xf32, #tpu.memory_space<hbm>> -> memref<128x128xf32, #tpu.memory_space<hbm>>
      tpu.wait_dma2 semaphore(%run_scoped3A_422 : memref<!tpu.dma_semaphore, #tpu.memory_space<semaphore_mem>>) src(%arg19 : memref<128x128xf32, #tpu.memory_space<vmem>>) dst(%dma_wait3A_446 : memref<128x128xf32, #tpu.memory_space<hbm>>)
      tpu.yield
    }) : () -> ()
    %add3A_242 = arith.constant 384 : i32
    %add3A_243 = arith.addi %mul3A_0, %add3A_242 : i32
    "tpu.region"() ({
      %run_scoped3A_422 = tpu.sem_alloc : memref<!tpu.dma_semaphore, #tpu.memory_space<semaphore_mem>>
      %dma_start3A_423 = tpu.memref_slice %arg9[%add3A_243] : memref<10240xi32, #tpu.memory_space<hbm>> -> memref<128xi32, #tpu.memory_space<hbm>>
      %dma_start3A_424 = tpu.memref_slice %arg9[%add3A_243] : memref<10240xi32, #tpu.memory_space<hbm>> -> memref<128xi32, #tpu.memory_space<hbm>>
      tpu.enqueue_dma source(%dma_start3A_424 : memref<128xi32, #tpu.memory_space<hbm>>) target(%arg18 : memref<128xi32, #tpu.memory_space<vmem>>) target_semaphore(%run_scoped3A_422 : memref<!tpu.dma_semaphore, #tpu.memory_space<semaphore_mem>>)
      %dma_wait3A_425 = tpu.memref_slice %arg9[%add3A_243] : memref<10240xi32, #tpu.memory_space<hbm>> -> memref<128xi32, #tpu.memory_space<hbm>>
      %dma_wait3A_426 = tpu.memref_slice %arg9[%add3A_243] : memref<10240xi32, #tpu.memory_space<hbm>> -> memref<128xi32, #tpu.memory_space<hbm>>
      tpu.wait_dma2 semaphore(%run_scoped3A_422 : memref<!tpu.dma_semaphore, #tpu.memory_space<semaphore_mem>>) src(%dma_wait3A_426 : memref<128xi32, #tpu.memory_space<hbm>>) dst(%arg18 : memref<128xi32, #tpu.memory_space<vmem>>)
      tpu.yield
    }) : () -> ()
    %dma_start3A_244 = arith.constant 0 : i32
    %dma_start3A_245 = arith.constant 0 : i32
    %dma_start3A_246 = tpu.memref_slice %arg23[%dma_start3A_244, %dma_start3A_245] : memref<10240x128xf32, #tpu.memory_space<vmem_shared>> -> memref<10240x128xf32, #tpu.memory_space<vmem_shared>>
    tpu.enqueue_indirect_dma source(%dma_start3A_246 : memref<10240x128xf32, #tpu.memory_space<vmem_shared>>) target(%arg19 : memref<128x128xf32, #tpu.memory_space<vmem>>) offsets(%arg18 : memref<128xi32, #tpu.memory_space<vmem>>) semaphore(%arg24 : memref<!tpu.dma_semaphore, #tpu.memory_space<semaphore_mem>>)
    %dma_wait3A_247 = arith.constant 0 : i32
    %dma_wait3A_248 = arith.constant 0 : i32
    %dma_wait3A_249 = tpu.memref_slice %arg23[%dma_wait3A_247, %dma_wait3A_248] : memref<10240x128xf32, #tpu.memory_space<vmem_shared>> -> memref<10240x128xf32, #tpu.memory_space<vmem_shared>>
    tpu.wait_indirect_dma semaphore(%arg24 : memref<!tpu.dma_semaphore, #tpu.memory_space<semaphore_mem>>) src(%dma_wait3A_249 : memref<10240x128xf32, #tpu.memory_space<vmem_shared>>) dst(%arg19 : memref<128x128xf32, #tpu.memory_space<vmem>>)
    %add3A_250 = arith.constant 384 : i32
    %add3A_251 = arith.addi %mul3A_0, %add3A_250 : i32
    %run_scoped3A_252 = arith.constant 2 : i32
    "tpu.region"() ({
      %run_scoped3A_422 = tpu.sem_alloc : memref<!tpu.dma_semaphore, #tpu.memory_space<semaphore_mem>>
      %dma_start3A_423 = arith.constant 0 : i32
      %dma_start3A_424 = arith.constant 0 : i32
      %dma_start3A_425 = tpu.memref_slice %arg12[%arg0, %run_scoped3A_252, %dma_start3A_423, %dma_start3A_424] : memref<2x4x10240x128xf32, #tpu.memory_space<hbm>> -> memref<1x1x10240x128xf32, #tpu.memory_space<hbm>>
      %dma_start3A_426 = tpu.memref_squeeze %dma_start3A_425 : memref<1x1x10240x128xf32, #tpu.memory_space<hbm>> -> memref<10240x128xf32, #tpu.memory_space<hbm>>
      %dma_start3A_427 = arith.constant 0 : i32
      %dma_start3A_428 = tpu.memref_slice %dma_start3A_426[%add3A_251, %dma_start3A_427] : memref<10240x128xf32, #tpu.memory_space<hbm>> -> memref<128x128xf32, #tpu.memory_space<hbm>>
      %dma_start3A_429 = arith.constant 0 : i32
      %dma_start3A_430 = arith.constant 0 : i32
      %dma_start3A_431 = tpu.memref_slice %arg12[%arg0, %run_scoped3A_252, %dma_start3A_429, %dma_start3A_430] : memref<2x4x10240x128xf32, #tpu.memory_space<hbm>> -> memref<1x1x10240x128xf32, #tpu.memory_space<hbm>>
      %dma_start3A_432 = tpu.memref_squeeze %dma_start3A_431 : memref<1x1x10240x128xf32, #tpu.memory_space<hbm>> -> memref<10240x128xf32, #tpu.memory_space<hbm>>
      %dma_start3A_433 = arith.constant 0 : i32
      %dma_start3A_434 = tpu.memref_slice %dma_start3A_432[%add3A_251, %dma_start3A_433] : memref<10240x128xf32, #tpu.memory_space<hbm>> -> memref<128x128xf32, #tpu.memory_space<hbm>>
      tpu.enqueue_dma source(%arg19 : memref<128x128xf32, #tpu.memory_space<vmem>>) target(%dma_start3A_434 : memref<128x128xf32, #tpu.memory_space<hbm>>) target_semaphore(%run_scoped3A_422 : memref<!tpu.dma_semaphore, #tpu.memory_space<semaphore_mem>>)
      %dma_wait3A_435 = arith.constant 0 : i32
      %dma_wait3A_436 = arith.constant 0 : i32
      %dma_wait3A_437 = tpu.memref_slice %arg12[%arg0, %run_scoped3A_252, %dma_wait3A_435, %dma_wait3A_436] : memref<2x4x10240x128xf32, #tpu.memory_space<hbm>> -> memref<1x1x10240x128xf32, #tpu.memory_space<hbm>>
      %dma_wait3A_438 = tpu.memref_squeeze %dma_wait3A_437 : memref<1x1x10240x128xf32, #tpu.memory_space<hbm>> -> memref<10240x128xf32, #tpu.memory_space<hbm>>
      %dma_wait3A_439 = arith.constant 0 : i32
      %dma_wait3A_440 = tpu.memref_slice %dma_wait3A_438[%add3A_251, %dma_wait3A_439] : memref<10240x128xf32, #tpu.memory_space<hbm>> -> memref<128x128xf32, #tpu.memory_space<hbm>>
      %dma_wait3A_441 = arith.constant 0 : i32
      %dma_wait3A_442 = arith.constant 0 : i32
      %dma_wait3A_443 = tpu.memref_slice %arg12[%arg0, %run_scoped3A_252, %dma_wait3A_441, %dma_wait3A_442] : memref<2x4x10240x128xf32, #tpu.memory_space<hbm>> -> memref<1x1x10240x128xf32, #tpu.memory_space<hbm>>
      %dma_wait3A_444 = tpu.memref_squeeze %dma_wait3A_443 : memref<1x1x10240x128xf32, #tpu.memory_space<hbm>> -> memref<10240x128xf32, #tpu.memory_space<hbm>>
      %dma_wait3A_445 = arith.constant 0 : i32
      %dma_wait3A_446 = tpu.memref_slice %dma_wait3A_444[%add3A_251, %dma_wait3A_445] : memref<10240x128xf32, #tpu.memory_space<hbm>> -> memref<128x128xf32, #tpu.memory_space<hbm>>
      tpu.wait_dma2 semaphore(%run_scoped3A_422 : memref<!tpu.dma_semaphore, #tpu.memory_space<semaphore_mem>>) src(%arg19 : memref<128x128xf32, #tpu.memory_space<vmem>>) dst(%dma_wait3A_446 : memref<128x128xf32, #tpu.memory_space<hbm>>)
      tpu.yield
    }) : () -> ()
    %add3A_253 = arith.constant 512 : i32
    %add3A_254 = arith.addi %mul3A_0, %add3A_253 : i32
    "tpu.region"() ({
      %run_scoped3A_422 = tpu.sem_alloc : memref<!tpu.dma_semaphore, #tpu.memory_space<semaphore_mem>>
      %dma_start3A_423 = tpu.memref_slice %arg9[%add3A_254] : memref<10240xi32, #tpu.memory_space<hbm>> -> memref<128xi32, #tpu.memory_space<hbm>>
      %dma_start3A_424 = tpu.memref_slice %arg9[%add3A_254] : memref<10240xi32, #tpu.memory_space<hbm>> -> memref<128xi32, #tpu.memory_space<hbm>>
      tpu.enqueue_dma source(%dma_start3A_424 : memref<128xi32, #tpu.memory_space<hbm>>) target(%arg18 : memref<128xi32, #tpu.memory_space<vmem>>) target_semaphore(%run_scoped3A_422 : memref<!tpu.dma_semaphore, #tpu.memory_space<semaphore_mem>>)
      %dma_wait3A_425 = tpu.memref_slice %arg9[%add3A_254] : memref<10240xi32, #tpu.memory_space<hbm>> -> memref<128xi32, #tpu.memory_space<hbm>>
      %dma_wait3A_426 = tpu.memref_slice %arg9[%add3A_254] : memref<10240xi32, #tpu.memory_space<hbm>> -> memref<128xi32, #tpu.memory_space<hbm>>
      tpu.wait_dma2 semaphore(%run_scoped3A_422 : memref<!tpu.dma_semaphore, #tpu.memory_space<semaphore_mem>>) src(%dma_wait3A_426 : memref<128xi32, #tpu.memory_space<hbm>>) dst(%arg18 : memref<128xi32, #tpu.memory_space<vmem>>)
      tpu.yield
    }) : () -> ()
    %dma_start3A_255 = arith.constant 0 : i32
    %dma_start3A_256 = arith.constant 0 : i32
    %dma_start3A_257 = tpu.memref_slice %arg23[%dma_start3A_255, %dma_start3A_256] : memref<10240x128xf32, #tpu.memory_space<vmem_shared>> -> memref<10240x128xf32, #tpu.memory_space<vmem_shared>>
    tpu.enqueue_indirect_dma source(%dma_start3A_257 : memref<10240x128xf32, #tpu.memory_space<vmem_shared>>) target(%arg19 : memref<128x128xf32, #tpu.memory_space<vmem>>) offsets(%arg18 : memref<128xi32, #tpu.memory_space<vmem>>) semaphore(%arg24 : memref<!tpu.dma_semaphore, #tpu.memory_space<semaphore_mem>>)
    %dma_wait3A_258 = arith.constant 0 : i32
    %dma_wait3A_259 = arith.constant 0 : i32
    %dma_wait3A_260 = tpu.memref_slice %arg23[%dma_wait3A_258, %dma_wait3A_259] : memref<10240x128xf32, #tpu.memory_space<vmem_shared>> -> memref<10240x128xf32, #tpu.memory_space<vmem_shared>>
    tpu.wait_indirect_dma semaphore(%arg24 : memref<!tpu.dma_semaphore, #tpu.memory_space<semaphore_mem>>) src(%dma_wait3A_260 : memref<10240x128xf32, #tpu.memory_space<vmem_shared>>) dst(%arg19 : memref<128x128xf32, #tpu.memory_space<vmem>>)
    %add3A_261 = arith.constant 512 : i32
    %add3A_262 = arith.addi %mul3A_0, %add3A_261 : i32
    %run_scoped3A_263 = arith.constant 2 : i32
    "tpu.region"() ({
      %run_scoped3A_422 = tpu.sem_alloc : memref<!tpu.dma_semaphore, #tpu.memory_space<semaphore_mem>>
      %dma_start3A_423 = arith.constant 0 : i32
      %dma_start3A_424 = arith.constant 0 : i32
      %dma_start3A_425 = tpu.memref_slice %arg12[%arg0, %run_scoped3A_263, %dma_start3A_423, %dma_start3A_424] : memref<2x4x10240x128xf32, #tpu.memory_space<hbm>> -> memref<1x1x10240x128xf32, #tpu.memory_space<hbm>>
      %dma_start3A_426 = tpu.memref_squeeze %dma_start3A_425 : memref<1x1x10240x128xf32, #tpu.memory_space<hbm>> -> memref<10240x128xf32, #tpu.memory_space<hbm>>
      %dma_start3A_427 = arith.constant 0 : i32
      %dma_start3A_428 = tpu.memref_slice %dma_start3A_426[%add3A_262, %dma_start3A_427] : memref<10240x128xf32, #tpu.memory_space<hbm>> -> memref<128x128xf32, #tpu.memory_space<hbm>>
      %dma_start3A_429 = arith.constant 0 : i32
      %dma_start3A_430 = arith.constant 0 : i32
      %dma_start3A_431 = tpu.memref_slice %arg12[%arg0, %run_scoped3A_263, %dma_start3A_429, %dma_start3A_430] : memref<2x4x10240x128xf32, #tpu.memory_space<hbm>> -> memref<1x1x10240x128xf32, #tpu.memory_space<hbm>>
      %dma_start3A_432 = tpu.memref_squeeze %dma_start3A_431 : memref<1x1x10240x128xf32, #tpu.memory_space<hbm>> -> memref<10240x128xf32, #tpu.memory_space<hbm>>
      %dma_start3A_433 = arith.constant 0 : i32
      %dma_start3A_434 = tpu.memref_slice %dma_start3A_432[%add3A_262, %dma_start3A_433] : memref<10240x128xf32, #tpu.memory_space<hbm>> -> memref<128x128xf32, #tpu.memory_space<hbm>>
      tpu.enqueue_dma source(%arg19 : memref<128x128xf32, #tpu.memory_space<vmem>>) target(%dma_start3A_434 : memref<128x128xf32, #tpu.memory_space<hbm>>) target_semaphore(%run_scoped3A_422 : memref<!tpu.dma_semaphore, #tpu.memory_space<semaphore_mem>>)
      %dma_wait3A_435 = arith.constant 0 : i32
      %dma_wait3A_436 = arith.constant 0 : i32
      %dma_wait3A_437 = tpu.memref_slice %arg12[%arg0, %run_scoped3A_263, %dma_wait3A_435, %dma_wait3A_436] : memref<2x4x10240x128xf32, #tpu.memory_space<hbm>> -> memref<1x1x10240x128xf32, #tpu.memory_space<hbm>>
      %dma_wait3A_438 = tpu.memref_squeeze %dma_wait3A_437 : memref<1x1x10240x128xf32, #tpu.memory_space<hbm>> -> memref<10240x128xf32, #tpu.memory_space<hbm>>
      %dma_wait3A_439 = arith.constant 0 : i32
      %dma_wait3A_440 = tpu.memref_slice %dma_wait3A_438[%add3A_262, %dma_wait3A_439] : memref<10240x128xf32, #tpu.memory_space<hbm>> -> memref<128x128xf32, #tpu.memory_space<hbm>>
      %dma_wait3A_441 = arith.constant 0 : i32
      %dma_wait3A_442 = arith.constant 0 : i32
      %dma_wait3A_443 = tpu.memref_slice %arg12[%arg0, %run_scoped3A_263, %dma_wait3A_441, %dma_wait3A_442] : memref<2x4x10240x128xf32, #tpu.memory_space<hbm>> -> memref<1x1x10240x128xf32, #tpu.memory_space<hbm>>
      %dma_wait3A_444 = tpu.memref_squeeze %dma_wait3A_443 : memref<1x1x10240x128xf32, #tpu.memory_space<hbm>> -> memref<10240x128xf32, #tpu.memory_space<hbm>>
      %dma_wait3A_445 = arith.constant 0 : i32
      %dma_wait3A_446 = tpu.memref_slice %dma_wait3A_444[%add3A_262, %dma_wait3A_445] : memref<10240x128xf32, #tpu.memory_space<hbm>> -> memref<128x128xf32, #tpu.memory_space<hbm>>
      tpu.wait_dma2 semaphore(%run_scoped3A_422 : memref<!tpu.dma_semaphore, #tpu.memory_space<semaphore_mem>>) src(%arg19 : memref<128x128xf32, #tpu.memory_space<vmem>>) dst(%dma_wait3A_446 : memref<128x128xf32, #tpu.memory_space<hbm>>)
      tpu.yield
    }) : () -> ()
    "tpu.region"() ({
      %run_scoped3A_422 = tpu.sem_alloc : memref<!tpu.dma_semaphore, #tpu.memory_space<semaphore_mem>>
      tpu.enqueue_dma source(%arg11 : memref<128x128xf32, #tpu.memory_space<hbm>>) target(%arg20 : memref<128x128xf32, #tpu.memory_space<vmem>>) target_semaphore(%run_scoped3A_422 : memref<!tpu.dma_semaphore, #tpu.memory_space<semaphore_mem>>)
      tpu.wait_dma2 semaphore(%run_scoped3A_422 : memref<!tpu.dma_semaphore, #tpu.memory_space<semaphore_mem>>) src(%arg11 : memref<128x128xf32, #tpu.memory_space<hbm>>) dst(%arg20 : memref<128x128xf32, #tpu.memory_space<vmem>>)
      tpu.yield
    }) : () -> ()
    %add3A_264 = arith.constant 0 : i32
    %add3A_265 = arith.addi %mul3A_0, %add3A_264 : i32
    "tpu.region"() ({
      %run_scoped3A_422 = tpu.sem_alloc : memref<!tpu.dma_semaphore, #tpu.memory_space<semaphore_mem>>
      %dma_start3A_423 = tpu.memref_slice %arg9[%add3A_265] : memref<10240xi32, #tpu.memory_space<hbm>> -> memref<128xi32, #tpu.memory_space<hbm>>
      %dma_start3A_424 = tpu.memref_slice %arg9[%add3A_265] : memref<10240xi32, #tpu.memory_space<hbm>> -> memref<128xi32, #tpu.memory_space<hbm>>
      tpu.enqueue_dma source(%dma_start3A_424 : memref<128xi32, #tpu.memory_space<hbm>>) target(%arg18 : memref<128xi32, #tpu.memory_space<vmem>>) target_semaphore(%run_scoped3A_422 : memref<!tpu.dma_semaphore, #tpu.memory_space<semaphore_mem>>)
      %dma_wait3A_425 = tpu.memref_slice %arg9[%add3A_265] : memref<10240xi32, #tpu.memory_space<hbm>> -> memref<128xi32, #tpu.memory_space<hbm>>
      %dma_wait3A_426 = tpu.memref_slice %arg9[%add3A_265] : memref<10240xi32, #tpu.memory_space<hbm>> -> memref<128xi32, #tpu.memory_space<hbm>>
      tpu.wait_dma2 semaphore(%run_scoped3A_422 : memref<!tpu.dma_semaphore, #tpu.memory_space<semaphore_mem>>) src(%dma_wait3A_426 : memref<128xi32, #tpu.memory_space<hbm>>) dst(%arg18 : memref<128xi32, #tpu.memory_space<vmem>>)
      tpu.yield
    }) : () -> ()
    "tpu.region"() ({
      %run_scoped3A_422 = tpu.sem_alloc : memref<!tpu.dma_semaphore, #tpu.memory_space<semaphore_mem>>
      %dma_start3A_423 = arith.constant 0 : i32
      %dma_start3A_424 = arith.constant 0 : i32
      %dma_start3A_425 = tpu.memref_slice %arg23[%dma_start3A_423, %dma_start3A_424] : memref<10240x128xf32, #tpu.memory_space<vmem_shared>> -> memref<10240x128xf32, #tpu.memory_space<vmem_shared>>
      tpu.enqueue_indirect_dma source(%arg20 : memref<128x128xf32, #tpu.memory_space<vmem>>) target(%dma_start3A_425 : memref<10240x128xf32, #tpu.memory_space<vmem_shared>>) offsets(%arg18 : memref<128xi32, #tpu.memory_space<vmem>>) semaphore(%run_scoped3A_422 : memref<!tpu.dma_semaphore, #tpu.memory_space<semaphore_mem>>)
      %dma_wait3A_426 = arith.constant 0 : i32
      %dma_wait3A_427 = arith.constant 0 : i32
      %dma_wait3A_428 = tpu.memref_slice %arg23[%dma_wait3A_426, %dma_wait3A_427] : memref<10240x128xf32, #tpu.memory_space<vmem_shared>> -> memref<10240x128xf32, #tpu.memory_space<vmem_shared>>
      tpu.wait_indirect_dma semaphore(%run_scoped3A_422 : memref<!tpu.dma_semaphore, #tpu.memory_space<semaphore_mem>>) src(%arg20 : memref<128x128xf32, #tpu.memory_space<vmem>>) dst(%dma_wait3A_428 : memref<10240x128xf32, #tpu.memory_space<vmem_shared>>)
      tpu.yield
    }) : () -> ()
    %add3A_266 = arith.constant 128 : i32
    %add3A_267 = arith.addi %mul3A_0, %add3A_266 : i32
    "tpu.region"() ({
      %run_scoped3A_422 = tpu.sem_alloc : memref<!tpu.dma_semaphore, #tpu.memory_space<semaphore_mem>>
      %dma_start3A_423 = tpu.memref_slice %arg9[%add3A_267] : memref<10240xi32, #tpu.memory_space<hbm>> -> memref<128xi32, #tpu.memory_space<hbm>>
      %dma_start3A_424 = tpu.memref_slice %arg9[%add3A_267] : memref<10240xi32, #tpu.memory_space<hbm>> -> memref<128xi32, #tpu.memory_space<hbm>>
      tpu.enqueue_dma source(%dma_start3A_424 : memref<128xi32, #tpu.memory_space<hbm>>) target(%arg18 : memref<128xi32, #tpu.memory_space<vmem>>) target_semaphore(%run_scoped3A_422 : memref<!tpu.dma_semaphore, #tpu.memory_space<semaphore_mem>>)
      %dma_wait3A_425 = tpu.memref_slice %arg9[%add3A_267] : memref<10240xi32, #tpu.memory_space<hbm>> -> memref<128xi32, #tpu.memory_space<hbm>>
      %dma_wait3A_426 = tpu.memref_slice %arg9[%add3A_267] : memref<10240xi32, #tpu.memory_space<hbm>> -> memref<128xi32, #tpu.memory_space<hbm>>
      tpu.wait_dma2 semaphore(%run_scoped3A_422 : memref<!tpu.dma_semaphore, #tpu.memory_space<semaphore_mem>>) src(%dma_wait3A_426 : memref<128xi32, #tpu.memory_space<hbm>>) dst(%arg18 : memref<128xi32, #tpu.memory_space<vmem>>)
      tpu.yield
    }) : () -> ()
    "tpu.region"() ({
      %run_scoped3A_422 = tpu.sem_alloc : memref<!tpu.dma_semaphore, #tpu.memory_space<semaphore_mem>>
      %dma_start3A_423 = arith.constant 0 : i32
      %dma_start3A_424 = arith.constant 0 : i32
      %dma_start3A_425 = tpu.memref_slice %arg23[%dma_start3A_423, %dma_start3A_424] : memref<10240x128xf32, #tpu.memory_space<vmem_shared>> -> memref<10240x128xf32, #tpu.memory_space<vmem_shared>>
      tpu.enqueue_indirect_dma source(%arg20 : memref<128x128xf32, #tpu.memory_space<vmem>>) target(%dma_start3A_425 : memref<10240x128xf32, #tpu.memory_space<vmem_shared>>) offsets(%arg18 : memref<128xi32, #tpu.memory_space<vmem>>) semaphore(%run_scoped3A_422 : memref<!tpu.dma_semaphore, #tpu.memory_space<semaphore_mem>>)
      %dma_wait3A_426 = arith.constant 0 : i32
      %dma_wait3A_427 = arith.constant 0 : i32
      %dma_wait3A_428 = tpu.memref_slice %arg23[%dma_wait3A_426, %dma_wait3A_427] : memref<10240x128xf32, #tpu.memory_space<vmem_shared>> -> memref<10240x128xf32, #tpu.memory_space<vmem_shared>>
      tpu.wait_indirect_dma semaphore(%run_scoped3A_422 : memref<!tpu.dma_semaphore, #tpu.memory_space<semaphore_mem>>) src(%arg20 : memref<128x128xf32, #tpu.memory_space<vmem>>) dst(%dma_wait3A_428 : memref<10240x128xf32, #tpu.memory_space<vmem_shared>>)
      tpu.yield
    }) : () -> ()
    %add3A_268 = arith.constant 256 : i32
    %add3A_269 = arith.addi %mul3A_0, %add3A_268 : i32
    "tpu.region"() ({
      %run_scoped3A_422 = tpu.sem_alloc : memref<!tpu.dma_semaphore, #tpu.memory_space<semaphore_mem>>
      %dma_start3A_423 = tpu.memref_slice %arg9[%add3A_269] : memref<10240xi32, #tpu.memory_space<hbm>> -> memref<128xi32, #tpu.memory_space<hbm>>
      %dma_start3A_424 = tpu.memref_slice %arg9[%add3A_269] : memref<10240xi32, #tpu.memory_space<hbm>> -> memref<128xi32, #tpu.memory_space<hbm>>
      tpu.enqueue_dma source(%dma_start3A_424 : memref<128xi32, #tpu.memory_space<hbm>>) target(%arg18 : memref<128xi32, #tpu.memory_space<vmem>>) target_semaphore(%run_scoped3A_422 : memref<!tpu.dma_semaphore, #tpu.memory_space<semaphore_mem>>)
      %dma_wait3A_425 = tpu.memref_slice %arg9[%add3A_269] : memref<10240xi32, #tpu.memory_space<hbm>> -> memref<128xi32, #tpu.memory_space<hbm>>
      %dma_wait3A_426 = tpu.memref_slice %arg9[%add3A_269] : memref<10240xi32, #tpu.memory_space<hbm>> -> memref<128xi32, #tpu.memory_space<hbm>>
      tpu.wait_dma2 semaphore(%run_scoped3A_422 : memref<!tpu.dma_semaphore, #tpu.memory_space<semaphore_mem>>) src(%dma_wait3A_426 : memref<128xi32, #tpu.memory_space<hbm>>) dst(%arg18 : memref<128xi32, #tpu.memory_space<vmem>>)
      tpu.yield
    }) : () -> ()
    "tpu.region"() ({
      %run_scoped3A_422 = tpu.sem_alloc : memref<!tpu.dma_semaphore, #tpu.memory_space<semaphore_mem>>
      %dma_start3A_423 = arith.constant 0 : i32
      %dma_start3A_424 = arith.constant 0 : i32
      %dma_start3A_425 = tpu.memref_slice %arg23[%dma_start3A_423, %dma_start3A_424] : memref<10240x128xf32, #tpu.memory_space<vmem_shared>> -> memref<10240x128xf32, #tpu.memory_space<vmem_shared>>
      tpu.enqueue_indirect_dma source(%arg20 : memref<128x128xf32, #tpu.memory_space<vmem>>) target(%dma_start3A_425 : memref<10240x128xf32, #tpu.memory_space<vmem_shared>>) offsets(%arg18 : memref<128xi32, #tpu.memory_space<vmem>>) semaphore(%run_scoped3A_422 : memref<!tpu.dma_semaphore, #tpu.memory_space<semaphore_mem>>)
      %dma_wait3A_426 = arith.constant 0 : i32
      %dma_wait3A_427 = arith.constant 0 : i32
      %dma_wait3A_428 = tpu.memref_slice %arg23[%dma_wait3A_426, %dma_wait3A_427] : memref<10240x128xf32, #tpu.memory_space<vmem_shared>> -> memref<10240x128xf32, #tpu.memory_space<vmem_shared>>
      tpu.wait_indirect_dma semaphore(%run_scoped3A_422 : memref<!tpu.dma_semaphore, #tpu.memory_space<semaphore_mem>>) src(%arg20 : memref<128x128xf32, #tpu.memory_space<vmem>>) dst(%dma_wait3A_428 : memref<10240x128xf32, #tpu.memory_space<vmem_shared>>)
      tpu.yield
    }) : () -> ()
    %add3A_270 = arith.constant 384 : i32
    %add3A_271 = arith.addi %mul3A_0, %add3A_270 : i32
    "tpu.region"() ({
      %run_scoped3A_422 = tpu.sem_alloc : memref<!tpu.dma_semaphore, #tpu.memory_space<semaphore_mem>>
      %dma_start3A_423 = tpu.memref_slice %arg9[%add3A_271] : memref<10240xi32, #tpu.memory_space<hbm>> -> memref<128xi32, #tpu.memory_space<hbm>>
      %dma_start3A_424 = tpu.memref_slice %arg9[%add3A_271] : memref<10240xi32, #tpu.memory_space<hbm>> -> memref<128xi32, #tpu.memory_space<hbm>>
      tpu.enqueue_dma source(%dma_start3A_424 : memref<128xi32, #tpu.memory_space<hbm>>) target(%arg18 : memref<128xi32, #tpu.memory_space<vmem>>) target_semaphore(%run_scoped3A_422 : memref<!tpu.dma_semaphore, #tpu.memory_space<semaphore_mem>>)
      %dma_wait3A_425 = tpu.memref_slice %arg9[%add3A_271] : memref<10240xi32, #tpu.memory_space<hbm>> -> memref<128xi32, #tpu.memory_space<hbm>>
      %dma_wait3A_426 = tpu.memref_slice %arg9[%add3A_271] : memref<10240xi32, #tpu.memory_space<hbm>> -> memref<128xi32, #tpu.memory_space<hbm>>
      tpu.wait_dma2 semaphore(%run_scoped3A_422 : memref<!tpu.dma_semaphore, #tpu.memory_space<semaphore_mem>>) src(%dma_wait3A_426 : memref<128xi32, #tpu.memory_space<hbm>>) dst(%arg18 : memref<128xi32, #tpu.memory_space<vmem>>)
      tpu.yield
    }) : () -> ()
    "tpu.region"() ({
      %run_scoped3A_422 = tpu.sem_alloc : memref<!tpu.dma_semaphore, #tpu.memory_space<semaphore_mem>>
      %dma_start3A_423 = arith.constant 0 : i32
      %dma_start3A_424 = arith.constant 0 : i32
      %dma_start3A_425 = tpu.memref_slice %arg23[%dma_start3A_423, %dma_start3A_424] : memref<10240x128xf32, #tpu.memory_space<vmem_shared>> -> memref<10240x128xf32, #tpu.memory_space<vmem_shared>>
      tpu.enqueue_indirect_dma source(%arg20 : memref<128x128xf32, #tpu.memory_space<vmem>>) target(%dma_start3A_425 : memref<10240x128xf32, #tpu.memory_space<vmem_shared>>) offsets(%arg18 : memref<128xi32, #tpu.memory_space<vmem>>) semaphore(%run_scoped3A_422 : memref<!tpu.dma_semaphore, #tpu.memory_space<semaphore_mem>>)
      %dma_wait3A_426 = arith.constant 0 : i32
      %dma_wait3A_427 = arith.constant 0 : i32
      %dma_wait3A_428 = tpu.memref_slice %arg23[%dma_wait3A_426, %dma_wait3A_427] : memref<10240x128xf32, #tpu.memory_space<vmem_shared>> -> memref<10240x128xf32, #tpu.memory_space<vmem_shared>>
      tpu.wait_indirect_dma semaphore(%run_scoped3A_422 : memref<!tpu.dma_semaphore, #tpu.memory_space<semaphore_mem>>) src(%arg20 : memref<128x128xf32, #tpu.memory_space<vmem>>) dst(%dma_wait3A_428 : memref<10240x128xf32, #tpu.memory_space<vmem_shared>>)
      tpu.yield
    }) : () -> ()
    %add3A_272 = arith.constant 512 : i32
    %add3A_273 = arith.addi %mul3A_0, %add3A_272 : i32
    "tpu.region"() ({
      %run_scoped3A_422 = tpu.sem_alloc : memref<!tpu.dma_semaphore, #tpu.memory_space<semaphore_mem>>
      %dma_start3A_423 = tpu.memref_slice %arg9[%add3A_273] : memref<10240xi32, #tpu.memory_space<hbm>> -> memref<128xi32, #tpu.memory_space<hbm>>
      %dma_start3A_424 = tpu.memref_slice %arg9[%add3A_273] : memref<10240xi32, #tpu.memory_space<hbm>> -> memref<128xi32, #tpu.memory_space<hbm>>
      tpu.enqueue_dma source(%dma_start3A_424 : memref<128xi32, #tpu.memory_space<hbm>>) target(%arg18 : memref<128xi32, #tpu.memory_space<vmem>>) target_semaphore(%run_scoped3A_422 : memref<!tpu.dma_semaphore, #tpu.memory_space<semaphore_mem>>)
      %dma_wait3A_425 = tpu.memref_slice %arg9[%add3A_273] : memref<10240xi32, #tpu.memory_space<hbm>> -> memref<128xi32, #tpu.memory_space<hbm>>
      %dma_wait3A_426 = tpu.memref_slice %arg9[%add3A_273] : memref<10240xi32, #tpu.memory_space<hbm>> -> memref<128xi32, #tpu.memory_space<hbm>>
      tpu.wait_dma2 semaphore(%run_scoped3A_422 : memref<!tpu.dma_semaphore, #tpu.memory_space<semaphore_mem>>) src(%dma_wait3A_426 : memref<128xi32, #tpu.memory_space<hbm>>) dst(%arg18 : memref<128xi32, #tpu.memory_space<vmem>>)
      tpu.yield
    }) : () -> ()
    "tpu.region"() ({
      %run_scoped3A_422 = tpu.sem_alloc : memref<!tpu.dma_semaphore, #tpu.memory_space<semaphore_mem>>
      %dma_start3A_423 = arith.constant 0 : i32
      %dma_start3A_424 = arith.constant 0 : i32
      %dma_start3A_425 = tpu.memref_slice %arg23[%dma_start3A_423, %dma_start3A_424] : memref<10240x128xf32, #tpu.memory_space<vmem_shared>> -> memref<10240x128xf32, #tpu.memory_space<vmem_shared>>
      tpu.enqueue_indirect_dma source(%arg20 : memref<128x128xf32, #tpu.memory_space<vmem>>) target(%dma_start3A_425 : memref<10240x128xf32, #tpu.memory_space<vmem_shared>>) offsets(%arg18 : memref<128xi32, #tpu.memory_space<vmem>>) semaphore(%run_scoped3A_422 : memref<!tpu.dma_semaphore, #tpu.memory_space<semaphore_mem>>)
      %dma_wait3A_426 = arith.constant 0 : i32
      %dma_wait3A_427 = arith.constant 0 : i32
      %dma_wait3A_428 = tpu.memref_slice %arg23[%dma_wait3A_426, %dma_wait3A_427] : memref<10240x128xf32, #tpu.memory_space<vmem_shared>> -> memref<10240x128xf32, #tpu.memory_space<vmem_shared>>
      tpu.wait_indirect_dma semaphore(%run_scoped3A_422 : memref<!tpu.dma_semaphore, #tpu.memory_space<semaphore_mem>>) src(%arg20 : memref<128x128xf32, #tpu.memory_space<vmem>>) dst(%dma_wait3A_428 : memref<10240x128xf32, #tpu.memory_space<vmem_shared>>)
      tpu.yield
    }) : () -> ()
    %barrier3A_274 = arith.constant 0 : index
    tpu.barrier barrier_id(%barrier3A_274)
    %scan3A_275 = arith.constant 0 : i32
    %scan3A_276 = arith.constant 0 : i32
    %scan3A_277 = arith.constant 39 : i32
    %scan3A_278 = arith.addi %scan3A_276, %scan3A_277 : i32
    %scan3A_279 = arith.constant 1 : i32
    scf.for %scan3A_422 = %scan3A_276 to %scan3A_278 step %scan3A_279  : i32 {
      %mul3A_423 = arith.constant 128 : i32
      %mul3A_424 = arith.muli %scan3A_422, %mul3A_423 : i32
      %add3A_425 = arith.addi %add3A, %mul3A_424 : i32
      "tpu.region"() ({
        %run_scoped3A_439 = tpu.sem_alloc : memref<!tpu.dma_semaphore, #tpu.memory_space<semaphore_mem>>
        %dma_start3A_440 = tpu.memref_slice %arg7[%add3A_425] : memref<160000xi32, #tpu.memory_space<hbm>> -> memref<128xi32, #tpu.memory_space<hbm>>
        %dma_start3A_441 = tpu.memref_slice %arg7[%add3A_425] : memref<160000xi32, #tpu.memory_space<hbm>> -> memref<128xi32, #tpu.memory_space<hbm>>
        tpu.enqueue_dma source(%dma_start3A_441 : memref<128xi32, #tpu.memory_space<hbm>>) target(%arg14 : memref<128xi32, #tpu.memory_space<vmem>>) target_semaphore(%run_scoped3A_439 : memref<!tpu.dma_semaphore, #tpu.memory_space<semaphore_mem>>)
        %dma_wait3A_442 = tpu.memref_slice %arg7[%add3A_425] : memref<160000xi32, #tpu.memory_space<hbm>> -> memref<128xi32, #tpu.memory_space<hbm>>
        %dma_wait3A_443 = tpu.memref_slice %arg7[%add3A_425] : memref<160000xi32, #tpu.memory_space<hbm>> -> memref<128xi32, #tpu.memory_space<hbm>>
        tpu.wait_dma2 semaphore(%run_scoped3A_439 : memref<!tpu.dma_semaphore, #tpu.memory_space<semaphore_mem>>) src(%dma_wait3A_443 : memref<128xi32, #tpu.memory_space<hbm>>) dst(%arg14 : memref<128xi32, #tpu.memory_space<vmem>>)
        tpu.yield
      }) : () -> ()
      "tpu.region"() ({
        %run_scoped3A_439 = tpu.sem_alloc : memref<!tpu.dma_semaphore, #tpu.memory_space<semaphore_mem>>
        %dma_start3A_440 = tpu.memref_slice %arg8[%add3A_425] : memref<160000xi32, #tpu.memory_space<hbm>> -> memref<128xi32, #tpu.memory_space<hbm>>
        %dma_start3A_441 = tpu.memref_slice %arg8[%add3A_425] : memref<160000xi32, #tpu.memory_space<hbm>> -> memref<128xi32, #tpu.memory_space<hbm>>
        tpu.enqueue_dma source(%dma_start3A_441 : memref<128xi32, #tpu.memory_space<hbm>>) target(%arg15 : memref<128xi32, #tpu.memory_space<vmem>>) target_semaphore(%run_scoped3A_439 : memref<!tpu.dma_semaphore, #tpu.memory_space<semaphore_mem>>)
        %dma_wait3A_442 = tpu.memref_slice %arg8[%add3A_425] : memref<160000xi32, #tpu.memory_space<hbm>> -> memref<128xi32, #tpu.memory_space<hbm>>
        %dma_wait3A_443 = tpu.memref_slice %arg8[%add3A_425] : memref<160000xi32, #tpu.memory_space<hbm>> -> memref<128xi32, #tpu.memory_space<hbm>>
        tpu.wait_dma2 semaphore(%run_scoped3A_439 : memref<!tpu.dma_semaphore, #tpu.memory_space<semaphore_mem>>) src(%dma_wait3A_443 : memref<128xi32, #tpu.memory_space<hbm>>) dst(%arg15 : memref<128xi32, #tpu.memory_space<vmem>>)
        tpu.yield
      }) : () -> ()
      %dma_start3A_426 = arith.constant 0 : i32
      %dma_start3A_427 = arith.constant 0 : i32
      %dma_start3A_428 = tpu.memref_slice %arg5[%dma_start3A_426, %dma_start3A_427] : memref<10000x128xf32, #tpu.memory_space<hbm>> -> memref<10000x128xf32, #tpu.memory_space<hbm>>
      tpu.enqueue_indirect_dma source(%dma_start3A_428 : memref<10000x128xf32, #tpu.memory_space<hbm>>) target(%arg19 : memref<128x128xf32, #tpu.memory_space<vmem>>) offsets(%arg14 : memref<128xi32, #tpu.memory_space<vmem>>) semaphore(%arg24 : memref<!tpu.dma_semaphore, #tpu.memory_space<semaphore_mem>>)
      %run_scoped3A_429 = arith.constant 3 : i32
      "tpu.region"() ({
        %run_scoped3A_439 = tpu.sem_alloc : memref<!tpu.dma_semaphore, #tpu.memory_space<semaphore_mem>>
        %dma_start3A_440 = arith.constant 0 : i32
        %dma_start3A_441 = tpu.memref_slice %arg6[%run_scoped3A_429, %add3A_425, %dma_start3A_440] : memref<4x160000x128xf32, #tpu.memory_space<hbm>> -> memref<1x128x128xf32, #tpu.memory_space<hbm>>
        %dma_start3A_442 = tpu.memref_squeeze %dma_start3A_441 : memref<1x128x128xf32, #tpu.memory_space<hbm>> -> memref<128x128xf32, #tpu.memory_space<hbm>>
        %dma_start3A_443 = arith.constant 0 : i32
        %dma_start3A_444 = tpu.memref_slice %arg6[%run_scoped3A_429, %add3A_425, %dma_start3A_443] : memref<4x160000x128xf32, #tpu.memory_space<hbm>> -> memref<1x128x128xf32, #tpu.memory_space<hbm>>
        %dma_start3A_445 = tpu.memref_squeeze %dma_start3A_444 : memref<1x128x128xf32, #tpu.memory_space<hbm>> -> memref<128x128xf32, #tpu.memory_space<hbm>>
        tpu.enqueue_dma source(%dma_start3A_445 : memref<128x128xf32, #tpu.memory_space<hbm>>) target(%arg20 : memref<128x128xf32, #tpu.memory_space<vmem>>) target_semaphore(%run_scoped3A_439 : memref<!tpu.dma_semaphore, #tpu.memory_space<semaphore_mem>>)
        %dma_wait3A_446 = arith.constant 0 : i32
        %dma_wait3A_447 = tpu.memref_slice %arg6[%run_scoped3A_429, %add3A_425, %dma_wait3A_446] : memref<4x160000x128xf32, #tpu.memory_space<hbm>> -> memref<1x128x128xf32, #tpu.memory_space<hbm>>
        %dma_wait3A_448 = tpu.memref_squeeze %dma_wait3A_447 : memref<1x128x128xf32, #tpu.memory_space<hbm>> -> memref<128x128xf32, #tpu.memory_space<hbm>>
        %dma_wait3A_449 = arith.constant 0 : i32
        %dma_wait3A_450 = tpu.memref_slice %arg6[%run_scoped3A_429, %add3A_425, %dma_wait3A_449] : memref<4x160000x128xf32, #tpu.memory_space<hbm>> -> memref<1x128x128xf32, #tpu.memory_space<hbm>>
        %dma_wait3A_451 = tpu.memref_squeeze %dma_wait3A_450 : memref<1x128x128xf32, #tpu.memory_space<hbm>> -> memref<128x128xf32, #tpu.memory_space<hbm>>
        tpu.wait_dma2 semaphore(%run_scoped3A_439 : memref<!tpu.dma_semaphore, #tpu.memory_space<semaphore_mem>>) src(%dma_wait3A_451 : memref<128x128xf32, #tpu.memory_space<hbm>>) dst(%arg20 : memref<128x128xf32, #tpu.memory_space<vmem>>)
        tpu.yield
      }) : () -> ()
      %dma_wait3A_430 = arith.constant 0 : i32
      %dma_wait3A_431 = arith.constant 0 : i32
      %dma_wait3A_432 = tpu.memref_slice %arg5[%dma_wait3A_430, %dma_wait3A_431] : memref<10000x128xf32, #tpu.memory_space<hbm>> -> memref<10000x128xf32, #tpu.memory_space<hbm>>
      tpu.wait_indirect_dma semaphore(%arg24 : memref<!tpu.dma_semaphore, #tpu.memory_space<semaphore_mem>>) src(%dma_wait3A_432 : memref<10000x128xf32, #tpu.memory_space<hbm>>) dst(%arg19 : memref<128x128xf32, #tpu.memory_space<vmem>>)
      %scan3A_433 = arith.constant 0 : i32
      %scan3A_434 = arith.constant 0 : i32
      %scan3A_435 = arith.constant 128 : i32
      %scan3A_436 = arith.addi %scan3A_434, %scan3A_435 : i32
      %scan3A_437 = arith.constant 1 : i32
      scf.for %scan3A_439 = %scan3A_434 to %scan3A_436 step %scan3A_437  : i32 {
        %get3A = arith.index_cast %scan3A_439 : i32 to index
        %get3A_440 = arith.constant 0 : index
        %get3A_441 = tpu.vector_load %arg19[%get3A, %get3A_440] {strides = array<i32>} : memref<128x128xf32, #tpu.memory_space<vmem>>, vector<1x16xf32>,
        %get3A_442 = vector.shape_cast %get3A_441 : vector<1x16xf32> to vector<16xf32>
        %get3A_443 = arith.index_cast %scan3A_439 : i32 to index
        %get3A_444 = arith.constant 0 : index
        %get3A_445 = tpu.vector_load %arg20[%get3A_443, %get3A_444] {strides = array<i32>} : memref<128x128xf32, #tpu.memory_space<vmem>>, vector<1x16xf32>,
        %get3A_446 = vector.shape_cast %get3A_445 : vector<1x16xf32> to vector<16xf32>
        %add3A_447 = arith.addf %get3A_442, %get3A_446 : vector<16xf32>
        %max3A = arith.constant 0.000000e+00 : f32
        %max3A_448 = vector.broadcast %max3A : f32 to vector<16xf32>
        %max3A_449 = arith.maximumf %add3A_447, %max3A_448 : vector<16xf32>
        %swap3A = arith.index_cast %scan3A_439 : i32 to index
        %swap3A_450 = arith.constant 0 : index
        %swap3A_451 = tpu.vector_load %arg19[%swap3A, %swap3A_450] {strides = array<i32>} : memref<128x128xf32, #tpu.memory_space<vmem>>, vector<1x16xf32>,
        %swap3A_452 = vector.shape_cast %swap3A_451 : vector<1x16xf32> to vector<16xf32>
        %swap3A_453 = vector.shape_cast %max3A_449 : vector<16xf32> to vector<1x16xf32>
        tpu.vector_store %arg19[%swap3A, %swap3A_450], %swap3A_453 {strides = array<i32>} : memref<128x128xf32, #tpu.memory_space<vmem>>, vector<1x16xf32>,
        %get3A_454 = arith.index_cast %scan3A_439 : i32 to index
        %get3A_455 = arith.constant 16 : index
        %get3A_456 = tpu.vector_load %arg19[%get3A_454, %get3A_455] {strides = array<i32>} : memref<128x128xf32, #tpu.memory_space<vmem>>, vector<1x16xf32>,
        %get3A_457 = vector.shape_cast %get3A_456 : vector<1x16xf32> to vector<16xf32>
        %get3A_458 = arith.index_cast %scan3A_439 : i32 to index
        %get3A_459 = arith.constant 16 : index
        %get3A_460 = tpu.vector_load %arg20[%get3A_458, %get3A_459] {strides = array<i32>} : memref<128x128xf32, #tpu.memory_space<vmem>>, vector<1x16xf32>,
        %get3A_461 = vector.shape_cast %get3A_460 : vector<1x16xf32> to vector<16xf32>
        %add3A_462 = arith.addf %get3A_457, %get3A_461 : vector<16xf32>
        %max3A_463 = arith.constant 0.000000e+00 : f32
        %max3A_464 = vector.broadcast %max3A_463 : f32 to vector<16xf32>
        %max3A_465 = arith.maximumf %add3A_462, %max3A_464 : vector<16xf32>
        %swap3A_466 = arith.index_cast %scan3A_439 : i32 to index
        %swap3A_467 = arith.constant 16 : index
        %swap3A_468 = tpu.vector_load %arg19[%swap3A_466, %swap3A_467] {strides = array<i32>} : memref<128x128xf32, #tpu.memory_space<vmem>>, vector<1x16xf32>,
        %swap3A_469 = vector.shape_cast %swap3A_468 : vector<1x16xf32> to vector<16xf32>
        %swap3A_470 = vector.shape_cast %max3A_465 : vector<16xf32> to vector<1x16xf32>
        tpu.vector_store %arg19[%swap3A_466, %swap3A_467], %swap3A_470 {strides = array<i32>} : memref<128x128xf32, #tpu.memory_space<vmem>>, vector<1x16xf32>,
        %get3A_471 = arith.index_cast %scan3A_439 : i32 to index
        %get3A_472 = arith.constant 32 : index
        %get3A_473 = tpu.vector_load %arg19[%get3A_471, %get3A_472] {strides = array<i32>} : memref<128x128xf32, #tpu.memory_space<vmem>>, vector<1x16xf32>,
        %get3A_474 = vector.shape_cast %get3A_473 : vector<1x16xf32> to vector<16xf32>
        %get3A_475 = arith.index_cast %scan3A_439 : i32 to index
        %get3A_476 = arith.constant 32 : index
        %get3A_477 = tpu.vector_load %arg20[%get3A_475, %get3A_476] {strides = array<i32>} : memref<128x128xf32, #tpu.memory_space<vmem>>, vector<1x16xf32>,
        %get3A_478 = vector.shape_cast %get3A_477 : vector<1x16xf32> to vector<16xf32>
        %add3A_479 = arith.addf %get3A_474, %get3A_478 : vector<16xf32>
        %max3A_480 = arith.constant 0.000000e+00 : f32
        %max3A_481 = vector.broadcast %max3A_480 : f32 to vector<16xf32>
        %max3A_482 = arith.maximumf %add3A_479, %max3A_481 : vector<16xf32>
        %swap3A_483 = arith.index_cast %scan3A_439 : i32 to index
        %swap3A_484 = arith.constant 32 : index
        %swap3A_485 = tpu.vector_load %arg19[%swap3A_483, %swap3A_484] {strides = array<i32>} : memref<128x128xf32, #tpu.memory_space<vmem>>, vector<1x16xf32>,
        %swap3A_486 = vector.shape_cast %swap3A_485 : vector<1x16xf32> to vector<16xf32>
        %swap3A_487 = vector.shape_cast %max3A_482 : vector<16xf32> to vector<1x16xf32>
        tpu.vector_store %arg19[%swap3A_483, %swap3A_484], %swap3A_487 {strides = array<i32>} : memref<128x128xf32, #tpu.memory_space<vmem>>, vector<1x16xf32>,
        %get3A_488 = arith.index_cast %scan3A_439 : i32 to index
        %get3A_489 = arith.constant 48 : index
        %get3A_490 = tpu.vector_load %arg19[%get3A_488, %get3A_489] {strides = array<i32>} : memref<128x128xf32, #tpu.memory_space<vmem>>, vector<1x16xf32>,
        %get3A_491 = vector.shape_cast %get3A_490 : vector<1x16xf32> to vector<16xf32>
        %get3A_492 = arith.index_cast %scan3A_439 : i32 to index
        %get3A_493 = arith.constant 48 : index
        %get3A_494 = tpu.vector_load %arg20[%get3A_492, %get3A_493] {strides = array<i32>} : memref<128x128xf32, #tpu.memory_space<vmem>>, vector<1x16xf32>,
        %get3A_495 = vector.shape_cast %get3A_494 : vector<1x16xf32> to vector<16xf32>
        %add3A_496 = arith.addf %get3A_491, %get3A_495 : vector<16xf32>
        %max3A_497 = arith.constant 0.000000e+00 : f32
        %max3A_498 = vector.broadcast %max3A_497 : f32 to vector<16xf32>
        %max3A_499 = arith.maximumf %add3A_496, %max3A_498 : vector<16xf32>
        %swap3A_500 = arith.index_cast %scan3A_439 : i32 to index
        %swap3A_501 = arith.constant 48 : index
        %swap3A_502 = tpu.vector_load %arg19[%swap3A_500, %swap3A_501] {strides = array<i32>} : memref<128x128xf32, #tpu.memory_space<vmem>>, vector<1x16xf32>,
        %swap3A_503 = vector.shape_cast %swap3A_502 : vector<1x16xf32> to vector<16xf32>
        %swap3A_504 = vector.shape_cast %max3A_499 : vector<16xf32> to vector<1x16xf32>
        tpu.vector_store %arg19[%swap3A_500, %swap3A_501], %swap3A_504 {strides = array<i32>} : memref<128x128xf32, #tpu.memory_space<vmem>>, vector<1x16xf32>,
        %get3A_505 = arith.index_cast %scan3A_439 : i32 to index
        %get3A_506 = arith.constant 64 : index
        %get3A_507 = tpu.vector_load %arg19[%get3A_505, %get3A_506] {strides = array<i32>} : memref<128x128xf32, #tpu.memory_space<vmem>>, vector<1x16xf32>,
        %get3A_508 = vector.shape_cast %get3A_507 : vector<1x16xf32> to vector<16xf32>
        %get3A_509 = arith.index_cast %scan3A_439 : i32 to index
        %get3A_510 = arith.constant 64 : index
        %get3A_511 = tpu.vector_load %arg20[%get3A_509, %get3A_510] {strides = array<i32>} : memref<128x128xf32, #tpu.memory_space<vmem>>, vector<1x16xf32>,
        %get3A_512 = vector.shape_cast %get3A_511 : vector<1x16xf32> to vector<16xf32>
        %add3A_513 = arith.addf %get3A_508, %get3A_512 : vector<16xf32>
        %max3A_514 = arith.constant 0.000000e+00 : f32
        %max3A_515 = vector.broadcast %max3A_514 : f32 to vector<16xf32>
        %max3A_516 = arith.maximumf %add3A_513, %max3A_515 : vector<16xf32>
        %swap3A_517 = arith.index_cast %scan3A_439 : i32 to index
        %swap3A_518 = arith.constant 64 : index
        %swap3A_519 = tpu.vector_load %arg19[%swap3A_517, %swap3A_518] {strides = array<i32>} : memref<128x128xf32, #tpu.memory_space<vmem>>, vector<1x16xf32>,
        %swap3A_520 = vector.shape_cast %swap3A_519 : vector<1x16xf32> to vector<16xf32>
        %swap3A_521 = vector.shape_cast %max3A_516 : vector<16xf32> to vector<1x16xf32>
        tpu.vector_store %arg19[%swap3A_517, %swap3A_518], %swap3A_521 {strides = array<i32>} : memref<128x128xf32, #tpu.memory_space<vmem>>, vector<1x16xf32>,
        %get3A_522 = arith.index_cast %scan3A_439 : i32 to index
        %get3A_523 = arith.constant 80 : index
        %get3A_524 = tpu.vector_load %arg19[%get3A_522, %get3A_523] {strides = array<i32>} : memref<128x128xf32, #tpu.memory_space<vmem>>, vector<1x16xf32>,
        %get3A_525 = vector.shape_cast %get3A_524 : vector<1x16xf32> to vector<16xf32>
        %get3A_526 = arith.index_cast %scan3A_439 : i32 to index
        %get3A_527 = arith.constant 80 : index
        %get3A_528 = tpu.vector_load %arg20[%get3A_526, %get3A_527] {strides = array<i32>} : memref<128x128xf32, #tpu.memory_space<vmem>>, vector<1x16xf32>,
        %get3A_529 = vector.shape_cast %get3A_528 : vector<1x16xf32> to vector<16xf32>
        %add3A_530 = arith.addf %get3A_525, %get3A_529 : vector<16xf32>
        %max3A_531 = arith.constant 0.000000e+00 : f32
        %max3A_532 = vector.broadcast %max3A_531 : f32 to vector<16xf32>
        %max3A_533 = arith.maximumf %add3A_530, %max3A_532 : vector<16xf32>
        %swap3A_534 = arith.index_cast %scan3A_439 : i32 to index
        %swap3A_535 = arith.constant 80 : index
        %swap3A_536 = tpu.vector_load %arg19[%swap3A_534, %swap3A_535] {strides = array<i32>} : memref<128x128xf32, #tpu.memory_space<vmem>>, vector<1x16xf32>,
        %swap3A_537 = vector.shape_cast %swap3A_536 : vector<1x16xf32> to vector<16xf32>
        %swap3A_538 = vector.shape_cast %max3A_533 : vector<16xf32> to vector<1x16xf32>
        tpu.vector_store %arg19[%swap3A_534, %swap3A_535], %swap3A_538 {strides = array<i32>} : memref<128x128xf32, #tpu.memory_space<vmem>>, vector<1x16xf32>,
        %get3A_539 = arith.index_cast %scan3A_439 : i32 to index
        %get3A_540 = arith.constant 96 : index
        %get3A_541 = tpu.vector_load %arg19[%get3A_539, %get3A_540] {strides = array<i32>} : memref<128x128xf32, #tpu.memory_space<vmem>>, vector<1x16xf32>,
        %get3A_542 = vector.shape_cast %get3A_541 : vector<1x16xf32> to vector<16xf32>
        %get3A_543 = arith.index_cast %scan3A_439 : i32 to index
        %get3A_544 = arith.constant 96 : index
        %get3A_545 = tpu.vector_load %arg20[%get3A_543, %get3A_544] {strides = array<i32>} : memref<128x128xf32, #tpu.memory_space<vmem>>, vector<1x16xf32>,
        %get3A_546 = vector.shape_cast %get3A_545 : vector<1x16xf32> to vector<16xf32>
        %add3A_547 = arith.addf %get3A_542, %get3A_546 : vector<16xf32>
        %max3A_548 = arith.constant 0.000000e+00 : f32
        %max3A_549 = vector.broadcast %max3A_548 : f32 to vector<16xf32>
        %max3A_550 = arith.maximumf %add3A_547, %max3A_549 : vector<16xf32>
        %swap3A_551 = arith.index_cast %scan3A_439 : i32 to index
        %swap3A_552 = arith.constant 96 : index
        %swap3A_553 = tpu.vector_load %arg19[%swap3A_551, %swap3A_552] {strides = array<i32>} : memref<128x128xf32, #tpu.memory_space<vmem>>, vector<1x16xf32>,
        %swap3A_554 = vector.shape_cast %swap3A_553 : vector<1x16xf32> to vector<16xf32>
        %swap3A_555 = vector.shape_cast %max3A_550 : vector<16xf32> to vector<1x16xf32>
        tpu.vector_store %arg19[%swap3A_551, %swap3A_552], %swap3A_555 {strides = array<i32>} : memref<128x128xf32, #tpu.memory_space<vmem>>, vector<1x16xf32>,
        %get3A_556 = arith.index_cast %scan3A_439 : i32 to index
        %get3A_557 = arith.constant 112 : index
        %get3A_558 = tpu.vector_load %arg19[%get3A_556, %get3A_557] {strides = array<i32>} : memref<128x128xf32, #tpu.memory_space<vmem>>, vector<1x16xf32>,
        %get3A_559 = vector.shape_cast %get3A_558 : vector<1x16xf32> to vector<16xf32>
        %get3A_560 = arith.index_cast %scan3A_439 : i32 to index
        %get3A_561 = arith.constant 112 : index
        %get3A_562 = tpu.vector_load %arg20[%get3A_560, %get3A_561] {strides = array<i32>} : memref<128x128xf32, #tpu.memory_space<vmem>>, vector<1x16xf32>,
        %get3A_563 = vector.shape_cast %get3A_562 : vector<1x16xf32> to vector<16xf32>
        %add3A_564 = arith.addf %get3A_559, %get3A_563 : vector<16xf32>
        %max3A_565 = arith.constant 0.000000e+00 : f32
        %max3A_566 = vector.broadcast %max3A_565 : f32 to vector<16xf32>
        %max3A_567 = arith.maximumf %add3A_564, %max3A_566 : vector<16xf32>
        %swap3A_568 = arith.index_cast %scan3A_439 : i32 to index
        %swap3A_569 = arith.constant 112 : index
        %swap3A_570 = tpu.vector_load %arg19[%swap3A_568, %swap3A_569] {strides = array<i32>} : memref<128x128xf32, #tpu.memory_space<vmem>>, vector<1x16xf32>,
        %swap3A_571 = vector.shape_cast %swap3A_570 : vector<1x16xf32> to vector<16xf32>
        %swap3A_572 = vector.shape_cast %max3A_567 : vector<16xf32> to vector<1x16xf32>
        tpu.vector_store %arg19[%swap3A_568, %swap3A_569], %swap3A_572 {strides = array<i32>} : memref<128x128xf32, #tpu.memory_space<vmem>>, vector<1x16xf32>,
      }
      %scan3A_438 = arith.constant 128 : i32
      "tpu.region"() ({
        %run_scoped3A_439 = tpu.sem_alloc : memref<!tpu.dma_semaphore, #tpu.memory_space<semaphore_mem>>
        %dma_start3A_440 = arith.constant 0 : i32
        %dma_start3A_441 = arith.constant 0 : i32
        %dma_start3A_442 = tpu.memref_slice %arg23[%dma_start3A_440, %dma_start3A_441] : memref<10240x128xf32, #tpu.memory_space<vmem_shared>> -> memref<10240x128xf32, #tpu.memory_space<vmem_shared>>
        tpu.enqueue_indirect_dma source(%arg19 : memref<128x128xf32, #tpu.memory_space<vmem>>) target(%dma_start3A_442 : memref<10240x128xf32, #tpu.memory_space<vmem_shared>>) offsets(%arg15 : memref<128xi32, #tpu.memory_space<vmem>>) semaphore(%run_scoped3A_439 : memref<!tpu.dma_semaphore, #tpu.memory_space<semaphore_mem>>) {add = true}
        %dma_wait3A_443 = arith.constant 0 : i32
        %dma_wait3A_444 = arith.constant 0 : i32
        %dma_wait3A_445 = tpu.memref_slice %arg23[%dma_wait3A_443, %dma_wait3A_444] : memref<10240x128xf32, #tpu.memory_space<vmem_shared>> -> memref<10240x128xf32, #tpu.memory_space<vmem_shared>>
        tpu.wait_indirect_dma semaphore(%run_scoped3A_439 : memref<!tpu.dma_semaphore, #tpu.memory_space<semaphore_mem>>) src(%arg19 : memref<128x128xf32, #tpu.memory_space<vmem>>) dst(%dma_wait3A_445 : memref<10240x128xf32, #tpu.memory_space<vmem_shared>>)
        tpu.yield
      }) : () -> ()
    }
    %scan3A_280 = arith.constant 39 : i32
    %add3A_281 = arith.constant 4992 : i32
    %add3A_282 = arith.addi %add3A, %add3A_281 : i32
    "tpu.region"() ({
      %run_scoped3A_422 = tpu.sem_alloc : memref<!tpu.dma_semaphore, #tpu.memory_space<semaphore_mem>>
      %dma_start3A_423 = tpu.memref_slice %arg7[%add3A_282] : memref<160000xi32, #tpu.memory_space<hbm>> -> memref<8xi32, #tpu.memory_space<hbm>>
      %dma_start3A_424 = tpu.memref_slice %arg7[%add3A_282] : memref<160000xi32, #tpu.memory_space<hbm>> -> memref<8xi32, #tpu.memory_space<hbm>>
      tpu.enqueue_dma source(%dma_start3A_424 : memref<8xi32, #tpu.memory_space<hbm>>) target(%arg16 : memref<8xi32, #tpu.memory_space<vmem>>) target_semaphore(%run_scoped3A_422 : memref<!tpu.dma_semaphore, #tpu.memory_space<semaphore_mem>>)
      %dma_wait3A_425 = tpu.memref_slice %arg7[%add3A_282] : memref<160000xi32, #tpu.memory_space<hbm>> -> memref<8xi32, #tpu.memory_space<hbm>>
      %dma_wait3A_426 = tpu.memref_slice %arg7[%add3A_282] : memref<160000xi32, #tpu.memory_space<hbm>> -> memref<8xi32, #tpu.memory_space<hbm>>
      tpu.wait_dma2 semaphore(%run_scoped3A_422 : memref<!tpu.dma_semaphore, #tpu.memory_space<semaphore_mem>>) src(%dma_wait3A_426 : memref<8xi32, #tpu.memory_space<hbm>>) dst(%arg16 : memref<8xi32, #tpu.memory_space<vmem>>)
      tpu.yield
    }) : () -> ()
    "tpu.region"() ({
      %run_scoped3A_422 = tpu.sem_alloc : memref<!tpu.dma_semaphore, #tpu.memory_space<semaphore_mem>>
      %dma_start3A_423 = tpu.memref_slice %arg8[%add3A_282] : memref<160000xi32, #tpu.memory_space<hbm>> -> memref<8xi32, #tpu.memory_space<hbm>>
      %dma_start3A_424 = tpu.memref_slice %arg8[%add3A_282] : memref<160000xi32, #tpu.memory_space<hbm>> -> memref<8xi32, #tpu.memory_space<hbm>>
      tpu.enqueue_dma source(%dma_start3A_424 : memref<8xi32, #tpu.memory_space<hbm>>) target(%arg17 : memref<8xi32, #tpu.memory_space<vmem>>) target_semaphore(%run_scoped3A_422 : memref<!tpu.dma_semaphore, #tpu.memory_space<semaphore_mem>>)
      %dma_wait3A_425 = tpu.memref_slice %arg8[%add3A_282] : memref<160000xi32, #tpu.memory_space<hbm>> -> memref<8xi32, #tpu.memory_space<hbm>>
      %dma_wait3A_426 = tpu.memref_slice %arg8[%add3A_282] : memref<160000xi32, #tpu.memory_space<hbm>> -> memref<8xi32, #tpu.memory_space<hbm>>
      tpu.wait_dma2 semaphore(%run_scoped3A_422 : memref<!tpu.dma_semaphore, #tpu.memory_space<semaphore_mem>>) src(%dma_wait3A_426 : memref<8xi32, #tpu.memory_space<hbm>>) dst(%arg17 : memref<8xi32, #tpu.memory_space<vmem>>)
      tpu.yield
    }) : () -> ()
    %dma_start3A_283 = arith.constant 0 : i32
    %dma_start3A_284 = arith.constant 0 : i32
    %dma_start3A_285 = tpu.memref_slice %arg5[%dma_start3A_283, %dma_start3A_284] : memref<10000x128xf32, #tpu.memory_space<hbm>> -> memref<10000x128xf32, #tpu.memory_space<hbm>>
    tpu.enqueue_indirect_dma source(%dma_start3A_285 : memref<10000x128xf32, #tpu.memory_space<hbm>>) target(%arg21 : memref<8x128xf32, #tpu.memory_space<vmem>>) offsets(%arg16 : memref<8xi32, #tpu.memory_space<vmem>>) semaphore(%arg24 : memref<!tpu.dma_semaphore, #tpu.memory_space<semaphore_mem>>)
    %run_scoped3A_286 = arith.constant 3 : i32
    "tpu.region"() ({
      %run_scoped3A_422 = tpu.sem_alloc : memref<!tpu.dma_semaphore, #tpu.memory_space<semaphore_mem>>
      %dma_start3A_423 = arith.constant 0 : i32
      %dma_start3A_424 = tpu.memref_slice %arg6[%run_scoped3A_286, %add3A_282, %dma_start3A_423] : memref<4x160000x128xf32, #tpu.memory_space<hbm>> -> memref<1x8x128xf32, #tpu.memory_space<hbm>>
      %dma_start3A_425 = tpu.memref_squeeze %dma_start3A_424 : memref<1x8x128xf32, #tpu.memory_space<hbm>> -> memref<8x128xf32, #tpu.memory_space<hbm>>
      %dma_start3A_426 = arith.constant 0 : i32
      %dma_start3A_427 = tpu.memref_slice %arg6[%run_scoped3A_286, %add3A_282, %dma_start3A_426] : memref<4x160000x128xf32, #tpu.memory_space<hbm>> -> memref<1x8x128xf32, #tpu.memory_space<hbm>>
      %dma_start3A_428 = tpu.memref_squeeze %dma_start3A_427 : memref<1x8x128xf32, #tpu.memory_space<hbm>> -> memref<8x128xf32, #tpu.memory_space<hbm>>
      tpu.enqueue_dma source(%dma_start3A_428 : memref<8x128xf32, #tpu.memory_space<hbm>>) target(%arg22 : memref<8x128xf32, #tpu.memory_space<vmem>>) target_semaphore(%run_scoped3A_422 : memref<!tpu.dma_semaphore, #tpu.memory_space<semaphore_mem>>)
      %dma_wait3A_429 = arith.constant 0 : i32
      %dma_wait3A_430 = tpu.memref_slice %arg6[%run_scoped3A_286, %add3A_282, %dma_wait3A_429] : memref<4x160000x128xf32, #tpu.memory_space<hbm>> -> memref<1x8x128xf32, #tpu.memory_space<hbm>>
      %dma_wait3A_431 = tpu.memref_squeeze %dma_wait3A_430 : memref<1x8x128xf32, #tpu.memory_space<hbm>> -> memref<8x128xf32, #tpu.memory_space<hbm>>
      %dma_wait3A_432 = arith.constant 0 : i32
      %dma_wait3A_433 = tpu.memref_slice %arg6[%run_scoped3A_286, %add3A_282, %dma_wait3A_432] : memref<4x160000x128xf32, #tpu.memory_space<hbm>> -> memref<1x8x128xf32, #tpu.memory_space<hbm>>
      %dma_wait3A_434 = tpu.memref_squeeze %dma_wait3A_433 : memref<1x8x128xf32, #tpu.memory_space<hbm>> -> memref<8x128xf32, #tpu.memory_space<hbm>>
      tpu.wait_dma2 semaphore(%run_scoped3A_422 : memref<!tpu.dma_semaphore, #tpu.memory_space<semaphore_mem>>) src(%dma_wait3A_434 : memref<8x128xf32, #tpu.memory_space<hbm>>) dst(%arg22 : memref<8x128xf32, #tpu.memory_space<vmem>>)
      tpu.yield
    }) : () -> ()
    %dma_wait3A_287 = arith.constant 0 : i32
    %dma_wait3A_288 = arith.constant 0 : i32
    %dma_wait3A_289 = tpu.memref_slice %arg5[%dma_wait3A_287, %dma_wait3A_288] : memref<10000x128xf32, #tpu.memory_space<hbm>> -> memref<10000x128xf32, #tpu.memory_space<hbm>>
    tpu.wait_indirect_dma semaphore(%arg24 : memref<!tpu.dma_semaphore, #tpu.memory_space<semaphore_mem>>) src(%dma_wait3A_289 : memref<10000x128xf32, #tpu.memory_space<hbm>>) dst(%arg21 : memref<8x128xf32, #tpu.memory_space<vmem>>)
    %scan3A_290 = arith.constant 0 : i32
    %scan3A_291 = arith.constant 0 : i32
    %scan3A_292 = arith.constant 8 : i32
    %scan3A_293 = arith.addi %scan3A_291, %scan3A_292 : i32
    %scan3A_294 = arith.constant 1 : i32
    scf.for %scan3A_422 = %scan3A_291 to %scan3A_293 step %scan3A_294  : i32 {
      %get3A = arith.index_cast %scan3A_422 : i32 to index
      %get3A_423 = arith.constant 0 : index
      %get3A_424 = tpu.vector_load %arg21[%get3A, %get3A_423] {strides = array<i32>} : memref<8x128xf32, #tpu.memory_space<vmem>>, vector<1x16xf32>,
      %get3A_425 = vector.shape_cast %get3A_424 : vector<1x16xf32> to vector<16xf32>
      %get3A_426 = arith.index_cast %scan3A_422 : i32 to index
      %get3A_427 = arith.constant 0 : index
      %get3A_428 = tpu.vector_load %arg22[%get3A_426, %get3A_427] {strides = array<i32>} : memref<8x128xf32, #tpu.memory_space<vmem>>, vector<1x16xf32>,
      %get3A_429 = vector.shape_cast %get3A_428 : vector<1x16xf32> to vector<16xf32>
      %add3A_430 = arith.addf %get3A_425, %get3A_429 : vector<16xf32>
      %max3A = arith.constant 0.000000e+00 : f32
      %max3A_431 = vector.broadcast %max3A : f32 to vector<16xf32>
      %max3A_432 = arith.maximumf %add3A_430, %max3A_431 : vector<16xf32>
      %swap3A = arith.index_cast %scan3A_422 : i32 to index
      %swap3A_433 = arith.constant 0 : index
      %swap3A_434 = tpu.vector_load %arg21[%swap3A, %swap3A_433] {strides = array<i32>} : memref<8x128xf32, #tpu.memory_space<vmem>>, vector<1x16xf32>,
      %swap3A_435 = vector.shape_cast %swap3A_434 : vector<1x16xf32> to vector<16xf32>
      %swap3A_436 = vector.shape_cast %max3A_432 : vector<16xf32> to vector<1x16xf32>
      tpu.vector_store %arg21[%swap3A, %swap3A_433], %swap3A_436 {strides = array<i32>} : memref<8x128xf32, #tpu.memory_space<vmem>>, vector<1x16xf32>,
      %get3A_437 = arith.index_cast %scan3A_422 : i32 to index
      %get3A_438 = arith.constant 16 : index
      %get3A_439 = tpu.vector_load %arg21[%get3A_437, %get3A_438] {strides = array<i32>} : memref<8x128xf32, #tpu.memory_space<vmem>>, vector<1x16xf32>,
      %get3A_440 = vector.shape_cast %get3A_439 : vector<1x16xf32> to vector<16xf32>
      %get3A_441 = arith.index_cast %scan3A_422 : i32 to index
      %get3A_442 = arith.constant 16 : index
      %get3A_443 = tpu.vector_load %arg22[%get3A_441, %get3A_442] {strides = array<i32>} : memref<8x128xf32, #tpu.memory_space<vmem>>, vector<1x16xf32>,
      %get3A_444 = vector.shape_cast %get3A_443 : vector<1x16xf32> to vector<16xf32>
      %add3A_445 = arith.addf %get3A_440, %get3A_444 : vector<16xf32>
      %max3A_446 = arith.constant 0.000000e+00 : f32
      %max3A_447 = vector.broadcast %max3A_446 : f32 to vector<16xf32>
      %max3A_448 = arith.maximumf %add3A_445, %max3A_447 : vector<16xf32>
      %swap3A_449 = arith.index_cast %scan3A_422 : i32 to index
      %swap3A_450 = arith.constant 16 : index
      %swap3A_451 = tpu.vector_load %arg21[%swap3A_449, %swap3A_450] {strides = array<i32>} : memref<8x128xf32, #tpu.memory_space<vmem>>, vector<1x16xf32>,
      %swap3A_452 = vector.shape_cast %swap3A_451 : vector<1x16xf32> to vector<16xf32>
      %swap3A_453 = vector.shape_cast %max3A_448 : vector<16xf32> to vector<1x16xf32>
      tpu.vector_store %arg21[%swap3A_449, %swap3A_450], %swap3A_453 {strides = array<i32>} : memref<8x128xf32, #tpu.memory_space<vmem>>, vector<1x16xf32>,
      %get3A_454 = arith.index_cast %scan3A_422 : i32 to index
      %get3A_455 = arith.constant 32 : index
      %get3A_456 = tpu.vector_load %arg21[%get3A_454, %get3A_455] {strides = array<i32>} : memref<8x128xf32, #tpu.memory_space<vmem>>, vector<1x16xf32>,
      %get3A_457 = vector.shape_cast %get3A_456 : vector<1x16xf32> to vector<16xf32>
      %get3A_458 = arith.index_cast %scan3A_422 : i32 to index
      %get3A_459 = arith.constant 32 : index
      %get3A_460 = tpu.vector_load %arg22[%get3A_458, %get3A_459] {strides = array<i32>} : memref<8x128xf32, #tpu.memory_space<vmem>>, vector<1x16xf32>,
      %get3A_461 = vector.shape_cast %get3A_460 : vector<1x16xf32> to vector<16xf32>
      %add3A_462 = arith.addf %get3A_457, %get3A_461 : vector<16xf32>
      %max3A_463 = arith.constant 0.000000e+00 : f32
      %max3A_464 = vector.broadcast %max3A_463 : f32 to vector<16xf32>
      %max3A_465 = arith.maximumf %add3A_462, %max3A_464 : vector<16xf32>
      %swap3A_466 = arith.index_cast %scan3A_422 : i32 to index
      %swap3A_467 = arith.constant 32 : index
      %swap3A_468 = tpu.vector_load %arg21[%swap3A_466, %swap3A_467] {strides = array<i32>} : memref<8x128xf32, #tpu.memory_space<vmem>>, vector<1x16xf32>,
      %swap3A_469 = vector.shape_cast %swap3A_468 : vector<1x16xf32> to vector<16xf32>
      %swap3A_470 = vector.shape_cast %max3A_465 : vector<16xf32> to vector<1x16xf32>
      tpu.vector_store %arg21[%swap3A_466, %swap3A_467], %swap3A_470 {strides = array<i32>} : memref<8x128xf32, #tpu.memory_space<vmem>>, vector<1x16xf32>,
      %get3A_471 = arith.index_cast %scan3A_422 : i32 to index
      %get3A_472 = arith.constant 48 : index
      %get3A_473 = tpu.vector_load %arg21[%get3A_471, %get3A_472] {strides = array<i32>} : memref<8x128xf32, #tpu.memory_space<vmem>>, vector<1x16xf32>,
      %get3A_474 = vector.shape_cast %get3A_473 : vector<1x16xf32> to vector<16xf32>
      %get3A_475 = arith.index_cast %scan3A_422 : i32 to index
      %get3A_476 = arith.constant 48 : index
      %get3A_477 = tpu.vector_load %arg22[%get3A_475, %get3A_476] {strides = array<i32>} : memref<8x128xf32, #tpu.memory_space<vmem>>, vector<1x16xf32>,
      %get3A_478 = vector.shape_cast %get3A_477 : vector<1x16xf32> to vector<16xf32>
      %add3A_479 = arith.addf %get3A_474, %get3A_478 : vector<16xf32>
      %max3A_480 = arith.constant 0.000000e+00 : f32
      %max3A_481 = vector.broadcast %max3A_480 : f32 to vector<16xf32>
      %max3A_482 = arith.maximumf %add3A_479, %max3A_481 : vector<16xf32>
      %swap3A_483 = arith.index_cast %scan3A_422 : i32 to index
      %swap3A_484 = arith.constant 48 : index
      %swap3A_485 = tpu.vector_load %arg21[%swap3A_483, %swap3A_484] {strides = array<i32>} : memref<8x128xf32, #tpu.memory_space<vmem>>, vector<1x16xf32>,
      %swap3A_486 = vector.shape_cast %swap3A_485 : vector<1x16xf32> to vector<16xf32>
      %swap3A_487 = vector.shape_cast %max3A_482 : vector<16xf32> to vector<1x16xf32>
      tpu.vector_store %arg21[%swap3A_483, %swap3A_484], %swap3A_487 {strides = array<i32>} : memref<8x128xf32, #tpu.memory_space<vmem>>, vector<1x16xf32>,
      %get3A_488 = arith.index_cast %scan3A_422 : i32 to index
      %get3A_489 = arith.constant 64 : index
      %get3A_490 = tpu.vector_load %arg21[%get3A_488, %get3A_489] {strides = array<i32>} : memref<8x128xf32, #tpu.memory_space<vmem>>, vector<1x16xf32>,
      %get3A_491 = vector.shape_cast %get3A_490 : vector<1x16xf32> to vector<16xf32>
      %get3A_492 = arith.index_cast %scan3A_422 : i32 to index
      %get3A_493 = arith.constant 64 : index
      %get3A_494 = tpu.vector_load %arg22[%get3A_492, %get3A_493] {strides = array<i32>} : memref<8x128xf32, #tpu.memory_space<vmem>>, vector<1x16xf32>,
      %get3A_495 = vector.shape_cast %get3A_494 : vector<1x16xf32> to vector<16xf32>
      %add3A_496 = arith.addf %get3A_491, %get3A_495 : vector<16xf32>
      %max3A_497 = arith.constant 0.000000e+00 : f32
      %max3A_498 = vector.broadcast %max3A_497 : f32 to vector<16xf32>
      %max3A_499 = arith.maximumf %add3A_496, %max3A_498 : vector<16xf32>
      %swap3A_500 = arith.index_cast %scan3A_422 : i32 to index
      %swap3A_501 = arith.constant 64 : index
      %swap3A_502 = tpu.vector_load %arg21[%swap3A_500, %swap3A_501] {strides = array<i32>} : memref<8x128xf32, #tpu.memory_space<vmem>>, vector<1x16xf32>,
      %swap3A_503 = vector.shape_cast %swap3A_502 : vector<1x16xf32> to vector<16xf32>
      %swap3A_504 = vector.shape_cast %max3A_499 : vector<16xf32> to vector<1x16xf32>
      tpu.vector_store %arg21[%swap3A_500, %swap3A_501], %swap3A_504 {strides = array<i32>} : memref<8x128xf32, #tpu.memory_space<vmem>>, vector<1x16xf32>,
      %get3A_505 = arith.index_cast %scan3A_422 : i32 to index
      %get3A_506 = arith.constant 80 : index
      %get3A_507 = tpu.vector_load %arg21[%get3A_505, %get3A_506] {strides = array<i32>} : memref<8x128xf32, #tpu.memory_space<vmem>>, vector<1x16xf32>,
      %get3A_508 = vector.shape_cast %get3A_507 : vector<1x16xf32> to vector<16xf32>
      %get3A_509 = arith.index_cast %scan3A_422 : i32 to index
      %get3A_510 = arith.constant 80 : index
      %get3A_511 = tpu.vector_load %arg22[%get3A_509, %get3A_510] {strides = array<i32>} : memref<8x128xf32, #tpu.memory_space<vmem>>, vector<1x16xf32>,
      %get3A_512 = vector.shape_cast %get3A_511 : vector<1x16xf32> to vector<16xf32>
      %add3A_513 = arith.addf %get3A_508, %get3A_512 : vector<16xf32>
      %max3A_514 = arith.constant 0.000000e+00 : f32
      %max3A_515 = vector.broadcast %max3A_514 : f32 to vector<16xf32>
      %max3A_516 = arith.maximumf %add3A_513, %max3A_515 : vector<16xf32>
      %swap3A_517 = arith.index_cast %scan3A_422 : i32 to index
      %swap3A_518 = arith.constant 80 : index
      %swap3A_519 = tpu.vector_load %arg21[%swap3A_517, %swap3A_518] {strides = array<i32>} : memref<8x128xf32, #tpu.memory_space<vmem>>, vector<1x16xf32>,
      %swap3A_520 = vector.shape_cast %swap3A_519 : vector<1x16xf32> to vector<16xf32>
      %swap3A_521 = vector.shape_cast %max3A_516 : vector<16xf32> to vector<1x16xf32>
      tpu.vector_store %arg21[%swap3A_517, %swap3A_518], %swap3A_521 {strides = array<i32>} : memref<8x128xf32, #tpu.memory_space<vmem>>, vector<1x16xf32>,
      %get3A_522 = arith.index_cast %scan3A_422 : i32 to index
      %get3A_523 = arith.constant 96 : index
      %get3A_524 = tpu.vector_load %arg21[%get3A_522, %get3A_523] {strides = array<i32>} : memref<8x128xf32, #tpu.memory_space<vmem>>, vector<1x16xf32>,
      %get3A_525 = vector.shape_cast %get3A_524 : vector<1x16xf32> to vector<16xf32>
      %get3A_526 = arith.index_cast %scan3A_422 : i32 to index
      %get3A_527 = arith.constant 96 : index
      %get3A_528 = tpu.vector_load %arg22[%get3A_526, %get3A_527] {strides = array<i32>} : memref<8x128xf32, #tpu.memory_space<vmem>>, vector<1x16xf32>,
      %get3A_529 = vector.shape_cast %get3A_528 : vector<1x16xf32> to vector<16xf32>
      %add3A_530 = arith.addf %get3A_525, %get3A_529 : vector<16xf32>
      %max3A_531 = arith.constant 0.000000e+00 : f32
      %max3A_532 = vector.broadcast %max3A_531 : f32 to vector<16xf32>
      %max3A_533 = arith.maximumf %add3A_530, %max3A_532 : vector<16xf32>
      %swap3A_534 = arith.index_cast %scan3A_422 : i32 to index
      %swap3A_535 = arith.constant 96 : index
      %swap3A_536 = tpu.vector_load %arg21[%swap3A_534, %swap3A_535] {strides = array<i32>} : memref<8x128xf32, #tpu.memory_space<vmem>>, vector<1x16xf32>,
      %swap3A_537 = vector.shape_cast %swap3A_536 : vector<1x16xf32> to vector<16xf32>
      %swap3A_538 = vector.shape_cast %max3A_533 : vector<16xf32> to vector<1x16xf32>
      tpu.vector_store %arg21[%swap3A_534, %swap3A_535], %swap3A_538 {strides = array<i32>} : memref<8x128xf32, #tpu.memory_space<vmem>>, vector<1x16xf32>,
      %get3A_539 = arith.index_cast %scan3A_422 : i32 to index
      %get3A_540 = arith.constant 112 : index
      %get3A_541 = tpu.vector_load %arg21[%get3A_539, %get3A_540] {strides = array<i32>} : memref<8x128xf32, #tpu.memory_space<vmem>>, vector<1x16xf32>,
      %get3A_542 = vector.shape_cast %get3A_541 : vector<1x16xf32> to vector<16xf32>
      %get3A_543 = arith.index_cast %scan3A_422 : i32 to index
      %get3A_544 = arith.constant 112 : index
      %get3A_545 = tpu.vector_load %arg22[%get3A_543, %get3A_544] {strides = array<i32>} : memref<8x128xf32, #tpu.memory_space<vmem>>, vector<1x16xf32>,
      %get3A_546 = vector.shape_cast %get3A_545 : vector<1x16xf32> to vector<16xf32>
      %add3A_547 = arith.addf %get3A_542, %get3A_546 : vector<16xf32>
      %max3A_548 = arith.constant 0.000000e+00 : f32
      %max3A_549 = vector.broadcast %max3A_548 : f32 to vector<16xf32>
      %max3A_550 = arith.maximumf %add3A_547, %max3A_549 : vector<16xf32>
      %swap3A_551 = arith.index_cast %scan3A_422 : i32 to index
      %swap3A_552 = arith.constant 112 : index
      %swap3A_553 = tpu.vector_load %arg21[%swap3A_551, %swap3A_552] {strides = array<i32>} : memref<8x128xf32, #tpu.memory_space<vmem>>, vector<1x16xf32>,
      %swap3A_554 = vector.shape_cast %swap3A_553 : vector<1x16xf32> to vector<16xf32>
      %swap3A_555 = vector.shape_cast %max3A_550 : vector<16xf32> to vector<1x16xf32>
      tpu.vector_store %arg21[%swap3A_551, %swap3A_552], %swap3A_555 {strides = array<i32>} : memref<8x128xf32, #tpu.memory_space<vmem>>, vector<1x16xf32>,
    }
    %scan3A_295 = arith.constant 8 : i32
    "tpu.region"() ({
      %run_scoped3A_422 = tpu.sem_alloc : memref<!tpu.dma_semaphore, #tpu.memory_space<semaphore_mem>>
      %dma_start3A_423 = arith.constant 0 : i32
      %dma_start3A_424 = arith.constant 0 : i32
      %dma_start3A_425 = tpu.memref_slice %arg23[%dma_start3A_423, %dma_start3A_424] : memref<10240x128xf32, #tpu.memory_space<vmem_shared>> -> memref<10240x128xf32, #tpu.memory_space<vmem_shared>>
      tpu.enqueue_indirect_dma source(%arg21 : memref<8x128xf32, #tpu.memory_space<vmem>>) target(%dma_start3A_425 : memref<10240x128xf32, #tpu.memory_space<vmem_shared>>) offsets(%arg17 : memref<8xi32, #tpu.memory_space<vmem>>) semaphore(%run_scoped3A_422 : memref<!tpu.dma_semaphore, #tpu.memory_space<semaphore_mem>>) {add = true}
      %dma_wait3A_426 = arith.constant 0 : i32
      %dma_wait3A_427 = arith.constant 0 : i32
      %dma_wait3A_428 = tpu.memref_slice %arg23[%dma_wait3A_426, %dma_wait3A_427] : memref<10240x128xf32, #tpu.memory_space<vmem_shared>> -> memref<10240x128xf32, #tpu.memory_space<vmem_shared>>
      tpu.wait_indirect_dma semaphore(%run_scoped3A_422 : memref<!tpu.dma_semaphore, #tpu.memory_space<semaphore_mem>>) src(%arg21 : memref<8x128xf32, #tpu.memory_space<vmem>>) dst(%dma_wait3A_428 : memref<10240x128xf32, #tpu.memory_space<vmem_shared>>)
      tpu.yield
    }) : () -> ()
    %barrier3A_296 = arith.constant 0 : index
    tpu.barrier barrier_id(%barrier3A_296)
    %add3A_297 = arith.constant 0 : i32
    %add3A_298 = arith.addi %mul3A_0, %add3A_297 : i32
    "tpu.region"() ({
      %run_scoped3A_422 = tpu.sem_alloc : memref<!tpu.dma_semaphore, #tpu.memory_space<semaphore_mem>>
      %dma_start3A_423 = tpu.memref_slice %arg9[%add3A_298] : memref<10240xi32, #tpu.memory_space<hbm>> -> memref<128xi32, #tpu.memory_space<hbm>>
      %dma_start3A_424 = tpu.memref_slice %arg9[%add3A_298] : memref<10240xi32, #tpu.memory_space<hbm>> -> memref<128xi32, #tpu.memory_space<hbm>>
      tpu.enqueue_dma source(%dma_start3A_424 : memref<128xi32, #tpu.memory_space<hbm>>) target(%arg18 : memref<128xi32, #tpu.memory_space<vmem>>) target_semaphore(%run_scoped3A_422 : memref<!tpu.dma_semaphore, #tpu.memory_space<semaphore_mem>>)
      %dma_wait3A_425 = tpu.memref_slice %arg9[%add3A_298] : memref<10240xi32, #tpu.memory_space<hbm>> -> memref<128xi32, #tpu.memory_space<hbm>>
      %dma_wait3A_426 = tpu.memref_slice %arg9[%add3A_298] : memref<10240xi32, #tpu.memory_space<hbm>> -> memref<128xi32, #tpu.memory_space<hbm>>
      tpu.wait_dma2 semaphore(%run_scoped3A_422 : memref<!tpu.dma_semaphore, #tpu.memory_space<semaphore_mem>>) src(%dma_wait3A_426 : memref<128xi32, #tpu.memory_space<hbm>>) dst(%arg18 : memref<128xi32, #tpu.memory_space<vmem>>)
      tpu.yield
    }) : () -> ()
    %dma_start3A_299 = arith.constant 0 : i32
    %dma_start3A_300 = arith.constant 0 : i32
    %dma_start3A_301 = tpu.memref_slice %arg23[%dma_start3A_299, %dma_start3A_300] : memref<10240x128xf32, #tpu.memory_space<vmem_shared>> -> memref<10240x128xf32, #tpu.memory_space<vmem_shared>>
    tpu.enqueue_indirect_dma source(%dma_start3A_301 : memref<10240x128xf32, #tpu.memory_space<vmem_shared>>) target(%arg19 : memref<128x128xf32, #tpu.memory_space<vmem>>) offsets(%arg18 : memref<128xi32, #tpu.memory_space<vmem>>) semaphore(%arg24 : memref<!tpu.dma_semaphore, #tpu.memory_space<semaphore_mem>>)
    %dma_wait3A_302 = arith.constant 0 : i32
    %dma_wait3A_303 = arith.constant 0 : i32
    %dma_wait3A_304 = tpu.memref_slice %arg23[%dma_wait3A_302, %dma_wait3A_303] : memref<10240x128xf32, #tpu.memory_space<vmem_shared>> -> memref<10240x128xf32, #tpu.memory_space<vmem_shared>>
    tpu.wait_indirect_dma semaphore(%arg24 : memref<!tpu.dma_semaphore, #tpu.memory_space<semaphore_mem>>) src(%dma_wait3A_304 : memref<10240x128xf32, #tpu.memory_space<vmem_shared>>) dst(%arg19 : memref<128x128xf32, #tpu.memory_space<vmem>>)
    %add3A_305 = arith.constant 0 : i32
    %add3A_306 = arith.addi %mul3A_0, %add3A_305 : i32
    %run_scoped3A_307 = arith.constant 3 : i32
    "tpu.region"() ({
      %run_scoped3A_422 = tpu.sem_alloc : memref<!tpu.dma_semaphore, #tpu.memory_space<semaphore_mem>>
      %dma_start3A_423 = arith.constant 0 : i32
      %dma_start3A_424 = arith.constant 0 : i32
      %dma_start3A_425 = tpu.memref_slice %arg12[%arg0, %run_scoped3A_307, %dma_start3A_423, %dma_start3A_424] : memref<2x4x10240x128xf32, #tpu.memory_space<hbm>> -> memref<1x1x10240x128xf32, #tpu.memory_space<hbm>>
      %dma_start3A_426 = tpu.memref_squeeze %dma_start3A_425 : memref<1x1x10240x128xf32, #tpu.memory_space<hbm>> -> memref<10240x128xf32, #tpu.memory_space<hbm>>
      %dma_start3A_427 = arith.constant 0 : i32
      %dma_start3A_428 = tpu.memref_slice %dma_start3A_426[%add3A_306, %dma_start3A_427] : memref<10240x128xf32, #tpu.memory_space<hbm>> -> memref<128x128xf32, #tpu.memory_space<hbm>>
      %dma_start3A_429 = arith.constant 0 : i32
      %dma_start3A_430 = arith.constant 0 : i32
      %dma_start3A_431 = tpu.memref_slice %arg12[%arg0, %run_scoped3A_307, %dma_start3A_429, %dma_start3A_430] : memref<2x4x10240x128xf32, #tpu.memory_space<hbm>> -> memref<1x1x10240x128xf32, #tpu.memory_space<hbm>>
      %dma_start3A_432 = tpu.memref_squeeze %dma_start3A_431 : memref<1x1x10240x128xf32, #tpu.memory_space<hbm>> -> memref<10240x128xf32, #tpu.memory_space<hbm>>
      %dma_start3A_433 = arith.constant 0 : i32
      %dma_start3A_434 = tpu.memref_slice %dma_start3A_432[%add3A_306, %dma_start3A_433] : memref<10240x128xf32, #tpu.memory_space<hbm>> -> memref<128x128xf32, #tpu.memory_space<hbm>>
      tpu.enqueue_dma source(%arg19 : memref<128x128xf32, #tpu.memory_space<vmem>>) target(%dma_start3A_434 : memref<128x128xf32, #tpu.memory_space<hbm>>) target_semaphore(%run_scoped3A_422 : memref<!tpu.dma_semaphore, #tpu.memory_space<semaphore_mem>>)
      %dma_wait3A_435 = arith.constant 0 : i32
      %dma_wait3A_436 = arith.constant 0 : i32
      %dma_wait3A_437 = tpu.memref_slice %arg12[%arg0, %run_scoped3A_307, %dma_wait3A_435, %dma_wait3A_436] : memref<2x4x10240x128xf32, #tpu.memory_space<hbm>> -> memref<1x1x10240x128xf32, #tpu.memory_space<hbm>>
      %dma_wait3A_438 = tpu.memref_squeeze %dma_wait3A_437 : memref<1x1x10240x128xf32, #tpu.memory_space<hbm>> -> memref<10240x128xf32, #tpu.memory_space<hbm>>
      %dma_wait3A_439 = arith.constant 0 : i32
      %dma_wait3A_440 = tpu.memref_slice %dma_wait3A_438[%add3A_306, %dma_wait3A_439] : memref<10240x128xf32, #tpu.memory_space<hbm>> -> memref<128x128xf32, #tpu.memory_space<hbm>>
      %dma_wait3A_441 = arith.constant 0 : i32
      %dma_wait3A_442 = arith.constant 0 : i32
      %dma_wait3A_443 = tpu.memref_slice %arg12[%arg0, %run_scoped3A_307, %dma_wait3A_441, %dma_wait3A_442] : memref<2x4x10240x128xf32, #tpu.memory_space<hbm>> -> memref<1x1x10240x128xf32, #tpu.memory_space<hbm>>
      %dma_wait3A_444 = tpu.memref_squeeze %dma_wait3A_443 : memref<1x1x10240x128xf32, #tpu.memory_space<hbm>> -> memref<10240x128xf32, #tpu.memory_space<hbm>>
      %dma_wait3A_445 = arith.constant 0 : i32
      %dma_wait3A_446 = tpu.memref_slice %dma_wait3A_444[%add3A_306, %dma_wait3A_445] : memref<10240x128xf32, #tpu.memory_space<hbm>> -> memref<128x128xf32, #tpu.memory_space<hbm>>
      tpu.wait_dma2 semaphore(%run_scoped3A_422 : memref<!tpu.dma_semaphore, #tpu.memory_space<semaphore_mem>>) src(%arg19 : memref<128x128xf32, #tpu.memory_space<vmem>>) dst(%dma_wait3A_446 : memref<128x128xf32, #tpu.memory_space<hbm>>)
      tpu.yield
    }) : () -> ()
    %add3A_308 = arith.constant 128 : i32
    %add3A_309 = arith.addi %mul3A_0, %add3A_308 : i32
    "tpu.region"() ({
      %run_scoped3A_422 = tpu.sem_alloc : memref<!tpu.dma_semaphore, #tpu.memory_space<semaphore_mem>>
      %dma_start3A_423 = tpu.memref_slice %arg9[%add3A_309] : memref<10240xi32, #tpu.memory_space<hbm>> -> memref<128xi32, #tpu.memory_space<hbm>>
      %dma_start3A_424 = tpu.memref_slice %arg9[%add3A_309] : memref<10240xi32, #tpu.memory_space<hbm>> -> memref<128xi32, #tpu.memory_space<hbm>>
      tpu.enqueue_dma source(%dma_start3A_424 : memref<128xi32, #tpu.memory_space<hbm>>) target(%arg18 : memref<128xi32, #tpu.memory_space<vmem>>) target_semaphore(%run_scoped3A_422 : memref<!tpu.dma_semaphore, #tpu.memory_space<semaphore_mem>>)
      %dma_wait3A_425 = tpu.memref_slice %arg9[%add3A_309] : memref<10240xi32, #tpu.memory_space<hbm>> -> memref<128xi32, #tpu.memory_space<hbm>>
      %dma_wait3A_426 = tpu.memref_slice %arg9[%add3A_309] : memref<10240xi32, #tpu.memory_space<hbm>> -> memref<128xi32, #tpu.memory_space<hbm>>
      tpu.wait_dma2 semaphore(%run_scoped3A_422 : memref<!tpu.dma_semaphore, #tpu.memory_space<semaphore_mem>>) src(%dma_wait3A_426 : memref<128xi32, #tpu.memory_space<hbm>>) dst(%arg18 : memref<128xi32, #tpu.memory_space<vmem>>)
      tpu.yield
    }) : () -> ()
    %dma_start3A_310 = arith.constant 0 : i32
    %dma_start3A_311 = arith.constant 0 : i32
    %dma_start3A_312 = tpu.memref_slice %arg23[%dma_start3A_310, %dma_start3A_311] : memref<10240x128xf32, #tpu.memory_space<vmem_shared>> -> memref<10240x128xf32, #tpu.memory_space<vmem_shared>>
    tpu.enqueue_indirect_dma source(%dma_start3A_312 : memref<10240x128xf32, #tpu.memory_space<vmem_shared>>) target(%arg19 : memref<128x128xf32, #tpu.memory_space<vmem>>) offsets(%arg18 : memref<128xi32, #tpu.memory_space<vmem>>) semaphore(%arg24 : memref<!tpu.dma_semaphore, #tpu.memory_space<semaphore_mem>>)
    %dma_wait3A_313 = arith.constant 0 : i32
    %dma_wait3A_314 = arith.constant 0 : i32
    %dma_wait3A_315 = tpu.memref_slice %arg23[%dma_wait3A_313, %dma_wait3A_314] : memref<10240x128xf32, #tpu.memory_space<vmem_shared>> -> memref<10240x128xf32, #tpu.memory_space<vmem_shared>>
    tpu.wait_indirect_dma semaphore(%arg24 : memref<!tpu.dma_semaphore, #tpu.memory_space<semaphore_mem>>) src(%dma_wait3A_315 : memref<10240x128xf32, #tpu.memory_space<vmem_shared>>) dst(%arg19 : memref<128x128xf32, #tpu.memory_space<vmem>>)
    %add3A_316 = arith.constant 128 : i32
    %add3A_317 = arith.addi %mul3A_0, %add3A_316 : i32
    %run_scoped3A_318 = arith.constant 3 : i32
    "tpu.region"() ({
      %run_scoped3A_422 = tpu.sem_alloc : memref<!tpu.dma_semaphore, #tpu.memory_space<semaphore_mem>>
      %dma_start3A_423 = arith.constant 0 : i32
      %dma_start3A_424 = arith.constant 0 : i32
      %dma_start3A_425 = tpu.memref_slice %arg12[%arg0, %run_scoped3A_318, %dma_start3A_423, %dma_start3A_424] : memref<2x4x10240x128xf32, #tpu.memory_space<hbm>> -> memref<1x1x10240x128xf32, #tpu.memory_space<hbm>>
      %dma_start3A_426 = tpu.memref_squeeze %dma_start3A_425 : memref<1x1x10240x128xf32, #tpu.memory_space<hbm>> -> memref<10240x128xf32, #tpu.memory_space<hbm>>
      %dma_start3A_427 = arith.constant 0 : i32
      %dma_start3A_428 = tpu.memref_slice %dma_start3A_426[%add3A_317, %dma_start3A_427] : memref<10240x128xf32, #tpu.memory_space<hbm>> -> memref<128x128xf32, #tpu.memory_space<hbm>>
      %dma_start3A_429 = arith.constant 0 : i32
      %dma_start3A_430 = arith.constant 0 : i32
      %dma_start3A_431 = tpu.memref_slice %arg12[%arg0, %run_scoped3A_318, %dma_start3A_429, %dma_start3A_430] : memref<2x4x10240x128xf32, #tpu.memory_space<hbm>> -> memref<1x1x10240x128xf32, #tpu.memory_space<hbm>>
      %dma_start3A_432 = tpu.memref_squeeze %dma_start3A_431 : memref<1x1x10240x128xf32, #tpu.memory_space<hbm>> -> memref<10240x128xf32, #tpu.memory_space<hbm>>
      %dma_start3A_433 = arith.constant 0 : i32
      %dma_start3A_434 = tpu.memref_slice %dma_start3A_432[%add3A_317, %dma_start3A_433] : memref<10240x128xf32, #tpu.memory_space<hbm>> -> memref<128x128xf32, #tpu.memory_space<hbm>>
      tpu.enqueue_dma source(%arg19 : memref<128x128xf32, #tpu.memory_space<vmem>>) target(%dma_start3A_434 : memref<128x128xf32, #tpu.memory_space<hbm>>) target_semaphore(%run_scoped3A_422 : memref<!tpu.dma_semaphore, #tpu.memory_space<semaphore_mem>>)
      %dma_wait3A_435 = arith.constant 0 : i32
      %dma_wait3A_436 = arith.constant 0 : i32
      %dma_wait3A_437 = tpu.memref_slice %arg12[%arg0, %run_scoped3A_318, %dma_wait3A_435, %dma_wait3A_436] : memref<2x4x10240x128xf32, #tpu.memory_space<hbm>> -> memref<1x1x10240x128xf32, #tpu.memory_space<hbm>>
      %dma_wait3A_438 = tpu.memref_squeeze %dma_wait3A_437 : memref<1x1x10240x128xf32, #tpu.memory_space<hbm>> -> memref<10240x128xf32, #tpu.memory_space<hbm>>
      %dma_wait3A_439 = arith.constant 0 : i32
      %dma_wait3A_440 = tpu.memref_slice %dma_wait3A_438[%add3A_317, %dma_wait3A_439] : memref<10240x128xf32, #tpu.memory_space<hbm>> -> memref<128x128xf32, #tpu.memory_space<hbm>>
      %dma_wait3A_441 = arith.constant 0 : i32
      %dma_wait3A_442 = arith.constant 0 : i32
      %dma_wait3A_443 = tpu.memref_slice %arg12[%arg0, %run_scoped3A_318, %dma_wait3A_441, %dma_wait3A_442] : memref<2x4x10240x128xf32, #tpu.memory_space<hbm>> -> memref<1x1x10240x128xf32, #tpu.memory_space<hbm>>
      %dma_wait3A_444 = tpu.memref_squeeze %dma_wait3A_443 : memref<1x1x10240x128xf32, #tpu.memory_space<hbm>> -> memref<10240x128xf32, #tpu.memory_space<hbm>>
      %dma_wait3A_445 = arith.constant 0 : i32
      %dma_wait3A_446 = tpu.memref_slice %dma_wait3A_444[%add3A_317, %dma_wait3A_445] : memref<10240x128xf32, #tpu.memory_space<hbm>> -> memref<128x128xf32, #tpu.memory_space<hbm>>
      tpu.wait_dma2 semaphore(%run_scoped3A_422 : memref<!tpu.dma_semaphore, #tpu.memory_space<semaphore_mem>>) src(%arg19 : memref<128x128xf32, #tpu.memory_space<vmem>>) dst(%dma_wait3A_446 : memref<128x128xf32, #tpu.memory_space<hbm>>)
      tpu.yield
    }) : () -> ()
    %add3A_319 = arith.constant 256 : i32
    %add3A_320 = arith.addi %mul3A_0, %add3A_319 : i32
    "tpu.region"() ({
      %run_scoped3A_422 = tpu.sem_alloc : memref<!tpu.dma_semaphore, #tpu.memory_space<semaphore_mem>>
      %dma_start3A_423 = tpu.memref_slice %arg9[%add3A_320] : memref<10240xi32, #tpu.memory_space<hbm>> -> memref<128xi32, #tpu.memory_space<hbm>>
      %dma_start3A_424 = tpu.memref_slice %arg9[%add3A_320] : memref<10240xi32, #tpu.memory_space<hbm>> -> memref<128xi32, #tpu.memory_space<hbm>>
      tpu.enqueue_dma source(%dma_start3A_424 : memref<128xi32, #tpu.memory_space<hbm>>) target(%arg18 : memref<128xi32, #tpu.memory_space<vmem>>) target_semaphore(%run_scoped3A_422 : memref<!tpu.dma_semaphore, #tpu.memory_space<semaphore_mem>>)
      %dma_wait3A_425 = tpu.memref_slice %arg9[%add3A_320] : memref<10240xi32, #tpu.memory_space<hbm>> -> memref<128xi32, #tpu.memory_space<hbm>>
      %dma_wait3A_426 = tpu.memref_slice %arg9[%add3A_320] : memref<10240xi32, #tpu.memory_space<hbm>> -> memref<128xi32, #tpu.memory_space<hbm>>
      tpu.wait_dma2 semaphore(%run_scoped3A_422 : memref<!tpu.dma_semaphore, #tpu.memory_space<semaphore_mem>>) src(%dma_wait3A_426 : memref<128xi32, #tpu.memory_space<hbm>>) dst(%arg18 : memref<128xi32, #tpu.memory_space<vmem>>)
      tpu.yield
    }) : () -> ()
    %dma_start3A_321 = arith.constant 0 : i32
    %dma_start3A_322 = arith.constant 0 : i32
    %dma_start3A_323 = tpu.memref_slice %arg23[%dma_start3A_321, %dma_start3A_322] : memref<10240x128xf32, #tpu.memory_space<vmem_shared>> -> memref<10240x128xf32, #tpu.memory_space<vmem_shared>>
    tpu.enqueue_indirect_dma source(%dma_start3A_323 : memref<10240x128xf32, #tpu.memory_space<vmem_shared>>) target(%arg19 : memref<128x128xf32, #tpu.memory_space<vmem>>) offsets(%arg18 : memref<128xi32, #tpu.memory_space<vmem>>) semaphore(%arg24 : memref<!tpu.dma_semaphore, #tpu.memory_space<semaphore_mem>>)
    %dma_wait3A_324 = arith.constant 0 : i32
    %dma_wait3A_325 = arith.constant 0 : i32
    %dma_wait3A_326 = tpu.memref_slice %arg23[%dma_wait3A_324, %dma_wait3A_325] : memref<10240x128xf32, #tpu.memory_space<vmem_shared>> -> memref<10240x128xf32, #tpu.memory_space<vmem_shared>>
    tpu.wait_indirect_dma semaphore(%arg24 : memref<!tpu.dma_semaphore, #tpu.memory_space<semaphore_mem>>) src(%dma_wait3A_326 : memref<10240x128xf32, #tpu.memory_space<vmem_shared>>) dst(%arg19 : memref<128x128xf32, #tpu.memory_space<vmem>>)
    %add3A_327 = arith.constant 256 : i32
    %add3A_328 = arith.addi %mul3A_0, %add3A_327 : i32
    %run_scoped3A_329 = arith.constant 3 : i32
    "tpu.region"() ({
      %run_scoped3A_422 = tpu.sem_alloc : memref<!tpu.dma_semaphore, #tpu.memory_space<semaphore_mem>>
      %dma_start3A_423 = arith.constant 0 : i32
      %dma_start3A_424 = arith.constant 0 : i32
      %dma_start3A_425 = tpu.memref_slice %arg12[%arg0, %run_scoped3A_329, %dma_start3A_423, %dma_start3A_424] : memref<2x4x10240x128xf32, #tpu.memory_space<hbm>> -> memref<1x1x10240x128xf32, #tpu.memory_space<hbm>>
      %dma_start3A_426 = tpu.memref_squeeze %dma_start3A_425 : memref<1x1x10240x128xf32, #tpu.memory_space<hbm>> -> memref<10240x128xf32, #tpu.memory_space<hbm>>
      %dma_start3A_427 = arith.constant 0 : i32
      %dma_start3A_428 = tpu.memref_slice %dma_start3A_426[%add3A_328, %dma_start3A_427] : memref<10240x128xf32, #tpu.memory_space<hbm>> -> memref<128x128xf32, #tpu.memory_space<hbm>>
      %dma_start3A_429 = arith.constant 0 : i32
      %dma_start3A_430 = arith.constant 0 : i32
      %dma_start3A_431 = tpu.memref_slice %arg12[%arg0, %run_scoped3A_329, %dma_start3A_429, %dma_start3A_430] : memref<2x4x10240x128xf32, #tpu.memory_space<hbm>> -> memref<1x1x10240x128xf32, #tpu.memory_space<hbm>>
      %dma_start3A_432 = tpu.memref_squeeze %dma_start3A_431 : memref<1x1x10240x128xf32, #tpu.memory_space<hbm>> -> memref<10240x128xf32, #tpu.memory_space<hbm>>
      %dma_start3A_433 = arith.constant 0 : i32
      %dma_start3A_434 = tpu.memref_slice %dma_start3A_432[%add3A_328, %dma_start3A_433] : memref<10240x128xf32, #tpu.memory_space<hbm>> -> memref<128x128xf32, #tpu.memory_space<hbm>>
      tpu.enqueue_dma source(%arg19 : memref<128x128xf32, #tpu.memory_space<vmem>>) target(%dma_start3A_434 : memref<128x128xf32, #tpu.memory_space<hbm>>) target_semaphore(%run_scoped3A_422 : memref<!tpu.dma_semaphore, #tpu.memory_space<semaphore_mem>>)
      %dma_wait3A_435 = arith.constant 0 : i32
      %dma_wait3A_436 = arith.constant 0 : i32
      %dma_wait3A_437 = tpu.memref_slice %arg12[%arg0, %run_scoped3A_329, %dma_wait3A_435, %dma_wait3A_436] : memref<2x4x10240x128xf32, #tpu.memory_space<hbm>> -> memref<1x1x10240x128xf32, #tpu.memory_space<hbm>>
      %dma_wait3A_438 = tpu.memref_squeeze %dma_wait3A_437 : memref<1x1x10240x128xf32, #tpu.memory_space<hbm>> -> memref<10240x128xf32, #tpu.memory_space<hbm>>
      %dma_wait3A_439 = arith.constant 0 : i32
      %dma_wait3A_440 = tpu.memref_slice %dma_wait3A_438[%add3A_328, %dma_wait3A_439] : memref<10240x128xf32, #tpu.memory_space<hbm>> -> memref<128x128xf32, #tpu.memory_space<hbm>>
      %dma_wait3A_441 = arith.constant 0 : i32
      %dma_wait3A_442 = arith.constant 0 : i32
      %dma_wait3A_443 = tpu.memref_slice %arg12[%arg0, %run_scoped3A_329, %dma_wait3A_441, %dma_wait3A_442] : memref<2x4x10240x128xf32, #tpu.memory_space<hbm>> -> memref<1x1x10240x128xf32, #tpu.memory_space<hbm>>
      %dma_wait3A_444 = tpu.memref_squeeze %dma_wait3A_443 : memref<1x1x10240x128xf32, #tpu.memory_space<hbm>> -> memref<10240x128xf32, #tpu.memory_space<hbm>>
      %dma_wait3A_445 = arith.constant 0 : i32
      %dma_wait3A_446 = tpu.memref_slice %dma_wait3A_444[%add3A_328, %dma_wait3A_445] : memref<10240x128xf32, #tpu.memory_space<hbm>> -> memref<128x128xf32, #tpu.memory_space<hbm>>
      tpu.wait_dma2 semaphore(%run_scoped3A_422 : memref<!tpu.dma_semaphore, #tpu.memory_space<semaphore_mem>>) src(%arg19 : memref<128x128xf32, #tpu.memory_space<vmem>>) dst(%dma_wait3A_446 : memref<128x128xf32, #tpu.memory_space<hbm>>)
      tpu.yield
    }) : () -> ()
    %add3A_330 = arith.constant 384 : i32
    %add3A_331 = arith.addi %mul3A_0, %add3A_330 : i32
    "tpu.region"() ({
      %run_scoped3A_422 = tpu.sem_alloc : memref<!tpu.dma_semaphore, #tpu.memory_space<semaphore_mem>>
      %dma_start3A_423 = tpu.memref_slice %arg9[%add3A_331] : memref<10240xi32, #tpu.memory_space<hbm>> -> memref<128xi32, #tpu.memory_space<hbm>>
      %dma_start3A_424 = tpu.memref_slice %arg9[%add3A_331] : memref<10240xi32, #tpu.memory_space<hbm>> -> memref<128xi32, #tpu.memory_space<hbm>>
      tpu.enqueue_dma source(%dma_start3A_424 : memref<128xi32, #tpu.memory_space<hbm>>) target(%arg18 : memref<128xi32, #tpu.memory_space<vmem>>) target_semaphore(%run_scoped3A_422 : memref<!tpu.dma_semaphore, #tpu.memory_space<semaphore_mem>>)
      %dma_wait3A_425 = tpu.memref_slice %arg9[%add3A_331] : memref<10240xi32, #tpu.memory_space<hbm>> -> memref<128xi32, #tpu.memory_space<hbm>>
      %dma_wait3A_426 = tpu.memref_slice %arg9[%add3A_331] : memref<10240xi32, #tpu.memory_space<hbm>> -> memref<128xi32, #tpu.memory_space<hbm>>
      tpu.wait_dma2 semaphore(%run_scoped3A_422 : memref<!tpu.dma_semaphore, #tpu.memory_space<semaphore_mem>>) src(%dma_wait3A_426 : memref<128xi32, #tpu.memory_space<hbm>>) dst(%arg18 : memref<128xi32, #tpu.memory_space<vmem>>)
      tpu.yield
    }) : () -> ()
    %dma_start3A_332 = arith.constant 0 : i32
    %dma_start3A_333 = arith.constant 0 : i32
    %dma_start3A_334 = tpu.memref_slice %arg23[%dma_start3A_332, %dma_start3A_333] : memref<10240x128xf32, #tpu.memory_space<vmem_shared>> -> memref<10240x128xf32, #tpu.memory_space<vmem_shared>>
    tpu.enqueue_indirect_dma source(%dma_start3A_334 : memref<10240x128xf32, #tpu.memory_space<vmem_shared>>) target(%arg19 : memref<128x128xf32, #tpu.memory_space<vmem>>) offsets(%arg18 : memref<128xi32, #tpu.memory_space<vmem>>) semaphore(%arg24 : memref<!tpu.dma_semaphore, #tpu.memory_space<semaphore_mem>>)
    %dma_wait3A_335 = arith.constant 0 : i32
    %dma_wait3A_336 = arith.constant 0 : i32
    %dma_wait3A_337 = tpu.memref_slice %arg23[%dma_wait3A_335, %dma_wait3A_336] : memref<10240x128xf32, #tpu.memory_space<vmem_shared>> -> memref<10240x128xf32, #tpu.memory_space<vmem_shared>>
    tpu.wait_indirect_dma semaphore(%arg24 : memref<!tpu.dma_semaphore, #tpu.memory_space<semaphore_mem>>) src(%dma_wait3A_337 : memref<10240x128xf32, #tpu.memory_space<vmem_shared>>) dst(%arg19 : memref<128x128xf32, #tpu.memory_space<vmem>>)
    %add3A_338 = arith.constant 384 : i32
    %add3A_339 = arith.addi %mul3A_0, %add3A_338 : i32
    %run_scoped3A_340 = arith.constant 3 : i32
    "tpu.region"() ({
      %run_scoped3A_422 = tpu.sem_alloc : memref<!tpu.dma_semaphore, #tpu.memory_space<semaphore_mem>>
      %dma_start3A_423 = arith.constant 0 : i32
      %dma_start3A_424 = arith.constant 0 : i32
      %dma_start3A_425 = tpu.memref_slice %arg12[%arg0, %run_scoped3A_340, %dma_start3A_423, %dma_start3A_424] : memref<2x4x10240x128xf32, #tpu.memory_space<hbm>> -> memref<1x1x10240x128xf32, #tpu.memory_space<hbm>>
      %dma_start3A_426 = tpu.memref_squeeze %dma_start3A_425 : memref<1x1x10240x128xf32, #tpu.memory_space<hbm>> -> memref<10240x128xf32, #tpu.memory_space<hbm>>
      %dma_start3A_427 = arith.constant 0 : i32
      %dma_start3A_428 = tpu.memref_slice %dma_start3A_426[%add3A_339, %dma_start3A_427] : memref<10240x128xf32, #tpu.memory_space<hbm>> -> memref<128x128xf32, #tpu.memory_space<hbm>>
      %dma_start3A_429 = arith.constant 0 : i32
      %dma_start3A_430 = arith.constant 0 : i32
      %dma_start3A_431 = tpu.memref_slice %arg12[%arg0, %run_scoped3A_340, %dma_start3A_429, %dma_start3A_430] : memref<2x4x10240x128xf32, #tpu.memory_space<hbm>> -> memref<1x1x10240x128xf32, #tpu.memory_space<hbm>>
      %dma_start3A_432 = tpu.memref_squeeze %dma_start3A_431 : memref<1x1x10240x128xf32, #tpu.memory_space<hbm>> -> memref<10240x128xf32, #tpu.memory_space<hbm>>
      %dma_start3A_433 = arith.constant 0 : i32
      %dma_start3A_434 = tpu.memref_slice %dma_start3A_432[%add3A_339, %dma_start3A_433] : memref<10240x128xf32, #tpu.memory_space<hbm>> -> memref<128x128xf32, #tpu.memory_space<hbm>>
      tpu.enqueue_dma source(%arg19 : memref<128x128xf32, #tpu.memory_space<vmem>>) target(%dma_start3A_434 : memref<128x128xf32, #tpu.memory_space<hbm>>) target_semaphore(%run_scoped3A_422 : memref<!tpu.dma_semaphore, #tpu.memory_space<semaphore_mem>>)
      %dma_wait3A_435 = arith.constant 0 : i32
      %dma_wait3A_436 = arith.constant 0 : i32
      %dma_wait3A_437 = tpu.memref_slice %arg12[%arg0, %run_scoped3A_340, %dma_wait3A_435, %dma_wait3A_436] : memref<2x4x10240x128xf32, #tpu.memory_space<hbm>> -> memref<1x1x10240x128xf32, #tpu.memory_space<hbm>>
      %dma_wait3A_438 = tpu.memref_squeeze %dma_wait3A_437 : memref<1x1x10240x128xf32, #tpu.memory_space<hbm>> -> memref<10240x128xf32, #tpu.memory_space<hbm>>
      %dma_wait3A_439 = arith.constant 0 : i32
      %dma_wait3A_440 = tpu.memref_slice %dma_wait3A_438[%add3A_339, %dma_wait3A_439] : memref<10240x128xf32, #tpu.memory_space<hbm>> -> memref<128x128xf32, #tpu.memory_space<hbm>>
      %dma_wait3A_441 = arith.constant 0 : i32
      %dma_wait3A_442 = arith.constant 0 : i32
      %dma_wait3A_443 = tpu.memref_slice %arg12[%arg0, %run_scoped3A_340, %dma_wait3A_441, %dma_wait3A_442] : memref<2x4x10240x128xf32, #tpu.memory_space<hbm>> -> memref<1x1x10240x128xf32, #tpu.memory_space<hbm>>
      %dma_wait3A_444 = tpu.memref_squeeze %dma_wait3A_443 : memref<1x1x10240x128xf32, #tpu.memory_space<hbm>> -> memref<10240x128xf32, #tpu.memory_space<hbm>>
      %dma_wait3A_445 = arith.constant 0 : i32
      %dma_wait3A_446 = tpu.memref_slice %dma_wait3A_444[%add3A_339, %dma_wait3A_445] : memref<10240x128xf32, #tpu.memory_space<hbm>> -> memref<128x128xf32, #tpu.memory_space<hbm>>
      tpu.wait_dma2 semaphore(%run_scoped3A_422 : memref<!tpu.dma_semaphore, #tpu.memory_space<semaphore_mem>>) src(%arg19 : memref<128x128xf32, #tpu.memory_space<vmem>>) dst(%dma_wait3A_446 : memref<128x128xf32, #tpu.memory_space<hbm>>)
      tpu.yield
    }) : () -> ()
    %add3A_341 = arith.constant 512 : i32
    %add3A_342 = arith.addi %mul3A_0, %add3A_341 : i32
    "tpu.region"() ({
      %run_scoped3A_422 = tpu.sem_alloc : memref<!tpu.dma_semaphore, #tpu.memory_space<semaphore_mem>>
      %dma_start3A_423 = tpu.memref_slice %arg9[%add3A_342] : memref<10240xi32, #tpu.memory_space<hbm>> -> memref<128xi32, #tpu.memory_space<hbm>>
      %dma_start3A_424 = tpu.memref_slice %arg9[%add3A_342] : memref<10240xi32, #tpu.memory_space<hbm>> -> memref<128xi32, #tpu.memory_space<hbm>>
      tpu.enqueue_dma source(%dma_start3A_424 : memref<128xi32, #tpu.memory_space<hbm>>) target(%arg18 : memref<128xi32, #tpu.memory_space<vmem>>) target_semaphore(%run_scoped3A_422 : memref<!tpu.dma_semaphore, #tpu.memory_space<semaphore_mem>>)
      %dma_wait3A_425 = tpu.memref_slice %arg9[%add3A_342] : memref<10240xi32, #tpu.memory_space<hbm>> -> memref<128xi32, #tpu.memory_space<hbm>>
      %dma_wait3A_426 = tpu.memref_slice %arg9[%add3A_342] : memref<10240xi32, #tpu.memory_space<hbm>> -> memref<128xi32, #tpu.memory_space<hbm>>
      tpu.wait_dma2 semaphore(%run_scoped3A_422 : memref<!tpu.dma_semaphore, #tpu.memory_space<semaphore_mem>>) src(%dma_wait3A_426 : memref<128xi32, #tpu.memory_space<hbm>>) dst(%arg18 : memref<128xi32, #tpu.memory_space<vmem>>)
      tpu.yield
    }) : () -> ()
    %dma_start3A_343 = arith.constant 0 : i32
    %dma_start3A_344 = arith.constant 0 : i32
    %dma_start3A_345 = tpu.memref_slice %arg23[%dma_start3A_343, %dma_start3A_344] : memref<10240x128xf32, #tpu.memory_space<vmem_shared>> -> memref<10240x128xf32, #tpu.memory_space<vmem_shared>>
    tpu.enqueue_indirect_dma source(%dma_start3A_345 : memref<10240x128xf32, #tpu.memory_space<vmem_shared>>) target(%arg19 : memref<128x128xf32, #tpu.memory_space<vmem>>) offsets(%arg18 : memref<128xi32, #tpu.memory_space<vmem>>) semaphore(%arg24 : memref<!tpu.dma_semaphore, #tpu.memory_space<semaphore_mem>>)
    %dma_wait3A_346 = arith.constant 0 : i32
    %dma_wait3A_347 = arith.constant 0 : i32
    %dma_wait3A_348 = tpu.memref_slice %arg23[%dma_wait3A_346, %dma_wait3A_347] : memref<10240x128xf32, #tpu.memory_space<vmem_shared>> -> memref<10240x128xf32, #tpu.memory_space<vmem_shared>>
    tpu.wait_indirect_dma semaphore(%arg24 : memref<!tpu.dma_semaphore, #tpu.memory_space<semaphore_mem>>) src(%dma_wait3A_348 : memref<10240x128xf32, #tpu.memory_space<vmem_shared>>) dst(%arg19 : memref<128x128xf32, #tpu.memory_space<vmem>>)
    %add3A_349 = arith.constant 512 : i32
    %add3A_350 = arith.addi %mul3A_0, %add3A_349 : i32
    %run_scoped3A_351 = arith.constant 3 : i32
    "tpu.region"() ({
      %run_scoped3A_422 = tpu.sem_alloc : memref<!tpu.dma_semaphore, #tpu.memory_space<semaphore_mem>>
      %dma_start3A_423 = arith.constant 0 : i32
      %dma_start3A_424 = arith.constant 0 : i32
      %dma_start3A_425 = tpu.memref_slice %arg12[%arg0, %run_scoped3A_351, %dma_start3A_423, %dma_start3A_424] : memref<2x4x10240x128xf32, #tpu.memory_space<hbm>> -> memref<1x1x10240x128xf32, #tpu.memory_space<hbm>>
      %dma_start3A_426 = tpu.memref_squeeze %dma_start3A_425 : memref<1x1x10240x128xf32, #tpu.memory_space<hbm>> -> memref<10240x128xf32, #tpu.memory_space<hbm>>
      %dma_start3A_427 = arith.constant 0 : i32
      %dma_start3A_428 = tpu.memref_slice %dma_start3A_426[%add3A_350, %dma_start3A_427] : memref<10240x128xf32, #tpu.memory_space<hbm>> -> memref<128x128xf32, #tpu.memory_space<hbm>>
      %dma_start3A_429 = arith.constant 0 : i32
      %dma_start3A_430 = arith.constant 0 : i32
      %dma_start3A_431 = tpu.memref_slice %arg12[%arg0, %run_scoped3A_351, %dma_start3A_429, %dma_start3A_430] : memref<2x4x10240x128xf32, #tpu.memory_space<hbm>> -> memref<1x1x10240x128xf32, #tpu.memory_space<hbm>>
      %dma_start3A_432 = tpu.memref_squeeze %dma_start3A_431 : memref<1x1x10240x128xf32, #tpu.memory_space<hbm>> -> memref<10240x128xf32, #tpu.memory_space<hbm>>
      %dma_start3A_433 = arith.constant 0 : i32
      %dma_start3A_434 = tpu.memref_slice %dma_start3A_432[%add3A_350, %dma_start3A_433] : memref<10240x128xf32, #tpu.memory_space<hbm>> -> memref<128x128xf32, #tpu.memory_space<hbm>>
      tpu.enqueue_dma source(%arg19 : memref<128x128xf32, #tpu.memory_space<vmem>>) target(%dma_start3A_434 : memref<128x128xf32, #tpu.memory_space<hbm>>) target_semaphore(%run_scoped3A_422 : memref<!tpu.dma_semaphore, #tpu.memory_space<semaphore_mem>>)
      %dma_wait3A_435 = arith.constant 0 : i32
      %dma_wait3A_436 = arith.constant 0 : i32
      %dma_wait3A_437 = tpu.memref_slice %arg12[%arg0, %run_scoped3A_351, %dma_wait3A_435, %dma_wait3A_436] : memref<2x4x10240x128xf32, #tpu.memory_space<hbm>> -> memref<1x1x10240x128xf32, #tpu.memory_space<hbm>>
      %dma_wait3A_438 = tpu.memref_squeeze %dma_wait3A_437 : memref<1x1x10240x128xf32, #tpu.memory_space<hbm>> -> memref<10240x128xf32, #tpu.memory_space<hbm>>
      %dma_wait3A_439 = arith.constant 0 : i32
      %dma_wait3A_440 = tpu.memref_slice %dma_wait3A_438[%add3A_350, %dma_wait3A_439] : memref<10240x128xf32, #tpu.memory_space<hbm>> -> memref<128x128xf32, #tpu.memory_space<hbm>>
      %dma_wait3A_441 = arith.constant 0 : i32
      %dma_wait3A_442 = arith.constant 0 : i32
      %dma_wait3A_443 = tpu.memref_slice %arg12[%arg0, %run_scoped3A_351, %dma_wait3A_441, %dma_wait3A_442] : memref<2x4x10240x128xf32, #tpu.memory_space<hbm>> -> memref<1x1x10240x128xf32, #tpu.memory_space<hbm>>
      %dma_wait3A_444 = tpu.memref_squeeze %dma_wait3A_443 : memref<1x1x10240x128xf32, #tpu.memory_space<hbm>> -> memref<10240x128xf32, #tpu.memory_space<hbm>>
      %dma_wait3A_445 = arith.constant 0 : i32
      %dma_wait3A_446 = tpu.memref_slice %dma_wait3A_444[%add3A_350, %dma_wait3A_445] : memref<10240x128xf32, #tpu.memory_space<hbm>> -> memref<128x128xf32, #tpu.memory_space<hbm>>
      tpu.wait_dma2 semaphore(%run_scoped3A_422 : memref<!tpu.dma_semaphore, #tpu.memory_space<semaphore_mem>>) src(%arg19 : memref<128x128xf32, #tpu.memory_space<vmem>>) dst(%dma_wait3A_446 : memref<128x128xf32, #tpu.memory_space<hbm>>)
      tpu.yield
    }) : () -> ()
    "tpu.region"() ({
      %run_scoped3A_422 = tpu.sem_alloc : memref<!tpu.dma_semaphore, #tpu.memory_space<semaphore_mem>>
      tpu.enqueue_dma source(%arg11 : memref<128x128xf32, #tpu.memory_space<hbm>>) target(%arg20 : memref<128x128xf32, #tpu.memory_space<vmem>>) target_semaphore(%run_scoped3A_422 : memref<!tpu.dma_semaphore, #tpu.memory_space<semaphore_mem>>)
      tpu.wait_dma2 semaphore(%run_scoped3A_422 : memref<!tpu.dma_semaphore, #tpu.memory_space<semaphore_mem>>) src(%arg11 : memref<128x128xf32, #tpu.memory_space<hbm>>) dst(%arg20 : memref<128x128xf32, #tpu.memory_space<vmem>>)
      tpu.yield
    }) : () -> ()
    %add3A_352 = arith.constant 0 : i32
    %add3A_353 = arith.addi %mul3A_0, %add3A_352 : i32
    "tpu.region"() ({
      %run_scoped3A_422 = tpu.sem_alloc : memref<!tpu.dma_semaphore, #tpu.memory_space<semaphore_mem>>
      %dma_start3A_423 = tpu.memref_slice %arg9[%add3A_353] : memref<10240xi32, #tpu.memory_space<hbm>> -> memref<128xi32, #tpu.memory_space<hbm>>
      %dma_start3A_424 = tpu.memref_slice %arg9[%add3A_353] : memref<10240xi32, #tpu.memory_space<hbm>> -> memref<128xi32, #tpu.memory_space<hbm>>
      tpu.enqueue_dma source(%dma_start3A_424 : memref<128xi32, #tpu.memory_space<hbm>>) target(%arg18 : memref<128xi32, #tpu.memory_space<vmem>>) target_semaphore(%run_scoped3A_422 : memref<!tpu.dma_semaphore, #tpu.memory_space<semaphore_mem>>)
      %dma_wait3A_425 = tpu.memref_slice %arg9[%add3A_353] : memref<10240xi32, #tpu.memory_space<hbm>> -> memref<128xi32, #tpu.memory_space<hbm>>
      %dma_wait3A_426 = tpu.memref_slice %arg9[%add3A_353] : memref<10240xi32, #tpu.memory_space<hbm>> -> memref<128xi32, #tpu.memory_space<hbm>>
      tpu.wait_dma2 semaphore(%run_scoped3A_422 : memref<!tpu.dma_semaphore, #tpu.memory_space<semaphore_mem>>) src(%dma_wait3A_426 : memref<128xi32, #tpu.memory_space<hbm>>) dst(%arg18 : memref<128xi32, #tpu.memory_space<vmem>>)
      tpu.yield
    }) : () -> ()
    "tpu.region"() ({
      %run_scoped3A_422 = tpu.sem_alloc : memref<!tpu.dma_semaphore, #tpu.memory_space<semaphore_mem>>
      %dma_start3A_423 = arith.constant 0 : i32
      %dma_start3A_424 = arith.constant 0 : i32
      %dma_start3A_425 = tpu.memref_slice %arg23[%dma_start3A_423, %dma_start3A_424] : memref<10240x128xf32, #tpu.memory_space<vmem_shared>> -> memref<10240x128xf32, #tpu.memory_space<vmem_shared>>
      tpu.enqueue_indirect_dma source(%arg20 : memref<128x128xf32, #tpu.memory_space<vmem>>) target(%dma_start3A_425 : memref<10240x128xf32, #tpu.memory_space<vmem_shared>>) offsets(%arg18 : memref<128xi32, #tpu.memory_space<vmem>>) semaphore(%run_scoped3A_422 : memref<!tpu.dma_semaphore, #tpu.memory_space<semaphore_mem>>)
      %dma_wait3A_426 = arith.constant 0 : i32
      %dma_wait3A_427 = arith.constant 0 : i32
      %dma_wait3A_428 = tpu.memref_slice %arg23[%dma_wait3A_426, %dma_wait3A_427] : memref<10240x128xf32, #tpu.memory_space<vmem_shared>> -> memref<10240x128xf32, #tpu.memory_space<vmem_shared>>
      tpu.wait_indirect_dma semaphore(%run_scoped3A_422 : memref<!tpu.dma_semaphore, #tpu.memory_space<semaphore_mem>>) src(%arg20 : memref<128x128xf32, #tpu.memory_space<vmem>>) dst(%dma_wait3A_428 : memref<10240x128xf32, #tpu.memory_space<vmem_shared>>)
      tpu.yield
    }) : () -> ()
    %add3A_354 = arith.constant 128 : i32
    %add3A_355 = arith.addi %mul3A_0, %add3A_354 : i32
    "tpu.region"() ({
      %run_scoped3A_422 = tpu.sem_alloc : memref<!tpu.dma_semaphore, #tpu.memory_space<semaphore_mem>>
      %dma_start3A_423 = tpu.memref_slice %arg9[%add3A_355] : memref<10240xi32, #tpu.memory_space<hbm>> -> memref<128xi32, #tpu.memory_space<hbm>>
      %dma_start3A_424 = tpu.memref_slice %arg9[%add3A_355] : memref<10240xi32, #tpu.memory_space<hbm>> -> memref<128xi32, #tpu.memory_space<hbm>>
      tpu.enqueue_dma source(%dma_start3A_424 : memref<128xi32, #tpu.memory_space<hbm>>) target(%arg18 : memref<128xi32, #tpu.memory_space<vmem>>) target_semaphore(%run_scoped3A_422 : memref<!tpu.dma_semaphore, #tpu.memory_space<semaphore_mem>>)
      %dma_wait3A_425 = tpu.memref_slice %arg9[%add3A_355] : memref<10240xi32, #tpu.memory_space<hbm>> -> memref<128xi32, #tpu.memory_space<hbm>>
      %dma_wait3A_426 = tpu.memref_slice %arg9[%add3A_355] : memref<10240xi32, #tpu.memory_space<hbm>> -> memref<128xi32, #tpu.memory_space<hbm>>
      tpu.wait_dma2 semaphore(%run_scoped3A_422 : memref<!tpu.dma_semaphore, #tpu.memory_space<semaphore_mem>>) src(%dma_wait3A_426 : memref<128xi32, #tpu.memory_space<hbm>>) dst(%arg18 : memref<128xi32, #tpu.memory_space<vmem>>)
      tpu.yield
    }) : () -> ()
    "tpu.region"() ({
      %run_scoped3A_422 = tpu.sem_alloc : memref<!tpu.dma_semaphore, #tpu.memory_space<semaphore_mem>>
      %dma_start3A_423 = arith.constant 0 : i32
      %dma_start3A_424 = arith.constant 0 : i32
      %dma_start3A_425 = tpu.memref_slice %arg23[%dma_start3A_423, %dma_start3A_424] : memref<10240x128xf32, #tpu.memory_space<vmem_shared>> -> memref<10240x128xf32, #tpu.memory_space<vmem_shared>>
      tpu.enqueue_indirect_dma source(%arg20 : memref<128x128xf32, #tpu.memory_space<vmem>>) target(%dma_start3A_425 : memref<10240x128xf32, #tpu.memory_space<vmem_shared>>) offsets(%arg18 : memref<128xi32, #tpu.memory_space<vmem>>) semaphore(%run_scoped3A_422 : memref<!tpu.dma_semaphore, #tpu.memory_space<semaphore_mem>>)
      %dma_wait3A_426 = arith.constant 0 : i32
      %dma_wait3A_427 = arith.constant 0 : i32
      %dma_wait3A_428 = tpu.memref_slice %arg23[%dma_wait3A_426, %dma_wait3A_427] : memref<10240x128xf32, #tpu.memory_space<vmem_shared>> -> memref<10240x128xf32, #tpu.memory_space<vmem_shared>>
      tpu.wait_indirect_dma semaphore(%run_scoped3A_422 : memref<!tpu.dma_semaphore, #tpu.memory_space<semaphore_mem>>) src(%arg20 : memref<128x128xf32, #tpu.memory_space<vmem>>) dst(%dma_wait3A_428 : memref<10240x128xf32, #tpu.memory_space<vmem_shared>>)
      tpu.yield
    }) : () -> ()
    %add3A_356 = arith.constant 256 : i32
    %add3A_357 = arith.addi %mul3A_0, %add3A_356 : i32
    "tpu.region"() ({
      %run_scoped3A_422 = tpu.sem_alloc : memref<!tpu.dma_semaphore, #tpu.memory_space<semaphore_mem>>
      %dma_start3A_423 = tpu.memref_slice %arg9[%add3A_357] : memref<10240xi32, #tpu.memory_space<hbm>> -> memref<128xi32, #tpu.memory_space<hbm>>
      %dma_start3A_424 = tpu.memref_slice %arg9[%add3A_357] : memref<10240xi32, #tpu.memory_space<hbm>> -> memref<128xi32, #tpu.memory_space<hbm>>
      tpu.enqueue_dma source(%dma_start3A_424 : memref<128xi32, #tpu.memory_space<hbm>>) target(%arg18 : memref<128xi32, #tpu.memory_space<vmem>>) target_semaphore(%run_scoped3A_422 : memref<!tpu.dma_semaphore, #tpu.memory_space<semaphore_mem>>)
      %dma_wait3A_425 = tpu.memref_slice %arg9[%add3A_357] : memref<10240xi32, #tpu.memory_space<hbm>> -> memref<128xi32, #tpu.memory_space<hbm>>
      %dma_wait3A_426 = tpu.memref_slice %arg9[%add3A_357] : memref<10240xi32, #tpu.memory_space<hbm>> -> memref<128xi32, #tpu.memory_space<hbm>>
      tpu.wait_dma2 semaphore(%run_scoped3A_422 : memref<!tpu.dma_semaphore, #tpu.memory_space<semaphore_mem>>) src(%dma_wait3A_426 : memref<128xi32, #tpu.memory_space<hbm>>) dst(%arg18 : memref<128xi32, #tpu.memory_space<vmem>>)
      tpu.yield
    }) : () -> ()
    "tpu.region"() ({
      %run_scoped3A_422 = tpu.sem_alloc : memref<!tpu.dma_semaphore, #tpu.memory_space<semaphore_mem>>
      %dma_start3A_423 = arith.constant 0 : i32
      %dma_start3A_424 = arith.constant 0 : i32
      %dma_start3A_425 = tpu.memref_slice %arg23[%dma_start3A_423, %dma_start3A_424] : memref<10240x128xf32, #tpu.memory_space<vmem_shared>> -> memref<10240x128xf32, #tpu.memory_space<vmem_shared>>
      tpu.enqueue_indirect_dma source(%arg20 : memref<128x128xf32, #tpu.memory_space<vmem>>) target(%dma_start3A_425 : memref<10240x128xf32, #tpu.memory_space<vmem_shared>>) offsets(%arg18 : memref<128xi32, #tpu.memory_space<vmem>>) semaphore(%run_scoped3A_422 : memref<!tpu.dma_semaphore, #tpu.memory_space<semaphore_mem>>)
      %dma_wait3A_426 = arith.constant 0 : i32
      %dma_wait3A_427 = arith.constant 0 : i32
      %dma_wait3A_428 = tpu.memref_slice %arg23[%dma_wait3A_426, %dma_wait3A_427] : memref<10240x128xf32, #tpu.memory_space<vmem_shared>> -> memref<10240x128xf32, #tpu.memory_space<vmem_shared>>
      tpu.wait_indirect_dma semaphore(%run_scoped3A_422 : memref<!tpu.dma_semaphore, #tpu.memory_space<semaphore_mem>>) src(%arg20 : memref<128x128xf32, #tpu.memory_space<vmem>>) dst(%dma_wait3A_428 : memref<10240x128xf32, #tpu.memory_space<vmem_shared>>)
      tpu.yield
    }) : () -> ()
    %add3A_358 = arith.constant 384 : i32
    %add3A_359 = arith.addi %mul3A_0, %add3A_358 : i32
    "tpu.region"() ({
      %run_scoped3A_422 = tpu.sem_alloc : memref<!tpu.dma_semaphore, #tpu.memory_space<semaphore_mem>>
      %dma_start3A_423 = tpu.memref_slice %arg9[%add3A_359] : memref<10240xi32, #tpu.memory_space<hbm>> -> memref<128xi32, #tpu.memory_space<hbm>>
      %dma_start3A_424 = tpu.memref_slice %arg9[%add3A_359] : memref<10240xi32, #tpu.memory_space<hbm>> -> memref<128xi32, #tpu.memory_space<hbm>>
      tpu.enqueue_dma source(%dma_start3A_424 : memref<128xi32, #tpu.memory_space<hbm>>) target(%arg18 : memref<128xi32, #tpu.memory_space<vmem>>) target_semaphore(%run_scoped3A_422 : memref<!tpu.dma_semaphore, #tpu.memory_space<semaphore_mem>>)
      %dma_wait3A_425 = tpu.memref_slice %arg9[%add3A_359] : memref<10240xi32, #tpu.memory_space<hbm>> -> memref<128xi32, #tpu.memory_space<hbm>>
      %dma_wait3A_426 = tpu.memref_slice %arg9[%add3A_359] : memref<10240xi32, #tpu.memory_space<hbm>> -> memref<128xi32, #tpu.memory_space<hbm>>
      tpu.wait_dma2 semaphore(%run_scoped3A_422 : memref<!tpu.dma_semaphore, #tpu.memory_space<semaphore_mem>>) src(%dma_wait3A_426 : memref<128xi32, #tpu.memory_space<hbm>>) dst(%arg18 : memref<128xi32, #tpu.memory_space<vmem>>)
      tpu.yield
    }) : () -> ()
    "tpu.region"() ({
      %run_scoped3A_422 = tpu.sem_alloc : memref<!tpu.dma_semaphore, #tpu.memory_space<semaphore_mem>>
      %dma_start3A_423 = arith.constant 0 : i32
      %dma_start3A_424 = arith.constant 0 : i32
      %dma_start3A_425 = tpu.memref_slice %arg23[%dma_start3A_423, %dma_start3A_424] : memref<10240x128xf32, #tpu.memory_space<vmem_shared>> -> memref<10240x128xf32, #tpu.memory_space<vmem_shared>>
      tpu.enqueue_indirect_dma source(%arg20 : memref<128x128xf32, #tpu.memory_space<vmem>>) target(%dma_start3A_425 : memref<10240x128xf32, #tpu.memory_space<vmem_shared>>) offsets(%arg18 : memref<128xi32, #tpu.memory_space<vmem>>) semaphore(%run_scoped3A_422 : memref<!tpu.dma_semaphore, #tpu.memory_space<semaphore_mem>>)
      %dma_wait3A_426 = arith.constant 0 : i32
      %dma_wait3A_427 = arith.constant 0 : i32
      %dma_wait3A_428 = tpu.memref_slice %arg23[%dma_wait3A_426, %dma_wait3A_427] : memref<10240x128xf32, #tpu.memory_space<vmem_shared>> -> memref<10240x128xf32, #tpu.memory_space<vmem_shared>>
      tpu.wait_indirect_dma semaphore(%run_scoped3A_422 : memref<!tpu.dma_semaphore, #tpu.memory_space<semaphore_mem>>) src(%arg20 : memref<128x128xf32, #tpu.memory_space<vmem>>) dst(%dma_wait3A_428 : memref<10240x128xf32, #tpu.memory_space<vmem_shared>>)
      tpu.yield
    }) : () -> ()
    %add3A_360 = arith.constant 512 : i32
    %add3A_361 = arith.addi %mul3A_0, %add3A_360 : i32
    "tpu.region"() ({
      %run_scoped3A_422 = tpu.sem_alloc : memref<!tpu.dma_semaphore, #tpu.memory_space<semaphore_mem>>
      %dma_start3A_423 = tpu.memref_slice %arg9[%add3A_361] : memref<10240xi32, #tpu.memory_space<hbm>> -> memref<128xi32, #tpu.memory_space<hbm>>
      %dma_start3A_424 = tpu.memref_slice %arg9[%add3A_361] : memref<10240xi32, #tpu.memory_space<hbm>> -> memref<128xi32, #tpu.memory_space<hbm>>
      tpu.enqueue_dma source(%dma_start3A_424 : memref<128xi32, #tpu.memory_space<hbm>>) target(%arg18 : memref<128xi32, #tpu.memory_space<vmem>>) target_semaphore(%run_scoped3A_422 : memref<!tpu.dma_semaphore, #tpu.memory_space<semaphore_mem>>)
      %dma_wait3A_425 = tpu.memref_slice %arg9[%add3A_361] : memref<10240xi32, #tpu.memory_space<hbm>> -> memref<128xi32, #tpu.memory_space<hbm>>
      %dma_wait3A_426 = tpu.memref_slice %arg9[%add3A_361] : memref<10240xi32, #tpu.memory_space<hbm>> -> memref<128xi32, #tpu.memory_space<hbm>>
      tpu.wait_dma2 semaphore(%run_scoped3A_422 : memref<!tpu.dma_semaphore, #tpu.memory_space<semaphore_mem>>) src(%dma_wait3A_426 : memref<128xi32, #tpu.memory_space<hbm>>) dst(%arg18 : memref<128xi32, #tpu.memory_space<vmem>>)
      tpu.yield
    }) : () -> ()
    "tpu.region"() ({
      %run_scoped3A_422 = tpu.sem_alloc : memref<!tpu.dma_semaphore, #tpu.memory_space<semaphore_mem>>
      %dma_start3A_423 = arith.constant 0 : i32
      %dma_start3A_424 = arith.constant 0 : i32
      %dma_start3A_425 = tpu.memref_slice %arg23[%dma_start3A_423, %dma_start3A_424] : memref<10240x128xf32, #tpu.memory_space<vmem_shared>> -> memref<10240x128xf32, #tpu.memory_space<vmem_shared>>
      tpu.enqueue_indirect_dma source(%arg20 : memref<128x128xf32, #tpu.memory_space<vmem>>) target(%dma_start3A_425 : memref<10240x128xf32, #tpu.memory_space<vmem_shared>>) offsets(%arg18 : memref<128xi32, #tpu.memory_space<vmem>>) semaphore(%run_scoped3A_422 : memref<!tpu.dma_semaphore, #tpu.memory_space<semaphore_mem>>)
      %dma_wait3A_426 = arith.constant 0 : i32
      %dma_wait3A_427 = arith.constant 0 : i32
      %dma_wait3A_428 = tpu.memref_slice %arg23[%dma_wait3A_426, %dma_wait3A_427] : memref<10240x128xf32, #tpu.memory_space<vmem_shared>> -> memref<10240x128xf32, #tpu.memory_space<vmem_shared>>
      tpu.wait_indirect_dma semaphore(%run_scoped3A_422 : memref<!tpu.dma_semaphore, #tpu.memory_space<semaphore_mem>>) src(%arg20 : memref<128x128xf32, #tpu.memory_space<vmem>>) dst(%dma_wait3A_428 : memref<10240x128xf32, #tpu.memory_space<vmem_shared>>)
      tpu.yield
    }) : () -> ()
    %barrier3A_362 = arith.constant 0 : index
    tpu.barrier barrier_id(%barrier3A_362)
    "tpu.region"() ({
      %run_scoped3A_422 = tpu.sem_alloc : memref<!tpu.dma_semaphore, #tpu.memory_space<semaphore_mem>>
      tpu.enqueue_dma source(%arg10 : memref<128x128xf32, #tpu.memory_space<hbm>>) target(%arg20 : memref<128x128xf32, #tpu.memory_space<vmem>>) target_semaphore(%run_scoped3A_422 : memref<!tpu.dma_semaphore, #tpu.memory_space<semaphore_mem>>)
      tpu.wait_dma2 semaphore(%run_scoped3A_422 : memref<!tpu.dma_semaphore, #tpu.memory_space<semaphore_mem>>) src(%arg10 : memref<128x128xf32, #tpu.memory_space<hbm>>) dst(%arg20 : memref<128x128xf32, #tpu.memory_space<vmem>>)
      tpu.yield
    }) : () -> ()
    "tpu.region"() ({
      %run_scoped3A_422 = tpu.sem_alloc : memref<!tpu.dma_semaphore, #tpu.memory_space<semaphore_mem>>
      %dma_start3A_423 = arith.constant 0 : i32
      %dma_start3A_424 = arith.constant 0 : i32
      %dma_start3A_425 = tpu.memref_slice %arg10[%dma_start3A_423, %dma_start3A_424] : memref<128x128xf32, #tpu.memory_space<hbm>> -> memref<8x128xf32, #tpu.memory_space<hbm>>
      %dma_start3A_426 = arith.constant 0 : i32
      %dma_start3A_427 = arith.constant 0 : i32
      %dma_start3A_428 = tpu.memref_slice %arg10[%dma_start3A_426, %dma_start3A_427] : memref<128x128xf32, #tpu.memory_space<hbm>> -> memref<8x128xf32, #tpu.memory_space<hbm>>
      tpu.enqueue_dma source(%dma_start3A_428 : memref<8x128xf32, #tpu.memory_space<hbm>>) target(%arg22 : memref<8x128xf32, #tpu.memory_space<vmem>>) target_semaphore(%run_scoped3A_422 : memref<!tpu.dma_semaphore, #tpu.memory_space<semaphore_mem>>)
      %dma_wait3A_429 = arith.constant 0 : i32
      %dma_wait3A_430 = arith.constant 0 : i32
      %dma_wait3A_431 = tpu.memref_slice %arg10[%dma_wait3A_429, %dma_wait3A_430] : memref<128x128xf32, #tpu.memory_space<hbm>> -> memref<8x128xf32, #tpu.memory_space<hbm>>
      %dma_wait3A_432 = arith.constant 0 : i32
      %dma_wait3A_433 = arith.constant 0 : i32
      %dma_wait3A_434 = tpu.memref_slice %arg10[%dma_wait3A_432, %dma_wait3A_433] : memref<128x128xf32, #tpu.memory_space<hbm>> -> memref<8x128xf32, #tpu.memory_space<hbm>>
      tpu.wait_dma2 semaphore(%run_scoped3A_422 : memref<!tpu.dma_semaphore, #tpu.memory_space<semaphore_mem>>) src(%dma_wait3A_434 : memref<8x128xf32, #tpu.memory_space<hbm>>) dst(%arg22 : memref<8x128xf32, #tpu.memory_space<vmem>>)
      tpu.yield
    }) : () -> ()
    %scan3A_363 = arith.constant 0 : i32
    %scan3A_364 = arith.constant 0 : i32
    %scan3A_365 = arith.constant 39 : i32
    %scan3A_366 = arith.addi %scan3A_364, %scan3A_365 : i32
    %scan3A_367 = arith.constant 1 : i32
    scf.for %scan3A_422 = %scan3A_364 to %scan3A_366 step %scan3A_367  : i32 {
      %mul3A_423 = arith.constant 128 : i32
      %mul3A_424 = arith.muli %scan3A_422, %mul3A_423 : i32
      %add3A_425 = arith.addi %add3A, %mul3A_424 : i32
      "tpu.region"() ({
        %run_scoped3A_426 = tpu.sem_alloc : memref<!tpu.dma_semaphore, #tpu.memory_space<semaphore_mem>>
        %dma_start3A_427 = tpu.memref_slice %arg8[%add3A_425] : memref<160000xi32, #tpu.memory_space<hbm>> -> memref<128xi32, #tpu.memory_space<hbm>>
        %dma_start3A_428 = tpu.memref_slice %arg8[%add3A_425] : memref<160000xi32, #tpu.memory_space<hbm>> -> memref<128xi32, #tpu.memory_space<hbm>>
        tpu.enqueue_dma source(%dma_start3A_428 : memref<128xi32, #tpu.memory_space<hbm>>) target(%arg15 : memref<128xi32, #tpu.memory_space<vmem>>) target_semaphore(%run_scoped3A_426 : memref<!tpu.dma_semaphore, #tpu.memory_space<semaphore_mem>>)
        %dma_wait3A_429 = tpu.memref_slice %arg8[%add3A_425] : memref<160000xi32, #tpu.memory_space<hbm>> -> memref<128xi32, #tpu.memory_space<hbm>>
        %dma_wait3A_430 = tpu.memref_slice %arg8[%add3A_425] : memref<160000xi32, #tpu.memory_space<hbm>> -> memref<128xi32, #tpu.memory_space<hbm>>
        tpu.wait_dma2 semaphore(%run_scoped3A_426 : memref<!tpu.dma_semaphore, #tpu.memory_space<semaphore_mem>>) src(%dma_wait3A_430 : memref<128xi32, #tpu.memory_space<hbm>>) dst(%arg15 : memref<128xi32, #tpu.memory_space<vmem>>)
        tpu.yield
      }) : () -> ()
      "tpu.region"() ({
        %run_scoped3A_426 = tpu.sem_alloc : memref<!tpu.dma_semaphore, #tpu.memory_space<semaphore_mem>>
        %dma_start3A_427 = arith.constant 0 : i32
        %dma_start3A_428 = arith.constant 0 : i32
        %dma_start3A_429 = tpu.memref_slice %arg23[%dma_start3A_427, %dma_start3A_428] : memref<10240x128xf32, #tpu.memory_space<vmem_shared>> -> memref<10240x128xf32, #tpu.memory_space<vmem_shared>>
        tpu.enqueue_indirect_dma source(%arg20 : memref<128x128xf32, #tpu.memory_space<vmem>>) target(%dma_start3A_429 : memref<10240x128xf32, #tpu.memory_space<vmem_shared>>) offsets(%arg15 : memref<128xi32, #tpu.memory_space<vmem>>) semaphore(%run_scoped3A_426 : memref<!tpu.dma_semaphore, #tpu.memory_space<semaphore_mem>>) {add = true}
        %dma_wait3A_430 = arith.constant 0 : i32
        %dma_wait3A_431 = arith.constant 0 : i32
        %dma_wait3A_432 = tpu.memref_slice %arg23[%dma_wait3A_430, %dma_wait3A_431] : memref<10240x128xf32, #tpu.memory_space<vmem_shared>> -> memref<10240x128xf32, #tpu.memory_space<vmem_shared>>
        tpu.wait_indirect_dma semaphore(%run_scoped3A_426 : memref<!tpu.dma_semaphore, #tpu.memory_space<semaphore_mem>>) src(%arg20 : memref<128x128xf32, #tpu.memory_space<vmem>>) dst(%dma_wait3A_432 : memref<10240x128xf32, #tpu.memory_space<vmem_shared>>)
        tpu.yield
      }) : () -> ()
    }
    %scan3A_368 = arith.constant 39 : i32
    %add3A_369 = arith.constant 4992 : i32
    %add3A_370 = arith.addi %add3A, %add3A_369 : i32
    "tpu.region"() ({
      %run_scoped3A_422 = tpu.sem_alloc : memref<!tpu.dma_semaphore, #tpu.memory_space<semaphore_mem>>
      %dma_start3A_423 = tpu.memref_slice %arg8[%add3A_370] : memref<160000xi32, #tpu.memory_space<hbm>> -> memref<8xi32, #tpu.memory_space<hbm>>
      %dma_start3A_424 = tpu.memref_slice %arg8[%add3A_370] : memref<160000xi32, #tpu.memory_space<hbm>> -> memref<8xi32, #tpu.memory_space<hbm>>
      tpu.enqueue_dma source(%dma_start3A_424 : memref<8xi32, #tpu.memory_space<hbm>>) target(%arg17 : memref<8xi32, #tpu.memory_space<vmem>>) target_semaphore(%run_scoped3A_422 : memref<!tpu.dma_semaphore, #tpu.memory_space<semaphore_mem>>)
      %dma_wait3A_425 = tpu.memref_slice %arg8[%add3A_370] : memref<160000xi32, #tpu.memory_space<hbm>> -> memref<8xi32, #tpu.memory_space<hbm>>
      %dma_wait3A_426 = tpu.memref_slice %arg8[%add3A_370] : memref<160000xi32, #tpu.memory_space<hbm>> -> memref<8xi32, #tpu.memory_space<hbm>>
      tpu.wait_dma2 semaphore(%run_scoped3A_422 : memref<!tpu.dma_semaphore, #tpu.memory_space<semaphore_mem>>) src(%dma_wait3A_426 : memref<8xi32, #tpu.memory_space<hbm>>) dst(%arg17 : memref<8xi32, #tpu.memory_space<vmem>>)
      tpu.yield
    }) : () -> ()
    "tpu.region"() ({
      %run_scoped3A_422 = tpu.sem_alloc : memref<!tpu.dma_semaphore, #tpu.memory_space<semaphore_mem>>
      %dma_start3A_423 = arith.constant 0 : i32
      %dma_start3A_424 = arith.constant 0 : i32
      %dma_start3A_425 = tpu.memref_slice %arg23[%dma_start3A_423, %dma_start3A_424] : memref<10240x128xf32, #tpu.memory_space<vmem_shared>> -> memref<10240x128xf32, #tpu.memory_space<vmem_shared>>
      tpu.enqueue_indirect_dma source(%arg22 : memref<8x128xf32, #tpu.memory_space<vmem>>) target(%dma_start3A_425 : memref<10240x128xf32, #tpu.memory_space<vmem_shared>>) offsets(%arg17 : memref<8xi32, #tpu.memory_space<vmem>>) semaphore(%run_scoped3A_422 : memref<!tpu.dma_semaphore, #tpu.memory_space<semaphore_mem>>) {add = true}
      %dma_wait3A_426 = arith.constant 0 : i32
      %dma_wait3A_427 = arith.constant 0 : i32
      %dma_wait3A_428 = tpu.memref_slice %arg23[%dma_wait3A_426, %dma_wait3A_427] : memref<10240x128xf32, #tpu.memory_space<vmem_shared>> -> memref<10240x128xf32, #tpu.memory_space<vmem_shared>>
      tpu.wait_indirect_dma semaphore(%run_scoped3A_422 : memref<!tpu.dma_semaphore, #tpu.memory_space<semaphore_mem>>) src(%arg22 : memref<8x128xf32, #tpu.memory_space<vmem>>) dst(%dma_wait3A_428 : memref<10240x128xf32, #tpu.memory_space<vmem_shared>>)
      tpu.yield
    }) : () -> ()
    %barrier3A_371 = arith.constant 0 : index
    tpu.barrier barrier_id(%barrier3A_371)
    %add3A_372 = arith.constant 0 : i32
    %add3A_373 = arith.addi %mul3A_0, %add3A_372 : i32
    "tpu.region"() ({
      %run_scoped3A_422 = tpu.sem_alloc : memref<!tpu.dma_semaphore, #tpu.memory_space<semaphore_mem>>
      %dma_start3A_423 = tpu.memref_slice %arg9[%add3A_373] : memref<10240xi32, #tpu.memory_space<hbm>> -> memref<128xi32, #tpu.memory_space<hbm>>
      %dma_start3A_424 = tpu.memref_slice %arg9[%add3A_373] : memref<10240xi32, #tpu.memory_space<hbm>> -> memref<128xi32, #tpu.memory_space<hbm>>
      tpu.enqueue_dma source(%dma_start3A_424 : memref<128xi32, #tpu.memory_space<hbm>>) target(%arg18 : memref<128xi32, #tpu.memory_space<vmem>>) target_semaphore(%run_scoped3A_422 : memref<!tpu.dma_semaphore, #tpu.memory_space<semaphore_mem>>)
      %dma_wait3A_425 = tpu.memref_slice %arg9[%add3A_373] : memref<10240xi32, #tpu.memory_space<hbm>> -> memref<128xi32, #tpu.memory_space<hbm>>
      %dma_wait3A_426 = tpu.memref_slice %arg9[%add3A_373] : memref<10240xi32, #tpu.memory_space<hbm>> -> memref<128xi32, #tpu.memory_space<hbm>>
      tpu.wait_dma2 semaphore(%run_scoped3A_422 : memref<!tpu.dma_semaphore, #tpu.memory_space<semaphore_mem>>) src(%dma_wait3A_426 : memref<128xi32, #tpu.memory_space<hbm>>) dst(%arg18 : memref<128xi32, #tpu.memory_space<vmem>>)
      tpu.yield
    }) : () -> ()
    %dma_start3A_374 = arith.constant 0 : i32
    %dma_start3A_375 = arith.constant 0 : i32
    %dma_start3A_376 = tpu.memref_slice %arg23[%dma_start3A_374, %dma_start3A_375] : memref<10240x128xf32, #tpu.memory_space<vmem_shared>> -> memref<10240x128xf32, #tpu.memory_space<vmem_shared>>
    tpu.enqueue_indirect_dma source(%dma_start3A_376 : memref<10240x128xf32, #tpu.memory_space<vmem_shared>>) target(%arg19 : memref<128x128xf32, #tpu.memory_space<vmem>>) offsets(%arg18 : memref<128xi32, #tpu.memory_space<vmem>>) semaphore(%arg24 : memref<!tpu.dma_semaphore, #tpu.memory_space<semaphore_mem>>)
    %dma_wait3A_377 = arith.constant 0 : i32
    %dma_wait3A_378 = arith.constant 0 : i32
    %dma_wait3A_379 = tpu.memref_slice %arg23[%dma_wait3A_377, %dma_wait3A_378] : memref<10240x128xf32, #tpu.memory_space<vmem_shared>> -> memref<10240x128xf32, #tpu.memory_space<vmem_shared>>
    tpu.wait_indirect_dma semaphore(%arg24 : memref<!tpu.dma_semaphore, #tpu.memory_space<semaphore_mem>>) src(%dma_wait3A_379 : memref<10240x128xf32, #tpu.memory_space<vmem_shared>>) dst(%arg19 : memref<128x128xf32, #tpu.memory_space<vmem>>)
    %add3A_380 = arith.constant 0 : i32
    %add3A_381 = arith.addi %mul3A_0, %add3A_380 : i32
    "tpu.region"() ({
      %run_scoped3A_422 = tpu.sem_alloc : memref<!tpu.dma_semaphore, #tpu.memory_space<semaphore_mem>>
      %dma_start3A_423 = arith.constant 0 : i32
      %dma_start3A_424 = arith.constant 0 : i32
      %dma_start3A_425 = tpu.memref_slice %arg13[%arg0, %dma_start3A_423, %dma_start3A_424] : memref<2x10240x128xf32, #tpu.memory_space<hbm>> -> memref<1x10240x128xf32, #tpu.memory_space<hbm>>
      %dma_start3A_426 = tpu.memref_squeeze %dma_start3A_425 : memref<1x10240x128xf32, #tpu.memory_space<hbm>> -> memref<10240x128xf32, #tpu.memory_space<hbm>>
      %dma_start3A_427 = arith.constant 0 : i32
      %dma_start3A_428 = tpu.memref_slice %dma_start3A_426[%add3A_381, %dma_start3A_427] : memref<10240x128xf32, #tpu.memory_space<hbm>> -> memref<128x128xf32, #tpu.memory_space<hbm>>
      %dma_start3A_429 = arith.constant 0 : i32
      %dma_start3A_430 = arith.constant 0 : i32
      %dma_start3A_431 = tpu.memref_slice %arg13[%arg0, %dma_start3A_429, %dma_start3A_430] : memref<2x10240x128xf32, #tpu.memory_space<hbm>> -> memref<1x10240x128xf32, #tpu.memory_space<hbm>>
      %dma_start3A_432 = tpu.memref_squeeze %dma_start3A_431 : memref<1x10240x128xf32, #tpu.memory_space<hbm>> -> memref<10240x128xf32, #tpu.memory_space<hbm>>
      %dma_start3A_433 = arith.constant 0 : i32
      %dma_start3A_434 = tpu.memref_slice %dma_start3A_432[%add3A_381, %dma_start3A_433] : memref<10240x128xf32, #tpu.memory_space<hbm>> -> memref<128x128xf32, #tpu.memory_space<hbm>>
      tpu.enqueue_dma source(%arg19 : memref<128x128xf32, #tpu.memory_space<vmem>>) target(%dma_start3A_434 : memref<128x128xf32, #tpu.memory_space<hbm>>) target_semaphore(%run_scoped3A_422 : memref<!tpu.dma_semaphore, #tpu.memory_space<semaphore_mem>>)
      %dma_wait3A_435 = arith.constant 0 : i32
      %dma_wait3A_436 = arith.constant 0 : i32
      %dma_wait3A_437 = tpu.memref_slice %arg13[%arg0, %dma_wait3A_435, %dma_wait3A_436] : memref<2x10240x128xf32, #tpu.memory_space<hbm>> -> memref<1x10240x128xf32, #tpu.memory_space<hbm>>
      %dma_wait3A_438 = tpu.memref_squeeze %dma_wait3A_437 : memref<1x10240x128xf32, #tpu.memory_space<hbm>> -> memref<10240x128xf32, #tpu.memory_space<hbm>>
      %dma_wait3A_439 = arith.constant 0 : i32
      %dma_wait3A_440 = tpu.memref_slice %dma_wait3A_438[%add3A_381, %dma_wait3A_439] : memref<10240x128xf32, #tpu.memory_space<hbm>> -> memref<128x128xf32, #tpu.memory_space<hbm>>
      %dma_wait3A_441 = arith.constant 0 : i32
      %dma_wait3A_442 = arith.constant 0 : i32
      %dma_wait3A_443 = tpu.memref_slice %arg13[%arg0, %dma_wait3A_441, %dma_wait3A_442] : memref<2x10240x128xf32, #tpu.memory_space<hbm>> -> memref<1x10240x128xf32, #tpu.memory_space<hbm>>
      %dma_wait3A_444 = tpu.memref_squeeze %dma_wait3A_443 : memref<1x10240x128xf32, #tpu.memory_space<hbm>> -> memref<10240x128xf32, #tpu.memory_space<hbm>>
      %dma_wait3A_445 = arith.constant 0 : i32
      %dma_wait3A_446 = tpu.memref_slice %dma_wait3A_444[%add3A_381, %dma_wait3A_445] : memref<10240x128xf32, #tpu.memory_space<hbm>> -> memref<128x128xf32, #tpu.memory_space<hbm>>
      tpu.wait_dma2 semaphore(%run_scoped3A_422 : memref<!tpu.dma_semaphore, #tpu.memory_space<semaphore_mem>>) src(%arg19 : memref<128x128xf32, #tpu.memory_space<vmem>>) dst(%dma_wait3A_446 : memref<128x128xf32, #tpu.memory_space<hbm>>)
      tpu.yield
    }) : () -> ()
    %add3A_382 = arith.constant 128 : i32
    %add3A_383 = arith.addi %mul3A_0, %add3A_382 : i32
    "tpu.region"() ({
      %run_scoped3A_422 = tpu.sem_alloc : memref<!tpu.dma_semaphore, #tpu.memory_space<semaphore_mem>>
      %dma_start3A_423 = tpu.memref_slice %arg9[%add3A_383] : memref<10240xi32, #tpu.memory_space<hbm>> -> memref<128xi32, #tpu.memory_space<hbm>>
      %dma_start3A_424 = tpu.memref_slice %arg9[%add3A_383] : memref<10240xi32, #tpu.memory_space<hbm>> -> memref<128xi32, #tpu.memory_space<hbm>>
      tpu.enqueue_dma source(%dma_start3A_424 : memref<128xi32, #tpu.memory_space<hbm>>) target(%arg18 : memref<128xi32, #tpu.memory_space<vmem>>) target_semaphore(%run_scoped3A_422 : memref<!tpu.dma_semaphore, #tpu.memory_space<semaphore_mem>>)
      %dma_wait3A_425 = tpu.memref_slice %arg9[%add3A_383] : memref<10240xi32, #tpu.memory_space<hbm>> -> memref<128xi32, #tpu.memory_space<hbm>>
      %dma_wait3A_426 = tpu.memref_slice %arg9[%add3A_383] : memref<10240xi32, #tpu.memory_space<hbm>> -> memref<128xi32, #tpu.memory_space<hbm>>
      tpu.wait_dma2 semaphore(%run_scoped3A_422 : memref<!tpu.dma_semaphore, #tpu.memory_space<semaphore_mem>>) src(%dma_wait3A_426 : memref<128xi32, #tpu.memory_space<hbm>>) dst(%arg18 : memref<128xi32, #tpu.memory_space<vmem>>)
      tpu.yield
    }) : () -> ()
    %dma_start3A_384 = arith.constant 0 : i32
    %dma_start3A_385 = arith.constant 0 : i32
    %dma_start3A_386 = tpu.memref_slice %arg23[%dma_start3A_384, %dma_start3A_385] : memref<10240x128xf32, #tpu.memory_space<vmem_shared>> -> memref<10240x128xf32, #tpu.memory_space<vmem_shared>>
    tpu.enqueue_indirect_dma source(%dma_start3A_386 : memref<10240x128xf32, #tpu.memory_space<vmem_shared>>) target(%arg19 : memref<128x128xf32, #tpu.memory_space<vmem>>) offsets(%arg18 : memref<128xi32, #tpu.memory_space<vmem>>) semaphore(%arg24 : memref<!tpu.dma_semaphore, #tpu.memory_space<semaphore_mem>>)
    %dma_wait3A_387 = arith.constant 0 : i32
    %dma_wait3A_388 = arith.constant 0 : i32
    %dma_wait3A_389 = tpu.memref_slice %arg23[%dma_wait3A_387, %dma_wait3A_388] : memref<10240x128xf32, #tpu.memory_space<vmem_shared>> -> memref<10240x128xf32, #tpu.memory_space<vmem_shared>>
    tpu.wait_indirect_dma semaphore(%arg24 : memref<!tpu.dma_semaphore, #tpu.memory_space<semaphore_mem>>) src(%dma_wait3A_389 : memref<10240x128xf32, #tpu.memory_space<vmem_shared>>) dst(%arg19 : memref<128x128xf32, #tpu.memory_space<vmem>>)
    %add3A_390 = arith.constant 128 : i32
    %add3A_391 = arith.addi %mul3A_0, %add3A_390 : i32
    "tpu.region"() ({
      %run_scoped3A_422 = tpu.sem_alloc : memref<!tpu.dma_semaphore, #tpu.memory_space<semaphore_mem>>
      %dma_start3A_423 = arith.constant 0 : i32
      %dma_start3A_424 = arith.constant 0 : i32
      %dma_start3A_425 = tpu.memref_slice %arg13[%arg0, %dma_start3A_423, %dma_start3A_424] : memref<2x10240x128xf32, #tpu.memory_space<hbm>> -> memref<1x10240x128xf32, #tpu.memory_space<hbm>>
      %dma_start3A_426 = tpu.memref_squeeze %dma_start3A_425 : memref<1x10240x128xf32, #tpu.memory_space<hbm>> -> memref<10240x128xf32, #tpu.memory_space<hbm>>
      %dma_start3A_427 = arith.constant 0 : i32
      %dma_start3A_428 = tpu.memref_slice %dma_start3A_426[%add3A_391, %dma_start3A_427] : memref<10240x128xf32, #tpu.memory_space<hbm>> -> memref<128x128xf32, #tpu.memory_space<hbm>>
      %dma_start3A_429 = arith.constant 0 : i32
      %dma_start3A_430 = arith.constant 0 : i32
      %dma_start3A_431 = tpu.memref_slice %arg13[%arg0, %dma_start3A_429, %dma_start3A_430] : memref<2x10240x128xf32, #tpu.memory_space<hbm>> -> memref<1x10240x128xf32, #tpu.memory_space<hbm>>
      %dma_start3A_432 = tpu.memref_squeeze %dma_start3A_431 : memref<1x10240x128xf32, #tpu.memory_space<hbm>> -> memref<10240x128xf32, #tpu.memory_space<hbm>>
      %dma_start3A_433 = arith.constant 0 : i32
      %dma_start3A_434 = tpu.memref_slice %dma_start3A_432[%add3A_391, %dma_start3A_433] : memref<10240x128xf32, #tpu.memory_space<hbm>> -> memref<128x128xf32, #tpu.memory_space<hbm>>
      tpu.enqueue_dma source(%arg19 : memref<128x128xf32, #tpu.memory_space<vmem>>) target(%dma_start3A_434 : memref<128x128xf32, #tpu.memory_space<hbm>>) target_semaphore(%run_scoped3A_422 : memref<!tpu.dma_semaphore, #tpu.memory_space<semaphore_mem>>)
      %dma_wait3A_435 = arith.constant 0 : i32
      %dma_wait3A_436 = arith.constant 0 : i32
      %dma_wait3A_437 = tpu.memref_slice %arg13[%arg0, %dma_wait3A_435, %dma_wait3A_436] : memref<2x10240x128xf32, #tpu.memory_space<hbm>> -> memref<1x10240x128xf32, #tpu.memory_space<hbm>>
      %dma_wait3A_438 = tpu.memref_squeeze %dma_wait3A_437 : memref<1x10240x128xf32, #tpu.memory_space<hbm>> -> memref<10240x128xf32, #tpu.memory_space<hbm>>
      %dma_wait3A_439 = arith.constant 0 : i32
      %dma_wait3A_440 = tpu.memref_slice %dma_wait3A_438[%add3A_391, %dma_wait3A_439] : memref<10240x128xf32, #tpu.memory_space<hbm>> -> memref<128x128xf32, #tpu.memory_space<hbm>>
      %dma_wait3A_441 = arith.constant 0 : i32
      %dma_wait3A_442 = arith.constant 0 : i32
      %dma_wait3A_443 = tpu.memref_slice %arg13[%arg0, %dma_wait3A_441, %dma_wait3A_442] : memref<2x10240x128xf32, #tpu.memory_space<hbm>> -> memref<1x10240x128xf32, #tpu.memory_space<hbm>>
      %dma_wait3A_444 = tpu.memref_squeeze %dma_wait3A_443 : memref<1x10240x128xf32, #tpu.memory_space<hbm>> -> memref<10240x128xf32, #tpu.memory_space<hbm>>
      %dma_wait3A_445 = arith.constant 0 : i32
      %dma_wait3A_446 = tpu.memref_slice %dma_wait3A_444[%add3A_391, %dma_wait3A_445] : memref<10240x128xf32, #tpu.memory_space<hbm>> -> memref<128x128xf32, #tpu.memory_space<hbm>>
      tpu.wait_dma2 semaphore(%run_scoped3A_422 : memref<!tpu.dma_semaphore, #tpu.memory_space<semaphore_mem>>) src(%arg19 : memref<128x128xf32, #tpu.memory_space<vmem>>) dst(%dma_wait3A_446 : memref<128x128xf32, #tpu.memory_space<hbm>>)
      tpu.yield
    }) : () -> ()
    %add3A_392 = arith.constant 256 : i32
    %add3A_393 = arith.addi %mul3A_0, %add3A_392 : i32
    "tpu.region"() ({
      %run_scoped3A_422 = tpu.sem_alloc : memref<!tpu.dma_semaphore, #tpu.memory_space<semaphore_mem>>
      %dma_start3A_423 = tpu.memref_slice %arg9[%add3A_393] : memref<10240xi32, #tpu.memory_space<hbm>> -> memref<128xi32, #tpu.memory_space<hbm>>
      %dma_start3A_424 = tpu.memref_slice %arg9[%add3A_393] : memref<10240xi32, #tpu.memory_space<hbm>> -> memref<128xi32, #tpu.memory_space<hbm>>
      tpu.enqueue_dma source(%dma_start3A_424 : memref<128xi32, #tpu.memory_space<hbm>>) target(%arg18 : memref<128xi32, #tpu.memory_space<vmem>>) target_semaphore(%run_scoped3A_422 : memref<!tpu.dma_semaphore, #tpu.memory_space<semaphore_mem>>)
      %dma_wait3A_425 = tpu.memref_slice %arg9[%add3A_393] : memref<10240xi32, #tpu.memory_space<hbm>> -> memref<128xi32, #tpu.memory_space<hbm>>
      %dma_wait3A_426 = tpu.memref_slice %arg9[%add3A_393] : memref<10240xi32, #tpu.memory_space<hbm>> -> memref<128xi32, #tpu.memory_space<hbm>>
      tpu.wait_dma2 semaphore(%run_scoped3A_422 : memref<!tpu.dma_semaphore, #tpu.memory_space<semaphore_mem>>) src(%dma_wait3A_426 : memref<128xi32, #tpu.memory_space<hbm>>) dst(%arg18 : memref<128xi32, #tpu.memory_space<vmem>>)
      tpu.yield
    }) : () -> ()
    %dma_start3A_394 = arith.constant 0 : i32
    %dma_start3A_395 = arith.constant 0 : i32
    %dma_start3A_396 = tpu.memref_slice %arg23[%dma_start3A_394, %dma_start3A_395] : memref<10240x128xf32, #tpu.memory_space<vmem_shared>> -> memref<10240x128xf32, #tpu.memory_space<vmem_shared>>
    tpu.enqueue_indirect_dma source(%dma_start3A_396 : memref<10240x128xf32, #tpu.memory_space<vmem_shared>>) target(%arg19 : memref<128x128xf32, #tpu.memory_space<vmem>>) offsets(%arg18 : memref<128xi32, #tpu.memory_space<vmem>>) semaphore(%arg24 : memref<!tpu.dma_semaphore, #tpu.memory_space<semaphore_mem>>)
    %dma_wait3A_397 = arith.constant 0 : i32
    %dma_wait3A_398 = arith.constant 0 : i32
    %dma_wait3A_399 = tpu.memref_slice %arg23[%dma_wait3A_397, %dma_wait3A_398] : memref<10240x128xf32, #tpu.memory_space<vmem_shared>> -> memref<10240x128xf32, #tpu.memory_space<vmem_shared>>
    tpu.wait_indirect_dma semaphore(%arg24 : memref<!tpu.dma_semaphore, #tpu.memory_space<semaphore_mem>>) src(%dma_wait3A_399 : memref<10240x128xf32, #tpu.memory_space<vmem_shared>>) dst(%arg19 : memref<128x128xf32, #tpu.memory_space<vmem>>)
    %add3A_400 = arith.constant 256 : i32
    %add3A_401 = arith.addi %mul3A_0, %add3A_400 : i32
    "tpu.region"() ({
      %run_scoped3A_422 = tpu.sem_alloc : memref<!tpu.dma_semaphore, #tpu.memory_space<semaphore_mem>>
      %dma_start3A_423 = arith.constant 0 : i32
      %dma_start3A_424 = arith.constant 0 : i32
      %dma_start3A_425 = tpu.memref_slice %arg13[%arg0, %dma_start3A_423, %dma_start3A_424] : memref<2x10240x128xf32, #tpu.memory_space<hbm>> -> memref<1x10240x128xf32, #tpu.memory_space<hbm>>
      %dma_start3A_426 = tpu.memref_squeeze %dma_start3A_425 : memref<1x10240x128xf32, #tpu.memory_space<hbm>> -> memref<10240x128xf32, #tpu.memory_space<hbm>>
      %dma_start3A_427 = arith.constant 0 : i32
      %dma_start3A_428 = tpu.memref_slice %dma_start3A_426[%add3A_401, %dma_start3A_427] : memref<10240x128xf32, #tpu.memory_space<hbm>> -> memref<128x128xf32, #tpu.memory_space<hbm>>
      %dma_start3A_429 = arith.constant 0 : i32
      %dma_start3A_430 = arith.constant 0 : i32
      %dma_start3A_431 = tpu.memref_slice %arg13[%arg0, %dma_start3A_429, %dma_start3A_430] : memref<2x10240x128xf32, #tpu.memory_space<hbm>> -> memref<1x10240x128xf32, #tpu.memory_space<hbm>>
      %dma_start3A_432 = tpu.memref_squeeze %dma_start3A_431 : memref<1x10240x128xf32, #tpu.memory_space<hbm>> -> memref<10240x128xf32, #tpu.memory_space<hbm>>
      %dma_start3A_433 = arith.constant 0 : i32
      %dma_start3A_434 = tpu.memref_slice %dma_start3A_432[%add3A_401, %dma_start3A_433] : memref<10240x128xf32, #tpu.memory_space<hbm>> -> memref<128x128xf32, #tpu.memory_space<hbm>>
      tpu.enqueue_dma source(%arg19 : memref<128x128xf32, #tpu.memory_space<vmem>>) target(%dma_start3A_434 : memref<128x128xf32, #tpu.memory_space<hbm>>) target_semaphore(%run_scoped3A_422 : memref<!tpu.dma_semaphore, #tpu.memory_space<semaphore_mem>>)
      %dma_wait3A_435 = arith.constant 0 : i32
      %dma_wait3A_436 = arith.constant 0 : i32
      %dma_wait3A_437 = tpu.memref_slice %arg13[%arg0, %dma_wait3A_435, %dma_wait3A_436] : memref<2x10240x128xf32, #tpu.memory_space<hbm>> -> memref<1x10240x128xf32, #tpu.memory_space<hbm>>
      %dma_wait3A_438 = tpu.memref_squeeze %dma_wait3A_437 : memref<1x10240x128xf32, #tpu.memory_space<hbm>> -> memref<10240x128xf32, #tpu.memory_space<hbm>>
      %dma_wait3A_439 = arith.constant 0 : i32
      %dma_wait3A_440 = tpu.memref_slice %dma_wait3A_438[%add3A_401, %dma_wait3A_439] : memref<10240x128xf32, #tpu.memory_space<hbm>> -> memref<128x128xf32, #tpu.memory_space<hbm>>
      %dma_wait3A_441 = arith.constant 0 : i32
      %dma_wait3A_442 = arith.constant 0 : i32
      %dma_wait3A_443 = tpu.memref_slice %arg13[%arg0, %dma_wait3A_441, %dma_wait3A_442] : memref<2x10240x128xf32, #tpu.memory_space<hbm>> -> memref<1x10240x128xf32, #tpu.memory_space<hbm>>
      %dma_wait3A_444 = tpu.memref_squeeze %dma_wait3A_443 : memref<1x10240x128xf32, #tpu.memory_space<hbm>> -> memref<10240x128xf32, #tpu.memory_space<hbm>>
      %dma_wait3A_445 = arith.constant 0 : i32
      %dma_wait3A_446 = tpu.memref_slice %dma_wait3A_444[%add3A_401, %dma_wait3A_445] : memref<10240x128xf32, #tpu.memory_space<hbm>> -> memref<128x128xf32, #tpu.memory_space<hbm>>
      tpu.wait_dma2 semaphore(%run_scoped3A_422 : memref<!tpu.dma_semaphore, #tpu.memory_space<semaphore_mem>>) src(%arg19 : memref<128x128xf32, #tpu.memory_space<vmem>>) dst(%dma_wait3A_446 : memref<128x128xf32, #tpu.memory_space<hbm>>)
      tpu.yield
    }) : () -> ()
    %add3A_402 = arith.constant 384 : i32
    %add3A_403 = arith.addi %mul3A_0, %add3A_402 : i32
    "tpu.region"() ({
      %run_scoped3A_422 = tpu.sem_alloc : memref<!tpu.dma_semaphore, #tpu.memory_space<semaphore_mem>>
      %dma_start3A_423 = tpu.memref_slice %arg9[%add3A_403] : memref<10240xi32, #tpu.memory_space<hbm>> -> memref<128xi32, #tpu.memory_space<hbm>>
      %dma_start3A_424 = tpu.memref_slice %arg9[%add3A_403] : memref<10240xi32, #tpu.memory_space<hbm>> -> memref<128xi32, #tpu.memory_space<hbm>>
      tpu.enqueue_dma source(%dma_start3A_424 : memref<128xi32, #tpu.memory_space<hbm>>) target(%arg18 : memref<128xi32, #tpu.memory_space<vmem>>) target_semaphore(%run_scoped3A_422 : memref<!tpu.dma_semaphore, #tpu.memory_space<semaphore_mem>>)
      %dma_wait3A_425 = tpu.memref_slice %arg9[%add3A_403] : memref<10240xi32, #tpu.memory_space<hbm>> -> memref<128xi32, #tpu.memory_space<hbm>>
      %dma_wait3A_426 = tpu.memref_slice %arg9[%add3A_403] : memref<10240xi32, #tpu.memory_space<hbm>> -> memref<128xi32, #tpu.memory_space<hbm>>
      tpu.wait_dma2 semaphore(%run_scoped3A_422 : memref<!tpu.dma_semaphore, #tpu.memory_space<semaphore_mem>>) src(%dma_wait3A_426 : memref<128xi32, #tpu.memory_space<hbm>>) dst(%arg18 : memref<128xi32, #tpu.memory_space<vmem>>)
      tpu.yield
    }) : () -> ()
    %dma_start3A_404 = arith.constant 0 : i32
    %dma_start3A_405 = arith.constant 0 : i32
    %dma_start3A_406 = tpu.memref_slice %arg23[%dma_start3A_404, %dma_start3A_405] : memref<10240x128xf32, #tpu.memory_space<vmem_shared>> -> memref<10240x128xf32, #tpu.memory_space<vmem_shared>>
    tpu.enqueue_indirect_dma source(%dma_start3A_406 : memref<10240x128xf32, #tpu.memory_space<vmem_shared>>) target(%arg19 : memref<128x128xf32, #tpu.memory_space<vmem>>) offsets(%arg18 : memref<128xi32, #tpu.memory_space<vmem>>) semaphore(%arg24 : memref<!tpu.dma_semaphore, #tpu.memory_space<semaphore_mem>>)
    %dma_wait3A_407 = arith.constant 0 : i32
    %dma_wait3A_408 = arith.constant 0 : i32
    %dma_wait3A_409 = tpu.memref_slice %arg23[%dma_wait3A_407, %dma_wait3A_408] : memref<10240x128xf32, #tpu.memory_space<vmem_shared>> -> memref<10240x128xf32, #tpu.memory_space<vmem_shared>>
    tpu.wait_indirect_dma semaphore(%arg24 : memref<!tpu.dma_semaphore, #tpu.memory_space<semaphore_mem>>) src(%dma_wait3A_409 : memref<10240x128xf32, #tpu.memory_space<vmem_shared>>) dst(%arg19 : memref<128x128xf32, #tpu.memory_space<vmem>>)
    %add3A_410 = arith.constant 384 : i32
    %add3A_411 = arith.addi %mul3A_0, %add3A_410 : i32
    "tpu.region"() ({
      %run_scoped3A_422 = tpu.sem_alloc : memref<!tpu.dma_semaphore, #tpu.memory_space<semaphore_mem>>
      %dma_start3A_423 = arith.constant 0 : i32
      %dma_start3A_424 = arith.constant 0 : i32
      %dma_start3A_425 = tpu.memref_slice %arg13[%arg0, %dma_start3A_423, %dma_start3A_424] : memref<2x10240x128xf32, #tpu.memory_space<hbm>> -> memref<1x10240x128xf32, #tpu.memory_space<hbm>>
      %dma_start3A_426 = tpu.memref_squeeze %dma_start3A_425 : memref<1x10240x128xf32, #tpu.memory_space<hbm>> -> memref<10240x128xf32, #tpu.memory_space<hbm>>
      %dma_start3A_427 = arith.constant 0 : i32
      %dma_start3A_428 = tpu.memref_slice %dma_start3A_426[%add3A_411, %dma_start3A_427] : memref<10240x128xf32, #tpu.memory_space<hbm>> -> memref<128x128xf32, #tpu.memory_space<hbm>>
      %dma_start3A_429 = arith.constant 0 : i32
      %dma_start3A_430 = arith.constant 0 : i32
      %dma_start3A_431 = tpu.memref_slice %arg13[%arg0, %dma_start3A_429, %dma_start3A_430] : memref<2x10240x128xf32, #tpu.memory_space<hbm>> -> memref<1x10240x128xf32, #tpu.memory_space<hbm>>
      %dma_start3A_432 = tpu.memref_squeeze %dma_start3A_431 : memref<1x10240x128xf32, #tpu.memory_space<hbm>> -> memref<10240x128xf32, #tpu.memory_space<hbm>>
      %dma_start3A_433 = arith.constant 0 : i32
      %dma_start3A_434 = tpu.memref_slice %dma_start3A_432[%add3A_411, %dma_start3A_433] : memref<10240x128xf32, #tpu.memory_space<hbm>> -> memref<128x128xf32, #tpu.memory_space<hbm>>
      tpu.enqueue_dma source(%arg19 : memref<128x128xf32, #tpu.memory_space<vmem>>) target(%dma_start3A_434 : memref<128x128xf32, #tpu.memory_space<hbm>>) target_semaphore(%run_scoped3A_422 : memref<!tpu.dma_semaphore, #tpu.memory_space<semaphore_mem>>)
      %dma_wait3A_435 = arith.constant 0 : i32
      %dma_wait3A_436 = arith.constant 0 : i32
      %dma_wait3A_437 = tpu.memref_slice %arg13[%arg0, %dma_wait3A_435, %dma_wait3A_436] : memref<2x10240x128xf32, #tpu.memory_space<hbm>> -> memref<1x10240x128xf32, #tpu.memory_space<hbm>>
      %dma_wait3A_438 = tpu.memref_squeeze %dma_wait3A_437 : memref<1x10240x128xf32, #tpu.memory_space<hbm>> -> memref<10240x128xf32, #tpu.memory_space<hbm>>
      %dma_wait3A_439 = arith.constant 0 : i32
      %dma_wait3A_440 = tpu.memref_slice %dma_wait3A_438[%add3A_411, %dma_wait3A_439] : memref<10240x128xf32, #tpu.memory_space<hbm>> -> memref<128x128xf32, #tpu.memory_space<hbm>>
      %dma_wait3A_441 = arith.constant 0 : i32
      %dma_wait3A_442 = arith.constant 0 : i32
      %dma_wait3A_443 = tpu.memref_slice %arg13[%arg0, %dma_wait3A_441, %dma_wait3A_442] : memref<2x10240x128xf32, #tpu.memory_space<hbm>> -> memref<1x10240x128xf32, #tpu.memory_space<hbm>>
      %dma_wait3A_444 = tpu.memref_squeeze %dma_wait3A_443 : memref<1x10240x128xf32, #tpu.memory_space<hbm>> -> memref<10240x128xf32, #tpu.memory_space<hbm>>
      %dma_wait3A_445 = arith.constant 0 : i32
      %dma_wait3A_446 = tpu.memref_slice %dma_wait3A_444[%add3A_411, %dma_wait3A_445] : memref<10240x128xf32, #tpu.memory_space<hbm>> -> memref<128x128xf32, #tpu.memory_space<hbm>>
      tpu.wait_dma2 semaphore(%run_scoped3A_422 : memref<!tpu.dma_semaphore, #tpu.memory_space<semaphore_mem>>) src(%arg19 : memref<128x128xf32, #tpu.memory_space<vmem>>) dst(%dma_wait3A_446 : memref<128x128xf32, #tpu.memory_space<hbm>>)
      tpu.yield
    }) : () -> ()
    %add3A_412 = arith.constant 512 : i32
    %add3A_413 = arith.addi %mul3A_0, %add3A_412 : i32
    "tpu.region"() ({
      %run_scoped3A_422 = tpu.sem_alloc : memref<!tpu.dma_semaphore, #tpu.memory_space<semaphore_mem>>
      %dma_start3A_423 = tpu.memref_slice %arg9[%add3A_413] : memref<10240xi32, #tpu.memory_space<hbm>> -> memref<128xi32, #tpu.memory_space<hbm>>
      %dma_start3A_424 = tpu.memref_slice %arg9[%add3A_413] : memref<10240xi32, #tpu.memory_space<hbm>> -> memref<128xi32, #tpu.memory_space<hbm>>
      tpu.enqueue_dma source(%dma_start3A_424 : memref<128xi32, #tpu.memory_space<hbm>>) target(%arg18 : memref<128xi32, #tpu.memory_space<vmem>>) target_semaphore(%run_scoped3A_422 : memref<!tpu.dma_semaphore, #tpu.memory_space<semaphore_mem>>)
      %dma_wait3A_425 = tpu.memref_slice %arg9[%add3A_413] : memref<10240xi32, #tpu.memory_space<hbm>> -> memref<128xi32, #tpu.memory_space<hbm>>
      %dma_wait3A_426 = tpu.memref_slice %arg9[%add3A_413] : memref<10240xi32, #tpu.memory_space<hbm>> -> memref<128xi32, #tpu.memory_space<hbm>>
      tpu.wait_dma2 semaphore(%run_scoped3A_422 : memref<!tpu.dma_semaphore, #tpu.memory_space<semaphore_mem>>) src(%dma_wait3A_426 : memref<128xi32, #tpu.memory_space<hbm>>) dst(%arg18 : memref<128xi32, #tpu.memory_space<vmem>>)
      tpu.yield
    }) : () -> ()
    %dma_start3A_414 = arith.constant 0 : i32
    %dma_start3A_415 = arith.constant 0 : i32
    %dma_start3A_416 = tpu.memref_slice %arg23[%dma_start3A_414, %dma_start3A_415] : memref<10240x128xf32, #tpu.memory_space<vmem_shared>> -> memref<10240x128xf32, #tpu.memory_space<vmem_shared>>
    tpu.enqueue_indirect_dma source(%dma_start3A_416 : memref<10240x128xf32, #tpu.memory_space<vmem_shared>>) target(%arg19 : memref<128x128xf32, #tpu.memory_space<vmem>>) offsets(%arg18 : memref<128xi32, #tpu.memory_space<vmem>>) semaphore(%arg24 : memref<!tpu.dma_semaphore, #tpu.memory_space<semaphore_mem>>)
    %dma_wait3A_417 = arith.constant 0 : i32
    %dma_wait3A_418 = arith.constant 0 : i32
    %dma_wait3A_419 = tpu.memref_slice %arg23[%dma_wait3A_417, %dma_wait3A_418] : memref<10240x128xf32, #tpu.memory_space<vmem_shared>> -> memref<10240x128xf32, #tpu.memory_space<vmem_shared>>
    tpu.wait_indirect_dma semaphore(%arg24 : memref<!tpu.dma_semaphore, #tpu.memory_space<semaphore_mem>>) src(%dma_wait3A_419 : memref<10240x128xf32, #tpu.memory_space<vmem_shared>>) dst(%arg19 : memref<128x128xf32, #tpu.memory_space<vmem>>)
    %add3A_420 = arith.constant 512 : i32
    %add3A_421 = arith.addi %mul3A_0, %add3A_420 : i32
    "tpu.region"() ({
      %run_scoped3A_422 = tpu.sem_alloc : memref<!tpu.dma_semaphore, #tpu.memory_space<semaphore_mem>>
      %dma_start3A_423 = arith.constant 0 : i32
      %dma_start3A_424 = arith.constant 0 : i32
      %dma_start3A_425 = tpu.memref_slice %arg13[%arg0, %dma_start3A_423, %dma_start3A_424] : memref<2x10240x128xf32, #tpu.memory_space<hbm>> -> memref<1x10240x128xf32, #tpu.memory_space<hbm>>
      %dma_start3A_426 = tpu.memref_squeeze %dma_start3A_425 : memref<1x10240x128xf32, #tpu.memory_space<hbm>> -> memref<10240x128xf32, #tpu.memory_space<hbm>>
      %dma_start3A_427 = arith.constant 0 : i32
      %dma_start3A_428 = tpu.memref_slice %dma_start3A_426[%add3A_421, %dma_start3A_427] : memref<10240x128xf32, #tpu.memory_space<hbm>> -> memref<128x128xf32, #tpu.memory_space<hbm>>
      %dma_start3A_429 = arith.constant 0 : i32
      %dma_start3A_430 = arith.constant 0 : i32
      %dma_start3A_431 = tpu.memref_slice %arg13[%arg0, %dma_start3A_429, %dma_start3A_430] : memref<2x10240x128xf32, #tpu.memory_space<hbm>> -> memref<1x10240x128xf32, #tpu.memory_space<hbm>>
      %dma_start3A_432 = tpu.memref_squeeze %dma_start3A_431 : memref<1x10240x128xf32, #tpu.memory_space<hbm>> -> memref<10240x128xf32, #tpu.memory_space<hbm>>
      %dma_start3A_433 = arith.constant 0 : i32
      %dma_start3A_434 = tpu.memref_slice %dma_start3A_432[%add3A_421, %dma_start3A_433] : memref<10240x128xf32, #tpu.memory_space<hbm>> -> memref<128x128xf32, #tpu.memory_space<hbm>>
      tpu.enqueue_dma source(%arg19 : memref<128x128xf32, #tpu.memory_space<vmem>>) target(%dma_start3A_434 : memref<128x128xf32, #tpu.memory_space<hbm>>) target_semaphore(%run_scoped3A_422 : memref<!tpu.dma_semaphore, #tpu.memory_space<semaphore_mem>>)
      %dma_wait3A_435 = arith.constant 0 : i32
      %dma_wait3A_436 = arith.constant 0 : i32
      %dma_wait3A_437 = tpu.memref_slice %arg13[%arg0, %dma_wait3A_435, %dma_wait3A_436] : memref<2x10240x128xf32, #tpu.memory_space<hbm>> -> memref<1x10240x128xf32, #tpu.memory_space<hbm>>
      %dma_wait3A_438 = tpu.memref_squeeze %dma_wait3A_437 : memref<1x10240x128xf32, #tpu.memory_space<hbm>> -> memref<10240x128xf32, #tpu.memory_space<hbm>>
      %dma_wait3A_439 = arith.constant 0 : i32
      %dma_wait3A_440 = tpu.memref_slice %dma_wait3A_438[%add3A_421, %dma_wait3A_439] : memref<10240x128xf32, #tpu.memory_space<hbm>> -> memref<128x128xf32, #tpu.memory_space<hbm>>
      %dma_wait3A_441 = arith.constant 0 : i32
      %dma_wait3A_442 = arith.constant 0 : i32
      %dma_wait3A_443 = tpu.memref_slice %arg13[%arg0, %dma_wait3A_441, %dma_wait3A_442] : memref<2x10240x128xf32, #tpu.memory_space<hbm>> -> memref<1x10240x128xf32, #tpu.memory_space<hbm>>
      %dma_wait3A_444 = tpu.memref_squeeze %dma_wait3A_443 : memref<1x10240x128xf32, #tpu.memory_space<hbm>> -> memref<10240x128xf32, #tpu.memory_space<hbm>>
      %dma_wait3A_445 = arith.constant 0 : i32
      %dma_wait3A_446 = tpu.memref_slice %dma_wait3A_444[%add3A_421, %dma_wait3A_445] : memref<10240x128xf32, #tpu.memory_space<hbm>> -> memref<128x128xf32, #tpu.memory_space<hbm>>
      tpu.wait_dma2 semaphore(%run_scoped3A_422 : memref<!tpu.dma_semaphore, #tpu.memory_space<semaphore_mem>>) src(%arg19 : memref<128x128xf32, #tpu.memory_space<vmem>>) dst(%dma_wait3A_446 : memref<128x128xf32, #tpu.memory_space<hbm>>)
      tpu.yield
    }) : () -> ()
    return
  }
}

module attributes {stable_mosaic.version = 14 : i64} {
  func.func @_ew_body(%arg0: i32, %arg1: memref<1000x16xf32, #tpu.memory_space<vmem>>, %arg2: memref<16x512xf32, #tpu.memory_space<vmem>>, %arg3: memref<4x1000x128xf32, #tpu.memory_space<vmem>>) attributes {dimension_semantics = [#tpu.dimension_semantics<arbitrary>], iteration_bounds = array<i64: 160>, scalar_prefetch = 0 : i64, scratch_operands = 0 : i64, tpu.core_type = #tpu.core_type<tc>, window_params = [{transform_indices = @transform_0, window_bounds = array<i64: 1000, 16>}, {pipeline_mode = #tpu.pipeline_mode<synchronous>, transform_indices = @transform_1, window_bounds = array<i64: 16, 512>}, {transform_indices = @transform_2, window_bounds = array<i64: 4, 1000, 128>}]} {
    %get3A = arith.constant 0 : index
    %get3A_0 = arith.constant 0 : index
    %get3A_1 = vector.load %arg1[%get3A, %get3A_0] : memref<1000x16xf32, #tpu.memory_space<vmem>>, vector<1000x16xf32>
    %get3A_2 = arith.constant 0 : index
    %get3A_3 = arith.constant 0 : index
    %get3A_4 = vector.load %arg2[%get3A_2, %get3A_3] : memref<16x512xf32, #tpu.memory_space<vmem>>, vector<16x128xf32>
    %dot_general3A = arith.constant dense<0.000000e+00> : vector<1000x128xf32>
    %dot_general3A_5 = tpu.matmul %get3A_1, %get3A_4, %dot_general3A {dimension_numbers = #tpu.dot_dimension_numbers<[1], [0], [0], [1], [0, 0, 1, 1], [], []>, transpose_lhs_hint = false} : vector<1000x16xf32>, vector<16x128xf32>, vector<1000x128xf32> -> vector<1000x128xf32>
    %swap3A = arith.constant 0 : index
    %swap3A_6 = arith.constant 0 : index
    %swap3A_7 = arith.constant 0 : index
    %swap3A_8 = vector.load %arg3[%swap3A, %swap3A_6, %swap3A_7] : memref<4x1000x128xf32, #tpu.memory_space<vmem>>, vector<1x1000x128xf32>
    %swap3A_9 = vector.shape_cast %swap3A_8 : vector<1x1000x128xf32> to vector<1000x128xf32>
    %swap3A_10 = vector.shape_cast %dot_general3A_5 : vector<1000x128xf32> to vector<1x1000x128xf32>
    tpu.vector_store %arg3[%swap3A, %swap3A_6, %swap3A_7], %swap3A_10 {strides = array<i32>} : memref<4x1000x128xf32, #tpu.memory_space<vmem>>, vector<1x1000x128xf32>,
    %get3A_11 = arith.constant 0 : index
    %get3A_12 = arith.constant 128 : index
    %get3A_13 = vector.load %arg2[%get3A_11, %get3A_12] : memref<16x512xf32, #tpu.memory_space<vmem>>, vector<16x128xf32>
    %dot_general3A_14 = arith.constant dense<0.000000e+00> : vector<1000x128xf32>
    %dot_general3A_15 = tpu.matmul %get3A_1, %get3A_13, %dot_general3A_14 {dimension_numbers = #tpu.dot_dimension_numbers<[1], [0], [0], [1], [0, 0, 1, 1], [], []>, transpose_lhs_hint = false} : vector<1000x16xf32>, vector<16x128xf32>, vector<1000x128xf32> -> vector<1000x128xf32>
    %swap3A_16 = arith.constant 1 : index
    %swap3A_17 = arith.constant 0 : index
    %swap3A_18 = arith.constant 0 : index
    %swap3A_19 = vector.load %arg3[%swap3A_16, %swap3A_17, %swap3A_18] : memref<4x1000x128xf32, #tpu.memory_space<vmem>>, vector<1x1000x128xf32>
    %swap3A_20 = vector.shape_cast %swap3A_19 : vector<1x1000x128xf32> to vector<1000x128xf32>
    %swap3A_21 = vector.shape_cast %dot_general3A_15 : vector<1000x128xf32> to vector<1x1000x128xf32>
    tpu.vector_store %arg3[%swap3A_16, %swap3A_17, %swap3A_18], %swap3A_21 {strides = array<i32>} : memref<4x1000x128xf32, #tpu.memory_space<vmem>>, vector<1x1000x128xf32>,
    %get3A_22 = arith.constant 0 : index
    %get3A_23 = arith.constant 256 : index
    %get3A_24 = vector.load %arg2[%get3A_22, %get3A_23] : memref<16x512xf32, #tpu.memory_space<vmem>>, vector<16x128xf32>
    %dot_general3A_25 = arith.constant dense<0.000000e+00> : vector<1000x128xf32>
    %dot_general3A_26 = tpu.matmul %get3A_1, %get3A_24, %dot_general3A_25 {dimension_numbers = #tpu.dot_dimension_numbers<[1], [0], [0], [1], [0, 0, 1, 1], [], []>, transpose_lhs_hint = false} : vector<1000x16xf32>, vector<16x128xf32>, vector<1000x128xf32> -> vector<1000x128xf32>
    %swap3A_27 = arith.constant 2 : index
    %swap3A_28 = arith.constant 0 : index
    %swap3A_29 = arith.constant 0 : index
    %swap3A_30 = vector.load %arg3[%swap3A_27, %swap3A_28, %swap3A_29] : memref<4x1000x128xf32, #tpu.memory_space<vmem>>, vector<1x1000x128xf32>
    %swap3A_31 = vector.shape_cast %swap3A_30 : vector<1x1000x128xf32> to vector<1000x128xf32>
    %swap3A_32 = vector.shape_cast %dot_general3A_26 : vector<1000x128xf32> to vector<1x1000x128xf32>
    tpu.vector_store %arg3[%swap3A_27, %swap3A_28, %swap3A_29], %swap3A_32 {strides = array<i32>} : memref<4x1000x128xf32, #tpu.memory_space<vmem>>, vector<1x1000x128xf32>,
    %get3A_33 = arith.constant 0 : index
    %get3A_34 = arith.constant 384 : index
    %get3A_35 = vector.load %arg2[%get3A_33, %get3A_34] : memref<16x512xf32, #tpu.memory_space<vmem>>, vector<16x128xf32>
    %dot_general3A_36 = arith.constant dense<0.000000e+00> : vector<1000x128xf32>
    %dot_general3A_37 = tpu.matmul %get3A_1, %get3A_35, %dot_general3A_36 {dimension_numbers = #tpu.dot_dimension_numbers<[1], [0], [0], [1], [0, 0, 1, 1], [], []>, transpose_lhs_hint = false} : vector<1000x16xf32>, vector<16x128xf32>, vector<1000x128xf32> -> vector<1000x128xf32>
    %swap3A_38 = arith.constant 3 : index
    %swap3A_39 = arith.constant 0 : index
    %swap3A_40 = arith.constant 0 : index
    %swap3A_41 = vector.load %arg3[%swap3A_38, %swap3A_39, %swap3A_40] : memref<4x1000x128xf32, #tpu.memory_space<vmem>>, vector<1x1000x128xf32>
    %swap3A_42 = vector.shape_cast %swap3A_41 : vector<1x1000x128xf32> to vector<1000x128xf32>
    %swap3A_43 = vector.shape_cast %dot_general3A_37 : vector<1000x128xf32> to vector<1x1000x128xf32>
    tpu.vector_store %arg3[%swap3A_38, %swap3A_39, %swap3A_40], %swap3A_43 {strides = array<i32>} : memref<4x1000x128xf32, #tpu.memory_space<vmem>>, vector<1x1000x128xf32>,
    return
  }
  func.func @transform_0(%arg0: i32) -> (i32, i32) {
    %c0_i32 = arith.constant 0 : i32
    %c0_i32_0 = arith.constant 0 : i32
    return %arg0, %c0_i32 : i32, i32
  }
  func.func @transform_1(%arg0: i32) -> (i32, i32) {
    %c0_i32 = arith.constant 0 : i32
    %c0_i32_0 = arith.constant 0 : i32
    %c0_i32_1 = arith.constant 0 : i32
    return %c0_i32, %c0_i32_0 : i32, i32
  }
  func.func @transform_2(%arg0: i32) -> (i32, i32, i32) {
    %c0_i32 = arith.constant 0 : i32
    %c0_i32_0 = arith.constant 0 : i32
    %c0_i32_1 = arith.constant 0 : i32
    return %c0_i32, %arg0, %c0_i32_0 : i32, i32, i32
  }
}

module attributes {stable_mosaic.version = 14 : i64} {
  func.func @_xw1_body(%arg0: i32, %arg1: memref<1000x256xf32, #tpu.memory_space<vmem>>, %arg2: memref<256x512xf32, #tpu.memory_space<vmem>>, %arg3: memref<1x512xf32, #tpu.memory_space<vmem>>, %arg4: memref<1000x128xf32, #tpu.memory_space<vmem>>, %arg5: memref<1000x128xf32, #tpu.memory_space<vmem>>, %arg6: memref<1000x128xf32, #tpu.memory_space<vmem>>, %arg7: memref<1000x128xf32, #tpu.memory_space<vmem>>) attributes {dimension_semantics = [#tpu.dimension_semantics<arbitrary>], iteration_bounds = array<i64: 10>, scalar_prefetch = 0 : i64, scratch_operands = 0 : i64, tpu.core_type = #tpu.core_type<tc>, window_params = [{transform_indices = @transform_0, window_bounds = array<i64: 1000, 256>}, {pipeline_mode = #tpu.pipeline_mode<synchronous>, transform_indices = @transform_1, window_bounds = array<i64: 256, 512>}, {pipeline_mode = #tpu.pipeline_mode<synchronous>, transform_indices = @transform_2, window_bounds = array<i64: 1, 512>}, {transform_indices = @transform_3, window_bounds = array<i64: 1000, 128>}, {transform_indices = @transform_4, window_bounds = array<i64: 1000, 128>}, {transform_indices = @transform_5, window_bounds = array<i64: 1000, 128>}, {transform_indices = @transform_6, window_bounds = array<i64: 1000, 128>}]} {
    %get3A = arith.constant 0 : index
    %get3A_0 = arith.constant 0 : index
    %get3A_1 = vector.load %arg1[%get3A, %get3A_0] : memref<1000x256xf32, #tpu.memory_space<vmem>>, vector<1000x256xf32>
    %get3A_2 = arith.constant 0 : index
    %get3A_3 = arith.constant 0 : index
    %get3A_4 = vector.load %arg2[%get3A_2, %get3A_3] : memref<256x512xf32, #tpu.memory_space<vmem>>, vector<256x128xf32>
    %dot_general3A = arith.constant dense<0.000000e+00> : vector<1000x128xf32>
    %dot_general3A_5 = tpu.matmul %get3A_1, %get3A_4, %dot_general3A {dimension_numbers = #tpu.dot_dimension_numbers<[1], [0], [0], [1], [0, 0, 1, 1], [], []>, transpose_lhs_hint = false} : vector<1000x256xf32>, vector<256x128xf32>, vector<1000x128xf32> -> vector<1000x128xf32>
    %get3A_6 = arith.constant 0 : index
    %get3A_7 = arith.constant 0 : index
    %get3A_8 = vector.load %arg3[%get3A_6, %get3A_7] : memref<1x512xf32, #tpu.memory_space<vmem>>, vector<1x128xf32>
    %add3A = vector.broadcast %get3A_8 : vector<1x128xf32> to vector<1000x128xf32>
    %add3A_9 = arith.addf %dot_general3A_5, %add3A : vector<1000x128xf32>
    %swap3A = arith.constant 0 : index
    %swap3A_10 = arith.constant 0 : index
    %swap3A_11 = vector.load %arg4[%swap3A, %swap3A_10] : memref<1000x128xf32, #tpu.memory_space<vmem>>, vector<1000x128xf32>
    tpu.vector_store %arg4[%swap3A, %swap3A_10], %add3A_9 {strides = array<i32>} : memref<1000x128xf32, #tpu.memory_space<vmem>>, vector<1000x128xf32>,
    %get3A_12 = arith.constant 0 : index
    %get3A_13 = arith.constant 128 : index
    %get3A_14 = vector.load %arg2[%get3A_12, %get3A_13] : memref<256x512xf32, #tpu.memory_space<vmem>>, vector<256x128xf32>
    %dot_general3A_15 = arith.constant dense<0.000000e+00> : vector<1000x128xf32>
    %dot_general3A_16 = tpu.matmul %get3A_1, %get3A_14, %dot_general3A_15 {dimension_numbers = #tpu.dot_dimension_numbers<[1], [0], [0], [1], [0, 0, 1, 1], [], []>, transpose_lhs_hint = false} : vector<1000x256xf32>, vector<256x128xf32>, vector<1000x128xf32> -> vector<1000x128xf32>
    %get3A_17 = arith.constant 0 : index
    %get3A_18 = arith.constant 128 : index
    %get3A_19 = vector.load %arg3[%get3A_17, %get3A_18] : memref<1x512xf32, #tpu.memory_space<vmem>>, vector<1x128xf32>
    %add3A_20 = vector.broadcast %get3A_19 : vector<1x128xf32> to vector<1000x128xf32>
    %add3A_21 = arith.addf %dot_general3A_16, %add3A_20 : vector<1000x128xf32>
    %swap3A_22 = arith.constant 0 : index
    %swap3A_23 = arith.constant 0 : index
    %swap3A_24 = vector.load %arg5[%swap3A_22, %swap3A_23] : memref<1000x128xf32, #tpu.memory_space<vmem>>, vector<1000x128xf32>
    tpu.vector_store %arg5[%swap3A_22, %swap3A_23], %add3A_21 {strides = array<i32>} : memref<1000x128xf32, #tpu.memory_space<vmem>>, vector<1000x128xf32>,
    %get3A_25 = arith.constant 0 : index
    %get3A_26 = arith.constant 256 : index
    %get3A_27 = vector.load %arg2[%get3A_25, %get3A_26] : memref<256x512xf32, #tpu.memory_space<vmem>>, vector<256x128xf32>
    %dot_general3A_28 = arith.constant dense<0.000000e+00> : vector<1000x128xf32>
    %dot_general3A_29 = tpu.matmul %get3A_1, %get3A_27, %dot_general3A_28 {dimension_numbers = #tpu.dot_dimension_numbers<[1], [0], [0], [1], [0, 0, 1, 1], [], []>, transpose_lhs_hint = false} : vector<1000x256xf32>, vector<256x128xf32>, vector<1000x128xf32> -> vector<1000x128xf32>
    %get3A_30 = arith.constant 0 : index
    %get3A_31 = arith.constant 256 : index
    %get3A_32 = vector.load %arg3[%get3A_30, %get3A_31] : memref<1x512xf32, #tpu.memory_space<vmem>>, vector<1x128xf32>
    %add3A_33 = vector.broadcast %get3A_32 : vector<1x128xf32> to vector<1000x128xf32>
    %add3A_34 = arith.addf %dot_general3A_29, %add3A_33 : vector<1000x128xf32>
    %swap3A_35 = arith.constant 0 : index
    %swap3A_36 = arith.constant 0 : index
    %swap3A_37 = vector.load %arg6[%swap3A_35, %swap3A_36] : memref<1000x128xf32, #tpu.memory_space<vmem>>, vector<1000x128xf32>
    tpu.vector_store %arg6[%swap3A_35, %swap3A_36], %add3A_34 {strides = array<i32>} : memref<1000x128xf32, #tpu.memory_space<vmem>>, vector<1000x128xf32>,
    %get3A_38 = arith.constant 0 : index
    %get3A_39 = arith.constant 384 : index
    %get3A_40 = vector.load %arg2[%get3A_38, %get3A_39] : memref<256x512xf32, #tpu.memory_space<vmem>>, vector<256x128xf32>
    %dot_general3A_41 = arith.constant dense<0.000000e+00> : vector<1000x128xf32>
    %dot_general3A_42 = tpu.matmul %get3A_1, %get3A_40, %dot_general3A_41 {dimension_numbers = #tpu.dot_dimension_numbers<[1], [0], [0], [1], [0, 0, 1, 1], [], []>, transpose_lhs_hint = false} : vector<1000x256xf32>, vector<256x128xf32>, vector<1000x128xf32> -> vector<1000x128xf32>
    %get3A_43 = arith.constant 0 : index
    %get3A_44 = arith.constant 384 : index
    %get3A_45 = vector.load %arg3[%get3A_43, %get3A_44] : memref<1x512xf32, #tpu.memory_space<vmem>>, vector<1x128xf32>
    %add3A_46 = vector.broadcast %get3A_45 : vector<1x128xf32> to vector<1000x128xf32>
    %add3A_47 = arith.addf %dot_general3A_42, %add3A_46 : vector<1000x128xf32>
    %swap3A_48 = arith.constant 0 : index
    %swap3A_49 = arith.constant 0 : index
    %swap3A_50 = vector.load %arg7[%swap3A_48, %swap3A_49] : memref<1000x128xf32, #tpu.memory_space<vmem>>, vector<1000x128xf32>
    tpu.vector_store %arg7[%swap3A_48, %swap3A_49], %add3A_47 {strides = array<i32>} : memref<1000x128xf32, #tpu.memory_space<vmem>>, vector<1000x128xf32>,
    return
  }
  func.func @transform_0(%arg0: i32) -> (i32, i32) {
    %c0_i32 = arith.constant 0 : i32
    %c0_i32_0 = arith.constant 0 : i32
    return %arg0, %c0_i32 : i32, i32
  }
  func.func @transform_1(%arg0: i32) -> (i32, i32) {
    %c0_i32 = arith.constant 0 : i32
    %c0_i32_0 = arith.constant 0 : i32
    %c0_i32_1 = arith.constant 0 : i32
    return %c0_i32, %c0_i32_0 : i32, i32
  }
  func.func @transform_2(%arg0: i32) -> (i32, i32) {
    %c0_i32 = arith.constant 0 : i32
    %c0_i32_0 = arith.constant 0 : i32
    %c0_i32_1 = arith.constant 0 : i32
    return %c0_i32, %c0_i32_0 : i32, i32
  }
  func.func @transform_3(%arg0: i32) -> (i32, i32) {
    %c0_i32 = arith.constant 0 : i32
    %c0_i32_0 = arith.constant 0 : i32
    return %arg0, %c0_i32 : i32, i32
  }
  func.func @transform_4(%arg0: i32) -> (i32, i32) {
    %c0_i32 = arith.constant 0 : i32
    %c0_i32_0 = arith.constant 0 : i32
    return %arg0, %c0_i32 : i32, i32
  }
  func.func @transform_5(%arg0: i32) -> (i32, i32) {
    %c0_i32 = arith.constant 0 : i32
    %c0_i32_0 = arith.constant 0 : i32
    return %arg0, %c0_i32 : i32, i32
  }
  func.func @transform_6(%arg0: i32) -> (i32, i32) {
    %c0_i32 = arith.constant 0 : i32
    %c0_i32_0 = arith.constant 0 : i32
    return %arg0, %c0_i32 : i32, i32
  }
}

module attributes {stable_mosaic.version = 14 : i64} {
  func.func @_post_body(%arg0: i32, %arg1: memref<2x4x1000x128xf32, #tpu.memory_space<vmem>>, %arg2: memref<2x1000x128xf32, #tpu.memory_space<vmem>>, %arg3: memref<1000x256xf32, #tpu.memory_space<vmem>>, %arg4: memref<1x1x1000xf32, #tpu.memory_space<vmem>>, %arg5: memref<8x64xf32, #tpu.memory_space<vmem>>, %arg6: memref<512x512xf32, #tpu.memory_space<vmem>>, %arg7: memref<1x512xf32, #tpu.memory_space<vmem>>, %arg8: memref<832x512xf32, #tpu.memory_space<vmem>>, %arg9: memref<1x512xf32, #tpu.memory_space<vmem>>, %arg10: memref<512x256xf32, #tpu.memory_space<vmem>>, %arg11: memref<1x256xf32, #tpu.memory_space<vmem>>, %arg12: memref<1000x256xf32, #tpu.memory_space<vmem>>) attributes {dimension_semantics = [#tpu.dimension_semantics<arbitrary>], iteration_bounds = array<i64: 10>, scalar_prefetch = 0 : i64, scratch_operands = 0 : i64, tpu.core_type = #tpu.core_type<tc>, window_params = [{transform_indices = @transform_0, window_bounds = array<i64: 2, 4, 1000, 128>}, {transform_indices = @transform_1, window_bounds = array<i64: 2, 1000, 128>}, {transform_indices = @transform_2, window_bounds = array<i64: 1000, 256>}, {transform_indices = @transform_3, window_bounds = array<i64: 1, 1, 1000>}, {pipeline_mode = #tpu.pipeline_mode<synchronous>, transform_indices = @transform_4, window_bounds = array<i64: 8, 64>}, {pipeline_mode = #tpu.pipeline_mode<synchronous>, transform_indices = @transform_5, window_bounds = array<i64: 512, 512>}, {pipeline_mode = #tpu.pipeline_mode<synchronous>, transform_indices = @transform_6, window_bounds = array<i64: 1, 512>}, {pipeline_mode = #tpu.pipeline_mode<synchronous>, transform_indices = @transform_7, window_bounds = array<i64: 832, 512>}, {pipeline_mode = #tpu.pipeline_mode<synchronous>, transform_indices = @transform_8, window_bounds = array<i64: 1, 512>}, {pipeline_mode = #tpu.pipeline_mode<synchronous>, transform_indices = @transform_9, window_bounds = array<i64: 512, 256>}, {pipeline_mode = #tpu.pipeline_mode<synchronous>, transform_indices = @transform_10, window_bounds = array<i64: 1, 256>}, {transform_indices = @transform_11, window_bounds = array<i64: 1000, 256>}]} {
    %broadcast_in_dim3A = arith.constant 0.000000e+00 : f32
    %broadcast_in_dim3A_0 = vector.broadcast %broadcast_in_dim3A : f32 to vector<1000x512xf32>
    %get3A = arith.constant 0 : index
    %get3A_1 = arith.constant 0 : index
    %get3A_2 = arith.constant 0 : index
    %get3A_3 = arith.constant 0 : index
    %get3A_4 = vector.load %arg1[%get3A, %get3A_1, %get3A_2, %get3A_3] : memref<2x4x1000x128xf32, #tpu.memory_space<vmem>>, vector<1x1x1000x128xf32>
    %get3A_5 = vector.shape_cast %get3A_4 : vector<1x1x1000x128xf32> to vector<1000x128xf32>
    %get3A_6 = arith.constant 0 : index
    %get3A_7 = arith.constant 0 : index
    %get3A_8 = vector.load %arg6[%get3A_6, %get3A_7] : memref<512x512xf32, #tpu.memory_space<vmem>>, vector<128x512xf32>
    %dot_general3A = arith.constant dense<0.000000e+00> : vector<1000x512xf32>
    %dot_general3A_9 = tpu.matmul %get3A_5, %get3A_8, %dot_general3A {dimension_numbers = #tpu.dot_dimension_numbers<[1], [0], [0], [1], [0, 0, 1, 1], [], []>, transpose_lhs_hint = false} : vector<1000x128xf32>, vector<128x512xf32>, vector<1000x512xf32> -> vector<1000x512xf32>
    %add3A = arith.addf %broadcast_in_dim3A_0, %dot_general3A_9 : vector<1000x512xf32>
    %get3A_10 = arith.constant 0 : index
    %get3A_11 = arith.constant 1 : index
    %get3A_12 = arith.constant 0 : index
    %get3A_13 = arith.constant 0 : index
    %get3A_14 = vector.load %arg1[%get3A_10, %get3A_11, %get3A_12, %get3A_13] : memref<2x4x1000x128xf32, #tpu.memory_space<vmem>>, vector<1x1x1000x128xf32>
    %get3A_15 = vector.shape_cast %get3A_14 : vector<1x1x1000x128xf32> to vector<1000x128xf32>
    %get3A_16 = arith.constant 128 : index
    %get3A_17 = arith.constant 0 : index
    %get3A_18 = vector.load %arg6[%get3A_16, %get3A_17] : memref<512x512xf32, #tpu.memory_space<vmem>>, vector<128x512xf32>
    %dot_general3A_19 = arith.constant dense<0.000000e+00> : vector<1000x512xf32>
    %dot_general3A_20 = tpu.matmul %get3A_15, %get3A_18, %dot_general3A_19 {dimension_numbers = #tpu.dot_dimension_numbers<[1], [0], [0], [1], [0, 0, 1, 1], [], []>, transpose_lhs_hint = false} : vector<1000x128xf32>, vector<128x512xf32>, vector<1000x512xf32> -> vector<1000x512xf32>
    %add3A_21 = arith.addf %add3A, %dot_general3A_20 : vector<1000x512xf32>
    %get3A_22 = arith.constant 0 : index
    %get3A_23 = arith.constant 2 : index
    %get3A_24 = arith.constant 0 : index
    %get3A_25 = arith.constant 0 : index
    %get3A_26 = vector.load %arg1[%get3A_22, %get3A_23, %get3A_24, %get3A_25] : memref<2x4x1000x128xf32, #tpu.memory_space<vmem>>, vector<1x1x1000x128xf32>
    %get3A_27 = vector.shape_cast %get3A_26 : vector<1x1x1000x128xf32> to vector<1000x128xf32>
    %get3A_28 = arith.constant 256 : index
    %get3A_29 = arith.constant 0 : index
    %get3A_30 = vector.load %arg6[%get3A_28, %get3A_29] : memref<512x512xf32, #tpu.memory_space<vmem>>, vector<128x512xf32>
    %dot_general3A_31 = arith.constant dense<0.000000e+00> : vector<1000x512xf32>
    %dot_general3A_32 = tpu.matmul %get3A_27, %get3A_30, %dot_general3A_31 {dimension_numbers = #tpu.dot_dimension_numbers<[1], [0], [0], [1], [0, 0, 1, 1], [], []>, transpose_lhs_hint = false} : vector<1000x128xf32>, vector<128x512xf32>, vector<1000x512xf32> -> vector<1000x512xf32>
    %add3A_33 = arith.addf %add3A_21, %dot_general3A_32 : vector<1000x512xf32>
    %get3A_34 = arith.constant 0 : index
    %get3A_35 = arith.constant 3 : index
    %get3A_36 = arith.constant 0 : index
    %get3A_37 = arith.constant 0 : index
    %get3A_38 = vector.load %arg1[%get3A_34, %get3A_35, %get3A_36, %get3A_37] : memref<2x4x1000x128xf32, #tpu.memory_space<vmem>>, vector<1x1x1000x128xf32>
    %get3A_39 = vector.shape_cast %get3A_38 : vector<1x1x1000x128xf32> to vector<1000x128xf32>
    %get3A_40 = arith.constant 384 : index
    %get3A_41 = arith.constant 0 : index
    %get3A_42 = vector.load %arg6[%get3A_40, %get3A_41] : memref<512x512xf32, #tpu.memory_space<vmem>>, vector<128x512xf32>
    %dot_general3A_43 = arith.constant dense<0.000000e+00> : vector<1000x512xf32>
    %dot_general3A_44 = tpu.matmul %get3A_39, %get3A_42, %dot_general3A_43 {dimension_numbers = #tpu.dot_dimension_numbers<[1], [0], [0], [1], [0, 0, 1, 1], [], []>, transpose_lhs_hint = false} : vector<1000x128xf32>, vector<128x512xf32>, vector<1000x512xf32> -> vector<1000x512xf32>
    %add3A_45 = arith.addf %add3A_33, %dot_general3A_44 : vector<1000x512xf32>
    %get3A_46 = arith.constant 1 : index
    %get3A_47 = arith.constant 0 : index
    %get3A_48 = arith.constant 0 : index
    %get3A_49 = arith.constant 0 : index
    %get3A_50 = vector.load %arg1[%get3A_46, %get3A_47, %get3A_48, %get3A_49] : memref<2x4x1000x128xf32, #tpu.memory_space<vmem>>, vector<1x1x1000x128xf32>
    %get3A_51 = vector.shape_cast %get3A_50 : vector<1x1x1000x128xf32> to vector<1000x128xf32>
    %get3A_52 = arith.constant 0 : index
    %get3A_53 = arith.constant 0 : index
    %get3A_54 = vector.load %arg6[%get3A_52, %get3A_53] : memref<512x512xf32, #tpu.memory_space<vmem>>, vector<128x512xf32>
    %dot_general3A_55 = arith.constant dense<0.000000e+00> : vector<1000x512xf32>
    %dot_general3A_56 = tpu.matmul %get3A_51, %get3A_54, %dot_general3A_55 {dimension_numbers = #tpu.dot_dimension_numbers<[1], [0], [0], [1], [0, 0, 1, 1], [], []>, transpose_lhs_hint = false} : vector<1000x128xf32>, vector<128x512xf32>, vector<1000x512xf32> -> vector<1000x512xf32>
    %add3A_57 = arith.addf %add3A_45, %dot_general3A_56 : vector<1000x512xf32>
    %get3A_58 = arith.constant 1 : index
    %get3A_59 = arith.constant 1 : index
    %get3A_60 = arith.constant 0 : index
    %get3A_61 = arith.constant 0 : index
    %get3A_62 = vector.load %arg1[%get3A_58, %get3A_59, %get3A_60, %get3A_61] : memref<2x4x1000x128xf32, #tpu.memory_space<vmem>>, vector<1x1x1000x128xf32>
    %get3A_63 = vector.shape_cast %get3A_62 : vector<1x1x1000x128xf32> to vector<1000x128xf32>
    %get3A_64 = arith.constant 128 : index
    %get3A_65 = arith.constant 0 : index
    %get3A_66 = vector.load %arg6[%get3A_64, %get3A_65] : memref<512x512xf32, #tpu.memory_space<vmem>>, vector<128x512xf32>
    %dot_general3A_67 = arith.constant dense<0.000000e+00> : vector<1000x512xf32>
    %dot_general3A_68 = tpu.matmul %get3A_63, %get3A_66, %dot_general3A_67 {dimension_numbers = #tpu.dot_dimension_numbers<[1], [0], [0], [1], [0, 0, 1, 1], [], []>, transpose_lhs_hint = false} : vector<1000x128xf32>, vector<128x512xf32>, vector<1000x512xf32> -> vector<1000x512xf32>
    %add3A_69 = arith.addf %add3A_57, %dot_general3A_68 : vector<1000x512xf32>
    %get3A_70 = arith.constant 1 : index
    %get3A_71 = arith.constant 2 : index
    %get3A_72 = arith.constant 0 : index
    %get3A_73 = arith.constant 0 : index
    %get3A_74 = vector.load %arg1[%get3A_70, %get3A_71, %get3A_72, %get3A_73] : memref<2x4x1000x128xf32, #tpu.memory_space<vmem>>, vector<1x1x1000x128xf32>
    %get3A_75 = vector.shape_cast %get3A_74 : vector<1x1x1000x128xf32> to vector<1000x128xf32>
    %get3A_76 = arith.constant 256 : index
    %get3A_77 = arith.constant 0 : index
    %get3A_78 = vector.load %arg6[%get3A_76, %get3A_77] : memref<512x512xf32, #tpu.memory_space<vmem>>, vector<128x512xf32>
    %dot_general3A_79 = arith.constant dense<0.000000e+00> : vector<1000x512xf32>
    %dot_general3A_80 = tpu.matmul %get3A_75, %get3A_78, %dot_general3A_79 {dimension_numbers = #tpu.dot_dimension_numbers<[1], [0], [0], [1], [0, 0, 1, 1], [], []>, transpose_lhs_hint = false} : vector<1000x128xf32>, vector<128x512xf32>, vector<1000x512xf32> -> vector<1000x512xf32>
    %add3A_81 = arith.addf %add3A_69, %dot_general3A_80 : vector<1000x512xf32>
    %get3A_82 = arith.constant 1 : index
    %get3A_83 = arith.constant 3 : index
    %get3A_84 = arith.constant 0 : index
    %get3A_85 = arith.constant 0 : index
    %get3A_86 = vector.load %arg1[%get3A_82, %get3A_83, %get3A_84, %get3A_85] : memref<2x4x1000x128xf32, #tpu.memory_space<vmem>>, vector<1x1x1000x128xf32>
    %get3A_87 = vector.shape_cast %get3A_86 : vector<1x1x1000x128xf32> to vector<1000x128xf32>
    %get3A_88 = arith.constant 384 : index
    %get3A_89 = arith.constant 0 : index
    %get3A_90 = vector.load %arg6[%get3A_88, %get3A_89] : memref<512x512xf32, #tpu.memory_space<vmem>>, vector<128x512xf32>
    %dot_general3A_91 = arith.constant dense<0.000000e+00> : vector<1000x512xf32>
    %dot_general3A_92 = tpu.matmul %get3A_87, %get3A_90, %dot_general3A_91 {dimension_numbers = #tpu.dot_dimension_numbers<[1], [0], [0], [1], [0, 0, 1, 1], [], []>, transpose_lhs_hint = false} : vector<1000x128xf32>, vector<128x512xf32>, vector<1000x512xf32> -> vector<1000x512xf32>
    %add3A_93 = arith.addf %add3A_81, %dot_general3A_92 : vector<1000x512xf32>
    %get3A_94 = arith.constant 0 : index
    %get3A_95 = arith.constant 0 : index
    %get3A_96 = arith.constant 0 : index
    %get3A_97 = vector.load %arg2[%get3A_94, %get3A_95, %get3A_96] : memref<2x1000x128xf32, #tpu.memory_space<vmem>>, vector<1x1000x128xf32>
    %get3A_98 = vector.shape_cast %get3A_97 : vector<1x1000x128xf32> to vector<1000x128xf32>
    %get3A_99 = arith.constant 1 : index
    %get3A_100 = arith.constant 0 : index
    %get3A_101 = arith.constant 0 : index
    %get3A_102 = vector.load %arg2[%get3A_99, %get3A_100, %get3A_101] : memref<2x1000x128xf32, #tpu.memory_space<vmem>>, vector<1x1000x128xf32>
    %get3A_103 = vector.shape_cast %get3A_102 : vector<1x1000x128xf32> to vector<1000x128xf32>
    %add3A_104 = arith.addf %get3A_98, %get3A_103 : vector<1000x128xf32>
    %slice3A = vector.extract_strided_slice %add3A_104 {offsets = [0, 0], sizes = [1000, 1], strides = [1, 1]} : vector<1000x128xf32> to vector<1000x1xf32>
    %get3A_105 = arith.constant 0 : index
    %get3A_106 = arith.constant 0 : index
    %get3A_107 = vector.load %arg7[%get3A_105, %get3A_106] : memref<1x512xf32, #tpu.memory_space<vmem>>, vector<1x512xf32>
    %mul3A = vector.broadcast %slice3A : vector<1000x1xf32> to vector<1000x512xf32>
    %mul3A_108 = vector.broadcast %get3A_107 : vector<1x512xf32> to vector<1000x512xf32>
    %mul3A_109 = arith.mulf %mul3A, %mul3A_108 : vector<1000x512xf32>
    %add3A_110 = arith.addf %add3A_93, %mul3A_109 : vector<1000x512xf32>
    %max3A = arith.constant 1.000000e+00 : f32
    %max3A_111 = vector.broadcast %max3A : f32 to vector<1000x1xf32>
    %max3A_112 = arith.maximumf %slice3A, %max3A_111 : vector<1000x1xf32>
    %div3A = vector.broadcast %max3A_112 : vector<1000x1xf32> to vector<1000x512xf32>
    %div3A_113 = arith.divf %add3A_110, %div3A : vector<1000x512xf32>
    %get3A_114 = arith.constant 0 : index
    %get3A_115 = arith.constant 0 : index
    %get3A_116 = vector.load %arg5[%get3A_114, %get3A_115] : memref<8x64xf32, #tpu.memory_space<vmem>>, vector<8x64xf32>
    %get3A_117 = arith.constant 768 : index
    %get3A_118 = arith.constant 0 : index
    %get3A_119 = vector.load %arg8[%get3A_117, %get3A_118] : memref<832x512xf32, #tpu.memory_space<vmem>>, vector<64x512xf32>
    %dot_general3A_120 = arith.constant dense<0.000000e+00> : vector<8x512xf32>
    %dot_general3A_121 = tpu.matmul %get3A_116, %get3A_119, %dot_general3A_120 {dimension_numbers = #tpu.dot_dimension_numbers<[1], [0], [0], [1], [0, 0, 1, 1], [], []>, transpose_lhs_hint = false} : vector<8x64xf32>, vector<64x512xf32>, vector<8x512xf32> -> vector<8x512xf32>
    %get3A_122 = arith.constant 0 : index
    %get3A_123 = arith.constant 0 : index
    %get3A_124 = arith.constant 0 : index
    %get3A_125 = vector.load %arg4[%get3A_122, %get3A_123, %get3A_124] : memref<1x1x1000xf32, #tpu.memory_space<vmem>>, vector<1x1x1000xf32>
    %get3A_126 = vector.shape_cast %get3A_125 : vector<1x1x1000xf32> to vector<1x1000xf32>
    %iota3A = tpu.iota {dimensions = array<i32: 0>} : vector<8x1000xi32>
    %convert_element_type3A = arith.sitofp %iota3A : vector<8x1000xi32> to vector<8x1000xf32>
    %eq3A = vector.broadcast %get3A_126 : vector<1x1000xf32> to vector<8x1000xf32>
    %eq3A_127 = arith.cmpf oeq, %convert_element_type3A, %eq3A : vector<8x1000xf32>
    %convert_element_type3A_128 = arith.extui %eq3A_127 : vector<8x1000xi1> to vector<8x1000xi32>
    %convert_element_type3A_129 = arith.sitofp %convert_element_type3A_128 : vector<8x1000xi32> to vector<8x1000xf32>
    %dot_general3A_130 = arith.constant dense<0.000000e+00> : vector<1000x512xf32>
    %dot_general3A_131 = tpu.matmul %convert_element_type3A_129, %dot_general3A_121, %dot_general3A_130 {dimension_numbers = #tpu.dot_dimension_numbers<[0], [0], [1], [1], [0, 1, 1, 1], [], []>, transpose_lhs_hint = false} : vector<8x1000xf32>, vector<8x512xf32>, vector<1000x512xf32> -> vector<1000x512xf32>
    %get3A_132 = arith.constant 0 : index
    %get3A_133 = arith.constant 0 : index
    %get3A_134 = vector.load %arg3[%get3A_132, %get3A_133] : memref<1000x256xf32, #tpu.memory_space<vmem>>, vector<1000x256xf32>
    %get3A_135 = arith.constant 0 : index
    %get3A_136 = arith.constant 0 : index
    %get3A_137 = vector.load %arg8[%get3A_135, %get3A_136] : memref<832x512xf32, #tpu.memory_space<vmem>>, vector<256x512xf32>
    %dot_general3A_138 = arith.constant dense<0.000000e+00> : vector<1000x512xf32>
    %dot_general3A_139 = tpu.matmul %get3A_134, %get3A_137, %dot_general3A_138 {dimension_numbers = #tpu.dot_dimension_numbers<[1], [0], [0], [1], [0, 0, 1, 1], [], []>, transpose_lhs_hint = false} : vector<1000x256xf32>, vector<256x512xf32>, vector<1000x512xf32> -> vector<1000x512xf32>
    %get3A_140 = arith.constant 256 : index
    %get3A_141 = arith.constant 0 : index
    %get3A_142 = vector.load %arg8[%get3A_140, %get3A_141] : memref<832x512xf32, #tpu.memory_space<vmem>>, vector<512x512xf32>
    %dot_general3A_143 = arith.constant dense<0.000000e+00> : vector<1000x512xf32>
    %dot_general3A_144 = tpu.matmul %div3A_113, %get3A_142, %dot_general3A_143 {dimension_numbers = #tpu.dot_dimension_numbers<[1], [0], [0], [1], [0, 0, 1, 1], [], []>, transpose_lhs_hint = false} : vector<1000x512xf32>, vector<512x512xf32>, vector<1000x512xf32> -> vector<1000x512xf32>
    %add3A_145 = arith.addf %dot_general3A_139, %dot_general3A_144 : vector<1000x512xf32>
    %add3A_146 = arith.addf %add3A_145, %dot_general3A_131 : vector<1000x512xf32>
    %get3A_147 = arith.constant 0 : index
    %get3A_148 = arith.constant 0 : index
    %get3A_149 = vector.load %arg9[%get3A_147, %get3A_148] : memref<1x512xf32, #tpu.memory_space<vmem>>, vector<1x512xf32>
    %add3A_150 = vector.broadcast %get3A_149 : vector<1x512xf32> to vector<1000x512xf32>
    %add3A_151 = arith.addf %add3A_146, %add3A_150 : vector<1000x512xf32>
    %max3A_152 = arith.constant 0.000000e+00 : f32
    %max3A_153 = vector.broadcast %max3A_152 : f32 to vector<1000x512xf32>
    %max3A_154 = arith.maximumf %add3A_151, %max3A_153 : vector<1000x512xf32>
    %get3A_155 = arith.constant 0 : index
    %get3A_156 = arith.constant 0 : index
    %get3A_157 = vector.load %arg10[%get3A_155, %get3A_156] : memref<512x256xf32, #tpu.memory_space<vmem>>, vector<512x256xf32>
    %dot_general3A_158 = arith.constant dense<0.000000e+00> : vector<1000x256xf32>
    %dot_general3A_159 = tpu.matmul %max3A_154, %get3A_157, %dot_general3A_158 {dimension_numbers = #tpu.dot_dimension_numbers<[1], [0], [0], [1], [0, 0, 1, 1], [], []>, transpose_lhs_hint = false} : vector<1000x512xf32>, vector<512x256xf32>, vector<1000x256xf32> -> vector<1000x256xf32>
    %get3A_160 = arith.constant 0 : index
    %get3A_161 = arith.constant 0 : index
    %get3A_162 = vector.load %arg11[%get3A_160, %get3A_161] : memref<1x256xf32, #tpu.memory_space<vmem>>, vector<1x256xf32>
    %add3A_163 = vector.broadcast %get3A_162 : vector<1x256xf32> to vector<1000x256xf32>
    %add3A_164 = arith.addf %dot_general3A_159, %add3A_163 : vector<1000x256xf32>
    %swap3A = arith.constant 0 : index
    %swap3A_165 = arith.constant 0 : index
    %swap3A_166 = vector.load %arg12[%swap3A, %swap3A_165] : memref<1000x256xf32, #tpu.memory_space<vmem>>, vector<1000x256xf32>
    tpu.vector_store %arg12[%swap3A, %swap3A_165], %add3A_164 {strides = array<i32>} : memref<1000x256xf32, #tpu.memory_space<vmem>>, vector<1000x256xf32>,
    return
  }
  func.func @transform_0(%arg0: i32) -> (i32, i32, i32, i32) {
    %c0_i32 = arith.constant 0 : i32
    %c0_i32_0 = arith.constant 0 : i32
    %c0_i32_1 = arith.constant 0 : i32
    %c0_i32_2 = arith.constant 0 : i32
    return %c0_i32, %c0_i32_0, %arg0, %c0_i32_1 : i32, i32, i32, i32
  }
  func.func @transform_1(%arg0: i32) -> (i32, i32, i32) {
    %c0_i32 = arith.constant 0 : i32
    %c0_i32_0 = arith.constant 0 : i32
    %c0_i32_1 = arith.constant 0 : i32
    return %c0_i32, %arg0, %c0_i32_0 : i32, i32, i32
  }
  func.func @transform_2(%arg0: i32) -> (i32, i32) {
    %c0_i32 = arith.constant 0 : i32
    %c0_i32_0 = arith.constant 0 : i32
    return %arg0, %c0_i32 : i32, i32
  }
  func.func @transform_3(%arg0: i32) -> (i32, i32, i32) {
    %c0_i32 = arith.constant 0 : i32
    %c0_i32_0 = arith.constant 0 : i32
    %c0_i32_1 = arith.constant 0 : i32
    return %arg0, %c0_i32, %c0_i32_0 : i32, i32, i32
  }
  func.func @transform_4(%arg0: i32) -> (i32, i32) {
    %c0_i32 = arith.constant 0 : i32
    %c0_i32_0 = arith.constant 0 : i32
    %c0_i32_1 = arith.constant 0 : i32
    return %c0_i32, %c0_i32_0 : i32, i32
  }
  func.func @transform_5(%arg0: i32) -> (i32, i32) {
    %c0_i32 = arith.constant 0 : i32
    %c0_i32_0 = arith.constant 0 : i32
    %c0_i32_1 = arith.constant 0 : i32
    return %c0_i32, %c0_i32_0 : i32, i32
  }
  func.func @transform_6(%arg0: i32) -> (i32, i32) {
    %c0_i32 = arith.constant 0 : i32
    %c0_i32_0 = arith.constant 0 : i32
    %c0_i32_1 = arith.constant 0 : i32
    return %c0_i32, %c0_i32_0 : i32, i32
  }
  func.func @transform_7(%arg0: i32) -> (i32, i32) {
    %c0_i32 = arith.constant 0 : i32
    %c0_i32_0 = arith.constant 0 : i32
    %c0_i32_1 = arith.constant 0 : i32
    return %c0_i32, %c0_i32_0 : i32, i32
  }
  func.func @transform_8(%arg0: i32) -> (i32, i32) {
    %c0_i32 = arith.constant 0 : i32
    %c0_i32_0 = arith.constant 0 : i32
    %c0_i32_1 = arith.constant 0 : i32
    return %c0_i32, %c0_i32_0 : i32, i32
  }
  func.func @transform_9(%arg0: i32) -> (i32, i32) {
    %c0_i32 = arith.constant 0 : i32
    %c0_i32_0 = arith.constant 0 : i32
    %c0_i32_1 = arith.constant 0 : i32
    return %c0_i32, %c0_i32_0 : i32, i32
  }
  func.func @transform_10(%arg0: i32) -> (i32, i32) {
    %c0_i32 = arith.constant 0 : i32
    %c0_i32_0 = arith.constant 0 : i32
    %c0_i32_1 = arith.constant 0 : i32
    return %c0_i32, %c0_i32_0 : i32, i32
  }
  func.func @transform_11(%arg0: i32) -> (i32, i32) {
    %c0_i32 = arith.constant 0 : i32
    %c0_i32_0 = arith.constant 0 : i32
    return %arg0, %c0_i32 : i32, i32
  }
}

</mosaic_0001>

<sc_bundles>
// kernel: kernel.6.cloned.1.call-start
scs
__scs_entry_jumppad:
0x0: {  	(pc) =	sbr.rel $0x88, $3  }
0x1: {  	(tag) =	ssettag $0x0;
	lr =	simm.s32 $0x1  }
0x2: {  	[smem:$0x3F94] =	sst lr;
	_ =	strace $0xD0000000  }
0x3: {  	_ = 	snop  }
0x4: {  	_ = 	snop  }
0x5: {  	_ = 	snop  }
0x6: {  	_ = 	snop  }
0x7: {  	_ = 	snop  }
__scs_overlays_trampoline_lowered:
0x8: {  	[smem:$0x3FA3] =	sst s0  }
0x9: {  	[smem:$0x3FA4] =	sst s1  }
0xa: {  	[smem:$0x3FA5] =	sst s2  }
0xb: {  	[smem:$0x3FA6] =	sst s3  }
0xc: {  	[smem:$0x3FA7] =	sst s4  }
0xd: {  	[smem:$0x3FA8] =	sst s5  }
0xe: {  	[smem:$0x3FA9] =	sst s6  }
0xf: {  	[smem:$0x3FAA] =	sst s7  }
0x10: {  	[smem:$0x3FAB] =	sst s8  }
0x11: {  	[smem:$0x3FAC] =	sst s9;
	s0 =	simm.s32 @!p0 $0x0  }
0x12: {  	s1 =	sld [smem:$0x3F92];
	s0 =	simm.s32 @p0 $0x1  }
0x13: {  	[smem:$0x3FAD] =	sst s0;
	s0 =	simm.s32 @!p1 $0x0  }
0x14: {  	s2 =	sld [smem:$0x3F91];
	s0 =	simm.s32 @p1 $0x1  }
0x15: {  	[smem:$0x3FAE] =	sst s0;
	s0 =	simm.s32 @!p2 $0x0  }
0x16: {  	s3 =	sld [smem:$0x3FDB];
	s0 =	simm.s32 @p2 $0x1  }
0x17: {  	s4 =	simm.s32 $0x1BF5;
	[smem:$0x3FB0] =	sst s0  }
0x18: {  	s0 =	sld [smem:$0x3F93];
	_ =	swait.ge [sflag:s4], $0x0  }
0x19: {  	s7 =	sld [smem:$0x3F94]  }
0x1a: {  	s8 =	sadd.s32 $0xFFFFE003, lr  }
0x1b: {  	s9 =	sadd.s32 $0xFFFFFEF7, lr;
	s5 =	simm.s32 $0xFFFFFFFF;
	p2 =	slt.u32 s8, $0xFFFFF086  }
0x1c: {  	p1 =	slt.u32 s9, $0xF7A;
	s5 =	simm.s32 @!p2 $0x0  }
0x1d: {  	s5 =	simm.s32 @p1 $0x1;
	p0 =	seq.s32 s7, s2  }
0x1e: {  	s7 =	smul.u32 @!p0 $0xF7A, s2;
	p2 =	seq.s32 @!p0 s5, $0x0  }
0x1f: {  	s9 =	smul.u32 $0xF7A, s1;
	s8 =	simm.s32 @!p0 $0x1BF5;
	p2 =	por !p2, p0  }
0x20: {  	[sflag:s8] =	ssyncset.s32 @!p0 $0xFFFFF086;
	s6 =	sadd.s32 @!p0 s3, s7;
	s7 =	simm.s32 @!p0 $0x108  }
0x21: {  	s3 =	sadd.s32 s3, s9;
	s6 =	sadd.s32 @!p0 $0x88, s6;
	s7 =	simm.s32 @p2 $0x1082  }
0x22: {  	[simem:s7], [sflag:s8] =	dma.local @!p0 [hbm:s6], $0xF7A  }
0x23: {  	s9 =	sor.u32 $0xD0000000, s2;
	s6 =	simm.s32 $0x108;
	_ =	swait.ge @!p0 [sflag:s8], $0x0  }
0x24: {  	s3 =	sadd.s32 $0x88, s3;
	s6 =	simm.s32 @!p1 $0x1082;
	[sflag:s4] =	ssyncset.s32 $0xFFFFF086  }
0x25: {  	[simem:s6], [sflag:s4] =	dma.local [hbm:s3], $0xF7A  }
0x26: {  	[smem:$0x3F94] =	sst s1;
	(tag) =	ssettag s2;
	_ =	strace s9  }
0x27: {  	s1 =	sld [smem:$0x3FA4]  }
0x28: {  	s2 =	sld [smem:$0x3FA5]  }
0x29: {  	s4 =	sld [smem:$0x3FA7]  }
0x2a: {  	p0 =	seq.s32 s5, $0x0;
	s5 =	sld [smem:$0x3FA8]  }
0x2b: {  	s6 =	sld [smem:$0x3FA9]  }
0x2c: {  	s7 =	sld [smem:$0x3FAA]  }
0x2d: {  	s3 =	simm.s32 $0x108;
	s8 =	sld [smem:$0x3FAB]  }
0x2e: {  	s3 =	simm.s32 @!p0 $0x1082;
	s9 =	sld [smem:$0x3FAC]  }
0x2f: {  	lr =	sadd.s32 s0, s3;
	s0 =	sld [smem:$0x3FA3]  }
0x30: {  	s3 =	sld [smem:$0x3FA6]  }
0x31: {  	[smem:$0x3FAF] =	sst s10  }
0x32: {  	s10 =	sld [smem:$0x3FAD];
	_ =	sdelay $0x3  }
0x33: {  	p0 =	seq.s32 s10, $0x1;
	s10 =	sld [smem:$0x3FAF];
	_ =	sdelay $0x3  }
0x34: {  	[smem:$0x3FAF] =	sst s10  }
0x35: {  	s10 =	sld [smem:$0x3FAE];
	_ =	sdelay $0x3  }
0x36: {  	p1 =	seq.s32 s10, $0x1;
	s10 =	sld [smem:$0x3FAF];
	_ =	sdelay $0x3  }
0x37: {  	[smem:$0x3FAF] =	sst s10  }
0x38: {  	s10 =	sld [smem:$0x3FB0]  }
0x39: {  	_ = 	snop;
	(pc) =	sbr.ind lr, $3  }
0x3a: {  	_ = 	snop  }
0x3b: {  	_ = 	snop  }
0x3c: {  	p2 =	seq.s32 s10, $0x1;
	s10 =	sld [smem:$0x3FAF]  }
0x3d: {  	_ =	shalt  }
0x3e: {  	_ =	shalt  }
0x3f: {  	_ =	shalt  }
0x40: {  	_ =	shalt  }
0x41: {  	_ =	shalt  }
0x42: {  	_ =	shalt  }
0x43: {  	_ =	shalt  }
0x44: {  	_ =	shalt  }
0x45: {  	_ =	shalt  }
0x46: {  	_ =	shalt  }
0x47: {  	_ =	shalt  }
0x48: {  	_ =	shalt  }
0x49: {  	_ =	shalt  }
0x4a: {  	_ =	shalt  }
0x4b: {  	_ =	shalt  }
0x4c: {  	_ =	shalt  }
0x4d: {  	_ =	shalt  }
0x4e: {  	_ =	shalt  }
0x4f: {  	_ =	shalt  }
0x50: {  	_ =	shalt  }
0x51: {  	_ =	shalt  }
0x52: {  	_ =	shalt  }
0x53: {  	_ =	shalt  }
0x54: {  	_ =	shalt  }
0x55: {  	_ =	shalt  }
0x56: {  	_ =	shalt  }
0x57: {  	_ =	shalt  }
0x58: {  	_ =	shalt  }
0x59: {  	_ =	shalt  }
0x5a: {  	_ =	shalt  }
0x5b: {  	_ =	shalt  }
0x5c: {  	_ =	shalt  }
0x5d: {  	_ =	shalt  }
0x5e: {  	_ =	shalt  }
0x5f: {  	_ =	shalt  }
0x60: {  	_ =	shalt  }
0x61: {  	_ =	shalt  }
0x62: {  	_ =	shalt  }
0x63: {  	_ =	shalt  }
0x64: {  	_ =	shalt  }
0x65: {  	_ =	shalt  }
0x66: {  	_ =	shalt  }
0x67: {  	_ =	shalt  }
0x68: {  	_ =	shalt  }
0x69: {  	_ =	shalt  }
0x6a: {  	_ =	shalt  }
0x6b: {  	_ =	shalt  }
0x6c: {  	_ =	shalt  }
0x6d: {  	_ =	shalt  }
0x6e: {  	_ =	shalt  }
0x6f: {  	_ =	shalt  }
0x70: {  	_ =	shalt  }
0x71: {  	_ =	shalt  }
0x72: {  	_ =	shalt  }
0x73: {  	_ =	shalt  }
0x74: {  	_ =	shalt  }
0x75: {  	_ =	shalt  }
0x76: {  	_ =	shalt  }
0x77: {  	_ =	shalt  }
0x78: {  	_ =	shalt  }
0x79: {  	_ =	shalt  }
0x7a: {  	_ =	shalt  }
0x7b: {  	_ =	shalt  }
0x7c: {  	_ =	shalt  }
0x7d: {  	_ =	shalt  }
0x7e: {  	_ =	shalt  }
0x7f: {  	_ =	shalt  }
0x80: {  	_ =	shalt  }
0x81: {  	_ =	shalt  }
0x82: {  	_ =	shalt  }
0x83: {  	_ =	shalt  }
0x84: {  	_ =	shalt  }
0x85: {  	_ =	shalt  }
0x86: {  	_ =	shalt  }
0x87: {  	_ =	shalt  }
.Lfunc_end0:
.L_simem_size_0:
called_computation_lowered:
.L_overlay_start_0:
0x88: {  	s2 =	sld [smem:$0x3FD9]  }
0x89: {  	s3 =	sld [smem:$0x3FFE];
	_ =	sdelay $0x1  }
0x8a: {  	s1 =	srdreg.scid  }
0x8b: {  	s0 =	sand.u32 $0x1, s1  }
0x8c: {  	s17 =	sshll.u32 s0, $0xA;
	s2 =	sadd.s32 s3, s2  }
0x8d: {  	s2 =	sadd.s32 s2, s17  }
0x8e: {  	[smem:$0x3FBB] =	sst s2  }
0x8f: {  	_ = 	snop  }
0x90: {  	s2 =	sld [smem:$0x3FD0];
	(tm) =	ssettm $0x1  }
0x91: {  	s18 =	sld [smem:$0x3FFB];
	_ =	sdelay $0x3  }
0x92: {  	_ =	strace s18  }
0x93: {  	s3 =	sld [smem:$0x3FFC];
	_ =	sdelay $0x3  }
0x94: {  	_ =	strace s3  }
0x95: {  	s3 =	sld [smem:$0x3FFD];
	_ =	sdelay $0x3  }
0x96: {  	_ =	strace s3  }
0x97: {  	_ =	strace $0x8FFFFFFF  }
0x98: {  	s19 =	sld [smem:$0x3FDB];
	_ =	sdelay $0x1  }
0x99: {  	s4 =	simm.s32 $_scs_section_size  }
0x9a: {  	s5 =	simm.s32 $_size__tile_overlayer_lowered;
	s6 =	simm.s32 $_tile_overlayer_lowered  }
0x9b: {  	s22 =	simm.s32 $0x1BFF;
	s21 =	sshll.u32 s6, $0x1;
	s3 =	sadd.s32 s4, s19  }
0x9c: {  	s7 =	simm.s32 $0x0;
	s20 =	sshll.u32 s5, $0x1;
	s5 =	sadd.s32 s21, s3  }
0x9d: {  	[timem:s7], [sflag:s22] =	dma.local [hbm:s5], s20  }
0x9e: {  	_ =	swait.ge [sflag:s22], s20  }
0x9f: {  	s4 =	ssub.s32 $0x0, s20;
	[sflag:s22] =	ssyncset.done $0x0  }
0xa0: {  	[sflag:s22] =	ssyncadd.s32 s4;
	_ =	sdelay $0x1  }
0xa1: {  	s23 =	simm.s32 $0x1B8B  }
0xa2: {  	_ =	swait.ge [sflag:s23], $0x1  }
0xa3: {  	[sflag:s23] =	ssyncset.done $0x0  }
0xa4: {  	s25 =	simm.s32 $0x1B8E;
	s24 =	sld [smem:$0x3FFE];
	[sflag:s23] =	ssyncadd.s32 $0xFFFFFFFF  }
0xa5: {  	s26 =	simm.s32 $execute0_lowered;
	[smem:$0x3FD2] =	sst s25  }
0xa6: {  	s5 =	sshll.u32 s26, $0x1;
	_ =	strace $0x80000046;
	[dreg:$0x1] =	wrdreg $0xFFFFFFFF  }
0xa7: {  	s28 =	simm.s32 $_size_execute0_lowered;
	s3 =	sadd.s32 s3, s5;
	[dreg:$0x0] =	wrdreg $0x0  }
0xa8: {  	s5 =	sshll.u32 s28, $0x1;
	[dreg:$0x2] =	wrdreg s3  }
0xa9: {  	[dreg:$0x3] =	wrdreg s5  }
0xaa: {  	[dreg:$0x4] =	wrdreg $0xC0  }
0xab: {  	_ =	task [dreg:s7], $0x5FFFF  }
0xac: {  	[dreg:$0x1] =	wrdreg $0xFFFFFFFF  }
0xad: {  	[dreg:$0x0] =	wrdreg $0x60  }
0xae: {  	[dreg:$0x2] =	wrdreg s2  }
0xaf: {  	[dreg:$0x3] =	wrdreg s24  }
0xb0: {  	[dreg:$0x4] =	wrdreg $0x8A800  }
0xb1: {  	[dreg:$0x5] =	wrdreg $0x9  }
0xb2: {  	_ =	task.clear_ibuf [dreg:s7], $0x6FFFF;
	_ =	strace $0x90000046  }
0xb3: {  	s29 =	simm.s32 $0x9;
	_ =	strace $0x80000048  }
0xb4: {  	_ =	swait.ge [sflag:s29], $0x1  }
0xb5: {  	[sflag:s29] =	ssyncadd.s32 $0xFFFFFFFF  }
0xb6: {  	_ =	strace $0x90000048  }
0xb7: {  	_ =	sfence  }
0xb8: {  	s30 =	sld [smem:$0x0];
	_ =	sdelay $0x2  }
0xb9: {  	s31 =	sshll.u32 s1, $0xD;
	s1 =	sshrl.u32 s1, $0x2  }
0xba: {  	s3 =	sand.u32 $0x4000, s31;
	s1 =	sadd.s32 s1, s30  }
0xbb: {  	s0 =	sor.u32 s3, s0;
	s1 =	sshll.u32 s1, $0x11  }
0xbc: {  	s0 =	sor.u32 s1, s0  }
0xbd: {  	s0 =	sadd.s32 $0x8F2B, s0  }
0xbe: {  	[sflag:s0] =	ssyncadd.remote.s32 $0x1  }
0xbf: {  	_ =	sfence.sel $0xFFFF  }
0xc0: {  	[dreg:$0x0] =	wrdreg $0xFFFFFFFF;
	(pc) =	sbr.abs _section_cstart, $3  }
0xc1: {  	[dreg:$0x1] =	wrdreg $0xFFFFFFFF  }
0xc2: {  	_ =	task.clear_ibuf [dreg:s7], $0x2FFFF;
	_ =	strace $0x9FFFFFFF  }
0xc3: {  	(tm) =	ssettm $0x7FFFFFFF  }
tec
execute0_lowered:
.L_overlay_start_1:
0x0: {  	(tag) =	ssettag $0x1  }
0x1: {  	s1 =	rddreg [dreg:$0x0]  }
0x2: {  	s0 =	rddreg [dreg:$0x1]  }
0x3: {  	s2 =	rddreg [dreg:$0x2]  }
0x4: {  	s3 =	simm.s32 $0x0;
	s4 =	srdreg.scid;
	s24 =	stileid.u32  }
0x5: {  	[smem:$0x7FF] =	sst s3;
	s13 =	smul.u32 $0x280, s24  }
0x6: {  	s4 =	sand.u32 $0x1, s4;
	s5 =	sadd.s32 $0x2000, s0;
	s12 =	smul.u32 $0x1388, s24  }
0x7: {  	s6 =	sadd.s32 $0x29200, s0;
	s7 =	sadd.s32 $0x278000, s0;
	s9 =	smul.u32 $0x500000, s4  }
0x8: {  	s8 =	sadd.s32 $0x273000, s0;
	s14 =	sadd.s32 $0x77600, s0;
	s10 =	smul.u32 $0x28000, s4  }
0x9: {  	s28 =	sadd.s32 $0x9D0000, s0;
	s11 =	smul.u32 $0x13880, s4;
	s4 =	ssub.s32 $0x2, s4  }
0xa: {  	_ =	strace $0x80000047;
	s20 =	sshrl.u32 s4, $0x1;
	s17 =	sadd.s32 $0x80, s13  }
0xb: {  	s21 =	sshrl.u32 s13, $0x3;
	s18 =	sadd.s32 $0x100, s13;
	s19 =	sadd.s32 $0x180, s13  }
0xc: {  	s9 =	sshrl.u32 s9, $0x3;
	s16 =	sadd.s32 s10, s0;
	s4 =	ssub.s32 s4, s20  }
0xd: {  	s22 =	sshrl.u32 s17, $0x3;
	s10 =	sadd.s32 s14, s21;
	s23 =	sshrl.u32 s18, $0x3  }
0xe: {  	s20 =	sadd.s32 $0x200, s13;
	s25 =	sshrl.u32 s19, $0x3;
	s17 =	sshll.u32 s17, $0x4  }
0xf: {  	s29 =	sshll.u32 s18, $0x4;
	s30 =	sshll.u32 s19, $0x4;
	[dreg:$0x6] =	wrdreg s17  }
0x10: {  	s18 =	sadd.s32 $0x77C00, s0;
	s19 =	sadd.s32 $0x78400, s0;
	[dreg:$0x7] =	wrdreg s29  }
0x11: {  	s15 =	sadd.s32 s9, s0;
	s9 =	sadd.s32 s12, s11;
	[dreg:$0x8] =	wrdreg s30  }
0x12: {  	s11 =	sadd.s32 s14, s22;
	s12 =	sadd.s32 s14, s23;
	[dreg:$0xa] =	wrdreg s18  }
0x13: {  	s21 =	sshrl.u32 s20, $0x3;
	s31 =	sshll.u32 s20, $0x4;
	[dreg:$0xb] =	wrdreg s19  }
0x14: {  	s13 =	sadd.s32 s14, s25;
	[dreg:$0x9] =	wrdreg s31;
	s30 =	sadd.s32 $0x78C00, s15  }
0x15: {  	s25 =	sadd.s32 $0x4EE000, s0;
	s31 =	sadd.s32 $0xA0C00, s15;
	[dreg:$0xf] =	wrdreg s30  }
0x16: {  	s22 =	sadd.s32 $0x1380, s9;
	s18 =	sadd.s32 $0xC8C00, s15;
	[dreg:$0x10] =	wrdreg s31  }
0x17: {  	s14 =	sadd.s32 s14, s21;
	s19 =	sadd.s32 $0xF0C00, s15;
	[dreg:$0x11] =	wrdreg s18  }
0x18: {  	s26 =	sshrl.u32 s22, $0x3;
	[dreg:$0x12] =	wrdreg s19;
	s30 =	smul.u32 $0x2800, s24  }
0x19: {  	s18 =	simm.s32 $0x200;
	s19 =	simm.s32 $0x80;
	s23 =	sadd.s32 s7, s26  }
0x1a: {  	s24 =	simm.s32 $0x1;
	s21 =	sadd.s32 s8, s26;
	[dreg:$0x4] =	wrdreg s23  }
0x1b: {  	s26 =	sadd.s32 $0x75F000, s0;
	[dreg:$0x5] =	wrdreg s21;
	s23 =	sshll.u32 s22, $0x4  }
0x1c: {  	s21 =	sadd.s32 $0x50400, s0;
	[dreg:$0x15] =	wrdreg s30;
	s20 =	sadd.s32 s23, s26  }
0x1d: {  	s22 =	sadd.s32 $0x27D000, s0;
	s29 =	sadd.s32 s23, s28;
	[dreg:$0xd] =	wrdreg s20  }
0x1e: {  	s17 =	sadd.s32 s22, s23;
	s23 =	smax.u32 s4, $0x1;
	[dreg:$0xe] =	wrdreg s29  }
0x1f: {  	s4 =	simm.s32 $0x0;
	s20 =	sadd.s32 $0x1B8C00, s16;
	[dreg:$0x14] =	wrdreg s23  }
0x20: {  	s29 =	sshrl.u32 s9, $0x3;
	[dreg:$0xc] =	wrdreg s17;
	s31 =	sadd.s32 $0x271000, s17  }
0x21: {  	s16 =	simm.s32 $0x4280;
	s17 =	simm.s32 $0x2;
	[dreg:$0x13] =	wrdreg s20  }
0x22: {  	s23 =	sadd.s32 s29, s8;
	[dreg:$0x16] =	wrdreg s31;
	s20 =	simm.s32 $0x280  }
.LBB2_1:
0x23: {  	s0 =	rddreg [dreg:$0xb]  }
0x24: {  	[tilespmem:s16], [sflag:$0x2] =	stream.linear.gather [hbm4b:s0+s3], $0x4000, $0x38;
	[tilespmem:$0x1CA80] =	vst v63  }
0x25: {  	_ =	swait.ge [sflag:s17], $0x4000  }
0x26: {  	[sflag:s17] =	ssyncset.done $0x0  }
0x27: {  	[sflag:s17] =	ssyncadd.s32 $0xFFFFC000  }
0x28: {  	[tilespmem:s18], [sflag:$0x2] =	stream.linear.gather [hbm4b:s10+s3], $0x80, $0x38;
	[tilespmem:$0x1CA80] =	vst v63  }
0x29: {  	_ =	swait.ge [sflag:s17], $0x80  }
0x2a: {  	[sflag:s17] =	ssyncset.done $0x0  }
0x2b: {  	[sflag:s17] =	ssyncadd.s32 $0xFFFFFF80  }
0x2c: {  	[spmem:s2] =	stream.indirect.scatter [tilespmem:s16], [sflag:$0x2], $0x80, s18, s19, $0xb8;
	[tilespmem:$0x1CA80] =	vst v63  }
0x2d: {  	_ =	swait.ge [sflag:s17], $0x4000  }
0x2e: {  	[sflag:s17] =	ssyncset.done $0x0  }
0x2f: {  	[sflag:s17] =	ssyncadd.s32 $0xFFFFC000  }
0x30: {  	[tilespmem:s18], [sflag:$0x2] =	stream.linear.gather [hbm4b:s11+s3], $0x80, $0x38;
	[tilespmem:$0x1CA80] =	vst v63  }
0x31: {  	_ =	swait.ge [sflag:s17], $0x80  }
0x32: {  	[sflag:s17] =	ssyncset.done $0x0  }
0x33: {  	[sflag:s17] =	ssyncadd.s32 $0xFFFFFF80  }
0x34: {  	[spmem:s2] =	stream.indirect.scatter [tilespmem:s16], [sflag:$0x2], $0x80, s18, s19, $0xb8;
	[tilespmem:$0x1CA80] =	vst v63  }
0x35: {  	_ =	swait.ge [sflag:s17], $0x4000  }
0x36: {  	[sflag:s17] =	ssyncset.done $0x0  }
0x37: {  	[sflag:s17] =	ssyncadd.s32 $0xFFFFC000  }
0x38: {  	[tilespmem:s18], [sflag:$0x2] =	stream.linear.gather [hbm4b:s12+s3], $0x80, $0x38;
	[tilespmem:$0x1CA80] =	vst v63  }
0x39: {  	_ =	swait.ge [sflag:s17], $0x80  }
0x3a: {  	[sflag:s17] =	ssyncset.done $0x0  }
0x3b: {  	[sflag:s17] =	ssyncadd.s32 $0xFFFFFF80  }
0x3c: {  	[spmem:s2] =	stream.indirect.scatter [tilespmem:s16], [sflag:$0x2], $0x80, s18, s19, $0xb8;
	[tilespmem:$0x1CA80] =	vst v63  }
0x3d: {  	_ =	swait.ge [sflag:s17], $0x4000  }
0x3e: {  	[sflag:s17] =	ssyncset.done $0x0  }
0x3f: {  	[sflag:s17] =	ssyncadd.s32 $0xFFFFC000  }
0x40: {  	[tilespmem:s18], [sflag:$0x2] =	stream.linear.gather [hbm4b:s13+s3], $0x80, $0x38;
	[tilespmem:$0x1CA80] =	vst v63  }
0x41: {  	_ =	swait.ge [sflag:s17], $0x80  }
0x42: {  	[sflag:s17] =	ssyncset.done $0x0  }
0x43: {  	[sflag:s17] =	ssyncadd.s32 $0xFFFFFF80  }
0x44: {  	[spmem:s2] =	stream.indirect.scatter [tilespmem:s16], [sflag:$0x2], $0x80, s18, s19, $0xb8;
	[tilespmem:$0x1CA80] =	vst v63  }
0x45: {  	_ =	swait.ge [sflag:s17], $0x4000  }
0x46: {  	[sflag:s17] =	ssyncset.done $0x0  }
0x47: {  	[sflag:s17] =	ssyncadd.s32 $0xFFFFC000  }
0x48: {  	[tilespmem:s18], [sflag:$0x2] =	stream.linear.gather [hbm4b:s14+s3], $0x80, $0x38;
	[tilespmem:$0x1CA80] =	vst v63  }
0x49: {  	_ =	swait.ge [sflag:s17], $0x80  }
0x4a: {  	[sflag:s17] =	ssyncset.done $0x0  }
0x4b: {  	[sflag:s17] =	ssyncadd.s32 $0xFFFFFF80  }
0x4c: {  	[spmem:s2] =	stream.indirect.scatter [tilespmem:s16], [sflag:$0x2], $0x80, s18, s19, $0xb8;
	[tilespmem:$0x1CA80] =	vst v63  }
0x4d: {  	_ =	swait.ge [sflag:s17], $0x4000  }
0x4e: {  	[sflag:s17] =	ssyncset.done $0x0  }
0x4f: {  	[sflag:s17] =	ssyncadd.s32 $0xFFFFC000  }
0x50: {  	s30 =	simm.s32 $0x0;
	[bflag:$0x0] =	sbarrier.arrive $0xFFFF  }
.LBB2_2:
0x51: {  	s15 =	sshll.u32 s30, $0x7  }
0x52: {  	s15 =	sadd.s32 s9, s15  }
0x53: {  	s29 =	sshrl.u32 s15, $0x3  }
0x54: {  	s0 =	simm.s32 $0x0;
	s31 =	sadd.s32 s7, s29  }
0x55: {  	[tilespmem:s0], [sflag:$0x2] =	stream.linear.gather [hbm4b:s31+s0], $0x80, $0x38;
	[tilespmem:$0x1CA80] =	vst v63  }
0x56: {  	_ =	swait.ge [sflag:s17], $0x80  }
0x57: {  	[sflag:s17] =	ssyncset.done $0x0  }
0x58: {  	s29 =	sadd.s32 s8, s29;
	[sflag:s17] =	ssyncadd.s32 $0xFFFFFF80  }
0x59: {  	[tilespmem:s19], [sflag:$0x2] =	stream.linear.gather [hbm4b:s29+s0], $0x80, $0x38;
	[tilespmem:$0x1CA80] =	vst v63  }
0x5a: {  	_ =	swait.ge [sflag:s17], $0x80  }
0x5b: {  	[sflag:s17] =	ssyncset.done $0x0  }
0x5c: {  	s15 =	sshll.u32 s15, $0x4;
	[sflag:s17] =	ssyncadd.s32 $0xFFFFFF80  }
0x5d: {  	[tilespmem:s20], [sflag:$0x1] =	stream.indirect.gather [hbm4b:s1+s19], $0x80, s0, s19, $0xb8;
	[tilespmem:$0x1CA80] =	vst v63  }
0x5e: {  	s15 =	sadd.s32 s22, s15  }
0x5f: {  	[tilespmem:s16], [sflag:$0x2] =	stream.linear.gather [hbm4b:s15+s0], $0x4000, $0x38;
	[tilespmem:$0x1CA80] =	vst v63  }
0x60: {  	_ =	swait.ge [sflag:s17], $0x4000  }
0x61: {  	[sflag:s17] =	ssyncset.done $0x0  }
0x62: {  	[sflag:s17] =	ssyncadd.s32 $0xFFFFC000  }
0x63: {  	_ =	swait.ge [sflag:s24], $0x4000  }
0x64: {  	[sflag:s24] =	ssyncset.done $0x0  }
0x65: {  	s31 =	simm.s32 $0x0;
	[sflag:s24] =	ssyncadd.s32 $0xFFFFC000  }
0x66: {  	v6 =	vld [tilespmem:s31+$0x4280]  }
0x67: {  	v11 =	vld [tilespmem:s31+$0x4290]  }
0x68: {  	v5 =	vld [tilespmem:s31+$0x42A0]  }
0x69: {  	v4 =	vld [tilespmem:s31+$0x42B0]  }
0x6a: {  	v3 =	vld [tilespmem:s31+$0x42C0]  }
0x6b: {  	v2 =	vld [tilespmem:s31+$0x42D0]  }
0x6c: {  	v1 =	vld [tilespmem:s31+$0x42E0]  }
0x6d: {  	v0 =	vld [tilespmem:s31+$0x42F0]  }
0x6e: {  	v12 =	vld [tilespmem:s31+$0x280]  }
0x6f: {  	v13 =	vld [tilespmem:s31+$0x290]  }
0x70: {  	v10 =	vld [tilespmem:s31+$0x2A0]  }
0x71: {  	v9 =	vld [tilespmem:s31+$0x2B0]  }
0x72: {  	v8 =	vld [tilespmem:s31+$0x2C0]  }
0x73: {  	v7 =	vld [tilespmem:s31+$0x2D0];
	v12 =	vadd.f32 v6, v12  }
0x74: {  	s29 =	simm.s32 $0x200;
	v11 =	vadd.f32 v11, v13;
	v6 =	vld [tilespmem:s31+$0x2E0]  }
.LBB2_3:
0x75: {  	s0 =	sshra.s32 s29, $0x2;
	p0 =	sne.s32 s29, $0xFE00;
	v12 =	vmax.f32 v12, $0.0e+00;
	v5 =	vadd.f32 v5, v10;
	v10 =	vld [tilespmem:s31+$0x2F0]  }
0x76: {  	v13 =	vld [tilespmem:s0+$0x4280];
	[tilespmem:s31+$0x280] =	vst v12;
	v11 =	vmax.f32 v11, $0.0e+00;
	v4 =	vadd.f32 v4, v9  }
0x77: {  	v14 =	vld [tilespmem:s0+$0x4290];
	[tilespmem:s31+$0x290] =	vst v11;
	v9 =	vmax.f32 v5, $0.0e+00;
	v3 =	vadd.f32 v3, v8  }
0x78: {  	v5 =	vld [tilespmem:s0+$0x42A0];
	[tilespmem:s31+$0x2A0] =	vst v9;
	v8 =	vmax.f32 v4, $0.0e+00;
	v2 =	vadd.f32 v2, v7  }
0x79: {  	v4 =	vld [tilespmem:s0+$0x42B0];
	[tilespmem:s31+$0x2B0] =	vst v8;
	v7 =	vmax.f32 v3, $0.0e+00;
	v1 =	vadd.f32 v1, v6  }
0x7a: {  	v3 =	vld [tilespmem:s0+$0x42C0];
	[tilespmem:s31+$0x2C0] =	vst v7;
	v6 =	vmax.f32 v2, $0.0e+00;
	v0 =	vadd.f32 v0, v10  }
0x7b: {  	v2 =	vld [tilespmem:s0+$0x42D0];
	[tilespmem:s31+$0x2D0] =	vst v6;
	v6 =	vmax.f32 v1, $0.0e+00  }
0x7c: {  	v1 =	vld [tilespmem:s0+$0x42E0];
	[tilespmem:s31+$0x2E0] =	vst v6;
	v6 =	vmax.f32 v0, $0.0e+00  }
0x7d: {  	v0 =	vld [tilespmem:s0+$0x42F0];
	[tilespmem:s31+$0x2F0] =	vst v6;
	s31 =	smov.u32 s0  }
0x7e: {  	v6 =	vld [tilespmem:s31+$0x280]  }
0x7f: {  	v11 =	vld [tilespmem:s31+$0x290]  }
.Ltmp0:
0x80: {  	v10 =	vld [tilespmem:s31+$0x2A0];
	(pc) =	sbr.rel @p0 .LBB2_3-.Ltmp0, $4  }
0x81: {  	v9 =	vld [tilespmem:s31+$0x2B0]  }
0x82: {  	v8 =	vld [tilespmem:s31+$0x2C0]  }
0x83: {  	v12 =	vadd.f32 v13, v6;
	v7 =	vld [tilespmem:s31+$0x2D0]  }
0x84: {  	s29 =	sadd.s32 $0x200, s29;
	v11 =	vadd.f32 v14, v11;
	v6 =	vld [tilespmem:s31+$0x2E0]  }
0x85: {  	v12 =	vmax.f32 v12, $0.0e+00;
	v5 =	vadd.f32 v5, v10;
	v63 =	vld [tilespmem:s31+$0x2F0]  }
0x86: {  	[tilespmem:s31+$0x280] =	vst v12;
	v11 =	vmax.f32 v11, $0.0e+00;
	v4 =	vadd.f32 v4, v9  }
0x87: {  	[tilespmem:s31+$0x290] =	vst v11;
	v5 =	vmax.f32 v5, $0.0e+00;
	v3 =	vadd.f32 v3, v8  }
0x88: {  	[tilespmem:s31+$0x2A0] =	vst v5;
	v4 =	vmax.f32 v4, $0.0e+00;
	v2 =	vadd.f32 v2, v7  }
0x89: {  	[tilespmem:s31+$0x2B0] =	vst v4;
	v3 =	vmax.f32 v3, $0.0e+00;
	v1 =	vadd.f32 v1, v6  }
0x8a: {  	[tilespmem:s31+$0x2C0] =	vst v3;
	v2 =	vmax.f32 v2, $0.0e+00;
	v0 =	vadd.f32 v0, v63  }
0x8b: {  	s30 =	sadd.s32 $0x1, s30;
	[tilespmem:s31+$0x2D0] =	vst v2;
	v1 =	vmax.f32 v1, $0.0e+00  }
0x8c: {  	p0 =	sne.s32 s30, $0x27;
	[tilespmem:s31+$0x2E0] =	vst v1;
	v0 =	vmax.f32 v0, $0.0e+00  }
.Ltmp1:
0x8d: {  	[tilespmem:s31+$0x2F0] =	vst v0;
	(pc) =	sbr.rel @p0 .LBB2_2-.Ltmp1, $4  }
0x8e: {  	[spmem:s2] =	stream.indirect.scatter.add.f32 [tilespmem:s20], [sflag:$0x2], $0x80, s19, s19, $0xb8;
	[tilespmem:$0x1CA80] =	vst v63  }
0x8f: {  	_ =	swait.ge [sflag:s17], $0x4000  }
0x90: {  	[sflag:s17] =	ssyncset.done $0x0  }
0x91: {  	[sflag:s17] =	ssyncadd.s32 $0xFFFFC000  }
0x92: {  	s0 =	simm.s32 $0x0;
	s15 =	rddreg [dreg:$0x4];
	s29 =	simm.s32 $0x100  }
0x93: {  	[tilespmem:s29], [sflag:$0x2] =	stream.linear.gather [hbm4b:s15+s0], $0x8, $0x38;
	[tilespmem:$0x1CA80] =	vst v63  }
0x94: {  	_ =	swait.ge [sflag:s17], $0x8  }
0x95: {  	[sflag:s17] =	ssyncset.done $0x0  }
0x96: {  	s31 =	simm.s32 $0x180;
	s15 =	rddreg [dreg:$0x5];
	[sflag:s17] =	ssyncadd.s32 $0xFFFFFFF8  }
0x97: {  	[tilespmem:s31], [sflag:$0x2] =	stream.linear.gather [hbm4b:s15+s0], $0x8, $0x38;
	[tilespmem:$0x1CA80] =	vst v63  }
0x98: {  	_ =	swait.ge [sflag:s17], $0x8  }
0x99: {  	[sflag:s17] =	ssyncset.done $0x0  }
0x9a: {  	s30 =	simm.s32 $0x8280;
	s15 =	simm.s32 $0x8;
	[sflag:s17] =	ssyncadd.s32 $0xFFFFFFF8  }
0x9b: {  	[tilespmem:s30], [sflag:$0x1] =	stream.indirect.gather [hbm4b:s1+s15], $0x80, s29, s15, $0xb8;
	[tilespmem:$0x1CA80] =	vst v63  }
0x9c: {  	s15 =	rddreg [dreg:$0xc];
	s29 =	simm.s32 $0x8680  }
0x9d: {  	[tilespmem:s29], [sflag:$0x2] =	stream.linear.gather [hbm4b:s15+s0], $0x400, $0x38;
	[tilespmem:$0x1CA80] =	vst v63  }
0x9e: {  	_ =	swait.ge [sflag:s17], $0x400  }
0x9f: {  	[sflag:s17] =	ssyncset.done $0x0  }
0xa0: {  	[sflag:s17] =	ssyncadd.s32 $0xFFFFFC00  }
0xa1: {  	_ =	swait.ge [sflag:s24], $0x400  }
0xa2: {  	[sflag:s24] =	ssyncset.done $0x0  }
0xa3: {  	s30 =	simm.s32 $0x0;
	[sflag:s24] =	ssyncadd.s32 $0xFFFFFC00  }
0xa4: {  	v6 =	vld [tilespmem:s30+$0x8680]  }
0xa5: {  	v11 =	vld [tilespmem:s30+$0x8690]  }
0xa6: {  	v5 =	vld [tilespmem:s30+$0x86A0]  }
0xa7: {  	v4 =	vld [tilespmem:s30+$0x86B0]  }
0xa8: {  	v3 =	vld [tilespmem:s30+$0x86C0]  }
0xa9: {  	v2 =	vld [tilespmem:s30+$0x86D0]  }
0xaa: {  	v1 =	vld [tilespmem:s30+$0x86E0]  }
0xab: {  	v0 =	vld [tilespmem:s30+$0x86F0]  }
0xac: {  	v12 =	vld [tilespmem:s30+$0x8280]  }
0xad: {  	v13 =	vld [tilespmem:s30+$0x8290]  }
0xae: {  	v10 =	vld [tilespmem:s30+$0x82A0]  }
0xaf: {  	v9 =	vld [tilespmem:s30+$0x82B0]  }
0xb0: {  	v8 =	vld [tilespmem:s30+$0x82C0]  }
0xb1: {  	v7 =	vld [tilespmem:s30+$0x82D0];
	v12 =	vadd.f32 v6, v12  }
0xb2: {  	s29 =	simm.s32 $0x200;
	v11 =	vadd.f32 v11, v13;
	v6 =	vld [tilespmem:s30+$0x82E0]  }
.LBB2_6:
0xb3: {  	s0 =	sshra.s32 s29, $0x2;
	p0 =	sne.s32 s29, $0xE00;
	v12 =	vmax.f32 v12, $0.0e+00;
	v5 =	vadd.f32 v5, v10;
	v10 =	vld [tilespmem:s30+$0x82F0]  }
0xb4: {  	v13 =	vld [tilespmem:s0+$0x8680];
	[tilespmem:s30+$0x8280] =	vst v12;
	v11 =	vmax.f32 v11, $0.0e+00;
	v4 =	vadd.f32 v4, v9  }
0xb5: {  	v14 =	vld [tilespmem:s0+$0x8690];
	[tilespmem:s30+$0x8290] =	vst v11;
	v9 =	vmax.f32 v5, $0.0e+00;
	v3 =	vadd.f32 v3, v8  }
0xb6: {  	v5 =	vld [tilespmem:s0+$0x86A0];
	[tilespmem:s30+$0x82A0] =	vst v9;
	v8 =	vmax.f32 v4, $0.0e+00;
	v2 =	vadd.f32 v2, v7  }
0xb7: {  	v4 =	vld [tilespmem:s0+$0x86B0];
	[tilespmem:s30+$0x82B0] =	vst v8;
	v7 =	vmax.f32 v3, $0.0e+00;
	v1 =	vadd.f32 v1, v6  }
0xb8: {  	v3 =	vld [tilespmem:s0+$0x86C0];
	[tilespmem:s30+$0x82C0] =	vst v7;
	v6 =	vmax.f32 v2, $0.0e+00;
	v0 =	vadd.f32 v0, v10  }
0xb9: {  	v2 =	vld [tilespmem:s0+$0x86D0];
	[tilespmem:s30+$0x82D0] =	vst v6;
	v6 =	vmax.f32 v1, $0.0e+00  }
0xba: {  	v1 =	vld [tilespmem:s0+$0x86E0];
	[tilespmem:s30+$0x82E0] =	vst v6;
	v6 =	vmax.f32 v0, $0.0e+00  }
0xbb: {  	v0 =	vld [tilespmem:s0+$0x86F0];
	[tilespmem:s30+$0x82F0] =	vst v6;
	s30 =	smov.u32 s0  }
0xbc: {  	v6 =	vld [tilespmem:s30+$0x8280]  }
0xbd: {  	v11 =	vld [tilespmem:s30+$0x8290]  }
.Ltmp2:
0xbe: {  	v10 =	vld [tilespmem:s30+$0x82A0];
	(pc) =	sbr.rel @p0 .LBB2_6-.Ltmp2, $4  }
0xbf: {  	v9 =	vld [tilespmem:s30+$0x82B0]  }
0xc0: {  	v8 =	vld [tilespmem:s30+$0x82C0]  }
0xc1: {  	v12 =	vadd.f32 v13, v6;
	v7 =	vld [tilespmem:s30+$0x82D0]  }
0xc2: {  	s29 =	sadd.s32 $0x200, s29;
	v11 =	vadd.f32 v14, v11;
	v6 =	vld [tilespmem:s30+$0x82E0]  }
0xc3: {  	v12 =	vmax.f32 v12, $0.0e+00;
	v5 =	vadd.f32 v5, v10;
	v63 =	vld [tilespmem:s30+$0x82F0]  }
0xc4: {  	[tilespmem:s30+$0x8280] =	vst v12;
	v11 =	vmax.f32 v11, $0.0e+00;
	v4 =	vadd.f32 v4, v9  }
0xc5: {  	[tilespmem:s30+$0x8290] =	vst v11;
	v5 =	vmax.f32 v5, $0.0e+00;
	v3 =	vadd.f32 v3, v8  }
0xc6: {  	[tilespmem:s30+$0x82A0] =	vst v5;
	v4 =	vmax.f32 v4, $0.0e+00;
	v2 =	vadd.f32 v2, v7  }
0xc7: {  	[tilespmem:s30+$0x82B0] =	vst v4;
	v3 =	vmax.f32 v3, $0.0e+00;
	v1 =	vadd.f32 v1, v6  }
0xc8: {  	[tilespmem:s30+$0x82C0] =	vst v3;
	v2 =	vmax.f32 v2, $0.0e+00;
	v0 =	vadd.f32 v0, v63  }
0xc9: {  	[tilespmem:s30+$0x82D0] =	vst v2;
	v1 =	vmax.f32 v1, $0.0e+00  }
0xca: {  	[tilespmem:s30+$0x82E0] =	vst v1;
	v0 =	vmax.f32 v0, $0.0e+00  }
0xcb: {  	s0 =	simm.s32 $0x8;
	s15 =	simm.s32 $0x8280;
	[tilespmem:s30+$0x82F0] =	vst v0  }
0xcc: {  	[spmem:s2] =	stream.indirect.scatter.add.f32 [tilespmem:s15], [sflag:$0x2], $0x80, s31, s0, $0xb8;
	[tilespmem:$0x1CA80] =	vst v63  }
0xcd: {  	_ =	swait.ge [sflag:s17], $0x400  }
0xce: {  	[sflag:s17] =	ssyncset.done $0x0  }
0xcf: {  	[sflag:s17] =	ssyncadd.s32 $0xFFFFFC00  }
0xd0: {  	s30 =	simm.s32 $0x0;
	[bflag:$0x0] =	sbarrier.arrive $0xFFFF  }
0xd1: {  	[tilespmem:s18], [sflag:$0x2] =	stream.linear.gather [hbm4b:s10+s30], $0x80, $0x38;
	[tilespmem:$0x1CA80] =	vst v63  }
0xd2: {  	_ =	swait.ge [sflag:s17], $0x80  }
0xd3: {  	[sflag:s17] =	ssyncset.done $0x0  }
0xd4: {  	[sflag:s17] =	ssyncadd.s32 $0xFFFFFF80  }
0xd5: {  	[tilespmem:s20], [sflag:$0x1] =	stream.indirect.gather [spmem:s2], $0x80, s18, s19, $0xb8;
	[tilespmem:$0x1CA80] =	vst v63  }
0xd6: {  	_ =	swait.ge [sflag:s24], $0x4000  }
0xd7: {  	s15 =	rddreg [dreg:$0xf]  }
0xd8: {  	[sflag:s24] =	ssyncset.done $0x0;
	s29 =	rddreg [dreg:$0x15]  }
0xd9: {  	[sflag:s24] =	ssyncadd.s32 $0xFFFFC000;
	s0 =	sadd.s32 s29, s15  }
0xda: {  	[hbm4b:s0+s30] =	stream.linear.scatter [tilespmem:s20], [sflag:$0x2], $0x4000, $0x38;
	[tilespmem:$0x1CA80] =	vst v63  }
0xdb: {  	_ =	swait.ge [sflag:s17], $0x4000  }
0xdc: {  	[sflag:s17] =	ssyncset.done $0x0  }
0xdd: {  	[sflag:s17] =	ssyncadd.s32 $0xFFFFC000  }
0xde: {  	[tilespmem:s18], [sflag:$0x2] =	stream.linear.gather [hbm4b:s11+s30], $0x80, $0x38;
	[tilespmem:$0x1CA80] =	vst v63  }
0xdf: {  	_ =	swait.ge [sflag:s17], $0x80  }
0xe0: {  	[sflag:s17] =	ssyncset.done $0x0  }
0xe1: {  	[sflag:s17] =	ssyncadd.s32 $0xFFFFFF80  }
0xe2: {  	[tilespmem:s20], [sflag:$0x1] =	stream.indirect.gather [spmem:s2], $0x80, s18, s19, $0xb8;
	[tilespmem:$0x1CA80] =	vst v63  }
0xe3: {  	_ =	swait.ge [sflag:s24], $0x4000  }
0xe4: {  	[sflag:s24] =	ssyncset.done $0x0;
	s29 =	rddreg [dreg:$0x6]  }
0xe5: {  	[sflag:s24] =	ssyncadd.s32 $0xFFFFC000;
	s0 =	sadd.s32 s29, s15  }
0xe6: {  	[hbm4b:s0+s30] =	stream.linear.scatter [tilespmem:s20], [sflag:$0x2], $0x4000, $0x38;
	[tilespmem:$0x1CA80] =	vst v63  }
0xe7: {  	_ =	swait.ge [sflag:s17], $0x4000  }
0xe8: {  	[sflag:s17] =	ssyncset.done $0x0  }
0xe9: {  	[sflag:s17] =	ssyncadd.s32 $0xFFFFC000  }
0xea: {  	[tilespmem:s18], [sflag:$0x2] =	stream.linear.gather [hbm4b:s12+s30], $0x80, $0x38;
	[tilespmem:$0x1CA80] =	vst v63  }
0xeb: {  	_ =	swait.ge [sflag:s17], $0x80  }
0xec: {  	[sflag:s17] =	ssyncset.done $0x0  }
0xed: {  	[sflag:s17] =	ssyncadd.s32 $0xFFFFFF80  }
0xee: {  	[tilespmem:s20], [sflag:$0x1] =	stream.indirect.gather [spmem:s2], $0x80, s18, s19, $0xb8;
	[tilespmem:$0x1CA80] =	vst v63  }
0xef: {  	_ =	swait.ge [sflag:s24], $0x4000  }
0xf0: {  	[sflag:s24] =	ssyncset.done $0x0;
	s29 =	rddreg [dreg:$0x7]  }
0xf1: {  	[sflag:s24] =	ssyncadd.s32 $0xFFFFC000;
	s0 =	sadd.s32 s29, s15  }
0xf2: {  	[hbm4b:s0+s30] =	stream.linear.scatter [tilespmem:s20], [sflag:$0x2], $0x4000, $0x38;
	[tilespmem:$0x1CA80] =	vst v63  }
0xf3: {  	_ =	swait.ge [sflag:s17], $0x4000  }
0xf4: {  	[sflag:s17] =	ssyncset.done $0x0  }
0xf5: {  	[sflag:s17] =	ssyncadd.s32 $0xFFFFC000  }
0xf6: {  	[tilespmem:s18], [sflag:$0x2] =	stream.linear.gather [hbm4b:s13+s30], $0x80, $0x38;
	[tilespmem:$0x1CA80] =	vst v63  }
0xf7: {  	_ =	swait.ge [sflag:s17], $0x80  }
0xf8: {  	[sflag:s17] =	ssyncset.done $0x0  }
0xf9: {  	[sflag:s17] =	ssyncadd.s32 $0xFFFFFF80  }
0xfa: {  	[tilespmem:s20], [sflag:$0x1] =	stream.indirect.gather [spmem:s2], $0x80, s18, s19, $0xb8;
	[tilespmem:$0x1CA80] =	vst v63  }
0xfb: {  	_ =	swait.ge [sflag:s24], $0x4000  }
0xfc: {  	[sflag:s24] =	ssyncset.done $0x0;
	s29 =	rddreg [dreg:$0x8]  }
0xfd: {  	[sflag:s24] =	ssyncadd.s32 $0xFFFFC000;
	s0 =	sadd.s32 s29, s15  }
0xfe: {  	[hbm4b:s0+s30] =	stream.linear.scatter [tilespmem:s20], [sflag:$0x2], $0x4000, $0x38;
	[tilespmem:$0x1CA80] =	vst v63  }
0xff: {  	_ =	swait.ge [sflag:s17], $0x4000  }
0x100: {  	[sflag:s17] =	ssyncset.done $0x0  }
0x101: {  	[sflag:s17] =	ssyncadd.s32 $0xFFFFC000  }
0x102: {  	[tilespmem:s18], [sflag:$0x2] =	stream.linear.gather [hbm4b:s14+s30], $0x80, $0x38;
	[tilespmem:$0x1CA80] =	vst v63  }
0x103: {  	_ =	swait.ge [sflag:s17], $0x80  }
0x104: {  	[sflag:s17] =	ssyncset.done $0x0  }
0x105: {  	[sflag:s17] =	ssyncadd.s32 $0xFFFFFF80  }
0x106: {  	[tilespmem:s20], [sflag:$0x1] =	stream.indirect.gather [spmem:s2], $0x80, s18, s19, $0xb8;
	[tilespmem:$0x1CA80] =	vst v63  }
0x107: {  	_ =	swait.ge [sflag:s24], $0x4000  }
0x108: {  	[sflag:s24] =	ssyncset.done $0x0;
	s29 =	rddreg [dreg:$0x9]  }
0x109: {  	[sflag:s24] =	ssyncadd.s32 $0xFFFFC000;
	s0 =	sadd.s32 s29, s15  }
0x10a: {  	[hbm4b:s0+s30] =	stream.linear.scatter [tilespmem:s20], [sflag:$0x2], $0x4000, $0x38;
	[tilespmem:$0x1CA80] =	vst v63  }
0x10b: {  	_ =	swait.ge [sflag:s17], $0x4000  }
0x10c: {  	[sflag:s17] =	ssyncset.done $0x0  }
0x10d: {  	s29 =	rddreg [dreg:$0xb];
	[sflag:s17] =	ssyncadd.s32 $0xFFFFC000  }
0x10e: {  	[tilespmem:s16], [sflag:$0x2] =	stream.linear.gather [hbm4b:s29+s30], $0x4000, $0x38;
	[tilespmem:$0x1CA80] =	vst v63  }
0x10f: {  	_ =	swait.ge [sflag:s17], $0x4000  }
0x110: {  	[sflag:s17] =	ssyncset.done $0x0  }
0x111: {  	[sflag:s17] =	ssyncadd.s32 $0xFFFFC000  }
0x112: {  	[tilespmem:s18], [sflag:$0x2] =	stream.linear.gather [hbm4b:s10+s30], $0x80, $0x38;
	[tilespmem:$0x1CA80] =	vst v63  }
0x113: {  	_ =	swait.ge [sflag:s17], $0x80  }
0x114: {  	[sflag:s17] =	ssyncset.done $0x0  }
0x115: {  	[sflag:s17] =	ssyncadd.s32 $0xFFFFFF80  }
0x116: {  	[spmem:s2] =	stream.indirect.scatter [tilespmem:s16], [sflag:$0x2], $0x80, s18, s19, $0xb8;
	[tilespmem:$0x1CA80] =	vst v63  }
0x117: {  	_ =	swait.ge [sflag:s17], $0x4000  }
0x118: {  	[sflag:s17] =	ssyncset.done $0x0  }
0x119: {  	[sflag:s17] =	ssyncadd.s32 $0xFFFFC000  }
0x11a: {  	[tilespmem:s18], [sflag:$0x2] =	stream.linear.gather [hbm4b:s11+s30], $0x80, $0x38;
	[tilespmem:$0x1CA80] =	vst v63  }
0x11b: {  	_ =	swait.ge [sflag:s17], $0x80  }
0x11c: {  	[sflag:s17] =	ssyncset.done $0x0  }
0x11d: {  	[sflag:s17] =	ssyncadd.s32 $0xFFFFFF80  }
0x11e: {  	[spmem:s2] =	stream.indirect.scatter [tilespmem:s16], [sflag:$0x2], $0x80, s18, s19, $0xb8;
	[tilespmem:$0x1CA80] =	vst v63  }
0x11f: {  	_ =	swait.ge [sflag:s17], $0x4000  }
0x120: {  	[sflag:s17] =	ssyncset.done $0x0  }
0x121: {  	[sflag:s17] =	ssyncadd.s32 $0xFFFFC000  }
0x122: {  	[tilespmem:s18], [sflag:$0x2] =	stream.linear.gather [hbm4b:s12+s30], $0x80, $0x38;
	[tilespmem:$0x1CA80] =	vst v63  }
0x123: {  	_ =	swait.ge [sflag:s17], $0x80  }
0x124: {  	[sflag:s17] =	ssyncset.done $0x0  }
0x125: {  	[sflag:s17] =	ssyncadd.s32 $0xFFFFFF80  }
0x126: {  	[spmem:s2] =	stream.indirect.scatter [tilespmem:s16], [sflag:$0x2], $0x80, s18, s19, $0xb8;
	[tilespmem:$0x1CA80] =	vst v63  }
0x127: {  	_ =	swait.ge [sflag:s17], $0x4000  }
0x128: {  	[sflag:s17] =	ssyncset.done $0x0  }
0x129: {  	[sflag:s17] =	ssyncadd.s32 $0xFFFFC000  }
0x12a: {  	[tilespmem:s18], [sflag:$0x2] =	stream.linear.gather [hbm4b:s13+s30], $0x80, $0x38;
	[tilespmem:$0x1CA80] =	vst v63  }
0x12b: {  	_ =	swait.ge [sflag:s17], $0x80  }
0x12c: {  	[sflag:s17] =	ssyncset.done $0x0  }
0x12d: {  	[sflag:s17] =	ssyncadd.s32 $0xFFFFFF80  }
0x12e: {  	[spmem:s2] =	stream.indirect.scatter [tilespmem:s16], [sflag:$0x2], $0x80, s18, s19, $0xb8;
	[tilespmem:$0x1CA80] =	vst v63  }
0x12f: {  	_ =	swait.ge [sflag:s17], $0x4000  }
0x130: {  	[sflag:s17] =	ssyncset.done $0x0  }
0x131: {  	[sflag:s17] =	ssyncadd.s32 $0xFFFFC000  }
0x132: {  	[tilespmem:s18], [sflag:$0x2] =	stream.linear.gather [hbm4b:s14+s30], $0x80, $0x38;
	[tilespmem:$0x1CA80] =	vst v63  }
0x133: {  	_ =	swait.ge [sflag:s17], $0x80  }
0x134: {  	[sflag:s17] =	ssyncset.done $0x0  }
0x135: {  	[sflag:s17] =	ssyncadd.s32 $0xFFFFFF80  }
0x136: {  	[spmem:s2] =	stream.indirect.scatter [tilespmem:s16], [sflag:$0x2], $0x80, s18, s19, $0xb8;
	[tilespmem:$0x1CA80] =	vst v63  }
0x137: {  	_ =	swait.ge [sflag:s17], $0x4000  }
0x138: {  	[sflag:s17] =	ssyncset.done $0x0  }
0x139: {  	[sflag:s17] =	ssyncadd.s32 $0xFFFFC000  }
0x13a: {  	s31 =	simm.s32 $0x0;
	[bflag:$0x0] =	sbarrier.arrive $0xFFFF  }
.LBB2_8:
0x13b: {  	s0 =	sshll.u32 s31, $0x7  }
0x13c: {  	s0 =	sadd.s32 s9, s0  }
0x13d: {  	s15 =	sshrl.u32 s0, $0x3  }
0x13e: {  	s29 =	sadd.s32 s7, s15  }
0x13f: {  	[tilespmem:s30], [sflag:$0x2] =	stream.linear.gather [hbm4b:s29+s30], $0x80, $0x38;
	[tilespmem:$0x1CA80] =	vst v63  }
0x140: {  	_ =	swait.ge [sflag:s17], $0x80  }
0x141: {  	[sflag:s17] =	ssyncset.done $0x0  }
0x142: {  	s15 =	sadd.s32 s8, s15;
	[sflag:s17] =	ssyncadd.s32 $0xFFFFFF80  }
0x143: {  	[tilespmem:s19], [sflag:$0x2] =	stream.linear.gather [hbm4b:s15+s30], $0x80, $0x38;
	[tilespmem:$0x1CA80] =	vst v63  }
0x144: {  	_ =	swait.ge [sflag:s17], $0x80  }
0x145: {  	[sflag:s17] =	ssyncset.done $0x0  }
0x146: {  	s0 =	sshll.u32 s0, $0x4;
	[sflag:s17] =	ssyncadd.s32 $0xFFFFFF80  }
0x147: {  	[tilespmem:s20], [sflag:$0x1] =	stream.indirect.gather [hbm4b:s5+s19], $0x80, s30, s19, $0xb8;
	[tilespmem:$0x1CA80] =	vst v63  }
0x148: {  	s0 =	sadd.s32 s0, s25  }
0x149: {  	[tilespmem:s16], [sflag:$0x2] =	stream.linear.gather [hbm4b:s0+s30], $0x4000, $0x38;
	[tilespmem:$0x1CA80] =	vst v63  }
0x14a: {  	_ =	swait.ge [sflag:s17], $0x4000  }
0x14b: {  	[sflag:s17] =	ssyncset.done $0x0  }
0x14c: {  	[sflag:s17] =	ssyncadd.s32 $0xFFFFC000  }
0x14d: {  	_ =	swait.ge [sflag:s24], $0x4000  }
0x14e: {  	[sflag:s24] =	ssyncset.done $0x0  }
0x14f: {  	s29 =	simm.s32 $0x0;
	[sflag:s24] =	ssyncadd.s32 $0xFFFFC000  }
0x150: {  	v6 =	vld [tilespmem:s29+$0x4280]  }
0x151: {  	v11 =	vld [tilespmem:s29+$0x4290]  }
0x152: {  	v5 =	vld [tilespmem:s29+$0x42A0]  }
0x153: {  	v4 =	vld [tilespmem:s29+$0x42B0]  }
0x154: {  	v3 =	vld [tilespmem:s29+$0x42C0]  }
0x155: {  	v2 =	vld [tilespmem:s29+$0x42D0]  }
0x156: {  	v1 =	vld [tilespmem:s29+$0x42E0]  }
0x157: {  	v0 =	vld [tilespmem:s29+$0x42F0]  }
0x158: {  	v12 =	vld [tilespmem:s29+$0x280]  }
0x159: {  	v13 =	vld [tilespmem:s29+$0x290]  }
0x15a: {  	v10 =	vld [tilespmem:s29+$0x2A0]  }
0x15b: {  	v9 =	vld [tilespmem:s29+$0x2B0]  }
0x15c: {  	v8 =	vld [tilespmem:s29+$0x2C0]  }
0x15d: {  	v7 =	vld [tilespmem:s29+$0x2D0];
	v12 =	vadd.f32 v6, v12  }
0x15e: {  	s15 =	simm.s32 $0x200;
	v11 =	vadd.f32 v11, v13;
	v6 =	vld [tilespmem:s29+$0x2E0]  }
.LBB2_9:
0x15f: {  	s0 =	sshra.s32 s15, $0x2;
	p0 =	sne.s32 s15, $0xFE00;
	v12 =	vmax.f32 v12, $0.0e+00;
	v5 =	vadd.f32 v5, v10;
	v10 =	vld [tilespmem:s29+$0x2F0]  }
0x160: {  	v13 =	vld [tilespmem:s0+$0x4280];
	[tilespmem:s29+$0x280] =	vst v12;
	v11 =	vmax.f32 v11, $0.0e+00;
	v4 =	vadd.f32 v4, v9  }
0x161: {  	v14 =	vld [tilespmem:s0+$0x4290];
	[tilespmem:s29+$0x290] =	vst v11;
	v9 =	vmax.f32 v5, $0.0e+00;
	v3 =	vadd.f32 v3, v8  }
0x162: {  	v5 =	vld [tilespmem:s0+$0x42A0];
	[tilespmem:s29+$0x2A0] =	vst v9;
	v8 =	vmax.f32 v4, $0.0e+00;
	v2 =	vadd.f32 v2, v7  }
0x163: {  	v4 =	vld [tilespmem:s0+$0x42B0];
	[tilespmem:s29+$0x2B0] =	vst v8;
	v7 =	vmax.f32 v3, $0.0e+00;
	v1 =	vadd.f32 v1, v6  }
0x164: {  	v3 =	vld [tilespmem:s0+$0x42C0];
	[tilespmem:s29+$0x2C0] =	vst v7;
	v6 =	vmax.f32 v2, $0.0e+00;
	v0 =	vadd.f32 v0, v10  }
0x165: {  	v2 =	vld [tilespmem:s0+$0x42D0];
	[tilespmem:s29+$0x2D0] =	vst v6;
	v6 =	vmax.f32 v1, $0.0e+00  }
0x166: {  	v1 =	vld [tilespmem:s0+$0x42E0];
	[tilespmem:s29+$0x2E0] =	vst v6;
	v6 =	vmax.f32 v0, $0.0e+00  }
0x167: {  	v0 =	vld [tilespmem:s0+$0x42F0];
	[tilespmem:s29+$0x2F0] =	vst v6;
	s29 =	smov.u32 s0  }
0x168: {  	v6 =	vld [tilespmem:s29+$0x280]  }
0x169: {  	v11 =	vld [tilespmem:s29+$0x290]  }
.Ltmp3:
0x16a: {  	v10 =	vld [tilespmem:s29+$0x2A0];
	(pc) =	sbr.rel @p0 .LBB2_9-.Ltmp3, $4  }
0x16b: {  	v9 =	vld [tilespmem:s29+$0x2B0]  }
0x16c: {  	v8 =	vld [tilespmem:s29+$0x2C0]  }
0x16d: {  	v12 =	vadd.f32 v13, v6;
	v7 =	vld [tilespmem:s29+$0x2D0]  }
0x16e: {  	s15 =	sadd.s32 $0x200, s15;
	v11 =	vadd.f32 v14, v11;
	v6 =	vld [tilespmem:s29+$0x2E0]  }
0x16f: {  	v12 =	vmax.f32 v12, $0.0e+00;
	v5 =	vadd.f32 v5, v10;
	v63 =	vld [tilespmem:s29+$0x2F0]  }
0x170: {  	[tilespmem:s29+$0x280] =	vst v12;
	v11 =	vmax.f32 v11, $0.0e+00;
	v4 =	vadd.f32 v4, v9  }
0x171: {  	[tilespmem:s29+$0x290] =	vst v11;
	v5 =	vmax.f32 v5, $0.0e+00;
	v3 =	vadd.f32 v3, v8  }
0x172: {  	[tilespmem:s29+$0x2A0] =	vst v5;
	v4 =	vmax.f32 v4, $0.0e+00;
	v2 =	vadd.f32 v2, v7  }
0x173: {  	[tilespmem:s29+$0x2B0] =	vst v4;
	v3 =	vmax.f32 v3, $0.0e+00;
	v1 =	vadd.f32 v1, v6  }
0x174: {  	[tilespmem:s29+$0x2C0] =	vst v3;
	v2 =	vmax.f32 v2, $0.0e+00;
	v0 =	vadd.f32 v0, v63  }
0x175: {  	s31 =	sadd.s32 $0x1, s31;
	[tilespmem:s29+$0x2D0] =	vst v2;
	v1 =	vmax.f32 v1, $0.0e+00  }
0x176: {  	p0 =	sne.s32 s31, $0x27;
	[tilespmem:s29+$0x2E0] =	vst v1;
	v0 =	vmax.f32 v0, $0.0e+00  }
.Ltmp4:
0x177: {  	[tilespmem:s29+$0x2F0] =	vst v0;
	(pc) =	sbr.rel @p0 .LBB2_8-.Ltmp4, $4  }
0x178: {  	[spmem:s2] =	stream.indirect.scatter.add.f32 [tilespmem:s20], [sflag:$0x2], $0x80, s19, s19, $0xb8;
	[tilespmem:$0x1CA80] =	vst v63  }
0x179: {  	_ =	swait.ge [sflag:s17], $0x4000  }
0x17a: {  	[sflag:s17] =	ssyncset.done $0x0  }
0x17b: {  	[sflag:s17] =	ssyncadd.s32 $0xFFFFC000  }
0x17c: {  	s0 =	simm.s32 $0x0;
	s15 =	rddreg [dreg:$0x4];
	s29 =	simm.s32 $0x100  }
0x17d: {  	[tilespmem:s29], [sflag:$0x2] =	stream.linear.gather [hbm4b:s15+s0], $0x8, $0x38;
	[tilespmem:$0x1CA80] =	vst v63  }
0x17e: {  	_ =	swait.ge [sflag:s17], $0x8  }
0x17f: {  	[sflag:s17] =	ssyncset.done $0x0  }
0x180: {  	s30 =	simm.s32 $0x180;
	s31 =	rddreg [dreg:$0x5];
	[sflag:s17] =	ssyncadd.s32 $0xFFFFFFF8  }
0x181: {  	[tilespmem:s30], [sflag:$0x2] =	stream.linear.gather [hbm4b:s31+s0], $0x8, $0x38;
	[tilespmem:$0x1CA80] =	vst v63  }
0x182: {  	_ =	swait.ge [sflag:s17], $0x8  }
0x183: {  	[sflag:s17] =	ssyncset.done $0x0  }
0x184: {  	s15 =	simm.s32 $0x8;
	s31 =	simm.s32 $0x8280;
	[sflag:s17] =	ssyncadd.s32 $0xFFFFFFF8  }
0x185: {  	[tilespmem:s31], [sflag:$0x1] =	stream.indirect.gather [hbm4b:s5+s15], $0x80, s29, s15, $0xb8;
	[tilespmem:$0x1CA80] =	vst v63  }
0x186: {  	s31 =	rddreg [dreg:$0x16];
	s29 =	simm.s32 $0x8680  }
0x187: {  	[tilespmem:s29], [sflag:$0x2] =	stream.linear.gather [hbm4b:s31+s0], $0x400, $0x38;
	[tilespmem:$0x1CA80] =	vst v63  }
0x188: {  	_ =	swait.ge [sflag:s17], $0x400  }
0x189: {  	[sflag:s17] =	ssyncset.done $0x0  }
0x18a: {  	[sflag:s17] =	ssyncadd.s32 $0xFFFFFC00  }
0x18b: {  	_ =	swait.ge [sflag:s24], $0x400  }
0x18c: {  	[sflag:s24] =	ssyncset.done $0x0  }
0x18d: {  	s29 =	simm.s32 $0x0;
	[sflag:s24] =	ssyncadd.s32 $0xFFFFFC00  }
0x18e: {  	v6 =	vld [tilespmem:s29+$0x8680]  }
0x18f: {  	v11 =	vld [tilespmem:s29+$0x8690]  }
0x190: {  	v5 =	vld [tilespmem:s29+$0x86A0]  }
0x191: {  	v4 =	vld [tilespmem:s29+$0x86B0]  }
0x192: {  	v3 =	vld [tilespmem:s29+$0x86C0]  }
0x193: {  	v2 =	vld [tilespmem:s29+$0x86D0]  }
0x194: {  	v1 =	vld [tilespmem:s29+$0x86E0]  }
0x195: {  	v0 =	vld [tilespmem:s29+$0x86F0]  }
0x196: {  	v12 =	vld [tilespmem:s29+$0x8280]  }
0x197: {  	v13 =	vld [tilespmem:s29+$0x8290]  }
0x198: {  	v10 =	vld [tilespmem:s29+$0x82A0]  }
0x199: {  	v9 =	vld [tilespmem:s29+$0x82B0]  }
0x19a: {  	v8 =	vld [tilespmem:s29+$0x82C0]  }
0x19b: {  	v7 =	vld [tilespmem:s29+$0x82D0];
	v12 =	vadd.f32 v6, v12  }
0x19c: {  	s15 =	simm.s32 $0x200;
	v11 =	vadd.f32 v11, v13;
	v6 =	vld [tilespmem:s29+$0x82E0]  }
.LBB2_12:
0x19d: {  	s0 =	sshra.s32 s15, $0x2;
	p0 =	sne.s32 s15, $0xE00;
	v12 =	vmax.f32 v12, $0.0e+00;
	v5 =	vadd.f32 v5, v10;
	v10 =	vld [tilespmem:s29+$0x82F0]  }
0x19e: {  	v13 =	vld [tilespmem:s0+$0x8680];
	[tilespmem:s29+$0x8280] =	vst v12;
	v11 =	vmax.f32 v11, $0.0e+00;
	v4 =	vadd.f32 v4, v9  }
0x19f: {  	v14 =	vld [tilespmem:s0+$0x8690];
	[tilespmem:s29+$0x8290] =	vst v11;
	v9 =	vmax.f32 v5, $0.0e+00;
	v3 =	vadd.f32 v3, v8  }
0x1a0: {  	v5 =	vld [tilespmem:s0+$0x86A0];
	[tilespmem:s29+$0x82A0] =	vst v9;
	v8 =	vmax.f32 v4, $0.0e+00;
	v2 =	vadd.f32 v2, v7  }
0x1a1: {  	v4 =	vld [tilespmem:s0+$0x86B0];
	[tilespmem:s29+$0x82B0] =	vst v8;
	v7 =	vmax.f32 v3, $0.0e+00;
	v1 =	vadd.f32 v1, v6  }
0x1a2: {  	v3 =	vld [tilespmem:s0+$0x86C0];
	[tilespmem:s29+$0x82C0] =	vst v7;
	v6 =	vmax.f32 v2, $0.0e+00;
	v0 =	vadd.f32 v0, v10  }
0x1a3: {  	v2 =	vld [tilespmem:s0+$0x86D0];
	[tilespmem:s29+$0x82D0] =	vst v6;
	v6 =	vmax.f32 v1, $0.0e+00  }
0x1a4: {  	v1 =	vld [tilespmem:s0+$0x86E0];
	[tilespmem:s29+$0x82E0] =	vst v6;
	v6 =	vmax.f32 v0, $0.0e+00  }
0x1a5: {  	v0 =	vld [tilespmem:s0+$0x86F0];
	[tilespmem:s29+$0x82F0] =	vst v6;
	s29 =	smov.u32 s0  }
0x1a6: {  	v6 =	vld [tilespmem:s29+$0x8280]  }
0x1a7: {  	v11 =	vld [tilespmem:s29+$0x8290]  }
.Ltmp5:
0x1a8: {  	v10 =	vld [tilespmem:s29+$0x82A0];
	(pc) =	sbr.rel @p0 .LBB2_12-.Ltmp5, $4  }
0x1a9: {  	v9 =	vld [tilespmem:s29+$0x82B0]  }
0x1aa: {  	v8 =	vld [tilespmem:s29+$0x82C0]  }
0x1ab: {  	v12 =	vadd.f32 v13, v6;
	v7 =	vld [tilespmem:s29+$0x82D0]  }
0x1ac: {  	s15 =	sadd.s32 $0x200, s15;
	v11 =	vadd.f32 v14, v11;
	v6 =	vld [tilespmem:s29+$0x82E0]  }
0x1ad: {  	v12 =	vmax.f32 v12, $0.0e+00;
	v5 =	vadd.f32 v5, v10;
	v63 =	vld [tilespmem:s29+$0x82F0]  }
0x1ae: {  	[tilespmem:s29+$0x8280] =	vst v12;
	v11 =	vmax.f32 v11, $0.0e+00;
	v4 =	vadd.f32 v4, v9  }
0x1af: {  	[tilespmem:s29+$0x8290] =	vst v11;
	v5 =	vmax.f32 v5, $0.0e+00;
	v3 =	vadd.f32 v3, v8  }
0x1b0: {  	[tilespmem:s29+$0x82A0] =	vst v5;
	v4 =	vmax.f32 v4, $0.0e+00;
	v2 =	vadd.f32 v2, v7  }
0x1b1: {  	[tilespmem:s29+$0x82B0] =	vst v4;
	v3 =	vmax.f32 v3, $0.0e+00;
	v1 =	vadd.f32 v1, v6  }
0x1b2: {  	[tilespmem:s29+$0x82C0] =	vst v3;
	v2 =	vmax.f32 v2, $0.0e+00;
	v0 =	vadd.f32 v0, v63  }
0x1b3: {  	[tilespmem:s29+$0x82D0] =	vst v2;
	v1 =	vmax.f32 v1, $0.0e+00  }
0x1b4: {  	[tilespmem:s29+$0x82E0] =	vst v1;
	v0 =	vmax.f32 v0, $0.0e+00  }
0x1b5: {  	s0 =	simm.s32 $0x8;
	s15 =	simm.s32 $0x8280;
	[tilespmem:s29+$0x82F0] =	vst v0  }
0x1b6: {  	[spmem:s2] =	stream.indirect.scatter.add.f32 [tilespmem:s15], [sflag:$0x2], $0x80, s30, s0, $0xb8;
	[tilespmem:$0x1CA80] =	vst v63  }
0x1b7: {  	_ =	swait.ge [sflag:s17], $0x400  }
0x1b8: {  	[sflag:s17] =	ssyncset.done $0x0  }
0x1b9: {  	[sflag:s17] =	ssyncadd.s32 $0xFFFFFC00  }
0x1ba: {  	s30 =	simm.s32 $0x0;
	[bflag:$0x0] =	sbarrier.arrive $0xFFFF  }
0x1bb: {  	[tilespmem:s18], [sflag:$0x2] =	stream.linear.gather [hbm4b:s10+s30], $0x80, $0x38;
	[tilespmem:$0x1CA80] =	vst v63  }
0x1bc: {  	_ =	swait.ge [sflag:s17], $0x80  }
0x1bd: {  	[sflag:s17] =	ssyncset.done $0x0  }
0x1be: {  	[sflag:s17] =	ssyncadd.s32 $0xFFFFFF80  }
0x1bf: {  	[tilespmem:s20], [sflag:$0x1] =	stream.indirect.gather [spmem:s2], $0x80, s18, s19, $0xb8;
	[tilespmem:$0x1CA80] =	vst v63  }
0x1c0: {  	_ =	swait.ge [sflag:s24], $0x4000  }
0x1c1: {  	s15 =	rddreg [dreg:$0x10]  }
0x1c2: {  	[sflag:s24] =	ssyncset.done $0x0;
	s29 =	rddreg [dreg:$0x15]  }
0x1c3: {  	[sflag:s24] =	ssyncadd.s32 $0xFFFFC000;
	s0 =	sadd.s32 s29, s15  }
0x1c4: {  	[hbm4b:s0+s30] =	stream.linear.scatter [tilespmem:s20], [sflag:$0x2], $0x4000, $0x38;
	[tilespmem:$0x1CA80] =	vst v63  }
0x1c5: {  	_ =	swait.ge [sflag:s17], $0x4000  }
0x1c6: {  	[sflag:s17] =	ssyncset.done $0x0  }
0x1c7: {  	[sflag:s17] =	ssyncadd.s32 $0xFFFFC000  }
0x1c8: {  	[tilespmem:s18], [sflag:$0x2] =	stream.linear.gather [hbm4b:s11+s30], $0x80, $0x38;
	[tilespmem:$0x1CA80] =	vst v63  }
0x1c9: {  	_ =	swait.ge [sflag:s17], $0x80  }
0x1ca: {  	[sflag:s17] =	ssyncset.done $0x0  }
0x1cb: {  	[sflag:s17] =	ssyncadd.s32 $0xFFFFFF80  }
0x1cc: {  	[tilespmem:s20], [sflag:$0x1] =	stream.indirect.gather [spmem:s2], $0x80, s18, s19, $0xb8;
	[tilespmem:$0x1CA80] =	vst v63  }
0x1cd: {  	_ =	swait.ge [sflag:s24], $0x4000  }
0x1ce: {  	[sflag:s24] =	ssyncset.done $0x0;
	s29 =	rddreg [dreg:$0x6]  }
0x1cf: {  	[sflag:s24] =	ssyncadd.s32 $0xFFFFC000;
	s0 =	sadd.s32 s29, s15  }
0x1d0: {  	[hbm4b:s0+s30] =	stream.linear.scatter [tilespmem:s20], [sflag:$0x2], $0x4000, $0x38;
	[tilespmem:$0x1CA80] =	vst v63  }
0x1d1: {  	_ =	swait.ge [sflag:s17], $0x4000  }
0x1d2: {  	[sflag:s17] =	ssyncset.done $0x0  }
0x1d3: {  	[sflag:s17] =	ssyncadd.s32 $0xFFFFC000  }
0x1d4: {  	[tilespmem:s18], [sflag:$0x2] =	stream.linear.gather [hbm4b:s12+s30], $0x80, $0x38;
	[tilespmem:$0x1CA80] =	vst v63  }
0x1d5: {  	_ =	swait.ge [sflag:s17], $0x80  }
0x1d6: {  	[sflag:s17] =	ssyncset.done $0x0  }
0x1d7: {  	[sflag:s17] =	ssyncadd.s32 $0xFFFFFF80  }
0x1d8: {  	[tilespmem:s20], [sflag:$0x1] =	stream.indirect.gather [spmem:s2], $0x80, s18, s19, $0xb8;
	[tilespmem:$0x1CA80] =	vst v63  }
0x1d9: {  	_ =	swait.ge [sflag:s24], $0x4000  }
0x1da: {  	[sflag:s24] =	ssyncset.done $0x0;
	s29 =	rddreg [dreg:$0x7]  }
0x1db: {  	[sflag:s24] =	ssyncadd.s32 $0xFFFFC000;
	s0 =	sadd.s32 s29, s15  }
0x1dc: {  	[hbm4b:s0+s30] =	stream.linear.scatter [tilespmem:s20], [sflag:$0x2], $0x4000, $0x38;
	[tilespmem:$0x1CA80] =	vst v63  }
0x1dd: {  	_ =	swait.ge [sflag:s17], $0x4000  }
0x1de: {  	[sflag:s17] =	ssyncset.done $0x0  }
0x1df: {  	[sflag:s17] =	ssyncadd.s32 $0xFFFFC000  }
0x1e0: {  	[tilespmem:s18], [sflag:$0x2] =	stream.linear.gather [hbm4b:s13+s30], $0x80, $0x38;
	[tilespmem:$0x1CA80] =	vst v63  }
0x1e1: {  	_ =	swait.ge [sflag:s17], $0x80  }
0x1e2: {  	[sflag:s17] =	ssyncset.done $0x0  }
0x1e3: {  	[sflag:s17] =	ssyncadd.s32 $0xFFFFFF80  }
0x1e4: {  	[tilespmem:s20], [sflag:$0x1] =	stream.indirect.gather [spmem:s2], $0x80, s18, s19, $0xb8;
	[tilespmem:$0x1CA80] =	vst v63  }
0x1e5: {  	_ =	swait.ge [sflag:s24], $0x4000  }
0x1e6: {  	[sflag:s24] =	ssyncset.done $0x0;
	s29 =	rddreg [dreg:$0x8]  }
0x1e7: {  	[sflag:s24] =	ssyncadd.s32 $0xFFFFC000;
	s0 =	sadd.s32 s29, s15  }
0x1e8: {  	[hbm4b:s0+s30] =	stream.linear.scatter [tilespmem:s20], [sflag:$0x2], $0x4000, $0x38;
	[tilespmem:$0x1CA80] =	vst v63  }
0x1e9: {  	_ =	swait.ge [sflag:s17], $0x4000  }
0x1ea: {  	[sflag:s17] =	ssyncset.done $0x0  }
0x1eb: {  	[sflag:s17] =	ssyncadd.s32 $0xFFFFC000  }
0x1ec: {  	[tilespmem:s18], [sflag:$0x2] =	stream.linear.gather [hbm4b:s14+s30], $0x80, $0x38;
	[tilespmem:$0x1CA80] =	vst v63  }
0x1ed: {  	_ =	swait.ge [sflag:s17], $0x80  }
0x1ee: {  	[sflag:s17] =	ssyncset.done $0x0  }
0x1ef: {  	[sflag:s17] =	ssyncadd.s32 $0xFFFFFF80  }
0x1f0: {  	[tilespmem:s20], [sflag:$0x1] =	stream.indirect.gather [spmem:s2], $0x80, s18, s19, $0xb8;
	[tilespmem:$0x1CA80] =	vst v63  }
0x1f1: {  	_ =	swait.ge [sflag:s24], $0x4000  }
0x1f2: {  	[sflag:s24] =	ssyncset.done $0x0;
	s29 =	rddreg [dreg:$0x9]  }
0x1f3: {  	[sflag:s24] =	ssyncadd.s32 $0xFFFFC000;
	s0 =	sadd.s32 s29, s15  }
0x1f4: {  	[hbm4b:s0+s30] =	stream.linear.scatter [tilespmem:s20], [sflag:$0x2], $0x4000, $0x38;
	[tilespmem:$0x1CA80] =	vst v63  }
0x1f5: {  	_ =	swait.ge [sflag:s17], $0x4000  }
0x1f6: {  	[sflag:s17] =	ssyncset.done $0x0  }
0x1f7: {  	s29 =	rddreg [dreg:$0xb];
	[sflag:s17] =	ssyncadd.s32 $0xFFFFC000  }
0x1f8: {  	[tilespmem:s16], [sflag:$0x2] =	stream.linear.gather [hbm4b:s29+s30], $0x4000, $0x38;
	[tilespmem:$0x1CA80] =	vst v63  }
0x1f9: {  	_ =	swait.ge [sflag:s17], $0x4000  }
0x1fa: {  	[sflag:s17] =	ssyncset.done $0x0  }
0x1fb: {  	[sflag:s17] =	ssyncadd.s32 $0xFFFFC000  }
0x1fc: {  	[tilespmem:s18], [sflag:$0x2] =	stream.linear.gather [hbm4b:s10+s30], $0x80, $0x38;
	[tilespmem:$0x1CA80] =	vst v63  }
0x1fd: {  	_ =	swait.ge [sflag:s17], $0x80  }
0x1fe: {  	[sflag:s17] =	ssyncset.done $0x0  }
0x1ff: {  	[sflag:s17] =	ssyncadd.s32 $0xFFFFFF80  }
0x200: {  	[spmem:s2] =	stream.indirect.scatter [tilespmem:s16], [sflag:$0x2], $0x80, s18, s19, $0xb8;
	[tilespmem:$0x1CA80] =	vst v63  }
0x201: {  	_ =	swait.ge [sflag:s17], $0x4000  }
0x202: {  	[sflag:s17] =	ssyncset.done $0x0  }
0x203: {  	[sflag:s17] =	ssyncadd.s32 $0xFFFFC000  }
0x204: {  	[tilespmem:s18], [sflag:$0x2] =	stream.linear.gather [hbm4b:s11+s30], $0x80, $0x38;
	[tilespmem:$0x1CA80] =	vst v63  }
0x205: {  	_ =	swait.ge [sflag:s17], $0x80  }
0x206: {  	[sflag:s17] =	ssyncset.done $0x0  }
0x207: {  	[sflag:s17] =	ssyncadd.s32 $0xFFFFFF80  }
0x208: {  	[spmem:s2] =	stream.indirect.scatter [tilespmem:s16], [sflag:$0x2], $0x80, s18, s19, $0xb8;
	[tilespmem:$0x1CA80] =	vst v63  }
0x209: {  	_ =	swait.ge [sflag:s17], $0x4000  }
0x20a: {  	[sflag:s17] =	ssyncset.done $0x0  }
0x20b: {  	[sflag:s17] =	ssyncadd.s32 $0xFFFFC000  }
0x20c: {  	[tilespmem:s18], [sflag:$0x2] =	stream.linear.gather [hbm4b:s12+s30], $0x80, $0x38;
	[tilespmem:$0x1CA80] =	vst v63  }
0x20d: {  	_ =	swait.ge [sflag:s17], $0x80  }
0x20e: {  	[sflag:s17] =	ssyncset.done $0x0  }
0x20f: {  	[sflag:s17] =	ssyncadd.s32 $0xFFFFFF80  }
0x210: {  	[spmem:s2] =	stream.indirect.scatter [tilespmem:s16], [sflag:$0x2], $0x80, s18, s19, $0xb8;
	[tilespmem:$0x1CA80] =	vst v63  }
0x211: {  	_ =	swait.ge [sflag:s17], $0x4000  }
0x212: {  	[sflag:s17] =	ssyncset.done $0x0  }
0x213: {  	[sflag:s17] =	ssyncadd.s32 $0xFFFFC000  }
0x214: {  	[tilespmem:s18], [sflag:$0x2] =	stream.linear.gather [hbm4b:s13+s30], $0x80, $0x38;
	[tilespmem:$0x1CA80] =	vst v63  }
0x215: {  	_ =	swait.ge [sflag:s17], $0x80  }
0x216: {  	[sflag:s17] =	ssyncset.done $0x0  }
0x217: {  	[sflag:s17] =	ssyncadd.s32 $0xFFFFFF80  }
0x218: {  	[spmem:s2] =	stream.indirect.scatter [tilespmem:s16], [sflag:$0x2], $0x80, s18, s19, $0xb8;
	[tilespmem:$0x1CA80] =	vst v63  }
0x219: {  	_ =	swait.ge [sflag:s17], $0x4000  }
0x21a: {  	[sflag:s17] =	ssyncset.done $0x0  }
0x21b: {  	[sflag:s17] =	ssyncadd.s32 $0xFFFFC000  }
0x21c: {  	[tilespmem:s18], [sflag:$0x2] =	stream.linear.gather [hbm4b:s14+s30], $0x80, $0x38;
	[tilespmem:$0x1CA80] =	vst v63  }
0x21d: {  	_ =	swait.ge [sflag:s17], $0x80  }
0x21e: {  	[sflag:s17] =	ssyncset.done $0x0  }
0x21f: {  	[sflag:s17] =	ssyncadd.s32 $0xFFFFFF80  }
0x220: {  	[spmem:s2] =	stream.indirect.scatter [tilespmem:s16], [sflag:$0x2], $0x80, s18, s19, $0xb8;
	[tilespmem:$0x1CA80] =	vst v63  }
0x221: {  	_ =	swait.ge [sflag:s17], $0x4000  }
0x222: {  	[sflag:s17] =	ssyncset.done $0x0  }
0x223: {  	[sflag:s17] =	ssyncadd.s32 $0xFFFFC000  }
0x224: {  	s31 =	simm.s32 $0x0;
	[bflag:$0x0] =	sbarrier.arrive $0xFFFF  }
.LBB2_14:
0x225: {  	s0 =	sshll.u32 s31, $0x7  }
0x226: {  	s0 =	sadd.s32 s9, s0  }
0x227: {  	s15 =	sshrl.u32 s0, $0x3  }
0x228: {  	s29 =	sadd.s32 s7, s15  }
0x229: {  	[tilespmem:s30], [sflag:$0x2] =	stream.linear.gather [hbm4b:s29+s30], $0x80, $0x38;
	[tilespmem:$0x1CA80] =	vst v63  }
0x22a: {  	_ =	swait.ge [sflag:s17], $0x80  }
0x22b: {  	[sflag:s17] =	ssyncset.done $0x0  }
0x22c: {  	s15 =	sadd.s32 s8, s15;
	[sflag:s17] =	ssyncadd.s32 $0xFFFFFF80  }
0x22d: {  	[tilespmem:s19], [sflag:$0x2] =	stream.linear.gather [hbm4b:s15+s30], $0x80, $0x38;
	[tilespmem:$0x1CA80] =	vst v63  }
0x22e: {  	_ =	swait.ge [sflag:s17], $0x80  }
0x22f: {  	[sflag:s17] =	ssyncset.done $0x0  }
0x230: {  	s0 =	sshll.u32 s0, $0x4;
	[sflag:s17] =	ssyncadd.s32 $0xFFFFFF80  }
0x231: {  	[tilespmem:s20], [sflag:$0x1] =	stream.indirect.gather [hbm4b:s6+s19], $0x80, s30, s19, $0xb8;
	[tilespmem:$0x1CA80] =	vst v63  }
0x232: {  	s0 =	sadd.s32 s0, s26  }
0x233: {  	[tilespmem:s16], [sflag:$0x2] =	stream.linear.gather [hbm4b:s0+s30], $0x4000, $0x38;
	[tilespmem:$0x1CA80] =	vst v63  }
0x234: {  	_ =	swait.ge [sflag:s17], $0x4000  }
0x235: {  	[sflag:s17] =	ssyncset.done $0x0  }
0x236: {  	[sflag:s17] =	ssyncadd.s32 $0xFFFFC000  }
0x237: {  	_ =	swait.ge [sflag:s24], $0x4000  }
0x238: {  	[sflag:s24] =	ssyncset.done $0x0  }
0x239: {  	s29 =	simm.s32 $0x0;
	[sflag:s24] =	ssyncadd.s32 $0xFFFFC000  }
0x23a: {  	v6 =	vld [tilespmem:s29+$0x4280]  }
0x23b: {  	v11 =	vld [tilespmem:s29+$0x4290]  }
0x23c: {  	v5 =	vld [tilespmem:s29+$0x42A0]  }
0x23d: {  	v4 =	vld [tilespmem:s29+$0x42B0]  }
0x23e: {  	v3 =	vld [tilespmem:s29+$0x42C0]  }
0x23f: {  	v2 =	vld [tilespmem:s29+$0x42D0]  }
0x240: {  	v1 =	vld [tilespmem:s29+$0x42E0]  }
0x241: {  	v0 =	vld [tilespmem:s29+$0x42F0]  }
0x242: {  	v12 =	vld [tilespmem:s29+$0x280]  }
0x243: {  	v13 =	vld [tilespmem:s29+$0x290]  }
0x244: {  	v10 =	vld [tilespmem:s29+$0x2A0]  }
0x245: {  	v9 =	vld [tilespmem:s29+$0x2B0]  }
0x246: {  	v8 =	vld [tilespmem:s29+$0x2C0]  }
0x247: {  	v7 =	vld [tilespmem:s29+$0x2D0];
	v12 =	vadd.f32 v6, v12  }
0x248: {  	s15 =	simm.s32 $0x200;
	v11 =	vadd.f32 v11, v13;
	v6 =	vld [tilespmem:s29+$0x2E0]  }
.LBB2_15:
0x249: {  	s0 =	sshra.s32 s15, $0x2;
	p0 =	sne.s32 s15, $0xFE00;
	v12 =	vmax.f32 v12, $0.0e+00;
	v5 =	vadd.f32 v5, v10;
	v10 =	vld [tilespmem:s29+$0x2F0]  }
0x24a: {  	v13 =	vld [tilespmem:s0+$0x4280];
	[tilespmem:s29+$0x280] =	vst v12;
	v11 =	vmax.f32 v11, $0.0e+00;
	v4 =	vadd.f32 v4, v9  }
0x24b: {  	v14 =	vld [tilespmem:s0+$0x4290];
	[tilespmem:s29+$0x290] =	vst v11;
	v9 =	vmax.f32 v5, $0.0e+00;
	v3 =	vadd.f32 v3, v8  }
0x24c: {  	v5 =	vld [tilespmem:s0+$0x42A0];
	[tilespmem:s29+$0x2A0] =	vst v9;
	v8 =	vmax.f32 v4, $0.0e+00;
	v2 =	vadd.f32 v2, v7  }
0x24d: {  	v4 =	vld [tilespmem:s0+$0x42B0];
	[tilespmem:s29+$0x2B0] =	vst v8;
	v7 =	vmax.f32 v3, $0.0e+00;
	v1 =	vadd.f32 v1, v6  }
0x24e: {  	v3 =	vld [tilespmem:s0+$0x42C0];
	[tilespmem:s29+$0x2C0] =	vst v7;
	v6 =	vmax.f32 v2, $0.0e+00;
	v0 =	vadd.f32 v0, v10  }
0x24f: {  	v2 =	vld [tilespmem:s0+$0x42D0];
	[tilespmem:s29+$0x2D0] =	vst v6;
	v6 =	vmax.f32 v1, $0.0e+00  }
0x250: {  	v1 =	vld [tilespmem:s0+$0x42E0];
	[tilespmem:s29+$0x2E0] =	vst v6;
	v6 =	vmax.f32 v0, $0.0e+00  }
0x251: {  	v0 =	vld [tilespmem:s0+$0x42F0];
	[tilespmem:s29+$0x2F0] =	vst v6;
	s29 =	smov.u32 s0  }
0x252: {  	v6 =	vld [tilespmem:s29+$0x280]  }
0x253: {  	v11 =	vld [tilespmem:s29+$0x290]  }
.Ltmp6:
0x254: {  	v10 =	vld [tilespmem:s29+$0x2A0];
	(pc) =	sbr.rel @p0 .LBB2_15-.Ltmp6, $4  }
0x255: {  	v9 =	vld [tilespmem:s29+$0x2B0]  }
0x256: {  	v8 =	vld [tilespmem:s29+$0x2C0]  }
0x257: {  	v12 =	vadd.f32 v13, v6;
	v7 =	vld [tilespmem:s29+$0x2D0]  }
0x258: {  	s15 =	sadd.s32 $0x200, s15;
	v11 =	vadd.f32 v14, v11;
	v6 =	vld [tilespmem:s29+$0x2E0]  }
0x259: {  	v12 =	vmax.f32 v12, $0.0e+00;
	v5 =	vadd.f32 v5, v10;
	v63 =	vld [tilespmem:s29+$0x2F0]  }
0x25a: {  	[tilespmem:s29+$0x280] =	vst v12;
	v11 =	vmax.f32 v11, $0.0e+00;
	v4 =	vadd.f32 v4, v9  }
0x25b: {  	[tilespmem:s29+$0x290] =	vst v11;
	v5 =	vmax.f32 v5, $0.0e+00;
	v3 =	vadd.f32 v3, v8  }
0x25c: {  	[tilespmem:s29+$0x2A0] =	vst v5;
	v4 =	vmax.f32 v4, $0.0e+00;
	v2 =	vadd.f32 v2, v7  }
0x25d: {  	[tilespmem:s29+$0x2B0] =	vst v4;
	v3 =	vmax.f32 v3, $0.0e+00;
	v1 =	vadd.f32 v1, v6  }
0x25e: {  	[tilespmem:s29+$0x2C0] =	vst v3;
	v2 =	vmax.f32 v2, $0.0e+00;
	v0 =	vadd.f32 v0, v63  }
0x25f: {  	s31 =	sadd.s32 $0x1, s31;
	[tilespmem:s29+$0x2D0] =	vst v2;
	v1 =	vmax.f32 v1, $0.0e+00  }
0x260: {  	p0 =	sne.s32 s31, $0x27;
	[tilespmem:s29+$0x2E0] =	vst v1;
	v0 =	vmax.f32 v0, $0.0e+00  }
.Ltmp7:
0x261: {  	[tilespmem:s29+$0x2F0] =	vst v0;
	(pc) =	sbr.rel @p0 .LBB2_14-.Ltmp7, $4  }
0x262: {  	[spmem:s2] =	stream.indirect.scatter.add.f32 [tilespmem:s20], [sflag:$0x2], $0x80, s19, s19, $0xb8;
	[tilespmem:$0x1CA80] =	vst v63  }
0x263: {  	_ =	swait.ge [sflag:s17], $0x4000  }
0x264: {  	[sflag:s17] =	ssyncset.done $0x0  }
0x265: {  	[sflag:s17] =	ssyncadd.s32 $0xFFFFC000  }
0x266: {  	s0 =	simm.s32 $0x0;
	s15 =	rddreg [dreg:$0x4];
	s29 =	simm.s32 $0x100  }
0x267: {  	[tilespmem:s29], [sflag:$0x2] =	stream.linear.gather [hbm4b:s15+s0], $0x8, $0x38;
	[tilespmem:$0x1CA80] =	vst v63  }
0x268: {  	_ =	swait.ge [sflag:s17], $0x8  }
0x269: {  	[sflag:s17] =	ssyncset.done $0x0  }
0x26a: {  	s30 =	simm.s32 $0x180;
	s31 =	rddreg [dreg:$0x5];
	[sflag:s17] =	ssyncadd.s32 $0xFFFFFFF8  }
0x26b: {  	[tilespmem:s30], [sflag:$0x2] =	stream.linear.gather [hbm4b:s31+s0], $0x8, $0x38;
	[tilespmem:$0x1CA80] =	vst v63  }
0x26c: {  	_ =	swait.ge [sflag:s17], $0x8  }
0x26d: {  	[sflag:s17] =	ssyncset.done $0x0  }
0x26e: {  	s15 =	simm.s32 $0x8;
	s31 =	simm.s32 $0x8280;
	[sflag:s17] =	ssyncadd.s32 $0xFFFFFFF8  }
0x26f: {  	[tilespmem:s31], [sflag:$0x1] =	stream.indirect.gather [hbm4b:s6+s15], $0x80, s29, s15, $0xb8;
	[tilespmem:$0x1CA80] =	vst v63  }
0x270: {  	s31 =	rddreg [dreg:$0xd];
	s29 =	simm.s32 $0x8680  }
0x271: {  	[tilespmem:s29], [sflag:$0x2] =	stream.linear.gather [hbm4b:s31+s0], $0x400, $0x38;
	[tilespmem:$0x1CA80] =	vst v63  }
0x272: {  	_ =	swait.ge [sflag:s17], $0x400  }
0x273: {  	[sflag:s17] =	ssyncset.done $0x0  }
0x274: {  	[sflag:s17] =	ssyncadd.s32 $0xFFFFFC00  }
0x275: {  	_ =	swait.ge [sflag:s24], $0x400  }
0x276: {  	[sflag:s24] =	ssyncset.done $0x0  }
0x277: {  	s29 =	simm.s32 $0x0;
	[sflag:s24] =	ssyncadd.s32 $0xFFFFFC00  }
0x278: {  	v6 =	vld [tilespmem:s29+$0x8680]  }
0x279: {  	v11 =	vld [tilespmem:s29+$0x8690]  }
0x27a: {  	v5 =	vld [tilespmem:s29+$0x86A0]  }
0x27b: {  	v4 =	vld [tilespmem:s29+$0x86B0]  }
0x27c: {  	v3 =	vld [tilespmem:s29+$0x86C0]  }
0x27d: {  	v2 =	vld [tilespmem:s29+$0x86D0]  }
0x27e: {  	v1 =	vld [tilespmem:s29+$0x86E0]  }
0x27f: {  	v0 =	vld [tilespmem:s29+$0x86F0]  }
0x280: {  	v12 =	vld [tilespmem:s29+$0x8280]  }
0x281: {  	v13 =	vld [tilespmem:s29+$0x8290]  }
0x282: {  	v10 =	vld [tilespmem:s29+$0x82A0]  }
0x283: {  	v9 =	vld [tilespmem:s29+$0x82B0]  }
0x284: {  	v8 =	vld [tilespmem:s29+$0x82C0]  }
0x285: {  	v7 =	vld [tilespmem:s29+$0x82D0];
	v12 =	vadd.f32 v6, v12  }
0x286: {  	s15 =	simm.s32 $0x200;
	v11 =	vadd.f32 v11, v13;
	v6 =	vld [tilespmem:s29+$0x82E0]  }
.LBB2_18:
0x287: {  	s0 =	sshra.s32 s15, $0x2;
	p0 =	sne.s32 s15, $0xE00;
	v12 =	vmax.f32 v12, $0.0e+00;
	v5 =	vadd.f32 v5, v10;
	v10 =	vld [tilespmem:s29+$0x82F0]  }
0x288: {  	v13 =	vld [tilespmem:s0+$0x8680];
	[tilespmem:s29+$0x8280] =	vst v12;
	v11 =	vmax.f32 v11, $0.0e+00;
	v4 =	vadd.f32 v4, v9  }
0x289: {  	v14 =	vld [tilespmem:s0+$0x8690];
	[tilespmem:s29+$0x8290] =	vst v11;
	v9 =	vmax.f32 v5, $0.0e+00;
	v3 =	vadd.f32 v3, v8  }
0x28a: {  	v5 =	vld [tilespmem:s0+$0x86A0];
	[tilespmem:s29+$0x82A0] =	vst v9;
	v8 =	vmax.f32 v4, $0.0e+00;
	v2 =	vadd.f32 v2, v7  }
0x28b: {  	v4 =	vld [tilespmem:s0+$0x86B0];
	[tilespmem:s29+$0x82B0] =	vst v8;
	v7 =	vmax.f32 v3, $0.0e+00;
	v1 =	vadd.f32 v1, v6  }
0x28c: {  	v3 =	vld [tilespmem:s0+$0x86C0];
	[tilespmem:s29+$0x82C0] =	vst v7;
	v6 =	vmax.f32 v2, $0.0e+00;
	v0 =	vadd.f32 v0, v10  }
0x28d: {  	v2 =	vld [tilespmem:s0+$0x86D0];
	[tilespmem:s29+$0x82D0] =	vst v6;
	v6 =	vmax.f32 v1, $0.0e+00  }
0x28e: {  	v1 =	vld [tilespmem:s0+$0x86E0];
	[tilespmem:s29+$0x82E0] =	vst v6;
	v6 =	vmax.f32 v0, $0.0e+00  }
0x28f: {  	v0 =	vld [tilespmem:s0+$0x86F0];
	[tilespmem:s29+$0x82F0] =	vst v6;
	s29 =	smov.u32 s0  }
0x290: {  	v6 =	vld [tilespmem:s29+$0x8280]  }
0x291: {  	v11 =	vld [tilespmem:s29+$0x8290]  }
.Ltmp8:
0x292: {  	v10 =	vld [tilespmem:s29+$0x82A0];
	(pc) =	sbr.rel @p0 .LBB2_18-.Ltmp8, $4  }
0x293: {  	v9 =	vld [tilespmem:s29+$0x82B0]  }
0x294: {  	v8 =	vld [tilespmem:s29+$0x82C0]  }
0x295: {  	v12 =	vadd.f32 v13, v6;
	v7 =	vld [tilespmem:s29+$0x82D0]  }
0x296: {  	s15 =	sadd.s32 $0x200, s15;
	v11 =	vadd.f32 v14, v11;
	v6 =	vld [tilespmem:s29+$0x82E0]  }
0x297: {  	v12 =	vmax.f32 v12, $0.0e+00;
	v5 =	vadd.f32 v5, v10;
	v63 =	vld [tilespmem:s29+$0x82F0]  }
0x298: {  	[tilespmem:s29+$0x8280] =	vst v12;
	v11 =	vmax.f32 v11, $0.0e+00;
	v4 =	vadd.f32 v4, v9  }
0x299: {  	[tilespmem:s29+$0x8290] =	vst v11;
	v5 =	vmax.f32 v5, $0.0e+00;
	v3 =	vadd.f32 v3, v8  }
0x29a: {  	[tilespmem:s29+$0x82A0] =	vst v5;
	v4 =	vmax.f32 v4, $0.0e+00;
	v2 =	vadd.f32 v2, v7  }
0x29b: {  	[tilespmem:s29+$0x82B0] =	vst v4;
	v3 =	vmax.f32 v3, $0.0e+00;
	v1 =	vadd.f32 v1, v6  }
0x29c: {  	[tilespmem:s29+$0x82C0] =	vst v3;
	v2 =	vmax.f32 v2, $0.0e+00;
	v0 =	vadd.f32 v0, v63  }
0x29d: {  	[tilespmem:s29+$0x82D0] =	vst v2;
	v1 =	vmax.f32 v1, $0.0e+00  }
0x29e: {  	[tilespmem:s29+$0x82E0] =	vst v1;
	v0 =	vmax.f32 v0, $0.0e+00  }
0x29f: {  	s0 =	simm.s32 $0x8;
	s15 =	simm.s32 $0x8280;
	[tilespmem:s29+$0x82F0] =	vst v0  }
0x2a0: {  	[spmem:s2] =	stream.indirect.scatter.add.f32 [tilespmem:s15], [sflag:$0x2], $0x80, s30, s0, $0xb8;
	[tilespmem:$0x1CA80] =	vst v63  }
0x2a1: {  	_ =	swait.ge [sflag:s17], $0x400  }
0x2a2: {  	[sflag:s17] =	ssyncset.done $0x0  }
0x2a3: {  	[sflag:s17] =	ssyncadd.s32 $0xFFFFFC00  }
0x2a4: {  	s30 =	simm.s32 $0x0;
	[bflag:$0x0] =	sbarrier.arrive $0xFFFF  }
0x2a5: {  	[tilespmem:s18], [sflag:$0x2] =	stream.linear.gather [hbm4b:s10+s30], $0x80, $0x38;
	[tilespmem:$0x1CA80] =	vst v63  }
0x2a6: {  	_ =	swait.ge [sflag:s17], $0x80  }
0x2a7: {  	[sflag:s17] =	ssyncset.done $0x0  }
0x2a8: {  	[sflag:s17] =	ssyncadd.s32 $0xFFFFFF80  }
0x2a9: {  	[tilespmem:s20], [sflag:$0x1] =	stream.indirect.gather [spmem:s2], $0x80, s18, s19, $0xb8;
	[tilespmem:$0x1CA80] =	vst v63  }
0x2aa: {  	_ =	swait.ge [sflag:s24], $0x4000  }
0x2ab: {  	s15 =	rddreg [dreg:$0x11]  }
0x2ac: {  	[sflag:s24] =	ssyncset.done $0x0;
	s29 =	rddreg [dreg:$0x15]  }
0x2ad: {  	[sflag:s24] =	ssyncadd.s32 $0xFFFFC000;
	s0 =	sadd.s32 s29, s15  }
0x2ae: {  	[hbm4b:s0+s30] =	stream.linear.scatter [tilespmem:s20], [sflag:$0x2], $0x4000, $0x38;
	[tilespmem:$0x1CA80] =	vst v63  }
0x2af: {  	_ =	swait.ge [sflag:s17], $0x4000  }
0x2b0: {  	[sflag:s17] =	ssyncset.done $0x0  }
0x2b1: {  	[sflag:s17] =	ssyncadd.s32 $0xFFFFC000  }
0x2b2: {  	[tilespmem:s18], [sflag:$0x2] =	stream.linear.gather [hbm4b:s11+s30], $0x80, $0x38;
	[tilespmem:$0x1CA80] =	vst v63  }
0x2b3: {  	_ =	swait.ge [sflag:s17], $0x80  }
0x2b4: {  	[sflag:s17] =	ssyncset.done $0x0  }
0x2b5: {  	[sflag:s17] =	ssyncadd.s32 $0xFFFFFF80  }
0x2b6: {  	[tilespmem:s20], [sflag:$0x1] =	stream.indirect.gather [spmem:s2], $0x80, s18, s19, $0xb8;
	[tilespmem:$0x1CA80] =	vst v63  }
0x2b7: {  	_ =	swait.ge [sflag:s24], $0x4000  }
0x2b8: {  	[sflag:s24] =	ssyncset.done $0x0;
	s29 =	rddreg [dreg:$0x6]  }
0x2b9: {  	[sflag:s24] =	ssyncadd.s32 $0xFFFFC000;
	s0 =	sadd.s32 s29, s15  }
0x2ba: {  	[hbm4b:s0+s30] =	stream.linear.scatter [tilespmem:s20], [sflag:$0x2], $0x4000, $0x38;
	[tilespmem:$0x1CA80] =	vst v63  }
0x2bb: {  	_ =	swait.ge [sflag:s17], $0x4000  }
0x2bc: {  	[sflag:s17] =	ssyncset.done $0x0  }
0x2bd: {  	[sflag:s17] =	ssyncadd.s32 $0xFFFFC000  }
0x2be: {  	[tilespmem:s18], [sflag:$0x2] =	stream.linear.gather [hbm4b:s12+s30], $0x80, $0x38;
	[tilespmem:$0x1CA80] =	vst v63  }
0x2bf: {  	_ =	swait.ge [sflag:s17], $0x80  }
0x2c0: {  	[sflag:s17] =	ssyncset.done $0x0  }
0x2c1: {  	[sflag:s17] =	ssyncadd.s32 $0xFFFFFF80  }
0x2c2: {  	[tilespmem:s20], [sflag:$0x1] =	stream.indirect.gather [spmem:s2], $0x80, s18, s19, $0xb8;
	[tilespmem:$0x1CA80] =	vst v63  }
0x2c3: {  	_ =	swait.ge [sflag:s24], $0x4000  }
0x2c4: {  	[sflag:s24] =	ssyncset.done $0x0;
	s29 =	rddreg [dreg:$0x7]  }
0x2c5: {  	[sflag:s24] =	ssyncadd.s32 $0xFFFFC000;
	s0 =	sadd.s32 s29, s15  }
0x2c6: {  	[hbm4b:s0+s30] =	stream.linear.scatter [tilespmem:s20], [sflag:$0x2], $0x4000, $0x38;
	[tilespmem:$0x1CA80] =	vst v63  }
0x2c7: {  	_ =	swait.ge [sflag:s17], $0x4000  }
0x2c8: {  	[sflag:s17] =	ssyncset.done $0x0  }
0x2c9: {  	[sflag:s17] =	ssyncadd.s32 $0xFFFFC000  }
0x2ca: {  	[tilespmem:s18], [sflag:$0x2] =	stream.linear.gather [hbm4b:s13+s30], $0x80, $0x38;
	[tilespmem:$0x1CA80] =	vst v63  }
0x2cb: {  	_ =	swait.ge [sflag:s17], $0x80  }
0x2cc: {  	[sflag:s17] =	ssyncset.done $0x0  }
0x2cd: {  	[sflag:s17] =	ssyncadd.s32 $0xFFFFFF80  }
0x2ce: {  	[tilespmem:s20], [sflag:$0x1] =	stream.indirect.gather [spmem:s2], $0x80, s18, s19, $0xb8;
	[tilespmem:$0x1CA80] =	vst v63  }
0x2cf: {  	_ =	swait.ge [sflag:s24], $0x4000  }
0x2d0: {  	[sflag:s24] =	ssyncset.done $0x0;
	s29 =	rddreg [dreg:$0x8]  }
0x2d1: {  	[sflag:s24] =	ssyncadd.s32 $0xFFFFC000;
	s0 =	sadd.s32 s29, s15  }
0x2d2: {  	[hbm4b:s0+s30] =	stream.linear.scatter [tilespmem:s20], [sflag:$0x2], $0x4000, $0x38;
	[tilespmem:$0x1CA80] =	vst v63  }
0x2d3: {  	_ =	swait.ge [sflag:s17], $0x4000  }
0x2d4: {  	[sflag:s17] =	ssyncset.done $0x0  }
0x2d5: {  	[sflag:s17] =	ssyncadd.s32 $0xFFFFC000  }
0x2d6: {  	[tilespmem:s18], [sflag:$0x2] =	stream.linear.gather [hbm4b:s14+s30], $0x80, $0x38;
	[tilespmem:$0x1CA80] =	vst v63  }
0x2d7: {  	_ =	swait.ge [sflag:s17], $0x80  }
0x2d8: {  	[sflag:s17] =	ssyncset.done $0x0  }
0x2d9: {  	[sflag:s17] =	ssyncadd.s32 $0xFFFFFF80  }
0x2da: {  	[tilespmem:s20], [sflag:$0x1] =	stream.indirect.gather [spmem:s2], $0x80, s18, s19, $0xb8;
	[tilespmem:$0x1CA80] =	vst v63  }
0x2db: {  	_ =	swait.ge [sflag:s24], $0x4000  }
0x2dc: {  	[sflag:s24] =	ssyncset.done $0x0;
	s29 =	rddreg [dreg:$0x9]  }
0x2dd: {  	[sflag:s24] =	ssyncadd.s32 $0xFFFFC000;
	s0 =	sadd.s32 s29, s15  }
0x2de: {  	[hbm4b:s0+s30] =	stream.linear.scatter [tilespmem:s20], [sflag:$0x2], $0x4000, $0x38;
	[tilespmem:$0x1CA80] =	vst v63  }
0x2df: {  	_ =	swait.ge [sflag:s17], $0x4000  }
0x2e0: {  	[sflag:s17] =	ssyncset.done $0x0  }
0x2e1: {  	s29 =	rddreg [dreg:$0xb];
	[sflag:s17] =	ssyncadd.s32 $0xFFFFC000  }
0x2e2: {  	[tilespmem:s16], [sflag:$0x2] =	stream.linear.gather [hbm4b:s29+s30], $0x4000, $0x38;
	[tilespmem:$0x1CA80] =	vst v63  }
0x2e3: {  	_ =	swait.ge [sflag:s17], $0x4000  }
0x2e4: {  	[sflag:s17] =	ssyncset.done $0x0  }
0x2e5: {  	[sflag:s17] =	ssyncadd.s32 $0xFFFFC000  }
0x2e6: {  	[tilespmem:s18], [sflag:$0x2] =	stream.linear.gather [hbm4b:s10+s30], $0x80, $0x38;
	[tilespmem:$0x1CA80] =	vst v63  }
0x2e7: {  	_ =	swait.ge [sflag:s17], $0x80  }
0x2e8: {  	[sflag:s17] =	ssyncset.done $0x0  }
0x2e9: {  	[sflag:s17] =	ssyncadd.s32 $0xFFFFFF80  }
0x2ea: {  	[spmem:s2] =	stream.indirect.scatter [tilespmem:s16], [sflag:$0x2], $0x80, s18, s19, $0xb8;
	[tilespmem:$0x1CA80] =	vst v63  }
0x2eb: {  	_ =	swait.ge [sflag:s17], $0x4000  }
0x2ec: {  	[sflag:s17] =	ssyncset.done $0x0  }
0x2ed: {  	[sflag:s17] =	ssyncadd.s32 $0xFFFFC000  }
0x2ee: {  	[tilespmem:s18], [sflag:$0x2] =	stream.linear.gather [hbm4b:s11+s30], $0x80, $0x38;
	[tilespmem:$0x1CA80] =	vst v63  }
0x2ef: {  	_ =	swait.ge [sflag:s17], $0x80  }
0x2f0: {  	[sflag:s17] =	ssyncset.done $0x0  }
0x2f1: {  	[sflag:s17] =	ssyncadd.s32 $0xFFFFFF80  }
0x2f2: {  	[spmem:s2] =	stream.indirect.scatter [tilespmem:s16], [sflag:$0x2], $0x80, s18, s19, $0xb8;
	[tilespmem:$0x1CA80] =	vst v63  }
0x2f3: {  	_ =	swait.ge [sflag:s17], $0x4000  }
0x2f4: {  	[sflag:s17] =	ssyncset.done $0x0  }
0x2f5: {  	[sflag:s17] =	ssyncadd.s32 $0xFFFFC000  }
0x2f6: {  	[tilespmem:s18], [sflag:$0x2] =	stream.linear.gather [hbm4b:s12+s30], $0x80, $0x38;
	[tilespmem:$0x1CA80] =	vst v63  }
0x2f7: {  	_ =	swait.ge [sflag:s17], $0x80  }
0x2f8: {  	[sflag:s17] =	ssyncset.done $0x0  }
0x2f9: {  	[sflag:s17] =	ssyncadd.s32 $0xFFFFFF80  }
0x2fa: {  	[spmem:s2] =	stream.indirect.scatter [tilespmem:s16], [sflag:$0x2], $0x80, s18, s19, $0xb8;
	[tilespmem:$0x1CA80] =	vst v63  }
0x2fb: {  	_ =	swait.ge [sflag:s17], $0x4000  }
0x2fc: {  	[sflag:s17] =	ssyncset.done $0x0  }
0x2fd: {  	[sflag:s17] =	ssyncadd.s32 $0xFFFFC000  }
0x2fe: {  	[tilespmem:s18], [sflag:$0x2] =	stream.linear.gather [hbm4b:s13+s30], $0x80, $0x38;
	[tilespmem:$0x1CA80] =	vst v63  }
0x2ff: {  	_ =	swait.ge [sflag:s17], $0x80  }
0x300: {  	[sflag:s17] =	ssyncset.done $0x0  }
0x301: {  	[sflag:s17] =	ssyncadd.s32 $0xFFFFFF80  }
0x302: {  	[spmem:s2] =	stream.indirect.scatter [tilespmem:s16], [sflag:$0x2], $0x80, s18, s19, $0xb8;
	[tilespmem:$0x1CA80] =	vst v63  }
0x303: {  	_ =	swait.ge [sflag:s17], $0x4000  }
0x304: {  	[sflag:s17] =	ssyncset.done $0x0  }
0x305: {  	[sflag:s17] =	ssyncadd.s32 $0xFFFFC000  }
0x306: {  	[tilespmem:s18], [sflag:$0x2] =	stream.linear.gather [hbm4b:s14+s30], $0x80, $0x38;
	[tilespmem:$0x1CA80] =	vst v63  }
0x307: {  	_ =	swait.ge [sflag:s17], $0x80  }
0x308: {  	[sflag:s17] =	ssyncset.done $0x0  }
0x309: {  	[sflag:s17] =	ssyncadd.s32 $0xFFFFFF80  }
0x30a: {  	[spmem:s2] =	stream.indirect.scatter [tilespmem:s16], [sflag:$0x2], $0x80, s18, s19, $0xb8;
	[tilespmem:$0x1CA80] =	vst v63  }
0x30b: {  	_ =	swait.ge [sflag:s17], $0x4000  }
0x30c: {  	[sflag:s17] =	ssyncset.done $0x0  }
0x30d: {  	[sflag:s17] =	ssyncadd.s32 $0xFFFFC000  }
0x30e: {  	s31 =	simm.s32 $0x0;
	[bflag:$0x0] =	sbarrier.arrive $0xFFFF  }
.LBB2_20:
0x30f: {  	s0 =	sshll.u32 s31, $0x7  }
0x310: {  	s0 =	sadd.s32 s9, s0  }
0x311: {  	s15 =	sshrl.u32 s0, $0x3  }
0x312: {  	s29 =	sadd.s32 s7, s15  }
0x313: {  	[tilespmem:s30], [sflag:$0x2] =	stream.linear.gather [hbm4b:s29+s30], $0x80, $0x38;
	[tilespmem:$0x1CA80] =	vst v63  }
0x314: {  	_ =	swait.ge [sflag:s17], $0x80  }
0x315: {  	[sflag:s17] =	ssyncset.done $0x0  }
0x316: {  	s15 =	sadd.s32 s8, s15;
	[sflag:s17] =	ssyncadd.s32 $0xFFFFFF80  }
0x317: {  	[tilespmem:s19], [sflag:$0x2] =	stream.linear.gather [hbm4b:s15+s30], $0x80, $0x38;
	[tilespmem:$0x1CA80] =	vst v63  }
0x318: {  	_ =	swait.ge [sflag:s17], $0x80  }
0x319: {  	[sflag:s17] =	ssyncset.done $0x0  }
0x31a: {  	s0 =	sshll.u32 s0, $0x4;
	[sflag:s17] =	ssyncadd.s32 $0xFFFFFF80  }
0x31b: {  	[tilespmem:s20], [sflag:$0x1] =	stream.indirect.gather [hbm4b:s21+s19], $0x80, s30, s19, $0xb8;
	[tilespmem:$0x1CA80] =	vst v63  }
0x31c: {  	s0 =	sadd.s32 s0, s28  }
0x31d: {  	[tilespmem:s16], [sflag:$0x2] =	stream.linear.gather [hbm4b:s0+s30], $0x4000, $0x38;
	[tilespmem:$0x1CA80] =	vst v63  }
0x31e: {  	_ =	swait.ge [sflag:s17], $0x4000  }
0x31f: {  	[sflag:s17] =	ssyncset.done $0x0  }
0x320: {  	[sflag:s17] =	ssyncadd.s32 $0xFFFFC000  }
0x321: {  	_ =	swait.ge [sflag:s24], $0x4000  }
0x322: {  	[sflag:s24] =	ssyncset.done $0x0  }
0x323: {  	s29 =	simm.s32 $0x0;
	[sflag:s24] =	ssyncadd.s32 $0xFFFFC000  }
0x324: {  	v6 =	vld [tilespmem:s29+$0x4280]  }
0x325: {  	v11 =	vld [tilespmem:s29+$0x4290]  }
0x326: {  	v5 =	vld [tilespmem:s29+$0x42A0]  }
0x327: {  	v4 =	vld [tilespmem:s29+$0x42B0]  }
0x328: {  	v3 =	vld [tilespmem:s29+$0x42C0]  }
0x329: {  	v2 =	vld [tilespmem:s29+$0x42D0]  }
0x32a: {  	v1 =	vld [tilespmem:s29+$0x42E0]  }
0x32b: {  	v0 =	vld [tilespmem:s29+$0x42F0]  }
0x32c: {  	v12 =	vld [tilespmem:s29+$0x280]  }
0x32d: {  	v13 =	vld [tilespmem:s29+$0x290]  }
0x32e: {  	v10 =	vld [tilespmem:s29+$0x2A0]  }
0x32f: {  	v9 =	vld [tilespmem:s29+$0x2B0]  }
0x330: {  	v8 =	vld [tilespmem:s29+$0x2C0]  }
0x331: {  	v7 =	vld [tilespmem:s29+$0x2D0];
	v12 =	vadd.f32 v6, v12  }
0x332: {  	s15 =	simm.s32 $0x200;
	v11 =	vadd.f32 v11, v13;
	v6 =	vld [tilespmem:s29+$0x2E0]  }
.LBB2_21:
0x333: {  	s0 =	sshra.s32 s15, $0x2;
	p0 =	sne.s32 s15, $0xFE00;
	v12 =	vmax.f32 v12, $0.0e+00;
	v5 =	vadd.f32 v5, v10;
	v10 =	vld [tilespmem:s29+$0x2F0]  }
0x334: {  	v13 =	vld [tilespmem:s0+$0x4280];
	[tilespmem:s29+$0x280] =	vst v12;
	v11 =	vmax.f32 v11, $0.0e+00;
	v4 =	vadd.f32 v4, v9  }
0x335: {  	v14 =	vld [tilespmem:s0+$0x4290];
	[tilespmem:s29+$0x290] =	vst v11;
	v9 =	vmax.f32 v5, $0.0e+00;
	v3 =	vadd.f32 v3, v8  }
0x336: {  	v5 =	vld [tilespmem:s0+$0x42A0];
	[tilespmem:s29+$0x2A0] =	vst v9;
	v8 =	vmax.f32 v4, $0.0e+00;
	v2 =	vadd.f32 v2, v7  }
0x337: {  	v4 =	vld [tilespmem:s0+$0x42B0];
	[tilespmem:s29+$0x2B0] =	vst v8;
	v7 =	vmax.f32 v3, $0.0e+00;
	v1 =	vadd.f32 v1, v6  }
0x338: {  	v3 =	vld [tilespmem:s0+$0x42C0];
	[tilespmem:s29+$0x2C0] =	vst v7;
	v6 =	vmax.f32 v2, $0.0e+00;
	v0 =	vadd.f32 v0, v10  }
0x339: {  	v2 =	vld [tilespmem:s0+$0x42D0];
	[tilespmem:s29+$0x2D0] =	vst v6;
	v6 =	vmax.f32 v1, $0.0e+00  }
0x33a: {  	v1 =	vld [tilespmem:s0+$0x42E0];
	[tilespmem:s29+$0x2E0] =	vst v6;
	v6 =	vmax.f32 v0, $0.0e+00  }
0x33b: {  	v0 =	vld [tilespmem:s0+$0x42F0];
	[tilespmem:s29+$0x2F0] =	vst v6;
	s29 =	smov.u32 s0  }
0x33c: {  	v6 =	vld [tilespmem:s29+$0x280]  }
0x33d: {  	v11 =	vld [tilespmem:s29+$0x290]  }
.Ltmp9:
0x33e: {  	v10 =	vld [tilespmem:s29+$0x2A0];
	(pc) =	sbr.rel @p0 .LBB2_21-.Ltmp9, $4  }
0x33f: {  	v9 =	vld [tilespmem:s29+$0x2B0]  }
0x340: {  	v8 =	vld [tilespmem:s29+$0x2C0]  }
0x341: {  	v12 =	vadd.f32 v13, v6;
	v7 =	vld [tilespmem:s29+$0x2D0]  }
0x342: {  	s15 =	sadd.s32 $0x200, s15;
	v11 =	vadd.f32 v14, v11;
	v6 =	vld [tilespmem:s29+$0x2E0]  }
0x343: {  	v12 =	vmax.f32 v12, $0.0e+00;
	v5 =	vadd.f32 v5, v10;
	v63 =	vld [tilespmem:s29+$0x2F0]  }
0x344: {  	[tilespmem:s29+$0x280] =	vst v12;
	v11 =	vmax.f32 v11, $0.0e+00;
	v4 =	vadd.f32 v4, v9  }
0x345: {  	[tilespmem:s29+$0x290] =	vst v11;
	v5 =	vmax.f32 v5, $0.0e+00;
	v3 =	vadd.f32 v3, v8  }
0x346: {  	[tilespmem:s29+$0x2A0] =	vst v5;
	v4 =	vmax.f32 v4, $0.0e+00;
	v2 =	vadd.f32 v2, v7  }
0x347: {  	[tilespmem:s29+$0x2B0] =	vst v4;
	v3 =	vmax.f32 v3, $0.0e+00;
	v1 =	vadd.f32 v1, v6  }
0x348: {  	[tilespmem:s29+$0x2C0] =	vst v3;
	v2 =	vmax.f32 v2, $0.0e+00;
	v0 =	vadd.f32 v0, v63  }
0x349: {  	s31 =	sadd.s32 $0x1, s31;
	[tilespmem:s29+$0x2D0] =	vst v2;
	v1 =	vmax.f32 v1, $0.0e+00  }
0x34a: {  	p0 =	sne.s32 s31, $0x27;
	[tilespmem:s29+$0x2E0] =	vst v1;
	v0 =	vmax.f32 v0, $0.0e+00  }
.Ltmp10:
0x34b: {  	[tilespmem:s29+$0x2F0] =	vst v0;
	(pc) =	sbr.rel @p0 .LBB2_20-.Ltmp10, $4  }
0x34c: {  	[spmem:s2] =	stream.indirect.scatter.add.f32 [tilespmem:s20], [sflag:$0x2], $0x80, s19, s19, $0xb8;
	[tilespmem:$0x1CA80] =	vst v63  }
0x34d: {  	_ =	swait.ge [sflag:s17], $0x4000  }
0x34e: {  	[sflag:s17] =	ssyncset.done $0x0  }
0x34f: {  	[sflag:s17] =	ssyncadd.s32 $0xFFFFC000  }
0x350: {  	s0 =	simm.s32 $0x0;
	s15 =	rddreg [dreg:$0x4];
	s29 =	simm.s32 $0x100  }
0x351: {  	[tilespmem:s29], [sflag:$0x2] =	stream.linear.gather [hbm4b:s15+s0], $0x8, $0x38;
	[tilespmem:$0x1CA80] =	vst v63  }
0x352: {  	_ =	swait.ge [sflag:s17], $0x8  }
0x353: {  	[sflag:s17] =	ssyncset.done $0x0  }
0x354: {  	s31 =	simm.s32 $0x180;
	s30 =	rddreg [dreg:$0x5];
	[sflag:s17] =	ssyncadd.s32 $0xFFFFFFF8  }
0x355: {  	[tilespmem:s31], [sflag:$0x2] =	stream.linear.gather [hbm4b:s30+s0], $0x8, $0x38;
	[tilespmem:$0x1CA80] =	vst v63  }
0x356: {  	_ =	swait.ge [sflag:s17], $0x8  }
0x357: {  	[sflag:s17] =	ssyncset.done $0x0  }
0x358: {  	s15 =	simm.s32 $0x8;
	s30 =	simm.s32 $0x8280;
	[sflag:s17] =	ssyncadd.s32 $0xFFFFFFF8  }
0x359: {  	[tilespmem:s30], [sflag:$0x1] =	stream.indirect.gather [hbm4b:s21+s15], $0x80, s29, s15, $0xb8;
	[tilespmem:$0x1CA80] =	vst v63  }
0x35a: {  	s30 =	rddreg [dreg:$0xe];
	s29 =	simm.s32 $0x8680  }
0x35b: {  	[tilespmem:s29], [sflag:$0x2] =	stream.linear.gather [hbm4b:s30+s0], $0x400, $0x38;
	[tilespmem:$0x1CA80] =	vst v63  }
0x35c: {  	_ =	swait.ge [sflag:s17], $0x400  }
0x35d: {  	[sflag:s17] =	ssyncset.done $0x0  }
0x35e: {  	[sflag:s17] =	ssyncadd.s32 $0xFFFFFC00  }
0x35f: {  	_ =	swait.ge [sflag:s24], $0x400  }
0x360: {  	[sflag:s24] =	ssyncset.done $0x0  }
0x361: {  	s29 =	simm.s32 $0x0;
	[sflag:s24] =	ssyncadd.s32 $0xFFFFFC00  }
0x362: {  	v6 =	vld [tilespmem:s29+$0x8680]  }
0x363: {  	v11 =	vld [tilespmem:s29+$0x8690]  }
0x364: {  	v5 =	vld [tilespmem:s29+$0x86A0]  }
0x365: {  	v4 =	vld [tilespmem:s29+$0x86B0]  }
0x366: {  	v3 =	vld [tilespmem:s29+$0x86C0]  }
0x367: {  	v2 =	vld [tilespmem:s29+$0x86D0]  }
0x368: {  	v1 =	vld [tilespmem:s29+$0x86E0]  }
0x369: {  	v0 =	vld [tilespmem:s29+$0x86F0]  }
0x36a: {  	v12 =	vld [tilespmem:s29+$0x8280]  }
0x36b: {  	v13 =	vld [tilespmem:s29+$0x8290]  }
0x36c: {  	v10 =	vld [tilespmem:s29+$0x82A0]  }
0x36d: {  	v9 =	vld [tilespmem:s29+$0x82B0]  }
0x36e: {  	v8 =	vld [tilespmem:s29+$0x82C0]  }
0x36f: {  	v7 =	vld [tilespmem:s29+$0x82D0];
	v12 =	vadd.f32 v6, v12  }
0x370: {  	s15 =	simm.s32 $0x200;
	v11 =	vadd.f32 v11, v13;
	v6 =	vld [tilespmem:s29+$0x82E0]  }
.LBB2_24:
0x371: {  	s0 =	sshra.s32 s15, $0x2;
	p0 =	sne.s32 s15, $0xE00;
	v12 =	vmax.f32 v12, $0.0e+00;
	v5 =	vadd.f32 v5, v10;
	v10 =	vld [tilespmem:s29+$0x82F0]  }
0x372: {  	v13 =	vld [tilespmem:s0+$0x8680];
	[tilespmem:s29+$0x8280] =	vst v12;
	v11 =	vmax.f32 v11, $0.0e+00;
	v4 =	vadd.f32 v4, v9  }
0x373: {  	v14 =	vld [tilespmem:s0+$0x8690];
	[tilespmem:s29+$0x8290] =	vst v11;
	v9 =	vmax.f32 v5, $0.0e+00;
	v3 =	vadd.f32 v3, v8  }
0x374: {  	v5 =	vld [tilespmem:s0+$0x86A0];
	[tilespmem:s29+$0x82A0] =	vst v9;
	v8 =	vmax.f32 v4, $0.0e+00;
	v2 =	vadd.f32 v2, v7  }
0x375: {  	v4 =	vld [tilespmem:s0+$0x86B0];
	[tilespmem:s29+$0x82B0] =	vst v8;
	v7 =	vmax.f32 v3, $0.0e+00;
	v1 =	vadd.f32 v1, v6  }
0x376: {  	v3 =	vld [tilespmem:s0+$0x86C0];
	[tilespmem:s29+$0x82C0] =	vst v7;
	v6 =	vmax.f32 v2, $0.0e+00;
	v0 =	vadd.f32 v0, v10  }
0x377: {  	v2 =	vld [tilespmem:s0+$0x86D0];
	[tilespmem:s29+$0x82D0] =	vst v6;
	v6 =	vmax.f32 v1, $0.0e+00  }
0x378: {  	v1 =	vld [tilespmem:s0+$0x86E0];
	[tilespmem:s29+$0x82E0] =	vst v6;
	v6 =	vmax.f32 v0, $0.0e+00  }
0x379: {  	v0 =	vld [tilespmem:s0+$0x86F0];
	[tilespmem:s29+$0x82F0] =	vst v6;
	s29 =	smov.u32 s0  }
0x37a: {  	v6 =	vld [tilespmem:s29+$0x8280]  }
0x37b: {  	v11 =	vld [tilespmem:s29+$0x8290]  }
.Ltmp11:
0x37c: {  	v10 =	vld [tilespmem:s29+$0x82A0];
	(pc) =	sbr.rel @p0 .LBB2_24-.Ltmp11, $4  }
0x37d: {  	v9 =	vld [tilespmem:s29+$0x82B0]  }
0x37e: {  	v8 =	vld [tilespmem:s29+$0x82C0]  }
0x37f: {  	v12 =	vadd.f32 v13, v6;
	v7 =	vld [tilespmem:s29+$0x82D0]  }
0x380: {  	s15 =	sadd.s32 $0x200, s15;
	v11 =	vadd.f32 v14, v11;
	v6 =	vld [tilespmem:s29+$0x82E0]  }
0x381: {  	v12 =	vmax.f32 v12, $0.0e+00;
	v5 =	vadd.f32 v5, v10;
	v63 =	vld [tilespmem:s29+$0x82F0]  }
0x382: {  	[tilespmem:s29+$0x8280] =	vst v12;
	v11 =	vmax.f32 v11, $0.0e+00;
	v4 =	vadd.f32 v4, v9  }
0x383: {  	[tilespmem:s29+$0x8290] =	vst v11;
	v5 =	vmax.f32 v5, $0.0e+00;
	v3 =	vadd.f32 v3, v8  }
0x384: {  	[tilespmem:s29+$0x82A0] =	vst v5;
	v4 =	vmax.f32 v4, $0.0e+00;
	v2 =	vadd.f32 v2, v7  }
0x385: {  	[tilespmem:s29+$0x82B0] =	vst v4;
	v3 =	vmax.f32 v3, $0.0e+00;
	v1 =	vadd.f32 v1, v6  }
0x386: {  	[tilespmem:s29+$0x82C0] =	vst v3;
	v2 =	vmax.f32 v2, $0.0e+00;
	v0 =	vadd.f32 v0, v63  }
0x387: {  	[tilespmem:s29+$0x82D0] =	vst v2;
	v1 =	vmax.f32 v1, $0.0e+00  }
0x388: {  	[tilespmem:s29+$0x82E0] =	vst v1;
	v0 =	vmax.f32 v0, $0.0e+00  }
0x389: {  	s0 =	simm.s32 $0x8;
	s15 =	simm.s32 $0x8280;
	[tilespmem:s29+$0x82F0] =	vst v0  }
0x38a: {  	[spmem:s2] =	stream.indirect.scatter.add.f32 [tilespmem:s15], [sflag:$0x2], $0x80, s31, s0, $0xb8;
	[tilespmem:$0x1CA80] =	vst v63  }
0x38b: {  	_ =	swait.ge [sflag:s17], $0x400  }
0x38c: {  	[sflag:s17] =	ssyncset.done $0x0  }
0x38d: {  	[sflag:s17] =	ssyncadd.s32 $0xFFFFFC00  }
0x38e: {  	s30 =	simm.s32 $0x0;
	[bflag:$0x0] =	sbarrier.arrive $0xFFFF  }
0x38f: {  	[tilespmem:s18], [sflag:$0x2] =	stream.linear.gather [hbm4b:s10+s30], $0x80, $0x38;
	[tilespmem:$0x1CA80] =	vst v63  }
0x390: {  	_ =	swait.ge [sflag:s17], $0x80  }
0x391: {  	[sflag:s17] =	ssyncset.done $0x0  }
0x392: {  	[sflag:s17] =	ssyncadd.s32 $0xFFFFFF80  }
0x393: {  	[tilespmem:s20], [sflag:$0x1] =	stream.indirect.gather [spmem:s2], $0x80, s18, s19, $0xb8;
	[tilespmem:$0x1CA80] =	vst v63  }
0x394: {  	_ =	swait.ge [sflag:s24], $0x4000  }
0x395: {  	s15 =	rddreg [dreg:$0x12]  }
0x396: {  	[sflag:s24] =	ssyncset.done $0x0;
	s0 =	rddreg [dreg:$0x15]  }
0x397: {  	[sflag:s24] =	ssyncadd.s32 $0xFFFFC000;
	s0 =	sadd.s32 s0, s15  }
0x398: {  	[hbm4b:s0+s30] =	stream.linear.scatter [tilespmem:s20], [sflag:$0x2], $0x4000, $0x38;
	[tilespmem:$0x1CA80] =	vst v63  }
0x399: {  	_ =	swait.ge [sflag:s17], $0x4000  }
0x39a: {  	[sflag:s17] =	ssyncset.done $0x0  }
0x39b: {  	[sflag:s17] =	ssyncadd.s32 $0xFFFFC000  }
0x39c: {  	[tilespmem:s18], [sflag:$0x2] =	stream.linear.gather [hbm4b:s11+s30], $0x80, $0x38;
	[tilespmem:$0x1CA80] =	vst v63  }
0x39d: {  	_ =	swait.ge [sflag:s17], $0x80  }
0x39e: {  	[sflag:s17] =	ssyncset.done $0x0  }
0x39f: {  	[sflag:s17] =	ssyncadd.s32 $0xFFFFFF80  }
0x3a0: {  	[tilespmem:s20], [sflag:$0x1] =	stream.indirect.gather [spmem:s2], $0x80, s18, s19, $0xb8;
	[tilespmem:$0x1CA80] =	vst v63  }
0x3a1: {  	_ =	swait.ge [sflag:s24], $0x4000  }
0x3a2: {  	[sflag:s24] =	ssyncset.done $0x0;
	s0 =	rddreg [dreg:$0x6]  }
0x3a3: {  	[sflag:s24] =	ssyncadd.s32 $0xFFFFC000;
	s0 =	sadd.s32 s0, s15  }
0x3a4: {  	[hbm4b:s0+s30] =	stream.linear.scatter [tilespmem:s20], [sflag:$0x2], $0x4000, $0x38;
	[tilespmem:$0x1CA80] =	vst v63  }
0x3a5: {  	_ =	swait.ge [sflag:s17], $0x4000  }
0x3a6: {  	[sflag:s17] =	ssyncset.done $0x0  }
0x3a7: {  	[sflag:s17] =	ssyncadd.s32 $0xFFFFC000  }
0x3a8: {  	[tilespmem:s18], [sflag:$0x2] =	stream.linear.gather [hbm4b:s12+s30], $0x80, $0x38;
	[tilespmem:$0x1CA80] =	vst v63  }
0x3a9: {  	_ =	swait.ge [sflag:s17], $0x80  }
0x3aa: {  	[sflag:s17] =	ssyncset.done $0x0  }
0x3ab: {  	[sflag:s17] =	ssyncadd.s32 $0xFFFFFF80  }
0x3ac: {  	[tilespmem:s20], [sflag:$0x1] =	stream.indirect.gather [spmem:s2], $0x80, s18, s19, $0xb8;
	[tilespmem:$0x1CA80] =	vst v63  }
0x3ad: {  	_ =	swait.ge [sflag:s24], $0x4000  }
0x3ae: {  	[sflag:s24] =	ssyncset.done $0x0;
	s0 =	rddreg [dreg:$0x7]  }
0x3af: {  	[sflag:s24] =	ssyncadd.s32 $0xFFFFC000;
	s0 =	sadd.s32 s0, s15  }
0x3b0: {  	[hbm4b:s0+s30] =	stream.linear.scatter [tilespmem:s20], [sflag:$0x2], $0x4000, $0x38;
	[tilespmem:$0x1CA80] =	vst v63  }
0x3b1: {  	_ =	swait.ge [sflag:s17], $0x4000  }
0x3b2: {  	[sflag:s17] =	ssyncset.done $0x0  }
0x3b3: {  	[sflag:s17] =	ssyncadd.s32 $0xFFFFC000  }
0x3b4: {  	[tilespmem:s18], [sflag:$0x2] =	stream.linear.gather [hbm4b:s13+s30], $0x80, $0x38;
	[tilespmem:$0x1CA80] =	vst v63  }
0x3b5: {  	_ =	swait.ge [sflag:s17], $0x80  }
0x3b6: {  	[sflag:s17] =	ssyncset.done $0x0  }
0x3b7: {  	[sflag:s17] =	ssyncadd.s32 $0xFFFFFF80  }
0x3b8: {  	[tilespmem:s20], [sflag:$0x1] =	stream.indirect.gather [spmem:s2], $0x80, s18, s19, $0xb8;
	[tilespmem:$0x1CA80] =	vst v63  }
0x3b9: {  	_ =	swait.ge [sflag:s24], $0x4000  }
0x3ba: {  	[sflag:s24] =	ssyncset.done $0x0;
	s0 =	rddreg [dreg:$0x8]  }
0x3bb: {  	[sflag:s24] =	ssyncadd.s32 $0xFFFFC000;
	s0 =	sadd.s32 s0, s15  }
0x3bc: {  	[hbm4b:s0+s30] =	stream.linear.scatter [tilespmem:s20], [sflag:$0x2], $0x4000, $0x38;
	[tilespmem:$0x1CA80] =	vst v63  }
0x3bd: {  	_ =	swait.ge [sflag:s17], $0x4000  }
0x3be: {  	[sflag:s17] =	ssyncset.done $0x0  }
0x3bf: {  	[sflag:s17] =	ssyncadd.s32 $0xFFFFC000  }
0x3c0: {  	[tilespmem:s18], [sflag:$0x2] =	stream.linear.gather [hbm4b:s14+s30], $0x80, $0x38;
	[tilespmem:$0x1CA80] =	vst v63  }
0x3c1: {  	_ =	swait.ge [sflag:s17], $0x80  }
0x3c2: {  	[sflag:s17] =	ssyncset.done $0x0  }
0x3c3: {  	[sflag:s17] =	ssyncadd.s32 $0xFFFFFF80  }
0x3c4: {  	[tilespmem:s20], [sflag:$0x1] =	stream.indirect.gather [spmem:s2], $0x80, s18, s19, $0xb8;
	[tilespmem:$0x1CA80] =	vst v63  }
0x3c5: {  	_ =	swait.ge [sflag:s24], $0x4000  }
0x3c6: {  	[sflag:s24] =	ssyncset.done $0x0;
	s0 =	rddreg [dreg:$0x9]  }
0x3c7: {  	[sflag:s24] =	ssyncadd.s32 $0xFFFFC000;
	s0 =	sadd.s32 s0, s15  }
0x3c8: {  	[hbm4b:s0+s30] =	stream.linear.scatter [tilespmem:s20], [sflag:$0x2], $0x4000, $0x38;
	[tilespmem:$0x1CA80] =	vst v63  }
0x3c9: {  	_ =	swait.ge [sflag:s17], $0x4000  }
0x3ca: {  	[sflag:s17] =	ssyncset.done $0x0  }
0x3cb: {  	s15 =	rddreg [dreg:$0xb];
	[sflag:s17] =	ssyncadd.s32 $0xFFFFC000  }
0x3cc: {  	[tilespmem:s16], [sflag:$0x2] =	stream.linear.gather [hbm4b:s15+s30], $0x4000, $0x38;
	[tilespmem:$0x1CA80] =	vst v63  }
0x3cd: {  	_ =	swait.ge [sflag:s17], $0x4000  }
0x3ce: {  	[sflag:s17] =	ssyncset.done $0x0  }
0x3cf: {  	[sflag:s17] =	ssyncadd.s32 $0xFFFFC000  }
0x3d0: {  	[tilespmem:s18], [sflag:$0x2] =	stream.linear.gather [hbm4b:s10+s30], $0x80, $0x38;
	[tilespmem:$0x1CA80] =	vst v63  }
0x3d1: {  	_ =	swait.ge [sflag:s17], $0x80  }
0x3d2: {  	[sflag:s17] =	ssyncset.done $0x0  }
0x3d3: {  	[sflag:s17] =	ssyncadd.s32 $0xFFFFFF80  }
0x3d4: {  	[spmem:s2] =	stream.indirect.scatter [tilespmem:s16], [sflag:$0x2], $0x80, s18, s19, $0xb8;
	[tilespmem:$0x1CA80] =	vst v63  }
0x3d5: {  	_ =	swait.ge [sflag:s17], $0x4000  }
0x3d6: {  	[sflag:s17] =	ssyncset.done $0x0  }
0x3d7: {  	[sflag:s17] =	ssyncadd.s32 $0xFFFFC000  }
0x3d8: {  	[tilespmem:s18], [sflag:$0x2] =	stream.linear.gather [hbm4b:s11+s30], $0x80, $0x38;
	[tilespmem:$0x1CA80] =	vst v63  }
0x3d9: {  	_ =	swait.ge [sflag:s17], $0x80  }
0x3da: {  	[sflag:s17] =	ssyncset.done $0x0  }
0x3db: {  	[sflag:s17] =	ssyncadd.s32 $0xFFFFFF80  }
0x3dc: {  	[spmem:s2] =	stream.indirect.scatter [tilespmem:s16], [sflag:$0x2], $0x80, s18, s19, $0xb8;
	[tilespmem:$0x1CA80] =	vst v63  }
0x3dd: {  	_ =	swait.ge [sflag:s17], $0x4000  }
0x3de: {  	[sflag:s17] =	ssyncset.done $0x0  }
0x3df: {  	[sflag:s17] =	ssyncadd.s32 $0xFFFFC000  }
0x3e0: {  	[tilespmem:s18], [sflag:$0x2] =	stream.linear.gather [hbm4b:s12+s30], $0x80, $0x38;
	[tilespmem:$0x1CA80] =	vst v63  }
0x3e1: {  	_ =	swait.ge [sflag:s17], $0x80  }
0x3e2: {  	[sflag:s17] =	ssyncset.done $0x0  }
0x3e3: {  	[sflag:s17] =	ssyncadd.s32 $0xFFFFFF80  }
0x3e4: {  	[spmem:s2] =	stream.indirect.scatter [tilespmem:s16], [sflag:$0x2], $0x80, s18, s19, $0xb8;
	[tilespmem:$0x1CA80] =	vst v63  }
0x3e5: {  	_ =	swait.ge [sflag:s17], $0x4000  }
0x3e6: {  	[sflag:s17] =	ssyncset.done $0x0  }
0x3e7: {  	[sflag:s17] =	ssyncadd.s32 $0xFFFFC000  }
0x3e8: {  	[tilespmem:s18], [sflag:$0x2] =	stream.linear.gather [hbm4b:s13+s30], $0x80, $0x38;
	[tilespmem:$0x1CA80] =	vst v63  }
0x3e9: {  	_ =	swait.ge [sflag:s17], $0x80  }
0x3ea: {  	[sflag:s17] =	ssyncset.done $0x0  }
0x3eb: {  	[sflag:s17] =	ssyncadd.s32 $0xFFFFFF80  }
0x3ec: {  	[spmem:s2] =	stream.indirect.scatter [tilespmem:s16], [sflag:$0x2], $0x80, s18, s19, $0xb8;
	[tilespmem:$0x1CA80] =	vst v63  }
0x3ed: {  	_ =	swait.ge [sflag:s17], $0x4000  }
0x3ee: {  	[sflag:s17] =	ssyncset.done $0x0  }
0x3ef: {  	[sflag:s17] =	ssyncadd.s32 $0xFFFFC000  }
0x3f0: {  	[tilespmem:s18], [sflag:$0x2] =	stream.linear.gather [hbm4b:s14+s30], $0x80, $0x38;
	[tilespmem:$0x1CA80] =	vst v63  }
0x3f1: {  	_ =	swait.ge [sflag:s17], $0x80  }
0x3f2: {  	[sflag:s17] =	ssyncset.done $0x0  }
0x3f3: {  	[sflag:s17] =	ssyncadd.s32 $0xFFFFFF80  }
0x3f4: {  	[spmem:s2] =	stream.indirect.scatter [tilespmem:s16], [sflag:$0x2], $0x80, s18, s19, $0xb8;
	[tilespmem:$0x1CA80] =	vst v63  }
0x3f5: {  	_ =	swait.ge [sflag:s17], $0x4000  }
0x3f6: {  	[sflag:s17] =	ssyncset.done $0x0  }
0x3f7: {  	[sflag:s17] =	ssyncadd.s32 $0xFFFFC000  }
0x3f8: {  	[bflag:$0x0] =	sbarrier.arrive $0xFFFF  }
0x3f9: {  	s0 =	rddreg [dreg:$0xa]  }
0x3fa: {  	[tilespmem:s16], [sflag:$0x2] =	stream.linear.gather [hbm4b:s0+s30], $0x4000, $0x38;
	[tilespmem:$0x1CA80] =	vst v63  }
0x3fb: {  	_ =	swait.ge [sflag:s17], $0x4000  }
0x3fc: {  	[sflag:s17] =	ssyncset.done $0x0  }
0x3fd: {  	s15 =	simm.s32 $0x8680;
	[sflag:s17] =	ssyncadd.s32 $0xFFFFC000  }
0x3fe: {  	[tilespmem:s15], [sflag:$0x2] =	stream.linear.gather [hbm4b:s0+s30], $0x400, $0x38;
	[tilespmem:$0x1CA80] =	vst v63  }
0x3ff: {  	_ =	swait.ge [sflag:s17], $0x400  }
0x400: {  	[sflag:s17] =	ssyncset.done $0x0  }
0x401: {  	s30 =	sadd.s32 $0x0, s23;
	[sflag:s17] =	ssyncadd.s32 $0xFFFFFC00  }
0x402: {  	[tilespmem:s19], [sflag:$0x2] =	stream.linear.gather [hbm4b:s30+s3], $0x80, $0x38;
	[tilespmem:$0x1CA80] =	vst v63  }
0x403: {  	_ =	swait.ge [sflag:s17], $0x80  }
0x404: {  	[sflag:s17] =	ssyncset.done $0x0  }
0x405: {  	[sflag:s17] =	ssyncadd.s32 $0xFFFFFF80  }
0x406: {  	[spmem:s2] =	stream.indirect.scatter.add.f32 [tilespmem:s16], [sflag:$0x2], $0x80, s19, s19, $0xb8;
	[tilespmem:$0x1CA80] =	vst v63  }
0x407: {  	_ =	swait.ge [sflag:s17], $0x4000  }
0x408: {  	s29 =	simm.s32 $0x20;
	s15 =	simm.s32 $0x10;
	[sflag:s17] =	ssyncset.done $0x0  }
.LBB2_26:
0x409: {  	s0 =	sadd.s32 s15, s23  }
0x40a: {  	[sflag:s17] =	ssyncadd.s32 $0xFFFFC000;
	s15 =	smov.u32 s29;
	s30 =	sadd.s32 $0x10, s29  }
0x40b: {  	[tilespmem:s19], [sflag:$0x2] =	stream.linear.gather [hbm4b:s0+s3], $0x80, $0x38;
	[tilespmem:$0x1CA80] =	vst v63  }
0x40c: {  	p0 =	sne.s32 s29, $0x260;
	_ =	swait.ge [sflag:s17], $0x80  }
.Ltmp12:
0x40d: {  	[sflag:s17] =	ssyncset.done $0x0;
	(pc) =	sbr.rel @p0 .LBB2_26-.Ltmp12, $4  }
0x40e: {  	[sflag:s17] =	ssyncadd.s32 $0xFFFFFF80  }
0x40f: {  	[spmem:s2] =	stream.indirect.scatter.add.f32 [tilespmem:s16], [sflag:$0x2], $0x80, s19, s19, $0xb8;
	[tilespmem:$0x1CA80] =	vst v63  }
0x410: {  	_ =	swait.ge [sflag:s17], $0x4000  }
0x411: {  	s29 =	smov.u32 s30;
	[sflag:s17] =	ssyncset.done $0x0  }
0x412: {  	s0 =	sadd.s32 s15, s23;
	[sflag:s17] =	ssyncadd.s32 $0xFFFFC000  }
0x413: {  	[tilespmem:s19], [sflag:$0x2] =	stream.linear.gather [hbm4b:s0+s3], $0x80, $0x38;
	[tilespmem:$0x1CA80] =	vst v63  }
0x414: {  	_ =	swait.ge [sflag:s17], $0x80  }
0x415: {  	[sflag:s17] =	ssyncset.done $0x0  }
0x416: {  	[sflag:s17] =	ssyncadd.s32 $0xFFFFFF80  }
0x417: {  	[spmem:s2] =	stream.indirect.scatter.add.f32 [tilespmem:s16], [sflag:$0x2], $0x80, s19, s19, $0xb8;
	[tilespmem:$0x1CA80] =	vst v63  }
0x418: {  	_ =	swait.ge [sflag:s17], $0x4000  }
0x419: {  	[sflag:s17] =	ssyncset.done $0x0  }
0x41a: {  	s15 =	rddreg [dreg:$0x5];
	[sflag:s17] =	ssyncadd.s32 $0xFFFFC000  }
0x41b: {  	[tilespmem:s31], [sflag:$0x2] =	stream.linear.gather [hbm4b:s15+s3], $0x8, $0x38;
	[tilespmem:$0x1CA80] =	vst v63  }
0x41c: {  	_ =	swait.ge [sflag:s17], $0x8  }
0x41d: {  	[sflag:s17] =	ssyncset.done $0x0  }
0x41e: {  	s29 =	simm.s32 $0x8;
	s30 =	simm.s32 $0x8680;
	[sflag:s17] =	ssyncadd.s32 $0xFFFFFFF8  }
0x41f: {  	[spmem:s2] =	stream.indirect.scatter.add.f32 [tilespmem:s30], [sflag:$0x2], $0x80, s31, s29, $0xb8;
	[tilespmem:$0x1CA80] =	vst v63  }
0x420: {  	_ =	swait.ge [sflag:s17], $0x400  }
0x421: {  	[sflag:s17] =	ssyncset.done $0x0  }
0x422: {  	[sflag:s17] =	ssyncadd.s32 $0xFFFFFC00  }
0x423: {  	[bflag:$0x0] =	sbarrier.arrive $0xFFFF  }
0x424: {  	[tilespmem:s18], [sflag:$0x2] =	stream.linear.gather [hbm4b:s10+s3], $0x80, $0x38;
	[tilespmem:$0x1CA80] =	vst v63  }
0x425: {  	_ =	swait.ge [sflag:s17], $0x80  }
0x426: {  	[sflag:s17] =	ssyncset.done $0x0  }
0x427: {  	[sflag:s17] =	ssyncadd.s32 $0xFFFFFF80  }
0x428: {  	[tilespmem:s20], [sflag:$0x1] =	stream.indirect.gather [spmem:s2], $0x80, s18, s19, $0xb8;
	[tilespmem:$0x1CA80] =	vst v63  }
0x429: {  	_ =	swait.ge [sflag:s24], $0x4000  }
0x42a: {  	s15 =	rddreg [dreg:$0x13]  }
0x42b: {  	[sflag:s24] =	ssyncset.done $0x0;
	s29 =	rddreg [dreg:$0x15]  }
0x42c: {  	[sflag:s24] =	ssyncadd.s32 $0xFFFFC000;
	s0 =	sadd.s32 s29, s15  }
0x42d: {  	[hbm4b:s0+s3] =	stream.linear.scatter [tilespmem:s20], [sflag:$0x2], $0x4000, $0x38;
	[tilespmem:$0x1CA80] =	vst v63  }
0x42e: {  	_ =	swait.ge [sflag:s17], $0x4000  }
0x42f: {  	[sflag:s17] =	ssyncset.done $0x0  }
0x430: {  	[sflag:s17] =	ssyncadd.s32 $0xFFFFC000  }
0x431: {  	[tilespmem:s18], [sflag:$0x2] =	stream.linear.gather [hbm4b:s11+s3], $0x80, $0x38;
	[tilespmem:$0x1CA80] =	vst v63  }
0x432: {  	_ =	swait.ge [sflag:s17], $0x80  }
0x433: {  	[sflag:s17] =	ssyncset.done $0x0  }
0x434: {  	[sflag:s17] =	ssyncadd.s32 $0xFFFFFF80  }
0x435: {  	[tilespmem:s20], [sflag:$0x1] =	stream.indirect.gather [spmem:s2], $0x80, s18, s19, $0xb8;
	[tilespmem:$0x1CA80] =	vst v63  }
0x436: {  	_ =	swait.ge [sflag:s24], $0x4000  }
0x437: {  	[sflag:s24] =	ssyncset.done $0x0;
	s30 =	rddreg [dreg:$0x6]  }
0x438: {  	[sflag:s24] =	ssyncadd.s32 $0xFFFFC000;
	s0 =	sadd.s32 s30, s15  }
0x439: {  	[hbm4b:s0+s3] =	stream.linear.scatter [tilespmem:s20], [sflag:$0x2], $0x4000, $0x38;
	[tilespmem:$0x1CA80] =	vst v63  }
0x43a: {  	_ =	swait.ge [sflag:s17], $0x4000  }
0x43b: {  	[sflag:s17] =	ssyncset.done $0x0  }
0x43c: {  	[sflag:s17] =	ssyncadd.s32 $0xFFFFC000  }
0x43d: {  	[tilespmem:s18], [sflag:$0x2] =	stream.linear.gather [hbm4b:s12+s3], $0x80, $0x38;
	[tilespmem:$0x1CA80] =	vst v63  }
0x43e: {  	_ =	swait.ge [sflag:s17], $0x80  }
0x43f: {  	[sflag:s17] =	ssyncset.done $0x0  }
0x440: {  	[sflag:s17] =	ssyncadd.s32 $0xFFFFFF80  }
0x441: {  	[tilespmem:s20], [sflag:$0x1] =	stream.indirect.gather [spmem:s2], $0x80, s18, s19, $0xb8;
	[tilespmem:$0x1CA80] =	vst v63  }
0x442: {  	_ =	swait.ge [sflag:s24], $0x4000  }
0x443: {  	[sflag:s24] =	ssyncset.done $0x0;
	s31 =	rddreg [dreg:$0x7]  }
0x444: {  	[sflag:s24] =	ssyncadd.s32 $0xFFFFC000;
	s0 =	sadd.s32 s31, s15  }
0x445: {  	[hbm4b:s0+s3] =	stream.linear.scatter [tilespmem:s20], [sflag:$0x2], $0x4000, $0x38;
	[tilespmem:$0x1CA80] =	vst v63  }
0x446: {  	_ =	swait.ge [sflag:s17], $0x4000  }
0x447: {  	[sflag:s17] =	ssyncset.done $0x0  }
0x448: {  	[sflag:s17] =	ssyncadd.s32 $0xFFFFC000  }
0x449: {  	[tilespmem:s18], [sflag:$0x2] =	stream.linear.gather [hbm4b:s13+s3], $0x80, $0x38;
	[tilespmem:$0x1CA80] =	vst v63  }
0x44a: {  	_ =	swait.ge [sflag:s17], $0x80  }
0x44b: {  	[sflag:s17] =	ssyncset.done $0x0  }
0x44c: {  	[sflag:s17] =	ssyncadd.s32 $0xFFFFFF80  }
0x44d: {  	[tilespmem:s20], [sflag:$0x1] =	stream.indirect.gather [spmem:s2], $0x80, s18, s19, $0xb8;
	[tilespmem:$0x1CA80] =	vst v63  }
0x44e: {  	_ =	swait.ge [sflag:s24], $0x4000  }
0x44f: {  	[sflag:s24] =	ssyncset.done $0x0;
	s29 =	rddreg [dreg:$0x8]  }
0x450: {  	[sflag:s24] =	ssyncadd.s32 $0xFFFFC000;
	s0 =	sadd.s32 s29, s15  }
0x451: {  	[hbm4b:s0+s3] =	stream.linear.scatter [tilespmem:s20], [sflag:$0x2], $0x4000, $0x38;
	[tilespmem:$0x1CA80] =	vst v63  }
0x452: {  	_ =	swait.ge [sflag:s17], $0x4000  }
0x453: {  	[sflag:s17] =	ssyncset.done $0x0  }
0x454: {  	[sflag:s17] =	ssyncadd.s32 $0xFFFFC000  }
0x455: {  	[tilespmem:s18], [sflag:$0x2] =	stream.linear.gather [hbm4b:s14+s3], $0x80, $0x38;
	[tilespmem:$0x1CA80] =	vst v63  }
0x456: {  	_ =	swait.ge [sflag:s17], $0x80  }
0x457: {  	[sflag:s17] =	ssyncset.done $0x0  }
0x458: {  	[sflag:s17] =	ssyncadd.s32 $0xFFFFFF80  }
0x459: {  	[tilespmem:s20], [sflag:$0x1] =	stream.indirect.gather [spmem:s2], $0x80, s18, s19, $0xb8;
	[tilespmem:$0x1CA80] =	vst v63  }
0x45a: {  	_ =	swait.ge [sflag:s24], $0x4000  }
0x45b: {  	[sflag:s24] =	ssyncset.done $0x0;
	s30 =	rddreg [dreg:$0x9]  }
0x45c: {  	[sflag:s24] =	ssyncadd.s32 $0xFFFFC000;
	s0 =	sadd.s32 s30, s15  }
0x45d: {  	[hbm4b:s0+s3] =	stream.linear.scatter [tilespmem:s20], [sflag:$0x2], $0x4000, $0x38;
	[tilespmem:$0x1CA80] =	vst v63  }
0x45e: {  	_ =	swait.ge [sflag:s17], $0x4000  }
0x45f: {  	s4 =	sadd.s32 $0x1, s4;
	s31 =	rddreg [dreg:$0x14]  }
0x460: {  	p0 =	sne.s32 s4, s31  }
.Ltmp13:
0x461: {  	_ = 	snop;
	(pc) =	sbr.rel @p0 .LBB2_1-.Ltmp13, $3  }
0x462: {  	_ =	sdelay $0x1  }
0x463: {  	[sflag:s17] =	ssyncset.done $0x0  }
0x464: {  	[sflag:s17] =	ssyncadd.s32 $0xFFFFC000  }
0x465: {  	_ =	sfence.sel $0x180000  }
0x466: {  	[bflag:$0x0] =	sbarrier.arrive $0xFFFF  }
0x467: {  	_ =	strace $0x90000047  }
0x468: {  	s0 =	stileid.u32;
	[bflag:$0x2] =	sbarrier.arrive $0xFFFF  }
0x469: {  	p0 =	sne.s32 s0, $0x0;
	s0 =	rddreg [dreg:$0x3]  }
0x46a: {  	s0 =	sadd.s32 @!p0 $0x100000, s0  }
0x46b: {  	[sflag:s0] =	ssyncadd.tile.s32 @!p0 $0x1;
	_ =	shalt  }
.Lfunc_end2:
_tile_overlayer_lowered:
.L_overlay_start_2:
0x46c: {  	(tag) =	ssettag $0x2  }
0x46d: {  	s0 =	rddreg [dreg:$0x0];
	s2 =	stileid.u32  }
0x46e: {  	s1 =	rddreg [dreg:$0x1];
	p0 =	sne.s32 s2, $0x0  }
0x46f: {  	s3 =	rddreg [dreg:$0x2];
	[bflag:$0x3] =	sbarrier.arrive $0xFFFF;
	s2 =	simm.s32 @!p0 $0x1C02  }
0x470: {  	[timem:s3], [sflag:s2] =	dma.local @!p0 [hbm:s0], s1  }
0x471: {  	s0 =	simm.s32 @!p0 $0x2  }
0x472: {  	_ =	swait.ge @!p0 [sflag:s0], s1  }
0x473: {  	s1 =	ssub.s32 @!p0 $0x0, s1;
	[sflag:s0] =	ssyncset.done @!p0 $0x0  }
0x474: {  	[sflag:s0] =	ssyncadd.s32 @!p0 s1  }
0x475: {  	[bflag:$0x3] =	sbarrier.arrive $0xFFFF  }
0x476: {  	_ =	shalt  }

</sc_bundles>
